<compile_context>
chip_gen: v7x
topology: tpu7x:2x2x1
jax: 0.10.2.dev20260603
libtpu: 0.0.44.dev20260713+nightly
codegen_flags: <defaults>
</compile_context>

<pallas_src>
import functools
import jax
import jax.numpy as jnp
from jax import lax
from jax.experimental import pallas as pl
from jax.experimental.pallas import tpu as pltpu
from jax.experimental.pallas import tpu_sc as plsc

N = 10000
E = 320000
F_IN = 128
NHID = 256
NCLS = 40
K = 10
ALPHA = 0.1

NS = 16
D = NCLS
N_PAD = 10240
RPT = N_PAD // NS
EC = 128
CPT = 160
EPT = EC * CPT
E_PAD = NS * EPT
CPT2 = CPT // 2
HALF = N_PAD // 2
HRPT = HALF // NS
EWC = 160
TCROWS = 1024
LANES = 16
_COLS = (0, 16, 24)

_mesh = plsc.VectorSubcoreMesh(core_axis_name="c", subcore_axis_name="s")
_sc_params = pltpu.CompilerParams(
    use_tc_tiling_on_sc=False, needs_layout_passes=False
)


def _mlp_body(x_ref, w1_ref, b1_ref, w2_ref, b2_ref, z_ref):
    h = jnp.maximum(
        jnp.dot(x_ref[...], w1_ref[...], preferred_element_type=jnp.float32)
        + b1_ref[...],
        0.0,
    )
    z_ref[...] = (
        jnp.dot(h, w2_ref[...], preferred_element_type=jnp.float32) + b2_ref[...]
    )


def _mlp(xp, W1, b1, W2, b2):
    return pl.pallas_call(
        _mlp_body,
        grid=(N_PAD // TCROWS,),
        in_specs=[
            pl.BlockSpec((TCROWS, F_IN), lambda i: (i, 0)),
            pl.BlockSpec((F_IN, NHID), lambda i: (0, 0)),
            pl.BlockSpec((1, NHID), lambda i: (0, 0)),
            pl.BlockSpec((NHID, NCLS), lambda i: (0, 0)),
            pl.BlockSpec((1, NCLS), lambda i: (0, 0)),
        ],
        out_specs=pl.BlockSpec((TCROWS, D), lambda i: (i, 0)),
        out_shape=jax.ShapeDtypeStruct((N_PAD, D), jnp.float32),
    )(xp, W1, b1.reshape(1, NHID), W2, b2.reshape(1, NCLS))


@functools.partial(
    pl.kernel,
    mesh=_mesh,
    compiler_params=_sc_params,
    out_type=(
        jax.ShapeDtypeStruct((N_PAD, D), jnp.float32),
        jax.ShapeDtypeStruct((N_PAD,), jnp.float32),
        jax.ShapeDtypeStruct((N_PAD, D), jnp.float32),
        jax.ShapeDtypeStruct((N_PAD, D), jnp.float32),
        jax.ShapeDtypeStruct((N_PAD,), jnp.float32),
        jax.ShapeDtypeStruct((N_PAD,), jnp.float32),
    ),
    scratch_types=[
        pltpu.VMEM((HRPT,), jnp.float32),
        pltpu.VMEM((HRPT,), jnp.float32),
        pltpu.VMEM((HRPT,), jnp.float32),
        pltpu.VMEM((EC,), jnp.float32),
        pltpu.VMEM((CPT2, EC), jnp.int32),
        pltpu.VMEM((CPT2, EC), jnp.int32),
        pltpu.VMEM((EC, D), jnp.float32),
        pltpu.VMEM((EC, D), jnp.float32),
        pltpu.VMEM((EC, D), jnp.float32),
        pltpu.VMEM((EC, D), jnp.float32),
        pltpu.VMEM((EWC, D), jnp.float32),
        pltpu.VMEM((EWC, D), jnp.float32),
        pltpu.VMEM((HRPT, D), jnp.float32),
        pltpu.VMEM((EWC, D), jnp.float32),
        pltpu.SemaphoreType.DMA,
        pltpu.SemaphoreType.DMA,
        pltpu.SemaphoreType.DMA,
        pltpu.SemaphoreType.DMA,
        pltpu.SemaphoreType.DMA,
        pltpu.SemaphoreType.DMA,
        pltpu.SemaphoreType.DMA,
        pltpu.SemaphoreType.DMA,
        pltpu.SemaphoreType.REGULAR,
        pltpu.VMEM_SHARED((N_PAD, D), jnp.float32),
        pltpu.VMEM_SHARED((N_PAD, D), jnp.float32),
        pltpu.VMEM_SHARED((N_PAD,), jnp.float32),
    ],
)
def _prop_kernel(
    z_hbm,
    src_hbm,
    dst_hbm,
    out_hbm,
    deg_hbm,
    accx0,
    accx1,
    degx0,
    degx1,
    cexp_r,
    degb,
    degc,
    ones_t,
    sidx_t,
    didx_t,
    msg0,
    msg1,
    msg2,
    msg3,
    aA,
    aB,
    g_t,
    zb,
    gsem0,
    gsem1,
    gsem2,
    gsem3,
    ssem0,
    ssem1,
    ssem2,
    ssem3,
    xsem,
    u_s,
    acc_s,
    deg_s,
):
    cid = lax.axis_index("c")
    sid = lax.axis_index("s")
    msgs = (msg0, msg1, msg2, msg3)
    gsems = (gsem0, gsem1, gsem2, gsem3)
    ssems = (ssem0, ssem1, ssem2, ssem3)

    wid = cid * NS + sid

    def xbarrier():
        plsc.subcore_barrier()

        @pl.when(sid == 0)
        def _x():
            pltpu.semaphore_signal(xsem, 1, core_index=1 - cid)
            pltpu.semaphore_wait(xsem, 1)

        plsc.subcore_barrier()

    rows640 = pl.ds(sid * RPT, RPT)
    r0h = cid * HALF + sid * HRPT
    ro0 = (1 - cid) * HALF + sid * HRPT
    rowsH = pl.ds(r0h, HRPT)
    rowsO = pl.ds(ro0, HRPT)

    pltpu.sync_copy(src_hbm.at[pl.ds(wid * CPT2, CPT2)], sidx_t)
    pltpu.sync_copy(dst_hbm.at[pl.ds(wid * CPT2, CPT2)], didx_t)

    for i in range(EC // LANES):
        ones_t[pl.ds(i * LANES, LANES)] = jnp.full((LANES,), 1.0, jnp.float32)

    def zinit(r, _z):
        for c0 in _COLS:
            zb[r, pl.ds(c0, LANES)] = jnp.zeros((LANES,), jnp.float32)
        return _z

    lax.fori_loop(0, EWC, zinit, None)

    def dzero(i, _c):
        degb[pl.ds(i * LANES, LANES)] = jnp.zeros((LANES,), jnp.float32)
        return _c

    lax.fori_loop(0, HRPT // LANES, dzero, None)
    pltpu.sync_copy(degb, deg_s.at[pl.ds(sid * RPT, HRPT)])
    pltpu.sync_copy(degb, deg_s.at[pl.ds(sid * RPT + HRPT, HRPT)])
    plsc.subcore_barrier()

    ssems_t = (ssem0, ssem1, ssem2, ssem3)

    def hstart(c, p):
        pltpu.async_copy(ones_t, deg_s.at[didx_t.at[c]], ssems_t[p], add=True)

    def hwait(c, p):
        pltpu.make_async_copy(
            ones_t, deg_s.at[didx_t.at[c]], ssems_t[p]
        ).wait()

    def hblk(b, _c):
        for p in range(4):
            c = 4 * b + p

            @pl.when(c >= 4)
            def _w(c=c, p=p):
                hwait(c - 4, p)

            hstart(c, p)
        return _c

    lax.fori_loop(0, CPT2 // 4, hblk, None)
    for p in range(4):
        hwait(CPT2 - 4 + p, p)
    plsc.subcore_barrier()

    def _rsqrt16(x):
        i = plsc.bitcast(x, jnp.int32)
        i = 0x5F3759DF - (i >> 1)
        y = plsc.bitcast(i, jnp.float32)
        for _ in range(3):
            y = y * (1.5 - 0.5 * x * y * y)
        return y

    def init_exchange(degx_out, degx_in):
        pltpu.sync_copy(deg_s.at[rowsO], degx_out.at[rowsO])
        xbarrier()
        pltpu.sync_copy(deg_s.at[rowsH], degb)
        pltpu.sync_copy(degx_in.at[rowsH], degc)

        def dinit(i, _c):
            sl = pl.ds(i * LANES, LANES)
            dtot = degb[sl] + degc[sl] + 1.0
            cexp_r[sl] = (1.0 - ALPHA) / dtot
            degb[sl] = dtot
            degc[sl] = _rsqrt16(dtot)
            return _c

        lax.fori_loop(0, HRPT // LANES, dinit, None)
        pltpu.sync_copy(degb, deg_hbm.at[rowsH])

        for jj in range(HRPT // EWC):
            rr = pl.ds(r0h + jj * EWC, EWC)
            pltpu.sync_copy(z_hbm.at[rr], aA)

            def u0row(r, _2, jj=jj):
                bc = plsc.load_gather(
                    degc, [jnp.full((LANES,), jj * EWC + r, jnp.int32)]
                )
                vals = []
                for c0 in _COLS:
                    vals.append(bc * aA[r, pl.ds(c0, LANES)])
                for c0, v in zip(_COLS, vals):
                    aA[r, pl.ds(c0, LANES)] = v
                    g_t[jj * EWC + r, pl.ds(c0, LANES)] = ALPHA * v
                return _2

            lax.fori_loop(0, EWC, u0row, None)
            pltpu.sync_copy(aA, u_s.at[rr])
            pltpu.sync_copy(aA, acc_s.at[rr])
            pltpu.sync_copy(aA, out_hbm.at[rr])
        for j in range(HRPT // EWC):
            pltpu.sync_copy(zb, acc_s.at[pl.ds(ro0 + j * EWC, EWC)])
        xbarrier()
        pltpu.sync_copy(out_hbm.at[rowsO], u_s.at[rowsO])

    @pl.when(cid == 0)
    def _i0():
        init_exchange(degx0, degx1)

    @pl.when(cid == 1)
    def _i1():
        init_exchange(degx1, degx0)

    plsc.subcore_barrier()

    def gather_start(c, p):
        pltpu.async_copy(u_s.at[sidx_t.at[c]], msgs[p], gsems[p])

    def gather_wait(c, p):
        pltpu.make_async_copy(u_s.at[sidx_t.at[c]], msgs[p], gsems[p]).wait()

    def scat_start(c, p):
        pltpu.async_copy(msgs[p], acc_s.at[didx_t.at[c]], ssems[p], add=True)

    def scat_wait(c, p):
        pltpu.make_async_copy(msgs[p], acc_s.at[didx_t.at[c]], ssems[p]).wait()

    def exchange_ew(accx_out, accx_in):
        pltpu.sync_copy(acc_s.at[rowsO], accx_out.at[rowsO])
        xbarrier()
        for jj in range(HRPT // EWC):
            rr = pl.ds(r0h + jj * EWC, EWC)
            pltpu.sync_copy(acc_s.at[rr], aA)
            pltpu.sync_copy(accx_in.at[rr], aB)

            def ewrow(r, _2, jj=jj):
                bc = plsc.load_gather(
                    cexp_r, [jnp.full((LANES,), jj * EWC + r, jnp.int32)]
                )
                vals = []
                for c0 in _COLS:
                    sl = pl.ds(c0, LANES)
                    vals.append(
                        bc * (aA[r, sl] + aB[r, sl])
                        + g_t[jj * EWC + r, sl]
                    )
                for c0, v in zip(_COLS, vals):
                    aA[r, pl.ds(c0, LANES)] = v
                return _2

            lax.fori_loop(0, EWC, ewrow, None, unroll=2)
            pltpu.sync_copy(aA, u_s.at[rr])
            pltpu.sync_copy(aA, acc_s.at[rr])
            pltpu.sync_copy(aA, out_hbm.at[rr])
        for j in range(HRPT // EWC):
            pltpu.sync_copy(zb, acc_s.at[pl.ds(ro0 + j * EWC, EWC)])
        xbarrier()
        pltpu.sync_copy(out_hbm.at[rowsO], u_s.at[rowsO])

    def step(_k, _):
        for p in range(4):
            gather_start(p, p)

        def blk(b, _c):
            for p in range(4):
                c = 4 * b + p
                gather_wait(c, p)
                scat_start(c, p)

                @pl.when(jnp.logical_and(c >= 2, c + 2 < CPT2))
                def _pref(c=c, p=p):
                    scat_wait(c - 2, (p - 2) % 4)
                    gather_start(c + 2, (p + 2) % 4)

            return _c

        lax.fori_loop(0, CPT2 // 4, blk, None)
        for p in range(4):
            scat_wait(CPT2 - 4 + p, p)
        plsc.subcore_barrier()

        @pl.when(cid == 0)
        def _c0():
            exchange_ew(accx0, accx1)

        @pl.when(cid == 1)
        def _c1():
            exchange_ew(accx1, accx0)

        plsc.subcore_barrier()
        return _

    lax.fori_loop(0, K, step, None)


def _final_body(u_ref, deg_ref, o_ref):
    v = u_ref[...] * jnp.sqrt(deg_ref[...])
    m = jnp.max(v, axis=1, keepdims=True)
    s = jnp.log(jnp.sum(jnp.exp(v - m), axis=1, keepdims=True))
    o_ref[...] = v - m - s


def _final(uK, deg):
    rows = 1000
    return pl.pallas_call(
        _final_body,
        grid=(N // rows,),
        in_specs=[
            pl.BlockSpec((rows, D), lambda i: (i, 0)),
            pl.BlockSpec((rows, 1), lambda i: (i, 0)),
        ],
        out_specs=pl.BlockSpec((rows, NCLS), lambda i: (i, 0)),
        out_shape=jax.ShapeDtypeStruct((N, NCLS), jnp.float32),
    )(uK, deg.reshape(N_PAD, 1))


def kernel(x, edge_index, W1, b1, W2, b2):
    xp = jnp.pad(x, ((0, N_PAD - N), (0, 0)))
    pad_e = E_PAD - E
    pad_idx = N + (jnp.arange(pad_e, dtype=jnp.int32) % (N_PAD - N))
    src = jnp.concatenate([edge_index[0], pad_idx]).reshape(NS * CPT, EC)
    dst = jnp.concatenate([edge_index[1], pad_idx]).reshape(NS * CPT, EC)

    zp = _mlp(xp, W1, b1, W2, b2)
    uK, deg, _x0, _x1, _x2, _x3 = _prop_kernel(zp, src, dst)
    return _final(uK, deg)

# --- scband reference (transcript-rebuilt; emitter-appended) ---
"""Pipeline reference for scband-appnpnet-69277822484760 (READ-ONLY COPY).

The authoritative reference and input builder live on the scoring server;
editing this copy changes nothing except your own understanding.
"""

import jax, jax.numpy as jnp
import numpy as np

N = 10000
E = 320000
F_IN = 128
NHID = 256
NCLS = 40
K = 10
ALPHA = 0.1


def setup_inputs(seed: int = 0) -> dict:
    key = jax.random.key(seed)
    k1, k2, k3, k4, k5, k6 = jax.random.split(key, 6)
    x = jax.random.normal(k1, (N, F_IN), dtype=jnp.float32)
    edge_index = jax.random.randint(k2, (2, E), 0, N, dtype=jnp.int32)
    W1 = jax.random.normal(k3, (F_IN, NHID), dtype=jnp.float32) * (1.0 / np.sqrt(F_IN))
    b1 = jax.random.normal(k4, (NHID,), dtype=jnp.float32) * 0.01
    W2 = jax.random.normal(k5, (NHID, NCLS), dtype=jnp.float32) * (1.0 / np.sqrt(NHID))
    b2 = jax.random.normal(k6, (NCLS,), dtype=jnp.float32) * 0.01
    return {"x": x, "edge_index": edge_index, "W1": W1, "b1": b1, "W2": W2, "b2": b2}


def reference(x, edge_index, W1, b1, W2, b2):
    # Eval mode: dropout is identity.
    h = jax.nn.relu(x @ W1 + b1)
    z = h @ W2 + b2
    # APPNP propagation with GCN-style symmetric normalization + self-loops.
    src = edge_index[0]
    dst = edge_index[1]
    loop = jnp.arange(N, dtype=src.dtype)
    src = jnp.concatenate([src, loop])
    dst = jnp.concatenate([dst, loop])
    ones = jnp.ones(src.shape[0], dtype=z.dtype)
    deg = jax.ops.segment_sum(ones, dst, num_segments=N)
    dinv = jnp.where(deg > 0, deg ** -0.5, 0.0)
    norm = dinv[src] * dinv[dst]
    h0 = z
    xk = z
    for _ in range(K):
        msgs = xk[src] * norm[:, None]
        agg = jax.ops.segment_sum(msgs, dst, num_segments=N)
        xk = (1.0 - ALPHA) * agg + ALPHA * h0
    return jax.nn.log_softmax(xk, axis=1)

if __name__ == "__main__":
    import jax
    _d = setup_inputs()
    print(jax.jit(kernel)(*tuple(_d.values())))

</pallas_src>

<mosaic_0001>
#map = affine_map<(d0, d1) -> (0, 0)>
#map1 = affine_map<(d0, d1) -> (0)>
module attributes {stable_mosaic.version = 14 : i64} {
  func.func @_prop_kernel(%arg0: i32, %arg1: i32, %arg2: memref<10240x40xf32, #tpu.memory_space<hbm>>, %arg3: memref<2560x128xi32, #tpu.memory_space<hbm>>, %arg4: memref<2560x128xi32, #tpu.memory_space<hbm>>, %arg5: memref<10240x40xf32, #tpu.memory_space<hbm>>, %arg6: memref<10240xf32, #tpu.memory_space<hbm>>, %arg7: memref<10240x40xf32, #tpu.memory_space<hbm>>, %arg8: memref<10240x40xf32, #tpu.memory_space<hbm>>, %arg9: memref<10240xf32, #tpu.memory_space<hbm>>, %arg10: memref<10240xf32, #tpu.memory_space<hbm>>, %arg11: memref<320xf32, #tpu.memory_space<vmem>>, %arg12: memref<320xf32, #tpu.memory_space<vmem>>, %arg13: memref<320xf32, #tpu.memory_space<vmem>>, %arg14: memref<128xf32, #tpu.memory_space<vmem>>, %arg15: memref<80x128xi32, #tpu.memory_space<vmem>>, %arg16: memref<80x128xi32, #tpu.memory_space<vmem>>, %arg17: memref<128x40xf32, #tpu.memory_space<vmem>>, %arg18: memref<128x40xf32, #tpu.memory_space<vmem>>, %arg19: memref<128x40xf32, #tpu.memory_space<vmem>>, %arg20: memref<128x40xf32, #tpu.memory_space<vmem>>, %arg21: memref<160x40xf32, #tpu.memory_space<vmem>>, %arg22: memref<160x40xf32, #tpu.memory_space<vmem>>, %arg23: memref<320x40xf32, #tpu.memory_space<vmem>>, %arg24: memref<160x40xf32, #tpu.memory_space<vmem>>, %arg25: memref<!tpu.dma_semaphore, #tpu.memory_space<semaphore_mem>>, %arg26: memref<!tpu.dma_semaphore, #tpu.memory_space<semaphore_mem>>, %arg27: memref<!tpu.dma_semaphore, #tpu.memory_space<semaphore_mem>>, %arg28: memref<!tpu.dma_semaphore, #tpu.memory_space<semaphore_mem>>, %arg29: memref<!tpu.dma_semaphore, #tpu.memory_space<semaphore_mem>>, %arg30: memref<!tpu.dma_semaphore, #tpu.memory_space<semaphore_mem>>, %arg31: memref<!tpu.dma_semaphore, #tpu.memory_space<semaphore_mem>>, %arg32: memref<!tpu.dma_semaphore, #tpu.memory_space<semaphore_mem>>, %arg33: memref<!tpu.semaphore, #tpu.memory_space<semaphore_mem>>, %arg34: memref<10240x40xf32, #tpu.memory_space<vmem_shared>>, %arg35: memref<10240x40xf32, #tpu.memory_space<vmem_shared>>, %arg36: memref<10240xf32, #tpu.memory_space<vmem_shared>>) attributes {dimension_semantics = [#tpu.dimension_semantics<core_parallel>, #tpu.dimension_semantics<subcore_parallel>], iteration_bounds = array<i64: 2, 16>, scalar_prefetch = 0 : i64, scratch_operands = 26 : i64, tpu.core_type = #tpu.core_type<sc_vector_subcore>, window_params = [{transform_indices = #map}, {transform_indices = #map}, {transform_indices = #map}, {transform_indices = #map}, {transform_indices = #map1}, {transform_indices = #map}, {transform_indices = #map}, {transform_indices = #map1}, {transform_indices = #map1}]} {
    %mul3A = arith.constant 16 : i32
    %mul3A_0 = arith.muli %arg0, %mul3A : i32
    %add3A = arith.addi %mul3A_0, %arg1 : i32
    %mul3A_1 = arith.constant 640 : i32
    %mul3A_2 = arith.muli %arg1, %mul3A_1 : i32
    %mul3A_3 = arith.constant 5120 : i32
    %mul3A_4 = arith.muli %arg0, %mul3A_3 : i32
    %mul3A_5 = arith.constant 320 : i32
    %mul3A_6 = arith.muli %arg1, %mul3A_5 : i32
    %add3A_7 = arith.addi %mul3A_4, %mul3A_6 : i32
    %sub3A = arith.constant 1 : i32
    %sub3A_8 = arith.subi %sub3A, %arg0 : i32
    %mul3A_9 = arith.constant 5120 : i32
    %mul3A_10 = arith.muli %sub3A_8, %mul3A_9 : i32
    %mul3A_11 = arith.constant 320 : i32
    %mul3A_12 = arith.muli %arg1, %mul3A_11 : i32
    %add3A_13 = arith.addi %mul3A_10, %mul3A_12 : i32
    %mul3A_14 = arith.constant 80 : i32
    %mul3A_15 = arith.muli %add3A, %mul3A_14 : i32
    "tpu.region"() ({
      %run_scoped3A = tpu.sem_alloc : memref<!tpu.dma_semaphore, #tpu.memory_space<semaphore_mem>>
      %dma_start3A = arith.constant 0 : i32
      %dma_start3A_105 = tpu.memref_slice %arg3[%mul3A_15, %dma_start3A] : memref<2560x128xi32, #tpu.memory_space<hbm>> -> memref<80x128xi32, #tpu.memory_space<hbm>>
      %dma_start3A_106 = arith.constant 0 : i32
      %dma_start3A_107 = tpu.memref_slice %arg3[%mul3A_15, %dma_start3A_106] : memref<2560x128xi32, #tpu.memory_space<hbm>> -> memref<80x128xi32, #tpu.memory_space<hbm>>
      tpu.enqueue_dma source(%dma_start3A_107 : memref<80x128xi32, #tpu.memory_space<hbm>>) target(%arg15 : memref<80x128xi32, #tpu.memory_space<vmem>>) target_semaphore(%run_scoped3A : memref<!tpu.dma_semaphore, #tpu.memory_space<semaphore_mem>>)
      %dma_wait3A_108 = arith.constant 0 : i32
      %dma_wait3A_109 = tpu.memref_slice %arg3[%mul3A_15, %dma_wait3A_108] : memref<2560x128xi32, #tpu.memory_space<hbm>> -> memref<80x128xi32, #tpu.memory_space<hbm>>
      %dma_wait3A_110 = arith.constant 0 : i32
      %dma_wait3A_111 = tpu.memref_slice %arg3[%mul3A_15, %dma_wait3A_110] : memref<2560x128xi32, #tpu.memory_space<hbm>> -> memref<80x128xi32, #tpu.memory_space<hbm>>
      tpu.wait_dma2 semaphore(%run_scoped3A : memref<!tpu.dma_semaphore, #tpu.memory_space<semaphore_mem>>) src(%dma_wait3A_111 : memref<80x128xi32, #tpu.memory_space<hbm>>) dst(%arg15 : memref<80x128xi32, #tpu.memory_space<vmem>>)
      tpu.yield
    }) : () -> ()
    %mul3A_16 = arith.constant 80 : i32
    %mul3A_17 = arith.muli %add3A, %mul3A_16 : i32
    "tpu.region"() ({
      %run_scoped3A = tpu.sem_alloc : memref<!tpu.dma_semaphore, #tpu.memory_space<semaphore_mem>>
      %dma_start3A = arith.constant 0 : i32
      %dma_start3A_105 = tpu.memref_slice %arg4[%mul3A_17, %dma_start3A] : memref<2560x128xi32, #tpu.memory_space<hbm>> -> memref<80x128xi32, #tpu.memory_space<hbm>>
      %dma_start3A_106 = arith.constant 0 : i32
      %dma_start3A_107 = tpu.memref_slice %arg4[%mul3A_17, %dma_start3A_106] : memref<2560x128xi32, #tpu.memory_space<hbm>> -> memref<80x128xi32, #tpu.memory_space<hbm>>
      tpu.enqueue_dma source(%dma_start3A_107 : memref<80x128xi32, #tpu.memory_space<hbm>>) target(%arg16 : memref<80x128xi32, #tpu.memory_space<vmem>>) target_semaphore(%run_scoped3A : memref<!tpu.dma_semaphore, #tpu.memory_space<semaphore_mem>>)
      %dma_wait3A_108 = arith.constant 0 : i32
      %dma_wait3A_109 = tpu.memref_slice %arg4[%mul3A_17, %dma_wait3A_108] : memref<2560x128xi32, #tpu.memory_space<hbm>> -> memref<80x128xi32, #tpu.memory_space<hbm>>
      %dma_wait3A_110 = arith.constant 0 : i32
      %dma_wait3A_111 = tpu.memref_slice %arg4[%mul3A_17, %dma_wait3A_110] : memref<2560x128xi32, #tpu.memory_space<hbm>> -> memref<80x128xi32, #tpu.memory_space<hbm>>
      tpu.wait_dma2 semaphore(%run_scoped3A : memref<!tpu.dma_semaphore, #tpu.memory_space<semaphore_mem>>) src(%dma_wait3A_111 : memref<80x128xi32, #tpu.memory_space<hbm>>) dst(%arg16 : memref<80x128xi32, #tpu.memory_space<vmem>>)
      tpu.yield
    }) : () -> ()
    %broadcast_in_dim3A = arith.constant 1.000000e+00 : f32
    %broadcast_in_dim3A_18 = vector.broadcast %broadcast_in_dim3A : f32 to vector<16xf32>
    %swap3A = arith.constant 0 : index
    %swap3A_19 = tpu.vector_load %arg14[%swap3A] {strides = array<i32>} : memref<128xf32, #tpu.memory_space<vmem>>, vector<16xf32>,
    tpu.vector_store %arg14[%swap3A], %broadcast_in_dim3A_18 {strides = array<i32>} : memref<128xf32, #tpu.memory_space<vmem>>, vector<16xf32>,
    %broadcast_in_dim3A_20 = arith.constant 1.000000e+00 : f32
    %broadcast_in_dim3A_21 = vector.broadcast %broadcast_in_dim3A_20 : f32 to vector<16xf32>
    %swap3A_22 = arith.constant 16 : index
    %swap3A_23 = tpu.vector_load %arg14[%swap3A_22] {strides = array<i32>} : memref<128xf32, #tpu.memory_space<vmem>>, vector<16xf32>,
    tpu.vector_store %arg14[%swap3A_22], %broadcast_in_dim3A_21 {strides = array<i32>} : memref<128xf32, #tpu.memory_space<vmem>>, vector<16xf32>,
    %broadcast_in_dim3A_24 = arith.constant 1.000000e+00 : f32
    %broadcast_in_dim3A_25 = vector.broadcast %broadcast_in_dim3A_24 : f32 to vector<16xf32>
    %swap3A_26 = arith.constant 32 : index
    %swap3A_27 = tpu.vector_load %arg14[%swap3A_26] {strides = array<i32>} : memref<128xf32, #tpu.memory_space<vmem>>, vector<16xf32>,
    tpu.vector_store %arg14[%swap3A_26], %broadcast_in_dim3A_25 {strides = array<i32>} : memref<128xf32, #tpu.memory_space<vmem>>, vector<16xf32>,
    %broadcast_in_dim3A_28 = arith.constant 1.000000e+00 : f32
    %broadcast_in_dim3A_29 = vector.broadcast %broadcast_in_dim3A_28 : f32 to vector<16xf32>
    %swap3A_30 = arith.constant 48 : index
    %swap3A_31 = tpu.vector_load %arg14[%swap3A_30] {strides = array<i32>} : memref<128xf32, #tpu.memory_space<vmem>>, vector<16xf32>,
    tpu.vector_store %arg14[%swap3A_30], %broadcast_in_dim3A_29 {strides = array<i32>} : memref<128xf32, #tpu.memory_space<vmem>>, vector<16xf32>,
    %broadcast_in_dim3A_32 = arith.constant 1.000000e+00 : f32
    %broadcast_in_dim3A_33 = vector.broadcast %broadcast_in_dim3A_32 : f32 to vector<16xf32>
    %swap3A_34 = arith.constant 64 : index
    %swap3A_35 = tpu.vector_load %arg14[%swap3A_34] {strides = array<i32>} : memref<128xf32, #tpu.memory_space<vmem>>, vector<16xf32>,
    tpu.vector_store %arg14[%swap3A_34], %broadcast_in_dim3A_33 {strides = array<i32>} : memref<128xf32, #tpu.memory_space<vmem>>, vector<16xf32>,
    %broadcast_in_dim3A_36 = arith.constant 1.000000e+00 : f32
    %broadcast_in_dim3A_37 = vector.broadcast %broadcast_in_dim3A_36 : f32 to vector<16xf32>
    %swap3A_38 = arith.constant 80 : index
    %swap3A_39 = tpu.vector_load %arg14[%swap3A_38] {strides = array<i32>} : memref<128xf32, #tpu.memory_space<vmem>>, vector<16xf32>,
    tpu.vector_store %arg14[%swap3A_38], %broadcast_in_dim3A_37 {strides = array<i32>} : memref<128xf32, #tpu.memory_space<vmem>>, vector<16xf32>,
    %broadcast_in_dim3A_40 = arith.constant 1.000000e+00 : f32
    %broadcast_in_dim3A_41 = vector.broadcast %broadcast_in_dim3A_40 : f32 to vector<16xf32>
    %swap3A_42 = arith.constant 96 : index
    %swap3A_43 = tpu.vector_load %arg14[%swap3A_42] {strides = array<i32>} : memref<128xf32, #tpu.memory_space<vmem>>, vector<16xf32>,
    tpu.vector_store %arg14[%swap3A_42], %broadcast_in_dim3A_41 {strides = array<i32>} : memref<128xf32, #tpu.memory_space<vmem>>, vector<16xf32>,
    %broadcast_in_dim3A_44 = arith.constant 1.000000e+00 : f32
    %broadcast_in_dim3A_45 = vector.broadcast %broadcast_in_dim3A_44 : f32 to vector<16xf32>
    %swap3A_46 = arith.constant 112 : index
    %swap3A_47 = tpu.vector_load %arg14[%swap3A_46] {strides = array<i32>} : memref<128xf32, #tpu.memory_space<vmem>>, vector<16xf32>,
    tpu.vector_store %arg14[%swap3A_46], %broadcast_in_dim3A_45 {strides = array<i32>} : memref<128xf32, #tpu.memory_space<vmem>>, vector<16xf32>,
    %scan3A = arith.constant 0 : i32
    %scan3A_48 = arith.constant 160 : i32
    %scan3A_49 = arith.addi %scan3A, %scan3A_48 : i32
    %scan3A_50 = arith.constant 1 : i32
    scf.for %scan3A_105 = %scan3A to %scan3A_49 step %scan3A_50  : i32 {
      %broadcast_in_dim3A_106 = arith.constant 0.000000e+00 : f32
      %broadcast_in_dim3A_107 = vector.broadcast %broadcast_in_dim3A_106 : f32 to vector<16xf32>
      %swap3A_108 = arith.index_cast %scan3A_105 : i32 to index
      %swap3A_109 = arith.constant 0 : index
      %swap3A_110 = tpu.vector_load %arg24[%swap3A_108, %swap3A_109] {strides = array<i32>} : memref<160x40xf32, #tpu.memory_space<vmem>>, vector<16xf32>,
      tpu.vector_store %arg24[%swap3A_108, %swap3A_109], %broadcast_in_dim3A_107 {strides = array<i32>} : memref<160x40xf32, #tpu.memory_space<vmem>>, vector<16xf32>,
      %broadcast_in_dim3A_111 = arith.constant 0.000000e+00 : f32
      %broadcast_in_dim3A_112 = vector.broadcast %broadcast_in_dim3A_111 : f32 to vector<16xf32>
      %swap3A_113 = arith.index_cast %scan3A_105 : i32 to index
      %swap3A_114 = arith.constant 16 : index
      %swap3A_115 = tpu.vector_load %arg24[%swap3A_113, %swap3A_114] {strides = array<i32>} : memref<160x40xf32, #tpu.memory_space<vmem>>, vector<16xf32>,
      tpu.vector_store %arg24[%swap3A_113, %swap3A_114], %broadcast_in_dim3A_112 {strides = array<i32>} : memref<160x40xf32, #tpu.memory_space<vmem>>, vector<16xf32>,
      %broadcast_in_dim3A_116 = arith.constant 0.000000e+00 : f32
      %broadcast_in_dim3A_117 = vector.broadcast %broadcast_in_dim3A_116 : f32 to vector<16xf32>
      %swap3A_118 = arith.index_cast %scan3A_105 : i32 to index
      %swap3A_119 = arith.constant 24 : index
      %swap3A_120 = tpu.vector_load %arg24[%swap3A_118, %swap3A_119] {strides = array<i32>} : memref<160x40xf32, #tpu.memory_space<vmem>>, vector<16xf32>,
      tpu.vector_store %arg24[%swap3A_118, %swap3A_119], %broadcast_in_dim3A_117 {strides = array<i32>} : memref<160x40xf32, #tpu.memory_space<vmem>>, vector<16xf32>,
    }
    %scan3A_51 = arith.constant 160 : i32
    %scan3A_52 = arith.constant 0 : i32
    %scan3A_53 = arith.constant 20 : i32
    %scan3A_54 = arith.addi %scan3A_52, %scan3A_53 : i32
    %scan3A_55 = arith.constant 1 : i32
    scf.for %scan3A_105 = %scan3A_52 to %scan3A_54 step %scan3A_55  : i32 {
      %broadcast_in_dim3A_106 = arith.constant 0.000000e+00 : f32
      %broadcast_in_dim3A_107 = vector.broadcast %broadcast_in_dim3A_106 : f32 to vector<16xf32>
      %mul3A_108 = arith.constant 16 : i32
      %mul3A_109 = arith.muli %scan3A_105, %mul3A_108 : i32
      %swap3A_110 = arith.index_cast %mul3A_109 : i32 to index
      %swap3A_111 = tpu.vector_load %arg12[%swap3A_110] {strides = array<i32>} : memref<320xf32, #tpu.memory_space<vmem>>, vector<16xf32>,
      tpu.vector_store %arg12[%swap3A_110], %broadcast_in_dim3A_107 {strides = array<i32>} : memref<320xf32, #tpu.memory_space<vmem>>, vector<16xf32>,
    }
    %scan3A_56 = arith.constant 20 : i32
    %mul3A_57 = arith.constant 640 : i32
    %mul3A_58 = arith.muli %arg1, %mul3A_57 : i32
    "tpu.region"() ({
      %run_scoped3A = tpu.sem_alloc : memref<!tpu.dma_semaphore, #tpu.memory_space<semaphore_mem>>
      %dma_start3A = tpu.memref_slice %arg36[%mul3A_58] : memref<10240xf32, #tpu.memory_space<vmem_shared>> -> memref<320xf32, #tpu.memory_space<vmem_shared>>
      %dma_start3A_105 = tpu.memref_slice %arg36[%mul3A_58] : memref<10240xf32, #tpu.memory_space<vmem_shared>> -> memref<320xf32, #tpu.memory_space<vmem_shared>>
      tpu.enqueue_dma source(%arg12 : memref<320xf32, #tpu.memory_space<vmem>>) target(%dma_start3A_105 : memref<320xf32, #tpu.memory_space<vmem_shared>>) target_semaphore(%run_scoped3A : memref<!tpu.dma_semaphore, #tpu.memory_space<semaphore_mem>>)
      %dma_wait3A_106 = tpu.memref_slice %arg36[%mul3A_58] : memref<10240xf32, #tpu.memory_space<vmem_shared>> -> memref<320xf32, #tpu.memory_space<vmem_shared>>
      %dma_wait3A_107 = tpu.memref_slice %arg36[%mul3A_58] : memref<10240xf32, #tpu.memory_space<vmem_shared>> -> memref<320xf32, #tpu.memory_space<vmem_shared>>
      tpu.wait_dma2 semaphore(%run_scoped3A : memref<!tpu.dma_semaphore, #tpu.memory_space<semaphore_mem>>) src(%arg12 : memref<320xf32, #tpu.memory_space<vmem>>) dst(%dma_wait3A_107 : memref<320xf32, #tpu.memory_space<vmem_shared>>)
      tpu.yield
    }) : () -> ()
    %mul3A_59 = arith.constant 640 : i32
    %mul3A_60 = arith.muli %arg1, %mul3A_59 : i32
    %add3A_61 = arith.constant 320 : i32
    %add3A_62 = arith.addi %mul3A_60, %add3A_61 : i32
    "tpu.region"() ({
      %run_scoped3A = tpu.sem_alloc : memref<!tpu.dma_semaphore, #tpu.memory_space<semaphore_mem>>
      %dma_start3A = tpu.memref_slice %arg36[%add3A_62] : memref<10240xf32, #tpu.memory_space<vmem_shared>> -> memref<320xf32, #tpu.memory_space<vmem_shared>>
      %dma_start3A_105 = tpu.memref_slice %arg36[%add3A_62] : memref<10240xf32, #tpu.memory_space<vmem_shared>> -> memref<320xf32, #tpu.memory_space<vmem_shared>>
      tpu.enqueue_dma source(%arg12 : memref<320xf32, #tpu.memory_space<vmem>>) target(%dma_start3A_105 : memref<320xf32, #tpu.memory_space<vmem_shared>>) target_semaphore(%run_scoped3A : memref<!tpu.dma_semaphore, #tpu.memory_space<semaphore_mem>>)
      %dma_wait3A_106 = tpu.memref_slice %arg36[%add3A_62] : memref<10240xf32, #tpu.memory_space<vmem_shared>> -> memref<320xf32, #tpu.memory_space<vmem_shared>>
      %dma_wait3A_107 = tpu.memref_slice %arg36[%add3A_62] : memref<10240xf32, #tpu.memory_space<vmem_shared>> -> memref<320xf32, #tpu.memory_space<vmem_shared>>
      tpu.wait_dma2 semaphore(%run_scoped3A : memref<!tpu.dma_semaphore, #tpu.memory_space<semaphore_mem>>) src(%arg12 : memref<320xf32, #tpu.memory_space<vmem>>) dst(%dma_wait3A_107 : memref<320xf32, #tpu.memory_space<vmem_shared>>)
      tpu.yield
    }) : () -> ()
    %barrier3A = arith.constant 0 : index
    tpu.barrier barrier_id(%barrier3A)
    %scan3A_63 = arith.constant 0 : i32
    %scan3A_64 = arith.constant 20 : i32
    %scan3A_65 = arith.addi %scan3A_63, %scan3A_64 : i32
    %scan3A_66 = arith.constant 1 : i32
    scf.for %scan3A_105 = %scan3A_63 to %scan3A_65 step %scan3A_66  : i32 {
      %mul3A_106 = arith.constant 4 : i32
      %mul3A_107 = arith.muli %mul3A_106, %scan3A_105 : i32
      %add3A_108 = arith.constant 0 : i32
      %add3A_109 = arith.addi %mul3A_107, %add3A_108 : i32
      %ge3A = arith.constant 4 : i32
      %ge3A_110 = arith.cmpi sge, %add3A_109, %ge3A : i32
      %convert_element_type3A_111 = arith.extui %ge3A_110 : i1 to i32
      %cond3A_112 = arith.constant 0 : i32
      %cond3A_113 = arith.cmpi ne, %convert_element_type3A_111, %cond3A_112 : i32
      scf.if %cond3A_113 {
        %sub3A_160 = arith.constant 4 : i32
        %sub3A_161 = arith.subi %add3A_109, %sub3A_160 : i32
        %dma_wait3A_162 = arith.constant 0 : i32
        %dma_wait3A_163 = tpu.memref_slice %arg16[%sub3A_161, %dma_wait3A_162] : memref<80x128xi32, #tpu.memory_space<vmem>> -> memref<1x128xi32, #tpu.memory_space<vmem>>
        %dma_wait3A_164 = tpu.memref_squeeze %dma_wait3A_163 : memref<1x128xi32, #tpu.memory_space<vmem>> -> memref<128xi32, #tpu.memory_space<vmem>>
        %dma_wait3A_165 = arith.constant 0 : i32
        %dma_wait3A_166 = tpu.memref_slice %arg36[%dma_wait3A_165] : memref<10240xf32, #tpu.memory_space<vmem_shared>> -> memref<10240xf32, #tpu.memory_space<vmem_shared>>
        tpu.wait_indirect_dma semaphore(%arg29 : memref<!tpu.dma_semaphore, #tpu.memory_space<semaphore_mem>>) src(%arg14 : memref<128xf32, #tpu.memory_space<vmem>>) dst(%dma_wait3A_166 : memref<10240xf32, #tpu.memory_space<vmem_shared>>)
      } else {
      }
      %dma_start3A = arith.constant 0 : i32
      %dma_start3A_114 = tpu.memref_slice %arg16[%add3A_109, %dma_start3A] : memref<80x128xi32, #tpu.memory_space<vmem>> -> memref<1x128xi32, #tpu.memory_space<vmem>>
      %dma_start3A_115 = tpu.memref_squeeze %dma_start3A_114 : memref<1x128xi32, #tpu.memory_space<vmem>> -> memref<128xi32, #tpu.memory_space<vmem>>
      %dma_start3A_116 = arith.constant 0 : i32
      %dma_start3A_117 = tpu.memref_slice %arg36[%dma_start3A_116] : memref<10240xf32, #tpu.memory_space<vmem_shared>> -> memref<10240xf32, #tpu.memory_space<vmem_shared>>
      tpu.enqueue_indirect_dma source(%arg14 : memref<128xf32, #tpu.memory_space<vmem>>) target(%dma_start3A_117 : memref<10240xf32, #tpu.memory_space<vmem_shared>>) offsets(%dma_start3A_115 : memref<128xi32, #tpu.memory_space<vmem>>) semaphore(%arg29 : memref<!tpu.dma_semaphore, #tpu.memory_space<semaphore_mem>>) {add = true}
      %mul3A_118 = arith.constant 4 : i32
      %mul3A_119 = arith.muli %mul3A_118, %scan3A_105 : i32
      %add3A_120 = arith.constant 1 : i32
      %add3A_121 = arith.addi %mul3A_119, %add3A_120 : i32
      %ge3A_122 = arith.constant 4 : i32
      %ge3A_123 = arith.cmpi sge, %add3A_121, %ge3A_122 : i32
      %convert_element_type3A_124 = arith.extui %ge3A_123 : i1 to i32
      %cond3A_125 = arith.constant 0 : i32
      %cond3A_126 = arith.cmpi ne, %convert_element_type3A_124, %cond3A_125 : i32
      scf.if %cond3A_126 {
        %sub3A_160 = arith.constant 4 : i32
        %sub3A_161 = arith.subi %add3A_121, %sub3A_160 : i32
        %dma_wait3A_162 = arith.constant 0 : i32
        %dma_wait3A_163 = tpu.memref_slice %arg16[%sub3A_161, %dma_wait3A_162] : memref<80x128xi32, #tpu.memory_space<vmem>> -> memref<1x128xi32, #tpu.memory_space<vmem>>
        %dma_wait3A_164 = tpu.memref_squeeze %dma_wait3A_163 : memref<1x128xi32, #tpu.memory_space<vmem>> -> memref<128xi32, #tpu.memory_space<vmem>>
        %dma_wait3A_165 = arith.constant 0 : i32
        %dma_wait3A_166 = tpu.memref_slice %arg36[%dma_wait3A_165] : memref<10240xf32, #tpu.memory_space<vmem_shared>> -> memref<10240xf32, #tpu.memory_space<vmem_shared>>
        tpu.wait_indirect_dma semaphore(%arg30 : memref<!tpu.dma_semaphore, #tpu.memory_space<semaphore_mem>>) src(%arg14 : memref<128xf32, #tpu.memory_space<vmem>>) dst(%dma_wait3A_166 : memref<10240xf32, #tpu.memory_space<vmem_shared>>)
      } else {
      }
      %dma_start3A_127 = arith.constant 0 : i32
      %dma_start3A_128 = tpu.memref_slice %arg16[%add3A_121, %dma_start3A_127] : memref<80x128xi32, #tpu.memory_space<vmem>> -> memref<1x128xi32, #tpu.memory_space<vmem>>
      %dma_start3A_129 = tpu.memref_squeeze %dma_start3A_128 : memref<1x128xi32, #tpu.memory_space<vmem>> -> memref<128xi32, #tpu.memory_space<vmem>>
      %dma_start3A_130 = arith.constant 0 : i32
      %dma_start3A_131 = tpu.memref_slice %arg36[%dma_start3A_130] : memref<10240xf32, #tpu.memory_space<vmem_shared>> -> memref<10240xf32, #tpu.memory_space<vmem_shared>>
      tpu.enqueue_indirect_dma source(%arg14 : memref<128xf32, #tpu.memory_space<vmem>>) target(%dma_start3A_131 : memref<10240xf32, #tpu.memory_space<vmem_shared>>) offsets(%dma_start3A_129 : memref<128xi32, #tpu.memory_space<vmem>>) semaphore(%arg30 : memref<!tpu.dma_semaphore, #tpu.memory_space<semaphore_mem>>) {add = true}
      %mul3A_132 = arith.constant 4 : i32
      %mul3A_133 = arith.muli %mul3A_132, %scan3A_105 : i32
      %add3A_134 = arith.constant 2 : i32
      %add3A_135 = arith.addi %mul3A_133, %add3A_134 : i32
      %ge3A_136 = arith.constant 4 : i32
      %ge3A_137 = arith.cmpi sge, %add3A_135, %ge3A_136 : i32
      %convert_element_type3A_138 = arith.extui %ge3A_137 : i1 to i32
      %cond3A_139 = arith.constant 0 : i32
      %cond3A_140 = arith.cmpi ne, %convert_element_type3A_138, %cond3A_139 : i32
      scf.if %cond3A_140 {
        %sub3A_160 = arith.constant 4 : i32
        %sub3A_161 = arith.subi %add3A_135, %sub3A_160 : i32
        %dma_wait3A_162 = arith.constant 0 : i32
        %dma_wait3A_163 = tpu.memref_slice %arg16[%sub3A_161, %dma_wait3A_162] : memref<80x128xi32, #tpu.memory_space<vmem>> -> memref<1x128xi32, #tpu.memory_space<vmem>>
        %dma_wait3A_164 = tpu.memref_squeeze %dma_wait3A_163 : memref<1x128xi32, #tpu.memory_space<vmem>> -> memref<128xi32, #tpu.memory_space<vmem>>
        %dma_wait3A_165 = arith.constant 0 : i32
        %dma_wait3A_166 = tpu.memref_slice %arg36[%dma_wait3A_165] : memref<10240xf32, #tpu.memory_space<vmem_shared>> -> memref<10240xf32, #tpu.memory_space<vmem_shared>>
        tpu.wait_indirect_dma semaphore(%arg31 : memref<!tpu.dma_semaphore, #tpu.memory_space<semaphore_mem>>) src(%arg14 : memref<128xf32, #tpu.memory_space<vmem>>) dst(%dma_wait3A_166 : memref<10240xf32, #tpu.memory_space<vmem_shared>>)
      } else {
      }
      %dma_start3A_141 = arith.constant 0 : i32
      %dma_start3A_142 = tpu.memref_slice %arg16[%add3A_135, %dma_start3A_141] : memref<80x128xi32, #tpu.memory_space<vmem>> -> memref<1x128xi32, #tpu.memory_space<vmem>>
      %dma_start3A_143 = tpu.memref_squeeze %dma_start3A_142 : memref<1x128xi32, #tpu.memory_space<vmem>> -> memref<128xi32, #tpu.memory_space<vmem>>
      %dma_start3A_144 = arith.constant 0 : i32
      %dma_start3A_145 = tpu.memref_slice %arg36[%dma_start3A_144] : memref<10240xf32, #tpu.memory_space<vmem_shared>> -> memref<10240xf32, #tpu.memory_space<vmem_shared>>
      tpu.enqueue_indirect_dma source(%arg14 : memref<128xf32, #tpu.memory_space<vmem>>) target(%dma_start3A_145 : memref<10240xf32, #tpu.memory_space<vmem_shared>>) offsets(%dma_start3A_143 : memref<128xi32, #tpu.memory_space<vmem>>) semaphore(%arg31 : memref<!tpu.dma_semaphore, #tpu.memory_space<semaphore_mem>>) {add = true}
      %mul3A_146 = arith.constant 4 : i32
      %mul3A_147 = arith.muli %mul3A_146, %scan3A_105 : i32
      %add3A_148 = arith.constant 3 : i32
      %add3A_149 = arith.addi %mul3A_147, %add3A_148 : i32
      %ge3A_150 = arith.constant 4 : i32
      %ge3A_151 = arith.cmpi sge, %add3A_149, %ge3A_150 : i32
      %convert_element_type3A_152 = arith.extui %ge3A_151 : i1 to i32
      %cond3A_153 = arith.constant 0 : i32
      %cond3A_154 = arith.cmpi ne, %convert_element_type3A_152, %cond3A_153 : i32
      scf.if %cond3A_154 {
        %sub3A_160 = arith.constant 4 : i32
        %sub3A_161 = arith.subi %add3A_149, %sub3A_160 : i32
        %dma_wait3A_162 = arith.constant 0 : i32
        %dma_wait3A_163 = tpu.memref_slice %arg16[%sub3A_161, %dma_wait3A_162] : memref<80x128xi32, #tpu.memory_space<vmem>> -> memref<1x128xi32, #tpu.memory_space<vmem>>
        %dma_wait3A_164 = tpu.memref_squeeze %dma_wait3A_163 : memref<1x128xi32, #tpu.memory_space<vmem>> -> memref<128xi32, #tpu.memory_space<vmem>>
        %dma_wait3A_165 = arith.constant 0 : i32
        %dma_wait3A_166 = tpu.memref_slice %arg36[%dma_wait3A_165] : memref<10240xf32, #tpu.memory_space<vmem_shared>> -> memref<10240xf32, #tpu.memory_space<vmem_shared>>
        tpu.wait_indirect_dma semaphore(%arg32 : memref<!tpu.dma_semaphore, #tpu.memory_space<semaphore_mem>>) src(%arg14 : memref<128xf32, #tpu.memory_space<vmem>>) dst(%dma_wait3A_166 : memref<10240xf32, #tpu.memory_space<vmem_shared>>)
      } else {
      }
      %dma_start3A_155 = arith.constant 0 : i32
      %dma_start3A_156 = tpu.memref_slice %arg16[%add3A_149, %dma_start3A_155] : memref<80x128xi32, #tpu.memory_space<vmem>> -> memref<1x128xi32, #tpu.memory_space<vmem>>
      %dma_start3A_157 = tpu.memref_squeeze %dma_start3A_156 : memref<1x128xi32, #tpu.memory_space<vmem>> -> memref<128xi32, #tpu.memory_space<vmem>>
      %dma_start3A_158 = arith.constant 0 : i32
      %dma_start3A_159 = tpu.memref_slice %arg36[%dma_start3A_158] : memref<10240xf32, #tpu.memory_space<vmem_shared>> -> memref<10240xf32, #tpu.memory_space<vmem_shared>>
      tpu.enqueue_indirect_dma source(%arg14 : memref<128xf32, #tpu.memory_space<vmem>>) target(%dma_start3A_159 : memref<10240xf32, #tpu.memory_space<vmem_shared>>) offsets(%dma_start3A_157 : memref<128xi32, #tpu.memory_space<vmem>>) semaphore(%arg32 : memref<!tpu.dma_semaphore, #tpu.memory_space<semaphore_mem>>) {add = true}
    }
    %scan3A_67 = arith.constant 20 : i32
    %dma_wait3A = arith.constant 76 : i32
    %dma_wait3A_68 = arith.constant 0 : i32
    %dma_wait3A_69 = tpu.memref_slice %arg16[%dma_wait3A, %dma_wait3A_68] : memref<80x128xi32, #tpu.memory_space<vmem>> -> memref<1x128xi32, #tpu.memory_space<vmem>>
    %dma_wait3A_70 = tpu.memref_squeeze %dma_wait3A_69 : memref<1x128xi32, #tpu.memory_space<vmem>> -> memref<128xi32, #tpu.memory_space<vmem>>
    %dma_wait3A_71 = arith.constant 0 : i32
    %dma_wait3A_72 = tpu.memref_slice %arg36[%dma_wait3A_71] : memref<10240xf32, #tpu.memory_space<vmem_shared>> -> memref<10240xf32, #tpu.memory_space<vmem_shared>>
    tpu.wait_indirect_dma semaphore(%arg29 : memref<!tpu.dma_semaphore, #tpu.memory_space<semaphore_mem>>) src(%arg14 : memref<128xf32, #tpu.memory_space<vmem>>) dst(%dma_wait3A_72 : memref<10240xf32, #tpu.memory_space<vmem_shared>>)
    %dma_wait3A_73 = arith.constant 77 : i32
    %dma_wait3A_74 = arith.constant 0 : i32
    %dma_wait3A_75 = tpu.memref_slice %arg16[%dma_wait3A_73, %dma_wait3A_74] : memref<80x128xi32, #tpu.memory_space<vmem>> -> memref<1x128xi32, #tpu.memory_space<vmem>>
    %dma_wait3A_76 = tpu.memref_squeeze %dma_wait3A_75 : memref<1x128xi32, #tpu.memory_space<vmem>> -> memref<128xi32, #tpu.memory_space<vmem>>
    %dma_wait3A_77 = arith.constant 0 : i32
    %dma_wait3A_78 = tpu.memref_slice %arg36[%dma_wait3A_77] : memref<10240xf32, #tpu.memory_space<vmem_shared>> -> memref<10240xf32, #tpu.memory_space<vmem_shared>>
    tpu.wait_indirect_dma semaphore(%arg30 : memref<!tpu.dma_semaphore, #tpu.memory_space<semaphore_mem>>) src(%arg14 : memref<128xf32, #tpu.memory_space<vmem>>) dst(%dma_wait3A_78 : memref<10240xf32, #tpu.memory_space<vmem_shared>>)
    %dma_wait3A_79 = arith.constant 78 : i32
    %dma_wait3A_80 = arith.constant 0 : i32
    %dma_wait3A_81 = tpu.memref_slice %arg16[%dma_wait3A_79, %dma_wait3A_80] : memref<80x128xi32, #tpu.memory_space<vmem>> -> memref<1x128xi32, #tpu.memory_space<vmem>>
    %dma_wait3A_82 = tpu.memref_squeeze %dma_wait3A_81 : memref<1x128xi32, #tpu.memory_space<vmem>> -> memref<128xi32, #tpu.memory_space<vmem>>
    %dma_wait3A_83 = arith.constant 0 : i32
    %dma_wait3A_84 = tpu.memref_slice %arg36[%dma_wait3A_83] : memref<10240xf32, #tpu.memory_space<vmem_shared>> -> memref<10240xf32, #tpu.memory_space<vmem_shared>>
    tpu.wait_indirect_dma semaphore(%arg31 : memref<!tpu.dma_semaphore, #tpu.memory_space<semaphore_mem>>) src(%arg14 : memref<128xf32, #tpu.memory_space<vmem>>) dst(%dma_wait3A_84 : memref<10240xf32, #tpu.memory_space<vmem_shared>>)
    %dma_wait3A_85 = arith.constant 79 : i32
    %dma_wait3A_86 = arith.constant 0 : i32
    %dma_wait3A_87 = tpu.memref_slice %arg16[%dma_wait3A_85, %dma_wait3A_86] : memref<80x128xi32, #tpu.memory_space<vmem>> -> memref<1x128xi32, #tpu.memory_space<vmem>>
    %dma_wait3A_88 = tpu.memref_squeeze %dma_wait3A_87 : memref<1x128xi32, #tpu.memory_space<vmem>> -> memref<128xi32, #tpu.memory_space<vmem>>
    %dma_wait3A_89 = arith.constant 0 : i32
    %dma_wait3A_90 = tpu.memref_slice %arg36[%dma_wait3A_89] : memref<10240xf32, #tpu.memory_space<vmem_shared>> -> memref<10240xf32, #tpu.memory_space<vmem_shared>>
    tpu.wait_indirect_dma semaphore(%arg32 : memref<!tpu.dma_semaphore, #tpu.memory_space<semaphore_mem>>) src(%arg14 : memref<128xf32, #tpu.memory_space<vmem>>) dst(%dma_wait3A_90 : memref<10240xf32, #tpu.memory_space<vmem_shared>>)
    %barrier3A_91 = arith.constant 0 : index
    tpu.barrier barrier_id(%barrier3A_91)
    %eq3A = arith.constant 0 : i32
    %eq3A_92 = arith.cmpi eq, %arg0, %eq3A : i32
    %convert_element_type3A = arith.extui %eq3A_92 : i1 to i32
    %cond3A = arith.constant 0 : i32
    %cond3A_93 = arith.cmpi ne, %convert_element_type3A, %cond3A : i32
    scf.if %cond3A_93 {
      "tpu.region"() ({
        %run_scoped3A = tpu.sem_alloc : memref<!tpu.dma_semaphore, #tpu.memory_space<semaphore_mem>>
        %dma_start3A = tpu.memref_slice %arg9[%add3A_13] : memref<10240xf32, #tpu.memory_space<hbm>> -> memref<320xf32, #tpu.memory_space<hbm>>
        %dma_start3A_142 = tpu.memref_slice %arg36[%add3A_13] : memref<10240xf32, #tpu.memory_space<vmem_shared>> -> memref<320xf32, #tpu.memory_space<vmem_shared>>
        tpu.enqueue_dma source(%dma_start3A_142 : memref<320xf32, #tpu.memory_space<vmem_shared>>) target(%dma_start3A : memref<320xf32, #tpu.memory_space<hbm>>) target_semaphore(%run_scoped3A : memref<!tpu.dma_semaphore, #tpu.memory_space<semaphore_mem>>)
        %dma_wait3A_143 = tpu.memref_slice %arg9[%add3A_13] : memref<10240xf32, #tpu.memory_space<hbm>> -> memref<320xf32, #tpu.memory_space<hbm>>
        %dma_wait3A_144 = tpu.memref_slice %arg36[%add3A_13] : memref<10240xf32, #tpu.memory_space<vmem_shared>> -> memref<320xf32, #tpu.memory_space<vmem_shared>>
        tpu.wait_dma2 semaphore(%run_scoped3A : memref<!tpu.dma_semaphore, #tpu.memory_space<semaphore_mem>>) src(%dma_wait3A_144 : memref<320xf32, #tpu.memory_space<vmem_shared>>) dst(%dma_wait3A_143 : memref<320xf32, #tpu.memory_space<hbm>>)
        tpu.yield
      }) : () -> ()
      %barrier3A_105 = arith.constant 0 : index
      tpu.barrier barrier_id(%barrier3A_105)
      %eq3A_106 = arith.constant 0 : i32
      %eq3A_107 = arith.cmpi eq, %arg1, %eq3A_106 : i32
      %convert_element_type3A_108 = arith.extui %eq3A_107 : i1 to i32
      %cond3A_109 = arith.constant 0 : i32
      %cond3A_110 = arith.cmpi ne, %convert_element_type3A_108, %cond3A_109 : i32
      scf.if %cond3A_110 {
        %sub3A_142 = arith.constant 1 : i32
        %sub3A_143 = arith.subi %sub3A_142, %arg0 : i32
        %semaphore_signal3A = arith.constant 1 : i32
        tpu.sem_signal %arg33, %semaphore_signal3A core_id %sub3A_143 : memref<!tpu.semaphore, #tpu.memory_space<semaphore_mem>>
        %semaphore_wait3A = arith.constant 1 : i32
        %semaphore_wait3A_144 = arith.constant true
        tpu.sem_wait %arg33, %semaphore_wait3A : memref<!tpu.semaphore, #tpu.memory_space<semaphore_mem>>
      } else {
      }
      %barrier3A_111 = arith.constant 0 : index
      tpu.barrier barrier_id(%barrier3A_111)
      "tpu.region"() ({
        %run_scoped3A = tpu.sem_alloc : memref<!tpu.dma_semaphore, #tpu.memory_space<semaphore_mem>>
        %dma_start3A = tpu.memref_slice %arg36[%add3A_7] : memref<10240xf32, #tpu.memory_space<vmem_shared>> -> memref<320xf32, #tpu.memory_space<vmem_shared>>
        %dma_start3A_142 = tpu.memref_slice %arg36[%add3A_7] : memref<10240xf32, #tpu.memory_space<vmem_shared>> -> memref<320xf32, #tpu.memory_space<vmem_shared>>
        tpu.enqueue_dma source(%dma_start3A_142 : memref<320xf32, #tpu.memory_space<vmem_shared>>) target(%arg12 : memref<320xf32, #tpu.memory_space<vmem>>) target_semaphore(%run_scoped3A : memref<!tpu.dma_semaphore, #tpu.memory_space<semaphore_mem>>)
        %dma_wait3A_143 = tpu.memref_slice %arg36[%add3A_7] : memref<10240xf32, #tpu.memory_space<vmem_shared>> -> memref<320xf32, #tpu.memory_space<vmem_shared>>
        %dma_wait3A_144 = tpu.memref_slice %arg36[%add3A_7] : memref<10240xf32, #tpu.memory_space<vmem_shared>> -> memref<320xf32, #tpu.memory_space<vmem_shared>>
        tpu.wait_dma2 semaphore(%run_scoped3A : memref<!tpu.dma_semaphore, #tpu.memory_space<semaphore_mem>>) src(%dma_wait3A_144 : memref<320xf32, #tpu.memory_space<vmem_shared>>) dst(%arg12 : memref<320xf32, #tpu.memory_space<vmem>>)
        tpu.yield
      }) : () -> ()
      "tpu.region"() ({
        %run_scoped3A = tpu.sem_alloc : memref<!tpu.dma_semaphore, #tpu.memory_space<semaphore_mem>>
        %dma_start3A = tpu.memref_slice %arg10[%add3A_7] : memref<10240xf32, #tpu.memory_space<hbm>> -> memref<320xf32, #tpu.memory_space<hbm>>
        %dma_start3A_142 = tpu.memref_slice %arg10[%add3A_7] : memref<10240xf32, #tpu.memory_space<hbm>> -> memref<320xf32, #tpu.memory_space<hbm>>
        tpu.enqueue_dma source(%dma_start3A_142 : memref<320xf32, #tpu.memory_space<hbm>>) target(%arg13 : memref<320xf32, #tpu.memory_space<vmem>>) target_semaphore(%run_scoped3A : memref<!tpu.dma_semaphore, #tpu.memory_space<semaphore_mem>>)
        %dma_wait3A_143 = tpu.memref_slice %arg10[%add3A_7] : memref<10240xf32, #tpu.memory_space<hbm>> -> memref<320xf32, #tpu.memory_space<hbm>>
        %dma_wait3A_144 = tpu.memref_slice %arg10[%add3A_7] : memref<10240xf32, #tpu.memory_space<hbm>> -> memref<320xf32, #tpu.memory_space<hbm>>
        tpu.wait_dma2 semaphore(%run_scoped3A : memref<!tpu.dma_semaphore, #tpu.memory_space<semaphore_mem>>) src(%dma_wait3A_144 : memref<320xf32, #tpu.memory_space<hbm>>) dst(%arg13 : memref<320xf32, #tpu.memory_space<vmem>>)
        tpu.yield
      }) : () -> ()
      %scan3A_112 = arith.constant 0 : i32
      %scan3A_113 = arith.constant 20 : i32
      %scan3A_114 = arith.addi %scan3A_112, %scan3A_113 : i32
      %scan3A_115 = arith.constant 1 : i32
      scf.for %scan3A_142 = %scan3A_112 to %scan3A_114 step %scan3A_115  : i32 {
        %mul3A_143 = arith.constant 16 : i32
        %mul3A_144 = arith.muli %scan3A_142, %mul3A_143 : i32
        %get3A = arith.index_cast %mul3A_144 : i32 to index
        %get3A_145 = tpu.vector_load %arg12[%get3A] {strides = array<i32>} : memref<320xf32, #tpu.memory_space<vmem>>, vector<16xf32>,
        %get3A_146 = arith.index_cast %mul3A_144 : i32 to index
        %get3A_147 = tpu.vector_load %arg13[%get3A_146] {strides = array<i32>} : memref<320xf32, #tpu.memory_space<vmem>>, vector<16xf32>,
        %add3A_148 = arith.addf %get3A_145, %get3A_147 : vector<16xf32>
        %add3A_149 = arith.constant 1.000000e+00 : f32
        %add3A_150 = vector.broadcast %add3A_149 : f32 to vector<16xf32>
        %add3A_151 = arith.addf %add3A_148, %add3A_150 : vector<16xf32>
        %div3A = arith.constant 0.899999976 : f32
        %div3A_152 = vector.broadcast %div3A : f32 to vector<16xf32>
        %div3A_153 = arith.divf %div3A_152, %add3A_151 : vector<16xf32>
        %swap3A_154 = arith.index_cast %mul3A_144 : i32 to index
        %swap3A_155 = tpu.vector_load %arg11[%swap3A_154] {strides = array<i32>} : memref<320xf32, #tpu.memory_space<vmem>>, vector<16xf32>,
        tpu.vector_store %arg11[%swap3A_154], %div3A_153 {strides = array<i32>} : memref<320xf32, #tpu.memory_space<vmem>>, vector<16xf32>,
        %swap3A_156 = arith.index_cast %mul3A_144 : i32 to index
        %swap3A_157 = tpu.vector_load %arg12[%swap3A_156] {strides = array<i32>} : memref<320xf32, #tpu.memory_space<vmem>>, vector<16xf32>,
        tpu.vector_store %arg12[%swap3A_156], %add3A_151 {strides = array<i32>} : memref<320xf32, #tpu.memory_space<vmem>>, vector<16xf32>,
        %bitcast3A = vector.bitcast %add3A_151 : vector<16xf32> to vector<16xi32>
        %shift_right_arithmetic3A = arith.constant 1 : i32
        %shift_right_arithmetic3A_158 = vector.broadcast %shift_right_arithmetic3A : i32 to vector<16xi32>
        %shift_right_arithmetic3A_159 = arith.shrsi %bitcast3A, %shift_right_arithmetic3A_158 : vector<16xi32>
        %sub3A_160 = arith.constant 1597463007 : i32
        %sub3A_161 = vector.broadcast %sub3A_160 : i32 to vector<16xi32>
        %sub3A_162 = arith.subi %sub3A_161, %shift_right_arithmetic3A_159 : vector<16xi32>
        %bitcast3A_163 = vector.bitcast %sub3A_162 : vector<16xi32> to vector<16xf32>
        %mul3A_164 = arith.constant 5.000000e-01 : f32
        %mul3A_165 = vector.broadcast %mul3A_164 : f32 to vector<16xf32>
        %mul3A_166 = arith.mulf %mul3A_165, %add3A_151 : vector<16xf32>
        %mul3A_167 = arith.mulf %mul3A_166, %bitcast3A_163 : vector<16xf32>
        %mul3A_168 = arith.mulf %mul3A_167, %bitcast3A_163 : vector<16xf32>
        %sub3A_169 = arith.constant 1.500000e+00 : f32
        %sub3A_170 = vector.broadcast %sub3A_169 : f32 to vector<16xf32>
        %sub3A_171 = arith.subf %sub3A_170, %mul3A_168 : vector<16xf32>
        %mul3A_172 = arith.mulf %bitcast3A_163, %sub3A_171 : vector<16xf32>
        %mul3A_173 = arith.constant 5.000000e-01 : f32
        %mul3A_174 = vector.broadcast %mul3A_173 : f32 to vector<16xf32>
        %mul3A_175 = arith.mulf %mul3A_174, %add3A_151 : vector<16xf32>
        %mul3A_176 = arith.mulf %mul3A_175, %mul3A_172 : vector<16xf32>
        %mul3A_177 = arith.mulf %mul3A_176, %mul3A_172 : vector<16xf32>
        %sub3A_178 = arith.constant 1.500000e+00 : f32
        %sub3A_179 = vector.broadcast %sub3A_178 : f32 to vector<16xf32>
        %sub3A_180 = arith.subf %sub3A_179, %mul3A_177 : vector<16xf32>
        %mul3A_181 = arith.mulf %mul3A_172, %sub3A_180 : vector<16xf32>
        %mul3A_182 = arith.constant 5.000000e-01 : f32
        %mul3A_183 = vector.broadcast %mul3A_182 : f32 to vector<16xf32>
        %mul3A_184 = arith.mulf %mul3A_183, %add3A_151 : vector<16xf32>
        %mul3A_185 = arith.mulf %mul3A_184, %mul3A_181 : vector<16xf32>
        %mul3A_186 = arith.mulf %mul3A_185, %mul3A_181 : vector<16xf32>
        %sub3A_187 = arith.constant 1.500000e+00 : f32
        %sub3A_188 = vector.broadcast %sub3A_187 : f32 to vector<16xf32>
        %sub3A_189 = arith.subf %sub3A_188, %mul3A_186 : vector<16xf32>
        %mul3A_190 = arith.mulf %mul3A_181, %sub3A_189 : vector<16xf32>
        %swap3A_191 = arith.index_cast %mul3A_144 : i32 to index
        %swap3A_192 = tpu.vector_load %arg13[%swap3A_191] {strides = array<i32>} : memref<320xf32, #tpu.memory_space<vmem>>, vector<16xf32>,
        tpu.vector_store %arg13[%swap3A_191], %mul3A_190 {strides = array<i32>} : memref<320xf32, #tpu.memory_space<vmem>>, vector<16xf32>,
      }
      %scan3A_116 = arith.constant 20 : i32
      "tpu.region"() ({
        %run_scoped3A = tpu.sem_alloc : memref<!tpu.dma_semaphore, #tpu.memory_space<semaphore_mem>>
        %dma_start3A = tpu.memref_slice %arg6[%add3A_7] : memref<10240xf32, #tpu.memory_space<hbm>> -> memref<320xf32, #tpu.memory_space<hbm>>
        %dma_start3A_142 = tpu.memref_slice %arg6[%add3A_7] : memref<10240xf32, #tpu.memory_space<hbm>> -> memref<320xf32, #tpu.memory_space<hbm>>
        tpu.enqueue_dma source(%arg12 : memref<320xf32, #tpu.memory_space<vmem>>) target(%dma_start3A_142 : memref<320xf32, #tpu.memory_space<hbm>>) target_semaphore(%run_scoped3A : memref<!tpu.dma_semaphore, #tpu.memory_space<semaphore_mem>>)
        %dma_wait3A_143 = tpu.memref_slice %arg6[%add3A_7] : memref<10240xf32, #tpu.memory_space<hbm>> -> memref<320xf32, #tpu.memory_space<hbm>>
        %dma_wait3A_144 = tpu.memref_slice %arg6[%add3A_7] : memref<10240xf32, #tpu.memory_space<hbm>> -> memref<320xf32, #tpu.memory_space<hbm>>
        tpu.wait_dma2 semaphore(%run_scoped3A : memref<!tpu.dma_semaphore, #tpu.memory_space<semaphore_mem>>) src(%arg12 : memref<320xf32, #tpu.memory_space<vmem>>) dst(%dma_wait3A_144 : memref<320xf32, #tpu.memory_space<hbm>>)
        tpu.yield
      }) : () -> ()
      %add3A_117 = arith.constant 0 : i32
      %add3A_118 = arith.addi %add3A_7, %add3A_117 : i32
      "tpu.region"() ({
        %run_scoped3A = tpu.sem_alloc : memref<!tpu.dma_semaphore, #tpu.memory_space<semaphore_mem>>
        %dma_start3A = arith.constant 0 : i32
        %dma_start3A_142 = tpu.memref_slice %arg2[%add3A_118, %dma_start3A] : memref<10240x40xf32, #tpu.memory_space<hbm>> -> memref<160x40xf32, #tpu.memory_space<hbm>>
        %dma_start3A_143 = arith.constant 0 : i32
        %dma_start3A_144 = tpu.memref_slice %arg2[%add3A_118, %dma_start3A_143] : memref<10240x40xf32, #tpu.memory_space<hbm>> -> memref<160x40xf32, #tpu.memory_space<hbm>>
        tpu.enqueue_dma source(%dma_start3A_144 : memref<160x40xf32, #tpu.memory_space<hbm>>) target(%arg21 : memref<160x40xf32, #tpu.memory_space<vmem>>) target_semaphore(%run_scoped3A : memref<!tpu.dma_semaphore, #tpu.memory_space<semaphore_mem>>)
        %dma_wait3A_145 = arith.constant 0 : i32
        %dma_wait3A_146 = tpu.memref_slice %arg2[%add3A_118, %dma_wait3A_145] : memref<10240x40xf32, #tpu.memory_space<hbm>> -> memref<160x40xf32, #tpu.memory_space<hbm>>
        %dma_wait3A_147 = arith.constant 0 : i32
        %dma_wait3A_148 = tpu.memref_slice %arg2[%add3A_118, %dma_wait3A_147] : memref<10240x40xf32, #tpu.memory_space<hbm>> -> memref<160x40xf32, #tpu.memory_space<hbm>>
        tpu.wait_dma2 semaphore(%run_scoped3A : memref<!tpu.dma_semaphore, #tpu.memory_space<semaphore_mem>>) src(%dma_wait3A_148 : memref<160x40xf32, #tpu.memory_space<hbm>>) dst(%arg21 : memref<160x40xf32, #tpu.memory_space<vmem>>)
        tpu.yield
      }) : () -> ()
      %scan3A_119 = arith.constant 0 : i32
      %scan3A_120 = arith.constant 160 : i32
      %scan3A_121 = arith.addi %scan3A_119, %scan3A_120 : i32
      %scan3A_122 = arith.constant 1 : i32
      scf.for %scan3A_142 = %scan3A_119 to %scan3A_121 step %scan3A_122  : i32 {
        %add3A_143 = arith.constant 0 : i32
        %add3A_144 = arith.addi %add3A_143, %scan3A_142 : i32
        %broadcast_in_dim3A_145 = vector.broadcast %add3A_144 : i32 to vector<16xi32>
        %gather3A = tpu.vector_load_idx %arg13[%broadcast_in_dim3A_145] : memref<320xf32, #tpu.memory_space<vmem>>[vector<16xi32>], vector<16xf32>,
        %get3A = arith.index_cast %scan3A_142 : i32 to index
        %get3A_146 = arith.constant 0 : index
        %get3A_147 = tpu.vector_load %arg21[%get3A, %get3A_146] {strides = array<i32>} : memref<160x40xf32, #tpu.memory_space<vmem>>, vector<16xf32>,
        %mul3A_148 = arith.mulf %gather3A, %get3A_147 : vector<16xf32>
        %get3A_149 = arith.index_cast %scan3A_142 : i32 to index
        %get3A_150 = arith.constant 16 : index
        %get3A_151 = tpu.vector_load %arg21[%get3A_149, %get3A_150] {strides = array<i32>} : memref<160x40xf32, #tpu.memory_space<vmem>>, vector<16xf32>,
        %mul3A_152 = arith.mulf %gather3A, %get3A_151 : vector<16xf32>
        %get3A_153 = arith.index_cast %scan3A_142 : i32 to index
        %get3A_154 = arith.constant 24 : index
        %get3A_155 = tpu.vector_load %arg21[%get3A_153, %get3A_154] {strides = array<i32>} : memref<160x40xf32, #tpu.memory_space<vmem>>, vector<16xf32>,
        %mul3A_156 = arith.mulf %gather3A, %get3A_155 : vector<16xf32>
        %swap3A_157 = arith.index_cast %scan3A_142 : i32 to index
        %swap3A_158 = arith.constant 0 : index
        %swap3A_159 = tpu.vector_load %arg21[%swap3A_157, %swap3A_158] {strides = array<i32>} : memref<160x40xf32, #tpu.memory_space<vmem>>, vector<16xf32>,
        tpu.vector_store %arg21[%swap3A_157, %swap3A_158], %mul3A_148 {strides = array<i32>} : memref<160x40xf32, #tpu.memory_space<vmem>>, vector<16xf32>,
        %mul3A_160 = arith.constant 1.000000e-01 : f32
        %mul3A_161 = vector.broadcast %mul3A_160 : f32 to vector<16xf32>
        %mul3A_162 = arith.mulf %mul3A_161, %mul3A_148 : vector<16xf32>
        %add3A_163 = arith.constant 0 : i32
        %add3A_164 = arith.addi %add3A_163, %scan3A_142 : i32
        %swap3A_165 = arith.index_cast %add3A_164 : i32 to index
        %swap3A_166 = arith.constant 0 : index
        %swap3A_167 = tpu.vector_load %arg23[%swap3A_165, %swap3A_166] {strides = array<i32>} : memref<320x40xf32, #tpu.memory_space<vmem>>, vector<16xf32>,
        tpu.vector_store %arg23[%swap3A_165, %swap3A_166], %mul3A_162 {strides = array<i32>} : memref<320x40xf32, #tpu.memory_space<vmem>>, vector<16xf32>,
        %swap3A_168 = arith.index_cast %scan3A_142 : i32 to index
        %swap3A_169 = arith.constant 16 : index
        %swap3A_170 = tpu.vector_load %arg21[%swap3A_168, %swap3A_169] {strides = array<i32>} : memref<160x40xf32, #tpu.memory_space<vmem>>, vector<16xf32>,
        tpu.vector_store %arg21[%swap3A_168, %swap3A_169], %mul3A_152 {strides = array<i32>} : memref<160x40xf32, #tpu.memory_space<vmem>>, vector<16xf32>,
        %mul3A_171 = arith.constant 1.000000e-01 : f32
        %mul3A_172 = vector.broadcast %mul3A_171 : f32 to vector<16xf32>
        %mul3A_173 = arith.mulf %mul3A_172, %mul3A_152 : vector<16xf32>
        %add3A_174 = arith.constant 0 : i32
        %add3A_175 = arith.addi %add3A_174, %scan3A_142 : i32
        %swap3A_176 = arith.index_cast %add3A_175 : i32 to index
        %swap3A_177 = arith.constant 16 : index
        %swap3A_178 = tpu.vector_load %arg23[%swap3A_176, %swap3A_177] {strides = array<i32>} : memref<320x40xf32, #tpu.memory_space<vmem>>, vector<16xf32>,
        tpu.vector_store %arg23[%swap3A_176, %swap3A_177], %mul3A_173 {strides = array<i32>} : memref<320x40xf32, #tpu.memory_space<vmem>>, vector<16xf32>,
        %swap3A_179 = arith.index_cast %scan3A_142 : i32 to index
        %swap3A_180 = arith.constant 24 : index
        %swap3A_181 = tpu.vector_load %arg21[%swap3A_179, %swap3A_180] {strides = array<i32>} : memref<160x40xf32, #tpu.memory_space<vmem>>, vector<16xf32>,
        tpu.vector_store %arg21[%swap3A_179, %swap3A_180], %mul3A_156 {strides = array<i32>} : memref<160x40xf32, #tpu.memory_space<vmem>>, vector<16xf32>,
        %mul3A_182 = arith.constant 1.000000e-01 : f32
        %mul3A_183 = vector.broadcast %mul3A_182 : f32 to vector<16xf32>
        %mul3A_184 = arith.mulf %mul3A_183, %mul3A_156 : vector<16xf32>
        %add3A_185 = arith.constant 0 : i32
        %add3A_186 = arith.addi %add3A_185, %scan3A_142 : i32
        %swap3A_187 = arith.index_cast %add3A_186 : i32 to index
        %swap3A_188 = arith.constant 24 : index
        %swap3A_189 = tpu.vector_load %arg23[%swap3A_187, %swap3A_188] {strides = array<i32>} : memref<320x40xf32, #tpu.memory_space<vmem>>, vector<16xf32>,
        tpu.vector_store %arg23[%swap3A_187, %swap3A_188], %mul3A_184 {strides = array<i32>} : memref<320x40xf32, #tpu.memory_space<vmem>>, vector<16xf32>,
      }
      %scan3A_123 = arith.constant 160 : i32
      "tpu.region"() ({
        %run_scoped3A = tpu.sem_alloc : memref<!tpu.dma_semaphore, #tpu.memory_space<semaphore_mem>>
        %dma_start3A = arith.constant 0 : i32
        %dma_start3A_142 = tpu.memref_slice %arg34[%add3A_118, %dma_start3A] : memref<10240x40xf32, #tpu.memory_space<vmem_shared>> -> memref<160x40xf32, #tpu.memory_space<vmem_shared>>
        %dma_start3A_143 = arith.constant 0 : i32
        %dma_start3A_144 = tpu.memref_slice %arg34[%add3A_118, %dma_start3A_143] : memref<10240x40xf32, #tpu.memory_space<vmem_shared>> -> memref<160x40xf32, #tpu.memory_space<vmem_shared>>
        tpu.enqueue_dma source(%arg21 : memref<160x40xf32, #tpu.memory_space<vmem>>) target(%dma_start3A_144 : memref<160x40xf32, #tpu.memory_space<vmem_shared>>) target_semaphore(%run_scoped3A : memref<!tpu.dma_semaphore, #tpu.memory_space<semaphore_mem>>)
        %dma_wait3A_145 = arith.constant 0 : i32
        %dma_wait3A_146 = tpu.memref_slice %arg34[%add3A_118, %dma_wait3A_145] : memref<10240x40xf32, #tpu.memory_space<vmem_shared>> -> memref<160x40xf32, #tpu.memory_space<vmem_shared>>
        %dma_wait3A_147 = arith.constant 0 : i32
        %dma_wait3A_148 = tpu.memref_slice %arg34[%add3A_118, %dma_wait3A_147] : memref<10240x40xf32, #tpu.memory_space<vmem_shared>> -> memref<160x40xf32, #tpu.memory_space<vmem_shared>>
        tpu.wait_dma2 semaphore(%run_scoped3A : memref<!tpu.dma_semaphore, #tpu.memory_space<semaphore_mem>>) src(%arg21 : memref<160x40xf32, #tpu.memory_space<vmem>>) dst(%dma_wait3A_148 : memref<160x40xf32, #tpu.memory_space<vmem_shared>>)
        tpu.yield
      }) : () -> ()
      "tpu.region"() ({
        %run_scoped3A = tpu.sem_alloc : memref<!tpu.dma_semaphore, #tpu.memory_space<semaphore_mem>>
        %dma_start3A = arith.constant 0 : i32
        %dma_start3A_142 = tpu.memref_slice %arg35[%add3A_118, %dma_start3A] : memref<10240x40xf32, #tpu.memory_space<vmem_shared>> -> memref<160x40xf32, #tpu.memory_space<vmem_shared>>
        %dma_start3A_143 = arith.constant 0 : i32
        %dma_start3A_144 = tpu.memref_slice %arg35[%add3A_118, %dma_start3A_143] : memref<10240x40xf32, #tpu.memory_space<vmem_shared>> -> memref<160x40xf32, #tpu.memory_space<vmem_shared>>
        tpu.enqueue_dma source(%arg21 : memref<160x40xf32, #tpu.memory_space<vmem>>) target(%dma_start3A_144 : memref<160x40xf32, #tpu.memory_space<vmem_shared>>) target_semaphore(%run_scoped3A : memref<!tpu.dma_semaphore, #tpu.memory_space<semaphore_mem>>)
        %dma_wait3A_145 = arith.constant 0 : i32
        %dma_wait3A_146 = tpu.memref_slice %arg35[%add3A_118, %dma_wait3A_145] : memref<10240x40xf32, #tpu.memory_space<vmem_shared>> -> memref<160x40xf32, #tpu.memory_space<vmem_shared>>
        %dma_wait3A_147 = arith.constant 0 : i32
        %dma_wait3A_148 = tpu.memref_slice %arg35[%add3A_118, %dma_wait3A_147] : memref<10240x40xf32, #tpu.memory_space<vmem_shared>> -> memref<160x40xf32, #tpu.memory_space<vmem_shared>>
        tpu.wait_dma2 semaphore(%run_scoped3A : memref<!tpu.dma_semaphore, #tpu.memory_space<semaphore_mem>>) src(%arg21 : memref<160x40xf32, #tpu.memory_space<vmem>>) dst(%dma_wait3A_148 : memref<160x40xf32, #tpu.memory_space<vmem_shared>>)
        tpu.yield
      }) : () -> ()
      "tpu.region"() ({
        %run_scoped3A = tpu.sem_alloc : memref<!tpu.dma_semaphore, #tpu.memory_space<semaphore_mem>>
        %dma_start3A = arith.constant 0 : i32
        %dma_start3A_142 = tpu.memref_slice %arg5[%add3A_118, %dma_start3A] : memref<10240x40xf32, #tpu.memory_space<hbm>> -> memref<160x40xf32, #tpu.memory_space<hbm>>
        %dma_start3A_143 = arith.constant 0 : i32
        %dma_start3A_144 = tpu.memref_slice %arg5[%add3A_118, %dma_start3A_143] : memref<10240x40xf32, #tpu.memory_space<hbm>> -> memref<160x40xf32, #tpu.memory_space<hbm>>
        tpu.enqueue_dma source(%arg21 : memref<160x40xf32, #tpu.memory_space<vmem>>) target(%dma_start3A_144 : memref<160x40xf32, #tpu.memory_space<hbm>>) target_semaphore(%run_scoped3A : memref<!tpu.dma_semaphore, #tpu.memory_space<semaphore_mem>>)
        %dma_wait3A_145 = arith.constant 0 : i32
        %dma_wait3A_146 = tpu.memref_slice %arg5[%add3A_118, %dma_wait3A_145] : memref<10240x40xf32, #tpu.memory_space<hbm>> -> memref<160x40xf32, #tpu.memory_space<hbm>>
        %dma_wait3A_147 = arith.constant 0 : i32
        %dma_wait3A_148 = tpu.memref_slice %arg5[%add3A_118, %dma_wait3A_147] : memref<10240x40xf32, #tpu.memory_space<hbm>> -> memref<160x40xf32, #tpu.memory_space<hbm>>
        tpu.wait_dma2 semaphore(%run_scoped3A : memref<!tpu.dma_semaphore, #tpu.memory_space<semaphore_mem>>) src(%arg21 : memref<160x40xf32, #tpu.memory_space<vmem>>) dst(%dma_wait3A_148 : memref<160x40xf32, #tpu.memory_space<hbm>>)
        tpu.yield
      }) : () -> ()
      %add3A_124 = arith.constant 160 : i32
      %add3A_125 = arith.addi %add3A_7, %add3A_124 : i32
      "tpu.region"() ({
        %run_scoped3A = tpu.sem_alloc : memref<!tpu.dma_semaphore, #tpu.memory_space<semaphore_mem>>
        %dma_start3A = arith.constant 0 : i32
        %dma_start3A_142 = tpu.memref_slice %arg2[%add3A_125, %dma_start3A] : memref<10240x40xf32, #tpu.memory_space<hbm>> -> memref<160x40xf32, #tpu.memory_space<hbm>>
        %dma_start3A_143 = arith.constant 0 : i32
        %dma_start3A_144 = tpu.memref_slice %arg2[%add3A_125, %dma_start3A_143] : memref<10240x40xf32, #tpu.memory_space<hbm>> -> memref<160x40xf32, #tpu.memory_space<hbm>>
        tpu.enqueue_dma source(%dma_start3A_144 : memref<160x40xf32, #tpu.memory_space<hbm>>) target(%arg21 : memref<160x40xf32, #tpu.memory_space<vmem>>) target_semaphore(%run_scoped3A : memref<!tpu.dma_semaphore, #tpu.memory_space<semaphore_mem>>)
        %dma_wait3A_145 = arith.constant 0 : i32
        %dma_wait3A_146 = tpu.memref_slice %arg2[%add3A_125, %dma_wait3A_145] : memref<10240x40xf32, #tpu.memory_space<hbm>> -> memref<160x40xf32, #tpu.memory_space<hbm>>
        %dma_wait3A_147 = arith.constant 0 : i32
        %dma_wait3A_148 = tpu.memref_slice %arg2[%add3A_125, %dma_wait3A_147] : memref<10240x40xf32, #tpu.memory_space<hbm>> -> memref<160x40xf32, #tpu.memory_space<hbm>>
        tpu.wait_dma2 semaphore(%run_scoped3A : memref<!tpu.dma_semaphore, #tpu.memory_space<semaphore_mem>>) src(%dma_wait3A_148 : memref<160x40xf32, #tpu.memory_space<hbm>>) dst(%arg21 : memref<160x40xf32, #tpu.memory_space<vmem>>)
        tpu.yield
      }) : () -> ()
      %scan3A_126 = arith.constant 0 : i32
      %scan3A_127 = arith.constant 160 : i32
      %scan3A_128 = arith.addi %scan3A_126, %scan3A_127 : i32
      %scan3A_129 = arith.constant 1 : i32
      scf.for %scan3A_142 = %scan3A_126 to %scan3A_128 step %scan3A_129  : i32 {
        %add3A_143 = arith.constant 160 : i32
        %add3A_144 = arith.addi %add3A_143, %scan3A_142 : i32
        %broadcast_in_dim3A_145 = vector.broadcast %add3A_144 : i32 to vector<16xi32>
        %gather3A = tpu.vector_load_idx %arg13[%broadcast_in_dim3A_145] : memref<320xf32, #tpu.memory_space<vmem>>[vector<16xi32>], vector<16xf32>,
        %get3A = arith.index_cast %scan3A_142 : i32 to index
        %get3A_146 = arith.constant 0 : index
        %get3A_147 = tpu.vector_load %arg21[%get3A, %get3A_146] {strides = array<i32>} : memref<160x40xf32, #tpu.memory_space<vmem>>, vector<16xf32>,
        %mul3A_148 = arith.mulf %gather3A, %get3A_147 : vector<16xf32>
        %get3A_149 = arith.index_cast %scan3A_142 : i32 to index
        %get3A_150 = arith.constant 16 : index
        %get3A_151 = tpu.vector_load %arg21[%get3A_149, %get3A_150] {strides = array<i32>} : memref<160x40xf32, #tpu.memory_space<vmem>>, vector<16xf32>,
        %mul3A_152 = arith.mulf %gather3A, %get3A_151 : vector<16xf32>
        %get3A_153 = arith.index_cast %scan3A_142 : i32 to index
        %get3A_154 = arith.constant 24 : index
        %get3A_155 = tpu.vector_load %arg21[%get3A_153, %get3A_154] {strides = array<i32>} : memref<160x40xf32, #tpu.memory_space<vmem>>, vector<16xf32>,
        %mul3A_156 = arith.mulf %gather3A, %get3A_155 : vector<16xf32>
        %swap3A_157 = arith.index_cast %scan3A_142 : i32 to index
        %swap3A_158 = arith.constant 0 : index
        %swap3A_159 = tpu.vector_load %arg21[%swap3A_157, %swap3A_158] {strides = array<i32>} : memref<160x40xf32, #tpu.memory_space<vmem>>, vector<16xf32>,
        tpu.vector_store %arg21[%swap3A_157, %swap3A_158], %mul3A_148 {strides = array<i32>} : memref<160x40xf32, #tpu.memory_space<vmem>>, vector<16xf32>,
        %mul3A_160 = arith.constant 1.000000e-01 : f32
        %mul3A_161 = vector.broadcast %mul3A_160 : f32 to vector<16xf32>
        %mul3A_162 = arith.mulf %mul3A_161, %mul3A_148 : vector<16xf32>
        %add3A_163 = arith.constant 160 : i32
        %add3A_164 = arith.addi %add3A_163, %scan3A_142 : i32
        %swap3A_165 = arith.index_cast %add3A_164 : i32 to index
        %swap3A_166 = arith.constant 0 : index
        %swap3A_167 = tpu.vector_load %arg23[%swap3A_165, %swap3A_166] {strides = array<i32>} : memref<320x40xf32, #tpu.memory_space<vmem>>, vector<16xf32>,
        tpu.vector_store %arg23[%swap3A_165, %swap3A_166], %mul3A_162 {strides = array<i32>} : memref<320x40xf32, #tpu.memory_space<vmem>>, vector<16xf32>,
        %swap3A_168 = arith.index_cast %scan3A_142 : i32 to index
        %swap3A_169 = arith.constant 16 : index
        %swap3A_170 = tpu.vector_load %arg21[%swap3A_168, %swap3A_169] {strides = array<i32>} : memref<160x40xf32, #tpu.memory_space<vmem>>, vector<16xf32>,
        tpu.vector_store %arg21[%swap3A_168, %swap3A_169], %mul3A_152 {strides = array<i32>} : memref<160x40xf32, #tpu.memory_space<vmem>>, vector<16xf32>,
        %mul3A_171 = arith.constant 1.000000e-01 : f32
        %mul3A_172 = vector.broadcast %mul3A_171 : f32 to vector<16xf32>
        %mul3A_173 = arith.mulf %mul3A_172, %mul3A_152 : vector<16xf32>
        %add3A_174 = arith.constant 160 : i32
        %add3A_175 = arith.addi %add3A_174, %scan3A_142 : i32
        %swap3A_176 = arith.index_cast %add3A_175 : i32 to index
        %swap3A_177 = arith.constant 16 : index
        %swap3A_178 = tpu.vector_load %arg23[%swap3A_176, %swap3A_177] {strides = array<i32>} : memref<320x40xf32, #tpu.memory_space<vmem>>, vector<16xf32>,
        tpu.vector_store %arg23[%swap3A_176, %swap3A_177], %mul3A_173 {strides = array<i32>} : memref<320x40xf32, #tpu.memory_space<vmem>>, vector<16xf32>,
        %swap3A_179 = arith.index_cast %scan3A_142 : i32 to index
        %swap3A_180 = arith.constant 24 : index
        %swap3A_181 = tpu.vector_load %arg21[%swap3A_179, %swap3A_180] {strides = array<i32>} : memref<160x40xf32, #tpu.memory_space<vmem>>, vector<16xf32>,
        tpu.vector_store %arg21[%swap3A_179, %swap3A_180], %mul3A_156 {strides = array<i32>} : memref<160x40xf32, #tpu.memory_space<vmem>>, vector<16xf32>,
        %mul3A_182 = arith.constant 1.000000e-01 : f32
        %mul3A_183 = vector.broadcast %mul3A_182 : f32 to vector<16xf32>
        %mul3A_184 = arith.mulf %mul3A_183, %mul3A_156 : vector<16xf32>
        %add3A_185 = arith.constant 160 : i32
        %add3A_186 = arith.addi %add3A_185, %scan3A_142 : i32
        %swap3A_187 = arith.index_cast %add3A_186 : i32 to index
        %swap3A_188 = arith.constant 24 : index
        %swap3A_189 = tpu.vector_load %arg23[%swap3A_187, %swap3A_188] {strides = array<i32>} : memref<320x40xf32, #tpu.memory_space<vmem>>, vector<16xf32>,
        tpu.vector_store %arg23[%swap3A_187, %swap3A_188], %mul3A_184 {strides = array<i32>} : memref<320x40xf32, #tpu.memory_space<vmem>>, vector<16xf32>,
      }
      %scan3A_130 = arith.constant 160 : i32
      "tpu.region"() ({
        %run_scoped3A = tpu.sem_alloc : memref<!tpu.dma_semaphore, #tpu.memory_space<semaphore_mem>>
        %dma_start3A = arith.constant 0 : i32
        %dma_start3A_142 = tpu.memref_slice %arg34[%add3A_125, %dma_start3A] : memref<10240x40xf32, #tpu.memory_space<vmem_shared>> -> memref<160x40xf32, #tpu.memory_space<vmem_shared>>
        %dma_start3A_143 = arith.constant 0 : i32
        %dma_start3A_144 = tpu.memref_slice %arg34[%add3A_125, %dma_start3A_143] : memref<10240x40xf32, #tpu.memory_space<vmem_shared>> -> memref<160x40xf32, #tpu.memory_space<vmem_shared>>
        tpu.enqueue_dma source(%arg21 : memref<160x40xf32, #tpu.memory_space<vmem>>) target(%dma_start3A_144 : memref<160x40xf32, #tpu.memory_space<vmem_shared>>) target_semaphore(%run_scoped3A : memref<!tpu.dma_semaphore, #tpu.memory_space<semaphore_mem>>)
        %dma_wait3A_145 = arith.constant 0 : i32
        %dma_wait3A_146 = tpu.memref_slice %arg34[%add3A_125, %dma_wait3A_145] : memref<10240x40xf32, #tpu.memory_space<vmem_shared>> -> memref<160x40xf32, #tpu.memory_space<vmem_shared>>
        %dma_wait3A_147 = arith.constant 0 : i32
        %dma_wait3A_148 = tpu.memref_slice %arg34[%add3A_125, %dma_wait3A_147] : memref<10240x40xf32, #tpu.memory_space<vmem_shared>> -> memref<160x40xf32, #tpu.memory_space<vmem_shared>>
        tpu.wait_dma2 semaphore(%run_scoped3A : memref<!tpu.dma_semaphore, #tpu.memory_space<semaphore_mem>>) src(%arg21 : memref<160x40xf32, #tpu.memory_space<vmem>>) dst(%dma_wait3A_148 : memref<160x40xf32, #tpu.memory_space<vmem_shared>>)
        tpu.yield
      }) : () -> ()
      "tpu.region"() ({
        %run_scoped3A = tpu.sem_alloc : memref<!tpu.dma_semaphore, #tpu.memory_space<semaphore_mem>>
        %dma_start3A = arith.constant 0 : i32
        %dma_start3A_142 = tpu.memref_slice %arg35[%add3A_125, %dma_start3A] : memref<10240x40xf32, #tpu.memory_space<vmem_shared>> -> memref<160x40xf32, #tpu.memory_space<vmem_shared>>
        %dma_start3A_143 = arith.constant 0 : i32
        %dma_start3A_144 = tpu.memref_slice %arg35[%add3A_125, %dma_start3A_143] : memref<10240x40xf32, #tpu.memory_space<vmem_shared>> -> memref<160x40xf32, #tpu.memory_space<vmem_shared>>
        tpu.enqueue_dma source(%arg21 : memref<160x40xf32, #tpu.memory_space<vmem>>) target(%dma_start3A_144 : memref<160x40xf32, #tpu.memory_space<vmem_shared>>) target_semaphore(%run_scoped3A : memref<!tpu.dma_semaphore, #tpu.memory_space<semaphore_mem>>)
        %dma_wait3A_145 = arith.constant 0 : i32
        %dma_wait3A_146 = tpu.memref_slice %arg35[%add3A_125, %dma_wait3A_145] : memref<10240x40xf32, #tpu.memory_space<vmem_shared>> -> memref<160x40xf32, #tpu.memory_space<vmem_shared>>
        %dma_wait3A_147 = arith.constant 0 : i32
        %dma_wait3A_148 = tpu.memref_slice %arg35[%add3A_125, %dma_wait3A_147] : memref<10240x40xf32, #tpu.memory_space<vmem_shared>> -> memref<160x40xf32, #tpu.memory_space<vmem_shared>>
        tpu.wait_dma2 semaphore(%run_scoped3A : memref<!tpu.dma_semaphore, #tpu.memory_space<semaphore_mem>>) src(%arg21 : memref<160x40xf32, #tpu.memory_space<vmem>>) dst(%dma_wait3A_148 : memref<160x40xf32, #tpu.memory_space<vmem_shared>>)
        tpu.yield
      }) : () -> ()
      "tpu.region"() ({
        %run_scoped3A = tpu.sem_alloc : memref<!tpu.dma_semaphore, #tpu.memory_space<semaphore_mem>>
        %dma_start3A = arith.constant 0 : i32
        %dma_start3A_142 = tpu.memref_slice %arg5[%add3A_125, %dma_start3A] : memref<10240x40xf32, #tpu.memory_space<hbm>> -> memref<160x40xf32, #tpu.memory_space<hbm>>
        %dma_start3A_143 = arith.constant 0 : i32
        %dma_start3A_144 = tpu.memref_slice %arg5[%add3A_125, %dma_start3A_143] : memref<10240x40xf32, #tpu.memory_space<hbm>> -> memref<160x40xf32, #tpu.memory_space<hbm>>
        tpu.enqueue_dma source(%arg21 : memref<160x40xf32, #tpu.memory_space<vmem>>) target(%dma_start3A_144 : memref<160x40xf32, #tpu.memory_space<hbm>>) target_semaphore(%run_scoped3A : memref<!tpu.dma_semaphore, #tpu.memory_space<semaphore_mem>>)
        %dma_wait3A_145 = arith.constant 0 : i32
        %dma_wait3A_146 = tpu.memref_slice %arg5[%add3A_125, %dma_wait3A_145] : memref<10240x40xf32, #tpu.memory_space<hbm>> -> memref<160x40xf32, #tpu.memory_space<hbm>>
        %dma_wait3A_147 = arith.constant 0 : i32
        %dma_wait3A_148 = tpu.memref_slice %arg5[%add3A_125, %dma_wait3A_147] : memref<10240x40xf32, #tpu.memory_space<hbm>> -> memref<160x40xf32, #tpu.memory_space<hbm>>
        tpu.wait_dma2 semaphore(%run_scoped3A : memref<!tpu.dma_semaphore, #tpu.memory_space<semaphore_mem>>) src(%arg21 : memref<160x40xf32, #tpu.memory_space<vmem>>) dst(%dma_wait3A_148 : memref<160x40xf32, #tpu.memory_space<hbm>>)
        tpu.yield
      }) : () -> ()
      %add3A_131 = arith.constant 0 : i32
      %add3A_132 = arith.addi %add3A_13, %add3A_131 : i32
      "tpu.region"() ({
        %run_scoped3A = tpu.sem_alloc : memref<!tpu.dma_semaphore, #tpu.memory_space<semaphore_mem>>
        %dma_start3A = arith.constant 0 : i32
        %dma_start3A_142 = tpu.memref_slice %arg35[%add3A_132, %dma_start3A] : memref<10240x40xf32, #tpu.memory_space<vmem_shared>> -> memref<160x40xf32, #tpu.memory_space<vmem_shared>>
        %dma_start3A_143 = arith.constant 0 : i32
        %dma_start3A_144 = tpu.memref_slice %arg35[%add3A_132, %dma_start3A_143] : memref<10240x40xf32, #tpu.memory_space<vmem_shared>> -> memref<160x40xf32, #tpu.memory_space<vmem_shared>>
        tpu.enqueue_dma source(%arg24 : memref<160x40xf32, #tpu.memory_space<vmem>>) target(%dma_start3A_144 : memref<160x40xf32, #tpu.memory_space<vmem_shared>>) target_semaphore(%run_scoped3A : memref<!tpu.dma_semaphore, #tpu.memory_space<semaphore_mem>>)
        %dma_wait3A_145 = arith.constant 0 : i32
        %dma_wait3A_146 = tpu.memref_slice %arg35[%add3A_132, %dma_wait3A_145] : memref<10240x40xf32, #tpu.memory_space<vmem_shared>> -> memref<160x40xf32, #tpu.memory_space<vmem_shared>>
        %dma_wait3A_147 = arith.constant 0 : i32
        %dma_wait3A_148 = tpu.memref_slice %arg35[%add3A_132, %dma_wait3A_147] : memref<10240x40xf32, #tpu.memory_space<vmem_shared>> -> memref<160x40xf32, #tpu.memory_space<vmem_shared>>
        tpu.wait_dma2 semaphore(%run_scoped3A : memref<!tpu.dma_semaphore, #tpu.memory_space<semaphore_mem>>) src(%arg24 : memref<160x40xf32, #tpu.memory_space<vmem>>) dst(%dma_wait3A_148 : memref<160x40xf32, #tpu.memory_space<vmem_shared>>)
        tpu.yield
      }) : () -> ()
      %add3A_133 = arith.constant 160 : i32
      %add3A_134 = arith.addi %add3A_13, %add3A_133 : i32
      "tpu.region"() ({
        %run_scoped3A = tpu.sem_alloc : memref<!tpu.dma_semaphore, #tpu.memory_space<semaphore_mem>>
        %dma_start3A = arith.constant 0 : i32
        %dma_start3A_142 = tpu.memref_slice %arg35[%add3A_134, %dma_start3A] : memref<10240x40xf32, #tpu.memory_space<vmem_shared>> -> memref<160x40xf32, #tpu.memory_space<vmem_shared>>
        %dma_start3A_143 = arith.constant 0 : i32
        %dma_start3A_144 = tpu.memref_slice %arg35[%add3A_134, %dma_start3A_143] : memref<10240x40xf32, #tpu.memory_space<vmem_shared>> -> memref<160x40xf32, #tpu.memory_space<vmem_shared>>
        tpu.enqueue_dma source(%arg24 : memref<160x40xf32, #tpu.memory_space<vmem>>) target(%dma_start3A_144 : memref<160x40xf32, #tpu.memory_space<vmem_shared>>) target_semaphore(%run_scoped3A : memref<!tpu.dma_semaphore, #tpu.memory_space<semaphore_mem>>)
        %dma_wait3A_145 = arith.constant 0 : i32
        %dma_wait3A_146 = tpu.memref_slice %arg35[%add3A_134, %dma_wait3A_145] : memref<10240x40xf32, #tpu.memory_space<vmem_shared>> -> memref<160x40xf32, #tpu.memory_space<vmem_shared>>
        %dma_wait3A_147 = arith.constant 0 : i32
        %dma_wait3A_148 = tpu.memref_slice %arg35[%add3A_134, %dma_wait3A_147] : memref<10240x40xf32, #tpu.memory_space<vmem_shared>> -> memref<160x40xf32, #tpu.memory_space<vmem_shared>>
        tpu.wait_dma2 semaphore(%run_scoped3A : memref<!tpu.dma_semaphore, #tpu.memory_space<semaphore_mem>>) src(%arg24 : memref<160x40xf32, #tpu.memory_space<vmem>>) dst(%dma_wait3A_148 : memref<160x40xf32, #tpu.memory_space<vmem_shared>>)
        tpu.yield
      }) : () -> ()
      %barrier3A_135 = arith.constant 0 : index
      tpu.barrier barrier_id(%barrier3A_135)
      %eq3A_136 = arith.constant 0 : i32
      %eq3A_137 = arith.cmpi eq, %arg1, %eq3A_136 : i32
      %convert_element_type3A_138 = arith.extui %eq3A_137 : i1 to i32
      %cond3A_139 = arith.constant 0 : i32
      %cond3A_140 = arith.cmpi ne, %convert_element_type3A_138, %cond3A_139 : i32
      scf.if %cond3A_140 {
        %sub3A_142 = arith.constant 1 : i32
        %sub3A_143 = arith.subi %sub3A_142, %arg0 : i32
        %semaphore_signal3A = arith.constant 1 : i32
        tpu.sem_signal %arg33, %semaphore_signal3A core_id %sub3A_143 : memref<!tpu.semaphore, #tpu.memory_space<semaphore_mem>>
        %semaphore_wait3A = arith.constant 1 : i32
        %semaphore_wait3A_144 = arith.constant true
        tpu.sem_wait %arg33, %semaphore_wait3A : memref<!tpu.semaphore, #tpu.memory_space<semaphore_mem>>
      } else {
      }
      %barrier3A_141 = arith.constant 0 : index
      tpu.barrier barrier_id(%barrier3A_141)
      "tpu.region"() ({
        %run_scoped3A = tpu.sem_alloc : memref<!tpu.dma_semaphore, #tpu.memory_space<semaphore_mem>>
        %dma_start3A = arith.constant 0 : i32
        %dma_start3A_142 = tpu.memref_slice %arg34[%add3A_13, %dma_start3A] : memref<10240x40xf32, #tpu.memory_space<vmem_shared>> -> memref<320x40xf32, #tpu.memory_space<vmem_shared>>
        %dma_start3A_143 = arith.constant 0 : i32
        %dma_start3A_144 = tpu.memref_slice %arg5[%add3A_13, %dma_start3A_143] : memref<10240x40xf32, #tpu.memory_space<hbm>> -> memref<320x40xf32, #tpu.memory_space<hbm>>
        tpu.enqueue_dma source(%dma_start3A_144 : memref<320x40xf32, #tpu.memory_space<hbm>>) target(%dma_start3A_142 : memref<320x40xf32, #tpu.memory_space<vmem_shared>>) target_semaphore(%run_scoped3A : memref<!tpu.dma_semaphore, #tpu.memory_space<semaphore_mem>>)
        %dma_wait3A_145 = arith.constant 0 : i32
        %dma_wait3A_146 = tpu.memref_slice %arg34[%add3A_13, %dma_wait3A_145] : memref<10240x40xf32, #tpu.memory_space<vmem_shared>> -> memref<320x40xf32, #tpu.memory_space<vmem_shared>>
        %dma_wait3A_147 = arith.constant 0 : i32
        %dma_wait3A_148 = tpu.memref_slice %arg5[%add3A_13, %dma_wait3A_147] : memref<10240x40xf32, #tpu.memory_space<hbm>> -> memref<320x40xf32, #tpu.memory_space<hbm>>
        tpu.wait_dma2 semaphore(%run_scoped3A : memref<!tpu.dma_semaphore, #tpu.memory_space<semaphore_mem>>) src(%dma_wait3A_148 : memref<320x40xf32, #tpu.memory_space<hbm>>) dst(%dma_wait3A_146 : memref<320x40xf32, #tpu.memory_space<vmem_shared>>)
        tpu.yield
      }) : () -> ()
    } else {
    }
    %eq3A_94 = arith.constant 1 : i32
    %eq3A_95 = arith.cmpi eq, %arg0, %eq3A_94 : i32
    %convert_element_type3A_96 = arith.extui %eq3A_95 : i1 to i32
    %cond3A_97 = arith.constant 0 : i32
    %cond3A_98 = arith.cmpi ne, %convert_element_type3A_96, %cond3A_97 : i32
    scf.if %cond3A_98 {
      "tpu.region"() ({
        %run_scoped3A = tpu.sem_alloc : memref<!tpu.dma_semaphore, #tpu.memory_space<semaphore_mem>>
        %dma_start3A = tpu.memref_slice %arg10[%add3A_13] : memref<10240xf32, #tpu.memory_space<hbm>> -> memref<320xf32, #tpu.memory_space<hbm>>
        %dma_start3A_142 = tpu.memref_slice %arg36[%add3A_13] : memref<10240xf32, #tpu.memory_space<vmem_shared>> -> memref<320xf32, #tpu.memory_space<vmem_shared>>
        tpu.enqueue_dma source(%dma_start3A_142 : memref<320xf32, #tpu.memory_space<vmem_shared>>) target(%dma_start3A : memref<320xf32, #tpu.memory_space<hbm>>) target_semaphore(%run_scoped3A : memref<!tpu.dma_semaphore, #tpu.memory_space<semaphore_mem>>)
        %dma_wait3A_143 = tpu.memref_slice %arg10[%add3A_13] : memref<10240xf32, #tpu.memory_space<hbm>> -> memref<320xf32, #tpu.memory_space<hbm>>
        %dma_wait3A_144 = tpu.memref_slice %arg36[%add3A_13] : memref<10240xf32, #tpu.memory_space<vmem_shared>> -> memref<320xf32, #tpu.memory_space<vmem_shared>>
        tpu.wait_dma2 semaphore(%run_scoped3A : memref<!tpu.dma_semaphore, #tpu.memory_space<semaphore_mem>>) src(%dma_wait3A_144 : memref<320xf32, #tpu.memory_space<vmem_shared>>) dst(%dma_wait3A_143 : memref<320xf32, #tpu.memory_space<hbm>>)
        tpu.yield
      }) : () -> ()
      %barrier3A_105 = arith.constant 0 : index
      tpu.barrier barrier_id(%barrier3A_105)
      %eq3A_106 = arith.constant 0 : i32
      %eq3A_107 = arith.cmpi eq, %arg1, %eq3A_106 : i32
      %convert_element_type3A_108 = arith.extui %eq3A_107 : i1 to i32
      %cond3A_109 = arith.constant 0 : i32
      %cond3A_110 = arith.cmpi ne, %convert_element_type3A_108, %cond3A_109 : i32
      scf.if %cond3A_110 {
        %sub3A_142 = arith.constant 1 : i32
        %sub3A_143 = arith.subi %sub3A_142, %arg0 : i32
        %semaphore_signal3A = arith.constant 1 : i32
        tpu.sem_signal %arg33, %semaphore_signal3A core_id %sub3A_143 : memref<!tpu.semaphore, #tpu.memory_space<semaphore_mem>>
        %semaphore_wait3A = arith.constant 1 : i32
        %semaphore_wait3A_144 = arith.constant true
        tpu.sem_wait %arg33, %semaphore_wait3A : memref<!tpu.semaphore, #tpu.memory_space<semaphore_mem>>
      } else {
      }
      %barrier3A_111 = arith.constant 0 : index
      tpu.barrier barrier_id(%barrier3A_111)
      "tpu.region"() ({
        %run_scoped3A = tpu.sem_alloc : memref<!tpu.dma_semaphore, #tpu.memory_space<semaphore_mem>>
        %dma_start3A = tpu.memref_slice %arg36[%add3A_7] : memref<10240xf32, #tpu.memory_space<vmem_shared>> -> memref<320xf32, #tpu.memory_space<vmem_shared>>
        %dma_start3A_142 = tpu.memref_slice %arg36[%add3A_7] : memref<10240xf32, #tpu.memory_space<vmem_shared>> -> memref<320xf32, #tpu.memory_space<vmem_shared>>
        tpu.enqueue_dma source(%dma_start3A_142 : memref<320xf32, #tpu.memory_space<vmem_shared>>) target(%arg12 : memref<320xf32, #tpu.memory_space<vmem>>) target_semaphore(%run_scoped3A : memref<!tpu.dma_semaphore, #tpu.memory_space<semaphore_mem>>)
        %dma_wait3A_143 = tpu.memref_slice %arg36[%add3A_7] : memref<10240xf32, #tpu.memory_space<vmem_shared>> -> memref<320xf32, #tpu.memory_space<vmem_shared>>
        %dma_wait3A_144 = tpu.memref_slice %arg36[%add3A_7] : memref<10240xf32, #tpu.memory_space<vmem_shared>> -> memref<320xf32, #tpu.memory_space<vmem_shared>>
        tpu.wait_dma2 semaphore(%run_scoped3A : memref<!tpu.dma_semaphore, #tpu.memory_space<semaphore_mem>>) src(%dma_wait3A_144 : memref<320xf32, #tpu.memory_space<vmem_shared>>) dst(%arg12 : memref<320xf32, #tpu.memory_space<vmem>>)
        tpu.yield
      }) : () -> ()
      "tpu.region"() ({
        %run_scoped3A = tpu.sem_alloc : memref<!tpu.dma_semaphore, #tpu.memory_space<semaphore_mem>>
        %dma_start3A = tpu.memref_slice %arg9[%add3A_7] : memref<10240xf32, #tpu.memory_space<hbm>> -> memref<320xf32, #tpu.memory_space<hbm>>
        %dma_start3A_142 = tpu.memref_slice %arg9[%add3A_7] : memref<10240xf32, #tpu.memory_space<hbm>> -> memref<320xf32, #tpu.memory_space<hbm>>
        tpu.enqueue_dma source(%dma_start3A_142 : memref<320xf32, #tpu.memory_space<hbm>>) target(%arg13 : memref<320xf32, #tpu.memory_space<vmem>>) target_semaphore(%run_scoped3A : memref<!tpu.dma_semaphore, #tpu.memory_space<semaphore_mem>>)
        %dma_wait3A_143 = tpu.memref_slice %arg9[%add3A_7] : memref<10240xf32, #tpu.memory_space<hbm>> -> memref<320xf32, #tpu.memory_space<hbm>>
        %dma_wait3A_144 = tpu.memref_slice %arg9[%add3A_7] : memref<10240xf32, #tpu.memory_space<hbm>> -> memref<320xf32, #tpu.memory_space<hbm>>
        tpu.wait_dma2 semaphore(%run_scoped3A : memref<!tpu.dma_semaphore, #tpu.memory_space<semaphore_mem>>) src(%dma_wait3A_144 : memref<320xf32, #tpu.memory_space<hbm>>) dst(%arg13 : memref<320xf32, #tpu.memory_space<vmem>>)
        tpu.yield
      }) : () -> ()
      %scan3A_112 = arith.constant 0 : i32
      %scan3A_113 = arith.constant 20 : i32
      %scan3A_114 = arith.addi %scan3A_112, %scan3A_113 : i32
      %scan3A_115 = arith.constant 1 : i32
      scf.for %scan3A_142 = %scan3A_112 to %scan3A_114 step %scan3A_115  : i32 {
        %mul3A_143 = arith.constant 16 : i32
        %mul3A_144 = arith.muli %scan3A_142, %mul3A_143 : i32
        %get3A = arith.index_cast %mul3A_144 : i32 to index
        %get3A_145 = tpu.vector_load %arg12[%get3A] {strides = array<i32>} : memref<320xf32, #tpu.memory_space<vmem>>, vector<16xf32>,
        %get3A_146 = arith.index_cast %mul3A_144 : i32 to index
        %get3A_147 = tpu.vector_load %arg13[%get3A_146] {strides = array<i32>} : memref<320xf32, #tpu.memory_space<vmem>>, vector<16xf32>,
        %add3A_148 = arith.addf %get3A_145, %get3A_147 : vector<16xf32>
        %add3A_149 = arith.constant 1.000000e+00 : f32
        %add3A_150 = vector.broadcast %add3A_149 : f32 to vector<16xf32>
        %add3A_151 = arith.addf %add3A_148, %add3A_150 : vector<16xf32>
        %div3A = arith.constant 0.899999976 : f32
        %div3A_152 = vector.broadcast %div3A : f32 to vector<16xf32>
        %div3A_153 = arith.divf %div3A_152, %add3A_151 : vector<16xf32>
        %swap3A_154 = arith.index_cast %mul3A_144 : i32 to index
        %swap3A_155 = tpu.vector_load %arg11[%swap3A_154] {strides = array<i32>} : memref<320xf32, #tpu.memory_space<vmem>>, vector<16xf32>,
        tpu.vector_store %arg11[%swap3A_154], %div3A_153 {strides = array<i32>} : memref<320xf32, #tpu.memory_space<vmem>>, vector<16xf32>,
        %swap3A_156 = arith.index_cast %mul3A_144 : i32 to index
        %swap3A_157 = tpu.vector_load %arg12[%swap3A_156] {strides = array<i32>} : memref<320xf32, #tpu.memory_space<vmem>>, vector<16xf32>,
        tpu.vector_store %arg12[%swap3A_156], %add3A_151 {strides = array<i32>} : memref<320xf32, #tpu.memory_space<vmem>>, vector<16xf32>,
        %bitcast3A = vector.bitcast %add3A_151 : vector<16xf32> to vector<16xi32>
        %shift_right_arithmetic3A = arith.constant 1 : i32
        %shift_right_arithmetic3A_158 = vector.broadcast %shift_right_arithmetic3A : i32 to vector<16xi32>
        %shift_right_arithmetic3A_159 = arith.shrsi %bitcast3A, %shift_right_arithmetic3A_158 : vector<16xi32>
        %sub3A_160 = arith.constant 1597463007 : i32
        %sub3A_161 = vector.broadcast %sub3A_160 : i32 to vector<16xi32>
        %sub3A_162 = arith.subi %sub3A_161, %shift_right_arithmetic3A_159 : vector<16xi32>
        %bitcast3A_163 = vector.bitcast %sub3A_162 : vector<16xi32> to vector<16xf32>
        %mul3A_164 = arith.constant 5.000000e-01 : f32
        %mul3A_165 = vector.broadcast %mul3A_164 : f32 to vector<16xf32>
        %mul3A_166 = arith.mulf %mul3A_165, %add3A_151 : vector<16xf32>
        %mul3A_167 = arith.mulf %mul3A_166, %bitcast3A_163 : vector<16xf32>
        %mul3A_168 = arith.mulf %mul3A_167, %bitcast3A_163 : vector<16xf32>
        %sub3A_169 = arith.constant 1.500000e+00 : f32
        %sub3A_170 = vector.broadcast %sub3A_169 : f32 to vector<16xf32>
        %sub3A_171 = arith.subf %sub3A_170, %mul3A_168 : vector<16xf32>
        %mul3A_172 = arith.mulf %bitcast3A_163, %sub3A_171 : vector<16xf32>
        %mul3A_173 = arith.constant 5.000000e-01 : f32
        %mul3A_174 = vector.broadcast %mul3A_173 : f32 to vector<16xf32>
        %mul3A_175 = arith.mulf %mul3A_174, %add3A_151 : vector<16xf32>
        %mul3A_176 = arith.mulf %mul3A_175, %mul3A_172 : vector<16xf32>
        %mul3A_177 = arith.mulf %mul3A_176, %mul3A_172 : vector<16xf32>
        %sub3A_178 = arith.constant 1.500000e+00 : f32
        %sub3A_179 = vector.broadcast %sub3A_178 : f32 to vector<16xf32>
        %sub3A_180 = arith.subf %sub3A_179, %mul3A_177 : vector<16xf32>
        %mul3A_181 = arith.mulf %mul3A_172, %sub3A_180 : vector<16xf32>
        %mul3A_182 = arith.constant 5.000000e-01 : f32
        %mul3A_183 = vector.broadcast %mul3A_182 : f32 to vector<16xf32>
        %mul3A_184 = arith.mulf %mul3A_183, %add3A_151 : vector<16xf32>
        %mul3A_185 = arith.mulf %mul3A_184, %mul3A_181 : vector<16xf32>
        %mul3A_186 = arith.mulf %mul3A_185, %mul3A_181 : vector<16xf32>
        %sub3A_187 = arith.constant 1.500000e+00 : f32
        %sub3A_188 = vector.broadcast %sub3A_187 : f32 to vector<16xf32>
        %sub3A_189 = arith.subf %sub3A_188, %mul3A_186 : vector<16xf32>
        %mul3A_190 = arith.mulf %mul3A_181, %sub3A_189 : vector<16xf32>
        %swap3A_191 = arith.index_cast %mul3A_144 : i32 to index
        %swap3A_192 = tpu.vector_load %arg13[%swap3A_191] {strides = array<i32>} : memref<320xf32, #tpu.memory_space<vmem>>, vector<16xf32>,
        tpu.vector_store %arg13[%swap3A_191], %mul3A_190 {strides = array<i32>} : memref<320xf32, #tpu.memory_space<vmem>>, vector<16xf32>,
      }
      %scan3A_116 = arith.constant 20 : i32
      "tpu.region"() ({
        %run_scoped3A = tpu.sem_alloc : memref<!tpu.dma_semaphore, #tpu.memory_space<semaphore_mem>>
        %dma_start3A = tpu.memref_slice %arg6[%add3A_7] : memref<10240xf32, #tpu.memory_space<hbm>> -> memref<320xf32, #tpu.memory_space<hbm>>
        %dma_start3A_142 = tpu.memref_slice %arg6[%add3A_7] : memref<10240xf32, #tpu.memory_space<hbm>> -> memref<320xf32, #tpu.memory_space<hbm>>
        tpu.enqueue_dma source(%arg12 : memref<320xf32, #tpu.memory_space<vmem>>) target(%dma_start3A_142 : memref<320xf32, #tpu.memory_space<hbm>>) target_semaphore(%run_scoped3A : memref<!tpu.dma_semaphore, #tpu.memory_space<semaphore_mem>>)
        %dma_wait3A_143 = tpu.memref_slice %arg6[%add3A_7] : memref<10240xf32, #tpu.memory_space<hbm>> -> memref<320xf32, #tpu.memory_space<hbm>>
        %dma_wait3A_144 = tpu.memref_slice %arg6[%add3A_7] : memref<10240xf32, #tpu.memory_space<hbm>> -> memref<320xf32, #tpu.memory_space<hbm>>
        tpu.wait_dma2 semaphore(%run_scoped3A : memref<!tpu.dma_semaphore, #tpu.memory_space<semaphore_mem>>) src(%arg12 : memref<320xf32, #tpu.memory_space<vmem>>) dst(%dma_wait3A_144 : memref<320xf32, #tpu.memory_space<hbm>>)
        tpu.yield
      }) : () -> ()
      %add3A_117 = arith.constant 0 : i32
      %add3A_118 = arith.addi %add3A_7, %add3A_117 : i32
      "tpu.region"() ({
        %run_scoped3A = tpu.sem_alloc : memref<!tpu.dma_semaphore, #tpu.memory_space<semaphore_mem>>
        %dma_start3A = arith.constant 0 : i32
        %dma_start3A_142 = tpu.memref_slice %arg2[%add3A_118, %dma_start3A] : memref<10240x40xf32, #tpu.memory_space<hbm>> -> memref<160x40xf32, #tpu.memory_space<hbm>>
        %dma_start3A_143 = arith.constant 0 : i32
        %dma_start3A_144 = tpu.memref_slice %arg2[%add3A_118, %dma_start3A_143] : memref<10240x40xf32, #tpu.memory_space<hbm>> -> memref<160x40xf32, #tpu.memory_space<hbm>>
        tpu.enqueue_dma source(%dma_start3A_144 : memref<160x40xf32, #tpu.memory_space<hbm>>) target(%arg21 : memref<160x40xf32, #tpu.memory_space<vmem>>) target_semaphore(%run_scoped3A : memref<!tpu.dma_semaphore, #tpu.memory_space<semaphore_mem>>)
        %dma_wait3A_145 = arith.constant 0 : i32
        %dma_wait3A_146 = tpu.memref_slice %arg2[%add3A_118, %dma_wait3A_145] : memref<10240x40xf32, #tpu.memory_space<hbm>> -> memref<160x40xf32, #tpu.memory_space<hbm>>
        %dma_wait3A_147 = arith.constant 0 : i32
        %dma_wait3A_148 = tpu.memref_slice %arg2[%add3A_118, %dma_wait3A_147] : memref<10240x40xf32, #tpu.memory_space<hbm>> -> memref<160x40xf32, #tpu.memory_space<hbm>>
        tpu.wait_dma2 semaphore(%run_scoped3A : memref<!tpu.dma_semaphore, #tpu.memory_space<semaphore_mem>>) src(%dma_wait3A_148 : memref<160x40xf32, #tpu.memory_space<hbm>>) dst(%arg21 : memref<160x40xf32, #tpu.memory_space<vmem>>)
        tpu.yield
      }) : () -> ()
      %scan3A_119 = arith.constant 0 : i32
      %scan3A_120 = arith.constant 160 : i32
      %scan3A_121 = arith.addi %scan3A_119, %scan3A_120 : i32
      %scan3A_122 = arith.constant 1 : i32
      scf.for %scan3A_142 = %scan3A_119 to %scan3A_121 step %scan3A_122  : i32 {
        %add3A_143 = arith.constant 0 : i32
        %add3A_144 = arith.addi %add3A_143, %scan3A_142 : i32
        %broadcast_in_dim3A_145 = vector.broadcast %add3A_144 : i32 to vector<16xi32>
        %gather3A = tpu.vector_load_idx %arg13[%broadcast_in_dim3A_145] : memref<320xf32, #tpu.memory_space<vmem>>[vector<16xi32>], vector<16xf32>,
        %get3A = arith.index_cast %scan3A_142 : i32 to index
        %get3A_146 = arith.constant 0 : index
        %get3A_147 = tpu.vector_load %arg21[%get3A, %get3A_146] {strides = array<i32>} : memref<160x40xf32, #tpu.memory_space<vmem>>, vector<16xf32>,
        %mul3A_148 = arith.mulf %gather3A, %get3A_147 : vector<16xf32>
        %get3A_149 = arith.index_cast %scan3A_142 : i32 to index
        %get3A_150 = arith.constant 16 : index
        %get3A_151 = tpu.vector_load %arg21[%get3A_149, %get3A_150] {strides = array<i32>} : memref<160x40xf32, #tpu.memory_space<vmem>>, vector<16xf32>,
        %mul3A_152 = arith.mulf %gather3A, %get3A_151 : vector<16xf32>
        %get3A_153 = arith.index_cast %scan3A_142 : i32 to index
        %get3A_154 = arith.constant 24 : index
        %get3A_155 = tpu.vector_load %arg21[%get3A_153, %get3A_154] {strides = array<i32>} : memref<160x40xf32, #tpu.memory_space<vmem>>, vector<16xf32>,
        %mul3A_156 = arith.mulf %gather3A, %get3A_155 : vector<16xf32>
        %swap3A_157 = arith.index_cast %scan3A_142 : i32 to index
        %swap3A_158 = arith.constant 0 : index
        %swap3A_159 = tpu.vector_load %arg21[%swap3A_157, %swap3A_158] {strides = array<i32>} : memref<160x40xf32, #tpu.memory_space<vmem>>, vector<16xf32>,
        tpu.vector_store %arg21[%swap3A_157, %swap3A_158], %mul3A_148 {strides = array<i32>} : memref<160x40xf32, #tpu.memory_space<vmem>>, vector<16xf32>,
        %mul3A_160 = arith.constant 1.000000e-01 : f32
        %mul3A_161 = vector.broadcast %mul3A_160 : f32 to vector<16xf32>
        %mul3A_162 = arith.mulf %mul3A_161, %mul3A_148 : vector<16xf32>
        %add3A_163 = arith.constant 0 : i32
        %add3A_164 = arith.addi %add3A_163, %scan3A_142 : i32
        %swap3A_165 = arith.index_cast %add3A_164 : i32 to index
        %swap3A_166 = arith.constant 0 : index
        %swap3A_167 = tpu.vector_load %arg23[%swap3A_165, %swap3A_166] {strides = array<i32>} : memref<320x40xf32, #tpu.memory_space<vmem>>, vector<16xf32>,
        tpu.vector_store %arg23[%swap3A_165, %swap3A_166], %mul3A_162 {strides = array<i32>} : memref<320x40xf32, #tpu.memory_space<vmem>>, vector<16xf32>,
        %swap3A_168 = arith.index_cast %scan3A_142 : i32 to index
        %swap3A_169 = arith.constant 16 : index
        %swap3A_170 = tpu.vector_load %arg21[%swap3A_168, %swap3A_169] {strides = array<i32>} : memref<160x40xf32, #tpu.memory_space<vmem>>, vector<16xf32>,
        tpu.vector_store %arg21[%swap3A_168, %swap3A_169], %mul3A_152 {strides = array<i32>} : memref<160x40xf32, #tpu.memory_space<vmem>>, vector<16xf32>,
        %mul3A_171 = arith.constant 1.000000e-01 : f32
        %mul3A_172 = vector.broadcast %mul3A_171 : f32 to vector<16xf32>
        %mul3A_173 = arith.mulf %mul3A_172, %mul3A_152 : vector<16xf32>
        %add3A_174 = arith.constant 0 : i32
        %add3A_175 = arith.addi %add3A_174, %scan3A_142 : i32
        %swap3A_176 = arith.index_cast %add3A_175 : i32 to index
        %swap3A_177 = arith.constant 16 : index
        %swap3A_178 = tpu.vector_load %arg23[%swap3A_176, %swap3A_177] {strides = array<i32>} : memref<320x40xf32, #tpu.memory_space<vmem>>, vector<16xf32>,
        tpu.vector_store %arg23[%swap3A_176, %swap3A_177], %mul3A_173 {strides = array<i32>} : memref<320x40xf32, #tpu.memory_space<vmem>>, vector<16xf32>,
        %swap3A_179 = arith.index_cast %scan3A_142 : i32 to index
        %swap3A_180 = arith.constant 24 : index
        %swap3A_181 = tpu.vector_load %arg21[%swap3A_179, %swap3A_180] {strides = array<i32>} : memref<160x40xf32, #tpu.memory_space<vmem>>, vector<16xf32>,
        tpu.vector_store %arg21[%swap3A_179, %swap3A_180], %mul3A_156 {strides = array<i32>} : memref<160x40xf32, #tpu.memory_space<vmem>>, vector<16xf32>,
        %mul3A_182 = arith.constant 1.000000e-01 : f32
        %mul3A_183 = vector.broadcast %mul3A_182 : f32 to vector<16xf32>
        %mul3A_184 = arith.mulf %mul3A_183, %mul3A_156 : vector<16xf32>
        %add3A_185 = arith.constant 0 : i32
        %add3A_186 = arith.addi %add3A_185, %scan3A_142 : i32
        %swap3A_187 = arith.index_cast %add3A_186 : i32 to index
        %swap3A_188 = arith.constant 24 : index
        %swap3A_189 = tpu.vector_load %arg23[%swap3A_187, %swap3A_188] {strides = array<i32>} : memref<320x40xf32, #tpu.memory_space<vmem>>, vector<16xf32>,
        tpu.vector_store %arg23[%swap3A_187, %swap3A_188], %mul3A_184 {strides = array<i32>} : memref<320x40xf32, #tpu.memory_space<vmem>>, vector<16xf32>,
      }
      %scan3A_123 = arith.constant 160 : i32
      "tpu.region"() ({
        %run_scoped3A = tpu.sem_alloc : memref<!tpu.dma_semaphore, #tpu.memory_space<semaphore_mem>>
        %dma_start3A = arith.constant 0 : i32
        %dma_start3A_142 = tpu.memref_slice %arg34[%add3A_118, %dma_start3A] : memref<10240x40xf32, #tpu.memory_space<vmem_shared>> -> memref<160x40xf32, #tpu.memory_space<vmem_shared>>
        %dma_start3A_143 = arith.constant 0 : i32
        %dma_start3A_144 = tpu.memref_slice %arg34[%add3A_118, %dma_start3A_143] : memref<10240x40xf32, #tpu.memory_space<vmem_shared>> -> memref<160x40xf32, #tpu.memory_space<vmem_shared>>
        tpu.enqueue_dma source(%arg21 : memref<160x40xf32, #tpu.memory_space<vmem>>) target(%dma_start3A_144 : memref<160x40xf32, #tpu.memory_space<vmem_shared>>) target_semaphore(%run_scoped3A : memref<!tpu.dma_semaphore, #tpu.memory_space<semaphore_mem>>)
        %dma_wait3A_145 = arith.constant 0 : i32
        %dma_wait3A_146 = tpu.memref_slice %arg34[%add3A_118, %dma_wait3A_145] : memref<10240x40xf32, #tpu.memory_space<vmem_shared>> -> memref<160x40xf32, #tpu.memory_space<vmem_shared>>
        %dma_wait3A_147 = arith.constant 0 : i32
        %dma_wait3A_148 = tpu.memref_slice %arg34[%add3A_118, %dma_wait3A_147] : memref<10240x40xf32, #tpu.memory_space<vmem_shared>> -> memref<160x40xf32, #tpu.memory_space<vmem_shared>>
        tpu.wait_dma2 semaphore(%run_scoped3A : memref<!tpu.dma_semaphore, #tpu.memory_space<semaphore_mem>>) src(%arg21 : memref<160x40xf32, #tpu.memory_space<vmem>>) dst(%dma_wait3A_148 : memref<160x40xf32, #tpu.memory_space<vmem_shared>>)
        tpu.yield
      }) : () -> ()
      "tpu.region"() ({
        %run_scoped3A = tpu.sem_alloc : memref<!tpu.dma_semaphore, #tpu.memory_space<semaphore_mem>>
        %dma_start3A = arith.constant 0 : i32
        %dma_start3A_142 = tpu.memref_slice %arg35[%add3A_118, %dma_start3A] : memref<10240x40xf32, #tpu.memory_space<vmem_shared>> -> memref<160x40xf32, #tpu.memory_space<vmem_shared>>
        %dma_start3A_143 = arith.constant 0 : i32
        %dma_start3A_144 = tpu.memref_slice %arg35[%add3A_118, %dma_start3A_143] : memref<10240x40xf32, #tpu.memory_space<vmem_shared>> -> memref<160x40xf32, #tpu.memory_space<vmem_shared>>
        tpu.enqueue_dma source(%arg21 : memref<160x40xf32, #tpu.memory_space<vmem>>) target(%dma_start3A_144 : memref<160x40xf32, #tpu.memory_space<vmem_shared>>) target_semaphore(%run_scoped3A : memref<!tpu.dma_semaphore, #tpu.memory_space<semaphore_mem>>)
        %dma_wait3A_145 = arith.constant 0 : i32
        %dma_wait3A_146 = tpu.memref_slice %arg35[%add3A_118, %dma_wait3A_145] : memref<10240x40xf32, #tpu.memory_space<vmem_shared>> -> memref<160x40xf32, #tpu.memory_space<vmem_shared>>
        %dma_wait3A_147 = arith.constant 0 : i32
        %dma_wait3A_148 = tpu.memref_slice %arg35[%add3A_118, %dma_wait3A_147] : memref<10240x40xf32, #tpu.memory_space<vmem_shared>> -> memref<160x40xf32, #tpu.memory_space<vmem_shared>>
        tpu.wait_dma2 semaphore(%run_scoped3A : memref<!tpu.dma_semaphore, #tpu.memory_space<semaphore_mem>>) src(%arg21 : memref<160x40xf32, #tpu.memory_space<vmem>>) dst(%dma_wait3A_148 : memref<160x40xf32, #tpu.memory_space<vmem_shared>>)
        tpu.yield
      }) : () -> ()
      "tpu.region"() ({
        %run_scoped3A = tpu.sem_alloc : memref<!tpu.dma_semaphore, #tpu.memory_space<semaphore_mem>>
        %dma_start3A = arith.constant 0 : i32
        %dma_start3A_142 = tpu.memref_slice %arg5[%add3A_118, %dma_start3A] : memref<10240x40xf32, #tpu.memory_space<hbm>> -> memref<160x40xf32, #tpu.memory_space<hbm>>
        %dma_start3A_143 = arith.constant 0 : i32
        %dma_start3A_144 = tpu.memref_slice %arg5[%add3A_118, %dma_start3A_143] : memref<10240x40xf32, #tpu.memory_space<hbm>> -> memref<160x40xf32, #tpu.memory_space<hbm>>
        tpu.enqueue_dma source(%arg21 : memref<160x40xf32, #tpu.memory_space<vmem>>) target(%dma_start3A_144 : memref<160x40xf32, #tpu.memory_space<hbm>>) target_semaphore(%run_scoped3A : memref<!tpu.dma_semaphore, #tpu.memory_space<semaphore_mem>>)
        %dma_wait3A_145 = arith.constant 0 : i32
        %dma_wait3A_146 = tpu.memref_slice %arg5[%add3A_118, %dma_wait3A_145] : memref<10240x40xf32, #tpu.memory_space<hbm>> -> memref<160x40xf32, #tpu.memory_space<hbm>>
        %dma_wait3A_147 = arith.constant 0 : i32
        %dma_wait3A_148 = tpu.memref_slice %arg5[%add3A_118, %dma_wait3A_147] : memref<10240x40xf32, #tpu.memory_space<hbm>> -> memref<160x40xf32, #tpu.memory_space<hbm>>
        tpu.wait_dma2 semaphore(%run_scoped3A : memref<!tpu.dma_semaphore, #tpu.memory_space<semaphore_mem>>) src(%arg21 : memref<160x40xf32, #tpu.memory_space<vmem>>) dst(%dma_wait3A_148 : memref<160x40xf32, #tpu.memory_space<hbm>>)
        tpu.yield
      }) : () -> ()
      %add3A_124 = arith.constant 160 : i32
      %add3A_125 = arith.addi %add3A_7, %add3A_124 : i32
      "tpu.region"() ({
        %run_scoped3A = tpu.sem_alloc : memref<!tpu.dma_semaphore, #tpu.memory_space<semaphore_mem>>
        %dma_start3A = arith.constant 0 : i32
        %dma_start3A_142 = tpu.memref_slice %arg2[%add3A_125, %dma_start3A] : memref<10240x40xf32, #tpu.memory_space<hbm>> -> memref<160x40xf32, #tpu.memory_space<hbm>>
        %dma_start3A_143 = arith.constant 0 : i32
        %dma_start3A_144 = tpu.memref_slice %arg2[%add3A_125, %dma_start3A_143] : memref<10240x40xf32, #tpu.memory_space<hbm>> -> memref<160x40xf32, #tpu.memory_space<hbm>>
        tpu.enqueue_dma source(%dma_start3A_144 : memref<160x40xf32, #tpu.memory_space<hbm>>) target(%arg21 : memref<160x40xf32, #tpu.memory_space<vmem>>) target_semaphore(%run_scoped3A : memref<!tpu.dma_semaphore, #tpu.memory_space<semaphore_mem>>)
        %dma_wait3A_145 = arith.constant 0 : i32
        %dma_wait3A_146 = tpu.memref_slice %arg2[%add3A_125, %dma_wait3A_145] : memref<10240x40xf32, #tpu.memory_space<hbm>> -> memref<160x40xf32, #tpu.memory_space<hbm>>
        %dma_wait3A_147 = arith.constant 0 : i32
        %dma_wait3A_148 = tpu.memref_slice %arg2[%add3A_125, %dma_wait3A_147] : memref<10240x40xf32, #tpu.memory_space<hbm>> -> memref<160x40xf32, #tpu.memory_space<hbm>>
        tpu.wait_dma2 semaphore(%run_scoped3A : memref<!tpu.dma_semaphore, #tpu.memory_space<semaphore_mem>>) src(%dma_wait3A_148 : memref<160x40xf32, #tpu.memory_space<hbm>>) dst(%arg21 : memref<160x40xf32, #tpu.memory_space<vmem>>)
        tpu.yield
      }) : () -> ()
      %scan3A_126 = arith.constant 0 : i32
      %scan3A_127 = arith.constant 160 : i32
      %scan3A_128 = arith.addi %scan3A_126, %scan3A_127 : i32
      %scan3A_129 = arith.constant 1 : i32
      scf.for %scan3A_142 = %scan3A_126 to %scan3A_128 step %scan3A_129  : i32 {
        %add3A_143 = arith.constant 160 : i32
        %add3A_144 = arith.addi %add3A_143, %scan3A_142 : i32
        %broadcast_in_dim3A_145 = vector.broadcast %add3A_144 : i32 to vector<16xi32>
        %gather3A = tpu.vector_load_idx %arg13[%broadcast_in_dim3A_145] : memref<320xf32, #tpu.memory_space<vmem>>[vector<16xi32>], vector<16xf32>,
        %get3A = arith.index_cast %scan3A_142 : i32 to index
        %get3A_146 = arith.constant 0 : index
        %get3A_147 = tpu.vector_load %arg21[%get3A, %get3A_146] {strides = array<i32>} : memref<160x40xf32, #tpu.memory_space<vmem>>, vector<16xf32>,
        %mul3A_148 = arith.mulf %gather3A, %get3A_147 : vector<16xf32>
        %get3A_149 = arith.index_cast %scan3A_142 : i32 to index
        %get3A_150 = arith.constant 16 : index
        %get3A_151 = tpu.vector_load %arg21[%get3A_149, %get3A_150] {strides = array<i32>} : memref<160x40xf32, #tpu.memory_space<vmem>>, vector<16xf32>,
        %mul3A_152 = arith.mulf %gather3A, %get3A_151 : vector<16xf32>
        %get3A_153 = arith.index_cast %scan3A_142 : i32 to index
        %get3A_154 = arith.constant 24 : index
        %get3A_155 = tpu.vector_load %arg21[%get3A_153, %get3A_154] {strides = array<i32>} : memref<160x40xf32, #tpu.memory_space<vmem>>, vector<16xf32>,
        %mul3A_156 = arith.mulf %gather3A, %get3A_155 : vector<16xf32>
        %swap3A_157 = arith.index_cast %scan3A_142 : i32 to index
        %swap3A_158 = arith.constant 0 : index
        %swap3A_159 = tpu.vector_load %arg21[%swap3A_157, %swap3A_158] {strides = array<i32>} : memref<160x40xf32, #tpu.memory_space<vmem>>, vector<16xf32>,
        tpu.vector_store %arg21[%swap3A_157, %swap3A_158], %mul3A_148 {strides = array<i32>} : memref<160x40xf32, #tpu.memory_space<vmem>>, vector<16xf32>,
        %mul3A_160 = arith.constant 1.000000e-01 : f32
        %mul3A_161 = vector.broadcast %mul3A_160 : f32 to vector<16xf32>
        %mul3A_162 = arith.mulf %mul3A_161, %mul3A_148 : vector<16xf32>
        %add3A_163 = arith.constant 160 : i32
        %add3A_164 = arith.addi %add3A_163, %scan3A_142 : i32
        %swap3A_165 = arith.index_cast %add3A_164 : i32 to index
        %swap3A_166 = arith.constant 0 : index
        %swap3A_167 = tpu.vector_load %arg23[%swap3A_165, %swap3A_166] {strides = array<i32>} : memref<320x40xf32, #tpu.memory_space<vmem>>, vector<16xf32>,
        tpu.vector_store %arg23[%swap3A_165, %swap3A_166], %mul3A_162 {strides = array<i32>} : memref<320x40xf32, #tpu.memory_space<vmem>>, vector<16xf32>,
        %swap3A_168 = arith.index_cast %scan3A_142 : i32 to index
        %swap3A_169 = arith.constant 16 : index
        %swap3A_170 = tpu.vector_load %arg21[%swap3A_168, %swap3A_169] {strides = array<i32>} : memref<160x40xf32, #tpu.memory_space<vmem>>, vector<16xf32>,
        tpu.vector_store %arg21[%swap3A_168, %swap3A_169], %mul3A_152 {strides = array<i32>} : memref<160x40xf32, #tpu.memory_space<vmem>>, vector<16xf32>,
        %mul3A_171 = arith.constant 1.000000e-01 : f32
        %mul3A_172 = vector.broadcast %mul3A_171 : f32 to vector<16xf32>
        %mul3A_173 = arith.mulf %mul3A_172, %mul3A_152 : vector<16xf32>
        %add3A_174 = arith.constant 160 : i32
        %add3A_175 = arith.addi %add3A_174, %scan3A_142 : i32
        %swap3A_176 = arith.index_cast %add3A_175 : i32 to index
        %swap3A_177 = arith.constant 16 : index
        %swap3A_178 = tpu.vector_load %arg23[%swap3A_176, %swap3A_177] {strides = array<i32>} : memref<320x40xf32, #tpu.memory_space<vmem>>, vector<16xf32>,
        tpu.vector_store %arg23[%swap3A_176, %swap3A_177], %mul3A_173 {strides = array<i32>} : memref<320x40xf32, #tpu.memory_space<vmem>>, vector<16xf32>,
        %swap3A_179 = arith.index_cast %scan3A_142 : i32 to index
        %swap3A_180 = arith.constant 24 : index
        %swap3A_181 = tpu.vector_load %arg21[%swap3A_179, %swap3A_180] {strides = array<i32>} : memref<160x40xf32, #tpu.memory_space<vmem>>, vector<16xf32>,
        tpu.vector_store %arg21[%swap3A_179, %swap3A_180], %mul3A_156 {strides = array<i32>} : memref<160x40xf32, #tpu.memory_space<vmem>>, vector<16xf32>,
        %mul3A_182 = arith.constant 1.000000e-01 : f32
        %mul3A_183 = vector.broadcast %mul3A_182 : f32 to vector<16xf32>
        %mul3A_184 = arith.mulf %mul3A_183, %mul3A_156 : vector<16xf32>
        %add3A_185 = arith.constant 160 : i32
        %add3A_186 = arith.addi %add3A_185, %scan3A_142 : i32
        %swap3A_187 = arith.index_cast %add3A_186 : i32 to index
        %swap3A_188 = arith.constant 24 : index
        %swap3A_189 = tpu.vector_load %arg23[%swap3A_187, %swap3A_188] {strides = array<i32>} : memref<320x40xf32, #tpu.memory_space<vmem>>, vector<16xf32>,
        tpu.vector_store %arg23[%swap3A_187, %swap3A_188], %mul3A_184 {strides = array<i32>} : memref<320x40xf32, #tpu.memory_space<vmem>>, vector<16xf32>,
      }
      %scan3A_130 = arith.constant 160 : i32
      "tpu.region"() ({
        %run_scoped3A = tpu.sem_alloc : memref<!tpu.dma_semaphore, #tpu.memory_space<semaphore_mem>>
        %dma_start3A = arith.constant 0 : i32
        %dma_start3A_142 = tpu.memref_slice %arg34[%add3A_125, %dma_start3A] : memref<10240x40xf32, #tpu.memory_space<vmem_shared>> -> memref<160x40xf32, #tpu.memory_space<vmem_shared>>
        %dma_start3A_143 = arith.constant 0 : i32
        %dma_start3A_144 = tpu.memref_slice %arg34[%add3A_125, %dma_start3A_143] : memref<10240x40xf32, #tpu.memory_space<vmem_shared>> -> memref<160x40xf32, #tpu.memory_space<vmem_shared>>
        tpu.enqueue_dma source(%arg21 : memref<160x40xf32, #tpu.memory_space<vmem>>) target(%dma_start3A_144 : memref<160x40xf32, #tpu.memory_space<vmem_shared>>) target_semaphore(%run_scoped3A : memref<!tpu.dma_semaphore, #tpu.memory_space<semaphore_mem>>)
        %dma_wait3A_145 = arith.constant 0 : i32
        %dma_wait3A_146 = tpu.memref_slice %arg34[%add3A_125, %dma_wait3A_145] : memref<10240x40xf32, #tpu.memory_space<vmem_shared>> -> memref<160x40xf32, #tpu.memory_space<vmem_shared>>
        %dma_wait3A_147 = arith.constant 0 : i32
        %dma_wait3A_148 = tpu.memref_slice %arg34[%add3A_125, %dma_wait3A_147] : memref<10240x40xf32, #tpu.memory_space<vmem_shared>> -> memref<160x40xf32, #tpu.memory_space<vmem_shared>>
        tpu.wait_dma2 semaphore(%run_scoped3A : memref<!tpu.dma_semaphore, #tpu.memory_space<semaphore_mem>>) src(%arg21 : memref<160x40xf32, #tpu.memory_space<vmem>>) dst(%dma_wait3A_148 : memref<160x40xf32, #tpu.memory_space<vmem_shared>>)
        tpu.yield
      }) : () -> ()
      "tpu.region"() ({
        %run_scoped3A = tpu.sem_alloc : memref<!tpu.dma_semaphore, #tpu.memory_space<semaphore_mem>>
        %dma_start3A = arith.constant 0 : i32
        %dma_start3A_142 = tpu.memref_slice %arg35[%add3A_125, %dma_start3A] : memref<10240x40xf32, #tpu.memory_space<vmem_shared>> -> memref<160x40xf32, #tpu.memory_space<vmem_shared>>
        %dma_start3A_143 = arith.constant 0 : i32
        %dma_start3A_144 = tpu.memref_slice %arg35[%add3A_125, %dma_start3A_143] : memref<10240x40xf32, #tpu.memory_space<vmem_shared>> -> memref<160x40xf32, #tpu.memory_space<vmem_shared>>
        tpu.enqueue_dma source(%arg21 : memref<160x40xf32, #tpu.memory_space<vmem>>) target(%dma_start3A_144 : memref<160x40xf32, #tpu.memory_space<vmem_shared>>) target_semaphore(%run_scoped3A : memref<!tpu.dma_semaphore, #tpu.memory_space<semaphore_mem>>)
        %dma_wait3A_145 = arith.constant 0 : i32
        %dma_wait3A_146 = tpu.memref_slice %arg35[%add3A_125, %dma_wait3A_145] : memref<10240x40xf32, #tpu.memory_space<vmem_shared>> -> memref<160x40xf32, #tpu.memory_space<vmem_shared>>
        %dma_wait3A_147 = arith.constant 0 : i32
        %dma_wait3A_148 = tpu.memref_slice %arg35[%add3A_125, %dma_wait3A_147] : memref<10240x40xf32, #tpu.memory_space<vmem_shared>> -> memref<160x40xf32, #tpu.memory_space<vmem_shared>>
        tpu.wait_dma2 semaphore(%run_scoped3A : memref<!tpu.dma_semaphore, #tpu.memory_space<semaphore_mem>>) src(%arg21 : memref<160x40xf32, #tpu.memory_space<vmem>>) dst(%dma_wait3A_148 : memref<160x40xf32, #tpu.memory_space<vmem_shared>>)
        tpu.yield
      }) : () -> ()
      "tpu.region"() ({
        %run_scoped3A = tpu.sem_alloc : memref<!tpu.dma_semaphore, #tpu.memory_space<semaphore_mem>>
        %dma_start3A = arith.constant 0 : i32
        %dma_start3A_142 = tpu.memref_slice %arg5[%add3A_125, %dma_start3A] : memref<10240x40xf32, #tpu.memory_space<hbm>> -> memref<160x40xf32, #tpu.memory_space<hbm>>
        %dma_start3A_143 = arith.constant 0 : i32
        %dma_start3A_144 = tpu.memref_slice %arg5[%add3A_125, %dma_start3A_143] : memref<10240x40xf32, #tpu.memory_space<hbm>> -> memref<160x40xf32, #tpu.memory_space<hbm>>
        tpu.enqueue_dma source(%arg21 : memref<160x40xf32, #tpu.memory_space<vmem>>) target(%dma_start3A_144 : memref<160x40xf32, #tpu.memory_space<hbm>>) target_semaphore(%run_scoped3A : memref<!tpu.dma_semaphore, #tpu.memory_space<semaphore_mem>>)
        %dma_wait3A_145 = arith.constant 0 : i32
        %dma_wait3A_146 = tpu.memref_slice %arg5[%add3A_125, %dma_wait3A_145] : memref<10240x40xf32, #tpu.memory_space<hbm>> -> memref<160x40xf32, #tpu.memory_space<hbm>>
        %dma_wait3A_147 = arith.constant 0 : i32
        %dma_wait3A_148 = tpu.memref_slice %arg5[%add3A_125, %dma_wait3A_147] : memref<10240x40xf32, #tpu.memory_space<hbm>> -> memref<160x40xf32, #tpu.memory_space<hbm>>
        tpu.wait_dma2 semaphore(%run_scoped3A : memref<!tpu.dma_semaphore, #tpu.memory_space<semaphore_mem>>) src(%arg21 : memref<160x40xf32, #tpu.memory_space<vmem>>) dst(%dma_wait3A_148 : memref<160x40xf32, #tpu.memory_space<hbm>>)
        tpu.yield
      }) : () -> ()
      %add3A_131 = arith.constant 0 : i32
      %add3A_132 = arith.addi %add3A_13, %add3A_131 : i32
      "tpu.region"() ({
        %run_scoped3A = tpu.sem_alloc : memref<!tpu.dma_semaphore, #tpu.memory_space<semaphore_mem>>
        %dma_start3A = arith.constant 0 : i32
        %dma_start3A_142 = tpu.memref_slice %arg35[%add3A_132, %dma_start3A] : memref<10240x40xf32, #tpu.memory_space<vmem_shared>> -> memref<160x40xf32, #tpu.memory_space<vmem_shared>>
        %dma_start3A_143 = arith.constant 0 : i32
        %dma_start3A_144 = tpu.memref_slice %arg35[%add3A_132, %dma_start3A_143] : memref<10240x40xf32, #tpu.memory_space<vmem_shared>> -> memref<160x40xf32, #tpu.memory_space<vmem_shared>>
        tpu.enqueue_dma source(%arg24 : memref<160x40xf32, #tpu.memory_space<vmem>>) target(%dma_start3A_144 : memref<160x40xf32, #tpu.memory_space<vmem_shared>>) target_semaphore(%run_scoped3A : memref<!tpu.dma_semaphore, #tpu.memory_space<semaphore_mem>>)
        %dma_wait3A_145 = arith.constant 0 : i32
        %dma_wait3A_146 = tpu.memref_slice %arg35[%add3A_132, %dma_wait3A_145] : memref<10240x40xf32, #tpu.memory_space<vmem_shared>> -> memref<160x40xf32, #tpu.memory_space<vmem_shared>>
        %dma_wait3A_147 = arith.constant 0 : i32
        %dma_wait3A_148 = tpu.memref_slice %arg35[%add3A_132, %dma_wait3A_147] : memref<10240x40xf32, #tpu.memory_space<vmem_shared>> -> memref<160x40xf32, #tpu.memory_space<vmem_shared>>
        tpu.wait_dma2 semaphore(%run_scoped3A : memref<!tpu.dma_semaphore, #tpu.memory_space<semaphore_mem>>) src(%arg24 : memref<160x40xf32, #tpu.memory_space<vmem>>) dst(%dma_wait3A_148 : memref<160x40xf32, #tpu.memory_space<vmem_shared>>)
        tpu.yield
      }) : () -> ()
      %add3A_133 = arith.constant 160 : i32
      %add3A_134 = arith.addi %add3A_13, %add3A_133 : i32
      "tpu.region"() ({
        %run_scoped3A = tpu.sem_alloc : memref<!tpu.dma_semaphore, #tpu.memory_space<semaphore_mem>>
        %dma_start3A = arith.constant 0 : i32
        %dma_start3A_142 = tpu.memref_slice %arg35[%add3A_134, %dma_start3A] : memref<10240x40xf32, #tpu.memory_space<vmem_shared>> -> memref<160x40xf32, #tpu.memory_space<vmem_shared>>
        %dma_start3A_143 = arith.constant 0 : i32
        %dma_start3A_144 = tpu.memref_slice %arg35[%add3A_134, %dma_start3A_143] : memref<10240x40xf32, #tpu.memory_space<vmem_shared>> -> memref<160x40xf32, #tpu.memory_space<vmem_shared>>
        tpu.enqueue_dma source(%arg24 : memref<160x40xf32, #tpu.memory_space<vmem>>) target(%dma_start3A_144 : memref<160x40xf32, #tpu.memory_space<vmem_shared>>) target_semaphore(%run_scoped3A : memref<!tpu.dma_semaphore, #tpu.memory_space<semaphore_mem>>)
        %dma_wait3A_145 = arith.constant 0 : i32
        %dma_wait3A_146 = tpu.memref_slice %arg35[%add3A_134, %dma_wait3A_145] : memref<10240x40xf32, #tpu.memory_space<vmem_shared>> -> memref<160x40xf32, #tpu.memory_space<vmem_shared>>
        %dma_wait3A_147 = arith.constant 0 : i32
        %dma_wait3A_148 = tpu.memref_slice %arg35[%add3A_134, %dma_wait3A_147] : memref<10240x40xf32, #tpu.memory_space<vmem_shared>> -> memref<160x40xf32, #tpu.memory_space<vmem_shared>>
        tpu.wait_dma2 semaphore(%run_scoped3A : memref<!tpu.dma_semaphore, #tpu.memory_space<semaphore_mem>>) src(%arg24 : memref<160x40xf32, #tpu.memory_space<vmem>>) dst(%dma_wait3A_148 : memref<160x40xf32, #tpu.memory_space<vmem_shared>>)
        tpu.yield
      }) : () -> ()
      %barrier3A_135 = arith.constant 0 : index
      tpu.barrier barrier_id(%barrier3A_135)
      %eq3A_136 = arith.constant 0 : i32
      %eq3A_137 = arith.cmpi eq, %arg1, %eq3A_136 : i32
      %convert_element_type3A_138 = arith.extui %eq3A_137 : i1 to i32
      %cond3A_139 = arith.constant 0 : i32
      %cond3A_140 = arith.cmpi ne, %convert_element_type3A_138, %cond3A_139 : i32
      scf.if %cond3A_140 {
        %sub3A_142 = arith.constant 1 : i32
        %sub3A_143 = arith.subi %sub3A_142, %arg0 : i32
        %semaphore_signal3A = arith.constant 1 : i32
        tpu.sem_signal %arg33, %semaphore_signal3A core_id %sub3A_143 : memref<!tpu.semaphore, #tpu.memory_space<semaphore_mem>>
        %semaphore_wait3A = arith.constant 1 : i32
        %semaphore_wait3A_144 = arith.constant true
        tpu.sem_wait %arg33, %semaphore_wait3A : memref<!tpu.semaphore, #tpu.memory_space<semaphore_mem>>
      } else {
      }
      %barrier3A_141 = arith.constant 0 : index
      tpu.barrier barrier_id(%barrier3A_141)
      "tpu.region"() ({
        %run_scoped3A = tpu.sem_alloc : memref<!tpu.dma_semaphore, #tpu.memory_space<semaphore_mem>>
        %dma_start3A = arith.constant 0 : i32
        %dma_start3A_142 = tpu.memref_slice %arg34[%add3A_13, %dma_start3A] : memref<10240x40xf32, #tpu.memory_space<vmem_shared>> -> memref<320x40xf32, #tpu.memory_space<vmem_shared>>
        %dma_start3A_143 = arith.constant 0 : i32
        %dma_start3A_144 = tpu.memref_slice %arg5[%add3A_13, %dma_start3A_143] : memref<10240x40xf32, #tpu.memory_space<hbm>> -> memref<320x40xf32, #tpu.memory_space<hbm>>
        tpu.enqueue_dma source(%dma_start3A_144 : memref<320x40xf32, #tpu.memory_space<hbm>>) target(%dma_start3A_142 : memref<320x40xf32, #tpu.memory_space<vmem_shared>>) target_semaphore(%run_scoped3A : memref<!tpu.dma_semaphore, #tpu.memory_space<semaphore_mem>>)
        %dma_wait3A_145 = arith.constant 0 : i32
        %dma_wait3A_146 = tpu.memref_slice %arg34[%add3A_13, %dma_wait3A_145] : memref<10240x40xf32, #tpu.memory_space<vmem_shared>> -> memref<320x40xf32, #tpu.memory_space<vmem_shared>>
        %dma_wait3A_147 = arith.constant 0 : i32
        %dma_wait3A_148 = tpu.memref_slice %arg5[%add3A_13, %dma_wait3A_147] : memref<10240x40xf32, #tpu.memory_space<hbm>> -> memref<320x40xf32, #tpu.memory_space<hbm>>
        tpu.wait_dma2 semaphore(%run_scoped3A : memref<!tpu.dma_semaphore, #tpu.memory_space<semaphore_mem>>) src(%dma_wait3A_148 : memref<320x40xf32, #tpu.memory_space<hbm>>) dst(%dma_wait3A_146 : memref<320x40xf32, #tpu.memory_space<vmem_shared>>)
        tpu.yield
      }) : () -> ()
    } else {
    }
    %barrier3A_99 = arith.constant 0 : index
    tpu.barrier barrier_id(%barrier3A_99)
    %scan3A_100 = arith.constant 0 : i32
    %scan3A_101 = arith.constant 10 : i32
    %scan3A_102 = arith.addi %scan3A_100, %scan3A_101 : i32
    %scan3A_103 = arith.constant 1 : i32
    scf.for %scan3A_105 = %scan3A_100 to %scan3A_102 step %scan3A_103  : i32 {
      %dma_start3A = arith.constant 0 : i32
      %dma_start3A_106 = arith.constant 0 : i32
      %dma_start3A_107 = tpu.memref_slice %arg15[%dma_start3A, %dma_start3A_106] : memref<80x128xi32, #tpu.memory_space<vmem>> -> memref<1x128xi32, #tpu.memory_space<vmem>>
      %dma_start3A_108 = tpu.memref_squeeze %dma_start3A_107 : memref<1x128xi32, #tpu.memory_space<vmem>> -> memref<128xi32, #tpu.memory_space<vmem>>
      %dma_start3A_109 = arith.constant 0 : i32
      %dma_start3A_110 = arith.constant 0 : i32
      %dma_start3A_111 = tpu.memref_slice %arg34[%dma_start3A_109, %dma_start3A_110] : memref<10240x40xf32, #tpu.memory_space<vmem_shared>> -> memref<10240x40xf32, #tpu.memory_space<vmem_shared>>
      tpu.enqueue_indirect_dma source(%dma_start3A_111 : memref<10240x40xf32, #tpu.memory_space<vmem_shared>>) target(%arg17 : memref<128x40xf32, #tpu.memory_space<vmem>>) offsets(%dma_start3A_108 : memref<128xi32, #tpu.memory_space<vmem>>) semaphore(%arg25 : memref<!tpu.dma_semaphore, #tpu.memory_space<semaphore_mem>>)
      %dma_start3A_112 = arith.constant 1 : i32
      %dma_start3A_113 = arith.constant 0 : i32
      %dma_start3A_114 = tpu.memref_slice %arg15[%dma_start3A_112, %dma_start3A_113] : memref<80x128xi32, #tpu.memory_space<vmem>> -> memref<1x128xi32, #tpu.memory_space<vmem>>
      %dma_start3A_115 = tpu.memref_squeeze %dma_start3A_114 : memref<1x128xi32, #tpu.memory_space<vmem>> -> memref<128xi32, #tpu.memory_space<vmem>>
      %dma_start3A_116 = arith.constant 0 : i32
      %dma_start3A_117 = arith.constant 0 : i32
      %dma_start3A_118 = tpu.memref_slice %arg34[%dma_start3A_116, %dma_start3A_117] : memref<10240x40xf32, #tpu.memory_space<vmem_shared>> -> memref<10240x40xf32, #tpu.memory_space<vmem_shared>>
      tpu.enqueue_indirect_dma source(%dma_start3A_118 : memref<10240x40xf32, #tpu.memory_space<vmem_shared>>) target(%arg18 : memref<128x40xf32, #tpu.memory_space<vmem>>) offsets(%dma_start3A_115 : memref<128xi32, #tpu.memory_space<vmem>>) semaphore(%arg26 : memref<!tpu.dma_semaphore, #tpu.memory_space<semaphore_mem>>)
      %dma_start3A_119 = arith.constant 2 : i32
      %dma_start3A_120 = arith.constant 0 : i32
      %dma_start3A_121 = tpu.memref_slice %arg15[%dma_start3A_119, %dma_start3A_120] : memref<80x128xi32, #tpu.memory_space<vmem>> -> memref<1x128xi32, #tpu.memory_space<vmem>>
      %dma_start3A_122 = tpu.memref_squeeze %dma_start3A_121 : memref<1x128xi32, #tpu.memory_space<vmem>> -> memref<128xi32, #tpu.memory_space<vmem>>
      %dma_start3A_123 = arith.constant 0 : i32
      %dma_start3A_124 = arith.constant 0 : i32
      %dma_start3A_125 = tpu.memref_slice %arg34[%dma_start3A_123, %dma_start3A_124] : memref<10240x40xf32, #tpu.memory_space<vmem_shared>> -> memref<10240x40xf32, #tpu.memory_space<vmem_shared>>
      tpu.enqueue_indirect_dma source(%dma_start3A_125 : memref<10240x40xf32, #tpu.memory_space<vmem_shared>>) target(%arg19 : memref<128x40xf32, #tpu.memory_space<vmem>>) offsets(%dma_start3A_122 : memref<128xi32, #tpu.memory_space<vmem>>) semaphore(%arg27 : memref<!tpu.dma_semaphore, #tpu.memory_space<semaphore_mem>>)
      %dma_start3A_126 = arith.constant 3 : i32
      %dma_start3A_127 = arith.constant 0 : i32
      %dma_start3A_128 = tpu.memref_slice %arg15[%dma_start3A_126, %dma_start3A_127] : memref<80x128xi32, #tpu.memory_space<vmem>> -> memref<1x128xi32, #tpu.memory_space<vmem>>
      %dma_start3A_129 = tpu.memref_squeeze %dma_start3A_128 : memref<1x128xi32, #tpu.memory_space<vmem>> -> memref<128xi32, #tpu.memory_space<vmem>>
      %dma_start3A_130 = arith.constant 0 : i32
      %dma_start3A_131 = arith.constant 0 : i32
      %dma_start3A_132 = tpu.memref_slice %arg34[%dma_start3A_130, %dma_start3A_131] : memref<10240x40xf32, #tpu.memory_space<vmem_shared>> -> memref<10240x40xf32, #tpu.memory_space<vmem_shared>>
      tpu.enqueue_indirect_dma source(%dma_start3A_132 : memref<10240x40xf32, #tpu.memory_space<vmem_shared>>) target(%arg20 : memref<128x40xf32, #tpu.memory_space<vmem>>) offsets(%dma_start3A_129 : memref<128xi32, #tpu.memory_space<vmem>>) semaphore(%arg28 : memref<!tpu.dma_semaphore, #tpu.memory_space<semaphore_mem>>)
      %scan3A_133 = arith.constant 0 : i32
      %scan3A_134 = arith.constant 20 : i32
      %scan3A_135 = arith.addi %scan3A_133, %scan3A_134 : i32
      %scan3A_136 = arith.constant 1 : i32
      scf.for %scan3A_178 = %scan3A_133 to %scan3A_135 step %scan3A_136  : i32 {
        %mul3A_179 = arith.constant 4 : i32
        %mul3A_180 = arith.muli %mul3A_179, %scan3A_178 : i32
        %add3A_181 = arith.constant 0 : i32
        %add3A_182 = arith.addi %mul3A_180, %add3A_181 : i32
        %dma_wait3A_183 = arith.constant 0 : i32
        %dma_wait3A_184 = tpu.memref_slice %arg15[%add3A_182, %dma_wait3A_183] : memref<80x128xi32, #tpu.memory_space<vmem>> -> memref<1x128xi32, #tpu.memory_space<vmem>>
        %dma_wait3A_185 = tpu.memref_squeeze %dma_wait3A_184 : memref<1x128xi32, #tpu.memory_space<vmem>> -> memref<128xi32, #tpu.memory_space<vmem>>
        %dma_wait3A_186 = arith.constant 0 : i32
        %dma_wait3A_187 = arith.constant 0 : i32
        %dma_wait3A_188 = tpu.memref_slice %arg34[%dma_wait3A_186, %dma_wait3A_187] : memref<10240x40xf32, #tpu.memory_space<vmem_shared>> -> memref<10240x40xf32, #tpu.memory_space<vmem_shared>>
        tpu.wait_indirect_dma semaphore(%arg25 : memref<!tpu.dma_semaphore, #tpu.memory_space<semaphore_mem>>) src(%dma_wait3A_188 : memref<10240x40xf32, #tpu.memory_space<vmem_shared>>) dst(%arg17 : memref<128x40xf32, #tpu.memory_space<vmem>>)
        %dma_start3A_189 = arith.constant 0 : i32
        %dma_start3A_190 = tpu.memref_slice %arg16[%add3A_182, %dma_start3A_189] : memref<80x128xi32, #tpu.memory_space<vmem>> -> memref<1x128xi32, #tpu.memory_space<vmem>>
        %dma_start3A_191 = tpu.memref_squeeze %dma_start3A_190 : memref<1x128xi32, #tpu.memory_space<vmem>> -> memref<128xi32, #tpu.memory_space<vmem>>
        %dma_start3A_192 = arith.constant 0 : i32
        %dma_start3A_193 = arith.constant 0 : i32
        %dma_start3A_194 = tpu.memref_slice %arg35[%dma_start3A_192, %dma_start3A_193] : memref<10240x40xf32, #tpu.memory_space<vmem_shared>> -> memref<10240x40xf32, #tpu.memory_space<vmem_shared>>
        tpu.enqueue_indirect_dma source(%arg17 : memref<128x40xf32, #tpu.memory_space<vmem>>) target(%dma_start3A_194 : memref<10240x40xf32, #tpu.memory_space<vmem_shared>>) offsets(%dma_start3A_191 : memref<128xi32, #tpu.memory_space<vmem>>) semaphore(%arg29 : memref<!tpu.dma_semaphore, #tpu.memory_space<semaphore_mem>>) {add = true}
        %ge3A = arith.constant 2 : i32
        %ge3A_195 = arith.cmpi sge, %add3A_182, %ge3A : i32
        %add3A_196 = arith.constant 2 : i32
        %add3A_197 = arith.addi %add3A_182, %add3A_196 : i32
        %lt3A = arith.constant 80 : i32
        %lt3A_198 = arith.cmpi slt, %add3A_197, %lt3A : i32
        %and3A = arith.andi %ge3A_195, %lt3A_198 : i1
        %convert_element_type3A_199 = arith.extui %and3A : i1 to i32
        %cond3A_200 = arith.constant 0 : i32
        %cond3A_201 = arith.cmpi ne, %convert_element_type3A_199, %cond3A_200 : i32
        scf.if %cond3A_201 {
          %sub3A_280 = arith.constant 2 : i32
          %sub3A_281 = arith.subi %add3A_182, %sub3A_280 : i32
          %dma_wait3A_282 = arith.constant 0 : i32
          %dma_wait3A_283 = tpu.memref_slice %arg16[%sub3A_281, %dma_wait3A_282] : memref<80x128xi32, #tpu.memory_space<vmem>> -> memref<1x128xi32, #tpu.memory_space<vmem>>
          %dma_wait3A_284 = tpu.memref_squeeze %dma_wait3A_283 : memref<1x128xi32, #tpu.memory_space<vmem>> -> memref<128xi32, #tpu.memory_space<vmem>>
          %dma_wait3A_285 = arith.constant 0 : i32
          %dma_wait3A_286 = arith.constant 0 : i32
          %dma_wait3A_287 = tpu.memref_slice %arg35[%dma_wait3A_285, %dma_wait3A_286] : memref<10240x40xf32, #tpu.memory_space<vmem_shared>> -> memref<10240x40xf32, #tpu.memory_space<vmem_shared>>
          tpu.wait_indirect_dma semaphore(%arg31 : memref<!tpu.dma_semaphore, #tpu.memory_space<semaphore_mem>>) src(%arg19 : memref<128x40xf32, #tpu.memory_space<vmem>>) dst(%dma_wait3A_287 : memref<10240x40xf32, #tpu.memory_space<vmem_shared>>)
          %add3A_288 = arith.constant 2 : i32
          %add3A_289 = arith.addi %add3A_182, %add3A_288 : i32
          %dma_start3A_290 = arith.constant 0 : i32
          %dma_start3A_291 = tpu.memref_slice %arg15[%add3A_289, %dma_start3A_290] : memref<80x128xi32, #tpu.memory_space<vmem>> -> memref<1x128xi32, #tpu.memory_space<vmem>>
          %dma_start3A_292 = tpu.memref_squeeze %dma_start3A_291 : memref<1x128xi32, #tpu.memory_space<vmem>> -> memref<128xi32, #tpu.memory_space<vmem>>
          %dma_start3A_293 = arith.constant 0 : i32
          %dma_start3A_294 = arith.constant 0 : i32
          %dma_start3A_295 = tpu.memref_slice %arg34[%dma_start3A_293, %dma_start3A_294] : memref<10240x40xf32, #tpu.memory_space<vmem_shared>> -> memref<10240x40xf32, #tpu.memory_space<vmem_shared>>
          tpu.enqueue_indirect_dma source(%dma_start3A_295 : memref<10240x40xf32, #tpu.memory_space<vmem_shared>>) target(%arg19 : memref<128x40xf32, #tpu.memory_space<vmem>>) offsets(%dma_start3A_292 : memref<128xi32, #tpu.memory_space<vmem>>) semaphore(%arg27 : memref<!tpu.dma_semaphore, #tpu.memory_space<semaphore_mem>>)
        } else {
        }
        %mul3A_202 = arith.constant 4 : i32
        %mul3A_203 = arith.muli %mul3A_202, %scan3A_178 : i32
        %add3A_204 = arith.constant 1 : i32
        %add3A_205 = arith.addi %mul3A_203, %add3A_204 : i32
        %dma_wait3A_206 = arith.constant 0 : i32
        %dma_wait3A_207 = tpu.memref_slice %arg15[%add3A_205, %dma_wait3A_206] : memref<80x128xi32, #tpu.memory_space<vmem>> -> memref<1x128xi32, #tpu.memory_space<vmem>>
        %dma_wait3A_208 = tpu.memref_squeeze %dma_wait3A_207 : memref<1x128xi32, #tpu.memory_space<vmem>> -> memref<128xi32, #tpu.memory_space<vmem>>
        %dma_wait3A_209 = arith.constant 0 : i32
        %dma_wait3A_210 = arith.constant 0 : i32
        %dma_wait3A_211 = tpu.memref_slice %arg34[%dma_wait3A_209, %dma_wait3A_210] : memref<10240x40xf32, #tpu.memory_space<vmem_shared>> -> memref<10240x40xf32, #tpu.memory_space<vmem_shared>>
        tpu.wait_indirect_dma semaphore(%arg26 : memref<!tpu.dma_semaphore, #tpu.memory_space<semaphore_mem>>) src(%dma_wait3A_211 : memref<10240x40xf32, #tpu.memory_space<vmem_shared>>) dst(%arg18 : memref<128x40xf32, #tpu.memory_space<vmem>>)
        %dma_start3A_212 = arith.constant 0 : i32
        %dma_start3A_213 = tpu.memref_slice %arg16[%add3A_205, %dma_start3A_212] : memref<80x128xi32, #tpu.memory_space<vmem>> -> memref<1x128xi32, #tpu.memory_space<vmem>>
        %dma_start3A_214 = tpu.memref_squeeze %dma_start3A_213 : memref<1x128xi32, #tpu.memory_space<vmem>> -> memref<128xi32, #tpu.memory_space<vmem>>
        %dma_start3A_215 = arith.constant 0 : i32
        %dma_start3A_216 = arith.constant 0 : i32
        %dma_start3A_217 = tpu.memref_slice %arg35[%dma_start3A_215, %dma_start3A_216] : memref<10240x40xf32, #tpu.memory_space<vmem_shared>> -> memref<10240x40xf32, #tpu.memory_space<vmem_shared>>
        tpu.enqueue_indirect_dma source(%arg18 : memref<128x40xf32, #tpu.memory_space<vmem>>) target(%dma_start3A_217 : memref<10240x40xf32, #tpu.memory_space<vmem_shared>>) offsets(%dma_start3A_214 : memref<128xi32, #tpu.memory_space<vmem>>) semaphore(%arg30 : memref<!tpu.dma_semaphore, #tpu.memory_space<semaphore_mem>>) {add = true}
        %ge3A_218 = arith.constant 2 : i32
        %ge3A_219 = arith.cmpi sge, %add3A_205, %ge3A_218 : i32
        %add3A_220 = arith.constant 2 : i32
        %add3A_221 = arith.addi %add3A_205, %add3A_220 : i32
        %lt3A_222 = arith.constant 80 : i32
        %lt3A_223 = arith.cmpi slt, %add3A_221, %lt3A_222 : i32
        %and3A_224 = arith.andi %ge3A_219, %lt3A_223 : i1
        %convert_element_type3A_225 = arith.extui %and3A_224 : i1 to i32
        %cond3A_226 = arith.constant 0 : i32
        %cond3A_227 = arith.cmpi ne, %convert_element_type3A_225, %cond3A_226 : i32
        scf.if %cond3A_227 {
          %sub3A_280 = arith.constant 2 : i32
          %sub3A_281 = arith.subi %add3A_205, %sub3A_280 : i32
          %dma_wait3A_282 = arith.constant 0 : i32
          %dma_wait3A_283 = tpu.memref_slice %arg16[%sub3A_281, %dma_wait3A_282] : memref<80x128xi32, #tpu.memory_space<vmem>> -> memref<1x128xi32, #tpu.memory_space<vmem>>
          %dma_wait3A_284 = tpu.memref_squeeze %dma_wait3A_283 : memref<1x128xi32, #tpu.memory_space<vmem>> -> memref<128xi32, #tpu.memory_space<vmem>>
          %dma_wait3A_285 = arith.constant 0 : i32
          %dma_wait3A_286 = arith.constant 0 : i32
          %dma_wait3A_287 = tpu.memref_slice %arg35[%dma_wait3A_285, %dma_wait3A_286] : memref<10240x40xf32, #tpu.memory_space<vmem_shared>> -> memref<10240x40xf32, #tpu.memory_space<vmem_shared>>
          tpu.wait_indirect_dma semaphore(%arg32 : memref<!tpu.dma_semaphore, #tpu.memory_space<semaphore_mem>>) src(%arg20 : memref<128x40xf32, #tpu.memory_space<vmem>>) dst(%dma_wait3A_287 : memref<10240x40xf32, #tpu.memory_space<vmem_shared>>)
          %add3A_288 = arith.constant 2 : i32
          %add3A_289 = arith.addi %add3A_205, %add3A_288 : i32
          %dma_start3A_290 = arith.constant 0 : i32
          %dma_start3A_291 = tpu.memref_slice %arg15[%add3A_289, %dma_start3A_290] : memref<80x128xi32, #tpu.memory_space<vmem>> -> memref<1x128xi32, #tpu.memory_space<vmem>>
          %dma_start3A_292 = tpu.memref_squeeze %dma_start3A_291 : memref<1x128xi32, #tpu.memory_space<vmem>> -> memref<128xi32, #tpu.memory_space<vmem>>
          %dma_start3A_293 = arith.constant 0 : i32
          %dma_start3A_294 = arith.constant 0 : i32
          %dma_start3A_295 = tpu.memref_slice %arg34[%dma_start3A_293, %dma_start3A_294] : memref<10240x40xf32, #tpu.memory_space<vmem_shared>> -> memref<10240x40xf32, #tpu.memory_space<vmem_shared>>
          tpu.enqueue_indirect_dma source(%dma_start3A_295 : memref<10240x40xf32, #tpu.memory_space<vmem_shared>>) target(%arg20 : memref<128x40xf32, #tpu.memory_space<vmem>>) offsets(%dma_start3A_292 : memref<128xi32, #tpu.memory_space<vmem>>) semaphore(%arg28 : memref<!tpu.dma_semaphore, #tpu.memory_space<semaphore_mem>>)
        } else {
        }
        %mul3A_228 = arith.constant 4 : i32
        %mul3A_229 = arith.muli %mul3A_228, %scan3A_178 : i32
        %add3A_230 = arith.constant 2 : i32
        %add3A_231 = arith.addi %mul3A_229, %add3A_230 : i32
        %dma_wait3A_232 = arith.constant 0 : i32
        %dma_wait3A_233 = tpu.memref_slice %arg15[%add3A_231, %dma_wait3A_232] : memref<80x128xi32, #tpu.memory_space<vmem>> -> memref<1x128xi32, #tpu.memory_space<vmem>>
        %dma_wait3A_234 = tpu.memref_squeeze %dma_wait3A_233 : memref<1x128xi32, #tpu.memory_space<vmem>> -> memref<128xi32, #tpu.memory_space<vmem>>
        %dma_wait3A_235 = arith.constant 0 : i32
        %dma_wait3A_236 = arith.constant 0 : i32
        %dma_wait3A_237 = tpu.memref_slice %arg34[%dma_wait3A_235, %dma_wait3A_236] : memref<10240x40xf32, #tpu.memory_space<vmem_shared>> -> memref<10240x40xf32, #tpu.memory_space<vmem_shared>>
        tpu.wait_indirect_dma semaphore(%arg27 : memref<!tpu.dma_semaphore, #tpu.memory_space<semaphore_mem>>) src(%dma_wait3A_237 : memref<10240x40xf32, #tpu.memory_space<vmem_shared>>) dst(%arg19 : memref<128x40xf32, #tpu.memory_space<vmem>>)
        %dma_start3A_238 = arith.constant 0 : i32
        %dma_start3A_239 = tpu.memref_slice %arg16[%add3A_231, %dma_start3A_238] : memref<80x128xi32, #tpu.memory_space<vmem>> -> memref<1x128xi32, #tpu.memory_space<vmem>>
        %dma_start3A_240 = tpu.memref_squeeze %dma_start3A_239 : memref<1x128xi32, #tpu.memory_space<vmem>> -> memref<128xi32, #tpu.memory_space<vmem>>
        %dma_start3A_241 = arith.constant 0 : i32
        %dma_start3A_242 = arith.constant 0 : i32
        %dma_start3A_243 = tpu.memref_slice %arg35[%dma_start3A_241, %dma_start3A_242] : memref<10240x40xf32, #tpu.memory_space<vmem_shared>> -> memref<10240x40xf32, #tpu.memory_space<vmem_shared>>
        tpu.enqueue_indirect_dma source(%arg19 : memref<128x40xf32, #tpu.memory_space<vmem>>) target(%dma_start3A_243 : memref<10240x40xf32, #tpu.memory_space<vmem_shared>>) offsets(%dma_start3A_240 : memref<128xi32, #tpu.memory_space<vmem>>) semaphore(%arg31 : memref<!tpu.dma_semaphore, #tpu.memory_space<semaphore_mem>>) {add = true}
        %ge3A_244 = arith.constant 2 : i32
        %ge3A_245 = arith.cmpi sge, %add3A_231, %ge3A_244 : i32
        %add3A_246 = arith.constant 2 : i32
        %add3A_247 = arith.addi %add3A_231, %add3A_246 : i32
        %lt3A_248 = arith.constant 80 : i32
        %lt3A_249 = arith.cmpi slt, %add3A_247, %lt3A_248 : i32
        %and3A_250 = arith.andi %ge3A_245, %lt3A_249 : i1
        %convert_element_type3A_251 = arith.extui %and3A_250 : i1 to i32
        %cond3A_252 = arith.constant 0 : i32
        %cond3A_253 = arith.cmpi ne, %convert_element_type3A_251, %cond3A_252 : i32
        scf.if %cond3A_253 {
          %sub3A_280 = arith.constant 2 : i32
          %sub3A_281 = arith.subi %add3A_231, %sub3A_280 : i32
          %dma_wait3A_282 = arith.constant 0 : i32
          %dma_wait3A_283 = tpu.memref_slice %arg16[%sub3A_281, %dma_wait3A_282] : memref<80x128xi32, #tpu.memory_space<vmem>> -> memref<1x128xi32, #tpu.memory_space<vmem>>
          %dma_wait3A_284 = tpu.memref_squeeze %dma_wait3A_283 : memref<1x128xi32, #tpu.memory_space<vmem>> -> memref<128xi32, #tpu.memory_space<vmem>>
          %dma_wait3A_285 = arith.constant 0 : i32
          %dma_wait3A_286 = arith.constant 0 : i32
          %dma_wait3A_287 = tpu.memref_slice %arg35[%dma_wait3A_285, %dma_wait3A_286] : memref<10240x40xf32, #tpu.memory_space<vmem_shared>> -> memref<10240x40xf32, #tpu.memory_space<vmem_shared>>
          tpu.wait_indirect_dma semaphore(%arg29 : memref<!tpu.dma_semaphore, #tpu.memory_space<semaphore_mem>>) src(%arg17 : memref<128x40xf32, #tpu.memory_space<vmem>>) dst(%dma_wait3A_287 : memref<10240x40xf32, #tpu.memory_space<vmem_shared>>)
          %add3A_288 = arith.constant 2 : i32
          %add3A_289 = arith.addi %add3A_231, %add3A_288 : i32
          %dma_start3A_290 = arith.constant 0 : i32
          %dma_start3A_291 = tpu.memref_slice %arg15[%add3A_289, %dma_start3A_290] : memref<80x128xi32, #tpu.memory_space<vmem>> -> memref<1x128xi32, #tpu.memory_space<vmem>>
          %dma_start3A_292 = tpu.memref_squeeze %dma_start3A_291 : memref<1x128xi32, #tpu.memory_space<vmem>> -> memref<128xi32, #tpu.memory_space<vmem>>
          %dma_start3A_293 = arith.constant 0 : i32
          %dma_start3A_294 = arith.constant 0 : i32
          %dma_start3A_295 = tpu.memref_slice %arg34[%dma_start3A_293, %dma_start3A_294] : memref<10240x40xf32, #tpu.memory_space<vmem_shared>> -> memref<10240x40xf32, #tpu.memory_space<vmem_shared>>
          tpu.enqueue_indirect_dma source(%dma_start3A_295 : memref<10240x40xf32, #tpu.memory_space<vmem_shared>>) target(%arg17 : memref<128x40xf32, #tpu.memory_space<vmem>>) offsets(%dma_start3A_292 : memref<128xi32, #tpu.memory_space<vmem>>) semaphore(%arg25 : memref<!tpu.dma_semaphore, #tpu.memory_space<semaphore_mem>>)
        } else {
        }
        %mul3A_254 = arith.constant 4 : i32
        %mul3A_255 = arith.muli %mul3A_254, %scan3A_178 : i32
        %add3A_256 = arith.constant 3 : i32
        %add3A_257 = arith.addi %mul3A_255, %add3A_256 : i32
        %dma_wait3A_258 = arith.constant 0 : i32
        %dma_wait3A_259 = tpu.memref_slice %arg15[%add3A_257, %dma_wait3A_258] : memref<80x128xi32, #tpu.memory_space<vmem>> -> memref<1x128xi32, #tpu.memory_space<vmem>>
        %dma_wait3A_260 = tpu.memref_squeeze %dma_wait3A_259 : memref<1x128xi32, #tpu.memory_space<vmem>> -> memref<128xi32, #tpu.memory_space<vmem>>
        %dma_wait3A_261 = arith.constant 0 : i32
        %dma_wait3A_262 = arith.constant 0 : i32
        %dma_wait3A_263 = tpu.memref_slice %arg34[%dma_wait3A_261, %dma_wait3A_262] : memref<10240x40xf32, #tpu.memory_space<vmem_shared>> -> memref<10240x40xf32, #tpu.memory_space<vmem_shared>>
        tpu.wait_indirect_dma semaphore(%arg28 : memref<!tpu.dma_semaphore, #tpu.memory_space<semaphore_mem>>) src(%dma_wait3A_263 : memref<10240x40xf32, #tpu.memory_space<vmem_shared>>) dst(%arg20 : memref<128x40xf32, #tpu.memory_space<vmem>>)
        %dma_start3A_264 = arith.constant 0 : i32
        %dma_start3A_265 = tpu.memref_slice %arg16[%add3A_257, %dma_start3A_264] : memref<80x128xi32, #tpu.memory_space<vmem>> -> memref<1x128xi32, #tpu.memory_space<vmem>>
        %dma_start3A_266 = tpu.memref_squeeze %dma_start3A_265 : memref<1x128xi32, #tpu.memory_space<vmem>> -> memref<128xi32, #tpu.memory_space<vmem>>
        %dma_start3A_267 = arith.constant 0 : i32
        %dma_start3A_268 = arith.constant 0 : i32
        %dma_start3A_269 = tpu.memref_slice %arg35[%dma_start3A_267, %dma_start3A_268] : memref<10240x40xf32, #tpu.memory_space<vmem_shared>> -> memref<10240x40xf32, #tpu.memory_space<vmem_shared>>
        tpu.enqueue_indirect_dma source(%arg20 : memref<128x40xf32, #tpu.memory_space<vmem>>) target(%dma_start3A_269 : memref<10240x40xf32, #tpu.memory_space<vmem_shared>>) offsets(%dma_start3A_266 : memref<128xi32, #tpu.memory_space<vmem>>) semaphore(%arg32 : memref<!tpu.dma_semaphore, #tpu.memory_space<semaphore_mem>>) {add = true}
        %ge3A_270 = arith.constant 2 : i32
        %ge3A_271 = arith.cmpi sge, %add3A_257, %ge3A_270 : i32
        %add3A_272 = arith.constant 2 : i32
        %add3A_273 = arith.addi %add3A_257, %add3A_272 : i32
        %lt3A_274 = arith.constant 80 : i32
        %lt3A_275 = arith.cmpi slt, %add3A_273, %lt3A_274 : i32
        %and3A_276 = arith.andi %ge3A_271, %lt3A_275 : i1
        %convert_element_type3A_277 = arith.extui %and3A_276 : i1 to i32
        %cond3A_278 = arith.constant 0 : i32
        %cond3A_279 = arith.cmpi ne, %convert_element_type3A_277, %cond3A_278 : i32
        scf.if %cond3A_279 {
          %sub3A_280 = arith.constant 2 : i32
          %sub3A_281 = arith.subi %add3A_257, %sub3A_280 : i32
          %dma_wait3A_282 = arith.constant 0 : i32
          %dma_wait3A_283 = tpu.memref_slice %arg16[%sub3A_281, %dma_wait3A_282] : memref<80x128xi32, #tpu.memory_space<vmem>> -> memref<1x128xi32, #tpu.memory_space<vmem>>
          %dma_wait3A_284 = tpu.memref_squeeze %dma_wait3A_283 : memref<1x128xi32, #tpu.memory_space<vmem>> -> memref<128xi32, #tpu.memory_space<vmem>>
          %dma_wait3A_285 = arith.constant 0 : i32
          %dma_wait3A_286 = arith.constant 0 : i32
          %dma_wait3A_287 = tpu.memref_slice %arg35[%dma_wait3A_285, %dma_wait3A_286] : memref<10240x40xf32, #tpu.memory_space<vmem_shared>> -> memref<10240x40xf32, #tpu.memory_space<vmem_shared>>
          tpu.wait_indirect_dma semaphore(%arg30 : memref<!tpu.dma_semaphore, #tpu.memory_space<semaphore_mem>>) src(%arg18 : memref<128x40xf32, #tpu.memory_space<vmem>>) dst(%dma_wait3A_287 : memref<10240x40xf32, #tpu.memory_space<vmem_shared>>)
          %add3A_288 = arith.constant 2 : i32
          %add3A_289 = arith.addi %add3A_257, %add3A_288 : i32
          %dma_start3A_290 = arith.constant 0 : i32
          %dma_start3A_291 = tpu.memref_slice %arg15[%add3A_289, %dma_start3A_290] : memref<80x128xi32, #tpu.memory_space<vmem>> -> memref<1x128xi32, #tpu.memory_space<vmem>>
          %dma_start3A_292 = tpu.memref_squeeze %dma_start3A_291 : memref<1x128xi32, #tpu.memory_space<vmem>> -> memref<128xi32, #tpu.memory_space<vmem>>
          %dma_start3A_293 = arith.constant 0 : i32
          %dma_start3A_294 = arith.constant 0 : i32
          %dma_start3A_295 = tpu.memref_slice %arg34[%dma_start3A_293, %dma_start3A_294] : memref<10240x40xf32, #tpu.memory_space<vmem_shared>> -> memref<10240x40xf32, #tpu.memory_space<vmem_shared>>
          tpu.enqueue_indirect_dma source(%dma_start3A_295 : memref<10240x40xf32, #tpu.memory_space<vmem_shared>>) target(%arg18 : memref<128x40xf32, #tpu.memory_space<vmem>>) offsets(%dma_start3A_292 : memref<128xi32, #tpu.memory_space<vmem>>) semaphore(%arg26 : memref<!tpu.dma_semaphore, #tpu.memory_space<semaphore_mem>>)
        } else {
        }
      }
      %scan3A_137 = arith.constant 20 : i32
      %dma_wait3A_138 = arith.constant 76 : i32
      %dma_wait3A_139 = arith.constant 0 : i32
      %dma_wait3A_140 = tpu.memref_slice %arg16[%dma_wait3A_138, %dma_wait3A_139] : memref<80x128xi32, #tpu.memory_space<vmem>> -> memref<1x128xi32, #tpu.memory_space<vmem>>
      %dma_wait3A_141 = tpu.memref_squeeze %dma_wait3A_140 : memref<1x128xi32, #tpu.memory_space<vmem>> -> memref<128xi32, #tpu.memory_space<vmem>>
      %dma_wait3A_142 = arith.constant 0 : i32
      %dma_wait3A_143 = arith.constant 0 : i32
      %dma_wait3A_144 = tpu.memref_slice %arg35[%dma_wait3A_142, %dma_wait3A_143] : memref<10240x40xf32, #tpu.memory_space<vmem_shared>> -> memref<10240x40xf32, #tpu.memory_space<vmem_shared>>
      tpu.wait_indirect_dma semaphore(%arg29 : memref<!tpu.dma_semaphore, #tpu.memory_space<semaphore_mem>>) src(%arg17 : memref<128x40xf32, #tpu.memory_space<vmem>>) dst(%dma_wait3A_144 : memref<10240x40xf32, #tpu.memory_space<vmem_shared>>)
      %dma_wait3A_145 = arith.constant 77 : i32
      %dma_wait3A_146 = arith.constant 0 : i32
      %dma_wait3A_147 = tpu.memref_slice %arg16[%dma_wait3A_145, %dma_wait3A_146] : memref<80x128xi32, #tpu.memory_space<vmem>> -> memref<1x128xi32, #tpu.memory_space<vmem>>
      %dma_wait3A_148 = tpu.memref_squeeze %dma_wait3A_147 : memref<1x128xi32, #tpu.memory_space<vmem>> -> memref<128xi32, #tpu.memory_space<vmem>>
      %dma_wait3A_149 = arith.constant 0 : i32
      %dma_wait3A_150 = arith.constant 0 : i32
      %dma_wait3A_151 = tpu.memref_slice %arg35[%dma_wait3A_149, %dma_wait3A_150] : memref<10240x40xf32, #tpu.memory_space<vmem_shared>> -> memref<10240x40xf32, #tpu.memory_space<vmem_shared>>
      tpu.wait_indirect_dma semaphore(%arg30 : memref<!tpu.dma_semaphore, #tpu.memory_space<semaphore_mem>>) src(%arg18 : memref<128x40xf32, #tpu.memory_space<vmem>>) dst(%dma_wait3A_151 : memref<10240x40xf32, #tpu.memory_space<vmem_shared>>)
      %dma_wait3A_152 = arith.constant 78 : i32
      %dma_wait3A_153 = arith.constant 0 : i32
      %dma_wait3A_154 = tpu.memref_slice %arg16[%dma_wait3A_152, %dma_wait3A_153] : memref<80x128xi32, #tpu.memory_space<vmem>> -> memref<1x128xi32, #tpu.memory_space<vmem>>
      %dma_wait3A_155 = tpu.memref_squeeze %dma_wait3A_154 : memref<1x128xi32, #tpu.memory_space<vmem>> -> memref<128xi32, #tpu.memory_space<vmem>>
      %dma_wait3A_156 = arith.constant 0 : i32
      %dma_wait3A_157 = arith.constant 0 : i32
      %dma_wait3A_158 = tpu.memref_slice %arg35[%dma_wait3A_156, %dma_wait3A_157] : memref<10240x40xf32, #tpu.memory_space<vmem_shared>> -> memref<10240x40xf32, #tpu.memory_space<vmem_shared>>
      tpu.wait_indirect_dma semaphore(%arg31 : memref<!tpu.dma_semaphore, #tpu.memory_space<semaphore_mem>>) src(%arg19 : memref<128x40xf32, #tpu.memory_space<vmem>>) dst(%dma_wait3A_158 : memref<10240x40xf32, #tpu.memory_space<vmem_shared>>)
      %dma_wait3A_159 = arith.constant 79 : i32
      %dma_wait3A_160 = arith.constant 0 : i32
      %dma_wait3A_161 = tpu.memref_slice %arg16[%dma_wait3A_159, %dma_wait3A_160] : memref<80x128xi32, #tpu.memory_space<vmem>> -> memref<1x128xi32, #tpu.memory_space<vmem>>
      %dma_wait3A_162 = tpu.memref_squeeze %dma_wait3A_161 : memref<1x128xi32, #tpu.memory_space<vmem>> -> memref<128xi32, #tpu.memory_space<vmem>>
      %dma_wait3A_163 = arith.constant 0 : i32
      %dma_wait3A_164 = arith.constant 0 : i32
      %dma_wait3A_165 = tpu.memref_slice %arg35[%dma_wait3A_163, %dma_wait3A_164] : memref<10240x40xf32, #tpu.memory_space<vmem_shared>> -> memref<10240x40xf32, #tpu.memory_space<vmem_shared>>
      tpu.wait_indirect_dma semaphore(%arg32 : memref<!tpu.dma_semaphore, #tpu.memory_space<semaphore_mem>>) src(%arg20 : memref<128x40xf32, #tpu.memory_space<vmem>>) dst(%dma_wait3A_165 : memref<10240x40xf32, #tpu.memory_space<vmem_shared>>)
      %barrier3A_166 = arith.constant 0 : index
      tpu.barrier barrier_id(%barrier3A_166)
      %eq3A_167 = arith.constant 0 : i32
      %eq3A_168 = arith.cmpi eq, %arg0, %eq3A_167 : i32
      %convert_element_type3A_169 = arith.extui %eq3A_168 : i1 to i32
      %cond3A_170 = arith.constant 0 : i32
      %cond3A_171 = arith.cmpi ne, %convert_element_type3A_169, %cond3A_170 : i32
      scf.if %cond3A_171 {
        "tpu.region"() ({
          %run_scoped3A = tpu.sem_alloc : memref<!tpu.dma_semaphore, #tpu.memory_space<semaphore_mem>>
          %dma_start3A_210 = arith.constant 0 : i32
          %dma_start3A_211 = tpu.memref_slice %arg7[%add3A_13, %dma_start3A_210] : memref<10240x40xf32, #tpu.memory_space<hbm>> -> memref<320x40xf32, #tpu.memory_space<hbm>>
          %dma_start3A_212 = arith.constant 0 : i32
          %dma_start3A_213 = tpu.memref_slice %arg35[%add3A_13, %dma_start3A_212] : memref<10240x40xf32, #tpu.memory_space<vmem_shared>> -> memref<320x40xf32, #tpu.memory_space<vmem_shared>>
          tpu.enqueue_dma source(%dma_start3A_213 : memref<320x40xf32, #tpu.memory_space<vmem_shared>>) target(%dma_start3A_211 : memref<320x40xf32, #tpu.memory_space<hbm>>) target_semaphore(%run_scoped3A : memref<!tpu.dma_semaphore, #tpu.memory_space<semaphore_mem>>)
          %dma_wait3A_214 = arith.constant 0 : i32
          %dma_wait3A_215 = tpu.memref_slice %arg7[%add3A_13, %dma_wait3A_214] : memref<10240x40xf32, #tpu.memory_space<hbm>> -> memref<320x40xf32, #tpu.memory_space<hbm>>
          %dma_wait3A_216 = arith.constant 0 : i32
          %dma_wait3A_217 = tpu.memref_slice %arg35[%add3A_13, %dma_wait3A_216] : memref<10240x40xf32, #tpu.memory_space<vmem_shared>> -> memref<320x40xf32, #tpu.memory_space<vmem_shared>>
          tpu.wait_dma2 semaphore(%run_scoped3A : memref<!tpu.dma_semaphore, #tpu.memory_space<semaphore_mem>>) src(%dma_wait3A_217 : memref<320x40xf32, #tpu.memory_space<vmem_shared>>) dst(%dma_wait3A_215 : memref<320x40xf32, #tpu.memory_space<hbm>>)
          tpu.yield
        }) : () -> ()
        %barrier3A_178 = arith.constant 0 : index
        tpu.barrier barrier_id(%barrier3A_178)
        %eq3A_179 = arith.constant 0 : i32
        %eq3A_180 = arith.cmpi eq, %arg1, %eq3A_179 : i32
        %convert_element_type3A_181 = arith.extui %eq3A_180 : i1 to i32
        %cond3A_182 = arith.constant 0 : i32
        %cond3A_183 = arith.cmpi ne, %convert_element_type3A_181, %cond3A_182 : i32
        scf.if %cond3A_183 {
          %sub3A_210 = arith.constant 1 : i32
          %sub3A_211 = arith.subi %sub3A_210, %arg0 : i32
          %semaphore_signal3A = arith.constant 1 : i32
          tpu.sem_signal %arg33, %semaphore_signal3A core_id %sub3A_211 : memref<!tpu.semaphore, #tpu.memory_space<semaphore_mem>>
          %semaphore_wait3A = arith.constant 1 : i32
          %semaphore_wait3A_212 = arith.constant true
          tpu.sem_wait %arg33, %semaphore_wait3A : memref<!tpu.semaphore, #tpu.memory_space<semaphore_mem>>
        } else {
        }
        %barrier3A_184 = arith.constant 0 : index
        tpu.barrier barrier_id(%barrier3A_184)
        %add3A_185 = arith.constant 0 : i32
        %add3A_186 = arith.addi %add3A_7, %add3A_185 : i32
        "tpu.region"() ({
          %run_scoped3A = tpu.sem_alloc : memref<!tpu.dma_semaphore, #tpu.memory_space<semaphore_mem>>
          %dma_start3A_210 = arith.constant 0 : i32
          %dma_start3A_211 = tpu.memref_slice %arg35[%add3A_186, %dma_start3A_210] : memref<10240x40xf32, #tpu.memory_space<vmem_shared>> -> memref<160x40xf32, #tpu.memory_space<vmem_shared>>
          %dma_start3A_212 = arith.constant 0 : i32
          %dma_start3A_213 = tpu.memref_slice %arg35[%add3A_186, %dma_start3A_212] : memref<10240x40xf32, #tpu.memory_space<vmem_shared>> -> memref<160x40xf32, #tpu.memory_space<vmem_shared>>
          tpu.enqueue_dma source(%dma_start3A_213 : memref<160x40xf32, #tpu.memory_space<vmem_shared>>) target(%arg21 : memref<160x40xf32, #tpu.memory_space<vmem>>) target_semaphore(%run_scoped3A : memref<!tpu.dma_semaphore, #tpu.memory_space<semaphore_mem>>)
          %dma_wait3A_214 = arith.constant 0 : i32
          %dma_wait3A_215 = tpu.memref_slice %arg35[%add3A_186, %dma_wait3A_214] : memref<10240x40xf32, #tpu.memory_space<vmem_shared>> -> memref<160x40xf32, #tpu.memory_space<vmem_shared>>
          %dma_wait3A_216 = arith.constant 0 : i32
          %dma_wait3A_217 = tpu.memref_slice %arg35[%add3A_186, %dma_wait3A_216] : memref<10240x40xf32, #tpu.memory_space<vmem_shared>> -> memref<160x40xf32, #tpu.memory_space<vmem_shared>>
          tpu.wait_dma2 semaphore(%run_scoped3A : memref<!tpu.dma_semaphore, #tpu.memory_space<semaphore_mem>>) src(%dma_wait3A_217 : memref<160x40xf32, #tpu.memory_space<vmem_shared>>) dst(%arg21 : memref<160x40xf32, #tpu.memory_space<vmem>>)
          tpu.yield
        }) : () -> ()
        "tpu.region"() ({
          %run_scoped3A = tpu.sem_alloc : memref<!tpu.dma_semaphore, #tpu.memory_space<semaphore_mem>>
          %dma_start3A_210 = arith.constant 0 : i32
          %dma_start3A_211 = tpu.memref_slice %arg8[%add3A_186, %dma_start3A_210] : memref<10240x40xf32, #tpu.memory_space<hbm>> -> memref<160x40xf32, #tpu.memory_space<hbm>>
          %dma_start3A_212 = arith.constant 0 : i32
          %dma_start3A_213 = tpu.memref_slice %arg8[%add3A_186, %dma_start3A_212] : memref<10240x40xf32, #tpu.memory_space<hbm>> -> memref<160x40xf32, #tpu.memory_space<hbm>>
          tpu.enqueue_dma source(%dma_start3A_213 : memref<160x40xf32, #tpu.memory_space<hbm>>) target(%arg22 : memref<160x40xf32, #tpu.memory_space<vmem>>) target_semaphore(%run_scoped3A : memref<!tpu.dma_semaphore, #tpu.memory_space<semaphore_mem>>)
          %dma_wait3A_214 = arith.constant 0 : i32
          %dma_wait3A_215 = tpu.memref_slice %arg8[%add3A_186, %dma_wait3A_214] : memref<10240x40xf32, #tpu.memory_space<hbm>> -> memref<160x40xf32, #tpu.memory_space<hbm>>
          %dma_wait3A_216 = arith.constant 0 : i32
          %dma_wait3A_217 = tpu.memref_slice %arg8[%add3A_186, %dma_wait3A_216] : memref<10240x40xf32, #tpu.memory_space<hbm>> -> memref<160x40xf32, #tpu.memory_space<hbm>>
          tpu.wait_dma2 semaphore(%run_scoped3A : memref<!tpu.dma_semaphore, #tpu.memory_space<semaphore_mem>>) src(%dma_wait3A_217 : memref<160x40xf32, #tpu.memory_space<hbm>>) dst(%arg22 : memref<160x40xf32, #tpu.memory_space<vmem>>)
          tpu.yield
        }) : () -> ()
        %scan3A_187 = arith.constant 0 : i32
        %scan3A_188 = arith.constant 160 : i32
        %scan3A_189 = arith.addi %scan3A_187, %scan3A_188 : i32
        %scan3A_190 = arith.constant 2 : i32
        scf.for %scan3A_210 = %scan3A_187 to %scan3A_189 step %scan3A_190  : i32 {
          %add3A_211 = arith.constant 0 : i32
          %add3A_212 = arith.addi %add3A_211, %scan3A_210 : i32
          %broadcast_in_dim3A_213 = vector.broadcast %add3A_212 : i32 to vector<16xi32>
          %gather3A = tpu.vector_load_idx %arg11[%broadcast_in_dim3A_213] : memref<320xf32, #tpu.memory_space<vmem>>[vector<16xi32>], vector<16xf32>,
          %get3A = arith.index_cast %scan3A_210 : i32 to index
          %get3A_214 = arith.constant 0 : index
          %get3A_215 = tpu.vector_load %arg21[%get3A, %get3A_214] {strides = array<i32>} : memref<160x40xf32, #tpu.memory_space<vmem>>, vector<16xf32>,
          %get3A_216 = arith.index_cast %scan3A_210 : i32 to index
          %get3A_217 = arith.constant 0 : index
          %get3A_218 = tpu.vector_load %arg22[%get3A_216, %get3A_217] {strides = array<i32>} : memref<160x40xf32, #tpu.memory_space<vmem>>, vector<16xf32>,
          %add3A_219 = arith.addf %get3A_215, %get3A_218 : vector<16xf32>
          %mul3A_220 = arith.mulf %gather3A, %add3A_219 : vector<16xf32>
          %add3A_221 = arith.constant 0 : i32
          %add3A_222 = arith.addi %add3A_221, %scan3A_210 : i32
          %get3A_223 = arith.index_cast %add3A_222 : i32 to index
          %get3A_224 = arith.constant 0 : index
          %get3A_225 = tpu.vector_load %arg23[%get3A_223, %get3A_224] {strides = array<i32>} : memref<320x40xf32, #tpu.memory_space<vmem>>, vector<16xf32>,
          %add3A_226 = arith.addf %mul3A_220, %get3A_225 : vector<16xf32>
          %get3A_227 = arith.index_cast %scan3A_210 : i32 to index
          %get3A_228 = arith.constant 16 : index
          %get3A_229 = tpu.vector_load %arg21[%get3A_227, %get3A_228] {strides = array<i32>} : memref<160x40xf32, #tpu.memory_space<vmem>>, vector<16xf32>,
          %get3A_230 = arith.index_cast %scan3A_210 : i32 to index
          %get3A_231 = arith.constant 16 : index
          %get3A_232 = tpu.vector_load %arg22[%get3A_230, %get3A_231] {strides = array<i32>} : memref<160x40xf32, #tpu.memory_space<vmem>>, vector<16xf32>,
          %add3A_233 = arith.addf %get3A_229, %get3A_232 : vector<16xf32>
          %mul3A_234 = arith.mulf %gather3A, %add3A_233 : vector<16xf32>
          %add3A_235 = arith.constant 0 : i32
          %add3A_236 = arith.addi %add3A_235, %scan3A_210 : i32
          %get3A_237 = arith.index_cast %add3A_236 : i32 to index
          %get3A_238 = arith.constant 16 : index
          %get3A_239 = tpu.vector_load %arg23[%get3A_237, %get3A_238] {strides = array<i32>} : memref<320x40xf32, #tpu.memory_space<vmem>>, vector<16xf32>,
          %add3A_240 = arith.addf %mul3A_234, %get3A_239 : vector<16xf32>
          %get3A_241 = arith.index_cast %scan3A_210 : i32 to index
          %get3A_242 = arith.constant 24 : index
          %get3A_243 = tpu.vector_load %arg21[%get3A_241, %get3A_242] {strides = array<i32>} : memref<160x40xf32, #tpu.memory_space<vmem>>, vector<16xf32>,
          %get3A_244 = arith.index_cast %scan3A_210 : i32 to index
          %get3A_245 = arith.constant 24 : index
          %get3A_246 = tpu.vector_load %arg22[%get3A_244, %get3A_245] {strides = array<i32>} : memref<160x40xf32, #tpu.memory_space<vmem>>, vector<16xf32>,
          %add3A_247 = arith.addf %get3A_243, %get3A_246 : vector<16xf32>
          %mul3A_248 = arith.mulf %gather3A, %add3A_247 : vector<16xf32>
          %add3A_249 = arith.constant 0 : i32
          %add3A_250 = arith.addi %add3A_249, %scan3A_210 : i32
          %get3A_251 = arith.index_cast %add3A_250 : i32 to index
          %get3A_252 = arith.constant 24 : index
          %get3A_253 = tpu.vector_load %arg23[%get3A_251, %get3A_252] {strides = array<i32>} : memref<320x40xf32, #tpu.memory_space<vmem>>, vector<16xf32>,
          %add3A_254 = arith.addf %mul3A_248, %get3A_253 : vector<16xf32>
          %swap3A_255 = arith.index_cast %scan3A_210 : i32 to index
          %swap3A_256 = arith.constant 0 : index
          %swap3A_257 = tpu.vector_load %arg21[%swap3A_255, %swap3A_256] {strides = array<i32>} : memref<160x40xf32, #tpu.memory_space<vmem>>, vector<16xf32>,
          tpu.vector_store %arg21[%swap3A_255, %swap3A_256], %add3A_226 {strides = array<i32>} : memref<160x40xf32, #tpu.memory_space<vmem>>, vector<16xf32>,
          %swap3A_258 = arith.index_cast %scan3A_210 : i32 to index
          %swap3A_259 = arith.constant 16 : index
          %swap3A_260 = tpu.vector_load %arg21[%swap3A_258, %swap3A_259] {strides = array<i32>} : memref<160x40xf32, #tpu.memory_space<vmem>>, vector<16xf32>,
          tpu.vector_store %arg21[%swap3A_258, %swap3A_259], %add3A_240 {strides = array<i32>} : memref<160x40xf32, #tpu.memory_space<vmem>>, vector<16xf32>,
          %swap3A_261 = arith.index_cast %scan3A_210 : i32 to index
          %swap3A_262 = arith.constant 24 : index
          %swap3A_263 = tpu.vector_load %arg21[%swap3A_261, %swap3A_262] {strides = array<i32>} : memref<160x40xf32, #tpu.memory_space<vmem>>, vector<16xf32>,
          tpu.vector_store %arg21[%swap3A_261, %swap3A_262], %add3A_254 {strides = array<i32>} : memref<160x40xf32, #tpu.memory_space<vmem>>, vector<16xf32>,
          %scan3A_264 = arith.constant 1 : i32
          %scan3A_265 = arith.addi %scan3A_210, %scan3A_264 : i32
          %add3A_266 = arith.constant 0 : i32
          %add3A_267 = arith.addi %add3A_266, %scan3A_265 : i32
          %broadcast_in_dim3A_268 = vector.broadcast %add3A_267 : i32 to vector<16xi32>
          %gather3A_269 = tpu.vector_load_idx %arg11[%broadcast_in_dim3A_268] : memref<320xf32, #tpu.memory_space<vmem>>[vector<16xi32>], vector<16xf32>,
          %get3A_270 = arith.index_cast %scan3A_265 : i32 to index
          %get3A_271 = arith.constant 0 : index
          %get3A_272 = tpu.vector_load %arg21[%get3A_270, %get3A_271] {strides = array<i32>} : memref<160x40xf32, #tpu.memory_space<vmem>>, vector<16xf32>,
          %get3A_273 = arith.index_cast %scan3A_265 : i32 to index
          %get3A_274 = arith.constant 0 : index
          %get3A_275 = tpu.vector_load %arg22[%get3A_273, %get3A_274] {strides = array<i32>} : memref<160x40xf32, #tpu.memory_space<vmem>>, vector<16xf32>,
          %add3A_276 = arith.addf %get3A_272, %get3A_275 : vector<16xf32>
          %mul3A_277 = arith.mulf %gather3A_269, %add3A_276 : vector<16xf32>
          %add3A_278 = arith.constant 0 : i32
          %add3A_279 = arith.addi %add3A_278, %scan3A_265 : i32
          %get3A_280 = arith.index_cast %add3A_279 : i32 to index
          %get3A_281 = arith.constant 0 : index
          %get3A_282 = tpu.vector_load %arg23[%get3A_280, %get3A_281] {strides = array<i32>} : memref<320x40xf32, #tpu.memory_space<vmem>>, vector<16xf32>,
          %add3A_283 = arith.addf %mul3A_277, %get3A_282 : vector<16xf32>
          %get3A_284 = arith.index_cast %scan3A_265 : i32 to index
          %get3A_285 = arith.constant 16 : index
          %get3A_286 = tpu.vector_load %arg21[%get3A_284, %get3A_285] {strides = array<i32>} : memref<160x40xf32, #tpu.memory_space<vmem>>, vector<16xf32>,
          %get3A_287 = arith.index_cast %scan3A_265 : i32 to index
          %get3A_288 = arith.constant 16 : index
          %get3A_289 = tpu.vector_load %arg22[%get3A_287, %get3A_288] {strides = array<i32>} : memref<160x40xf32, #tpu.memory_space<vmem>>, vector<16xf32>,
          %add3A_290 = arith.addf %get3A_286, %get3A_289 : vector<16xf32>
          %mul3A_291 = arith.mulf %gather3A_269, %add3A_290 : vector<16xf32>
          %add3A_292 = arith.constant 0 : i32
          %add3A_293 = arith.addi %add3A_292, %scan3A_265 : i32
          %get3A_294 = arith.index_cast %add3A_293 : i32 to index
          %get3A_295 = arith.constant 16 : index
          %get3A_296 = tpu.vector_load %arg23[%get3A_294, %get3A_295] {strides = array<i32>} : memref<320x40xf32, #tpu.memory_space<vmem>>, vector<16xf32>,
          %add3A_297 = arith.addf %mul3A_291, %get3A_296 : vector<16xf32>
          %get3A_298 = arith.index_cast %scan3A_265 : i32 to index
          %get3A_299 = arith.constant 24 : index
          %get3A_300 = tpu.vector_load %arg21[%get3A_298, %get3A_299] {strides = array<i32>} : memref<160x40xf32, #tpu.memory_space<vmem>>, vector<16xf32>,
          %get3A_301 = arith.index_cast %scan3A_265 : i32 to index
          %get3A_302 = arith.constant 24 : index
          %get3A_303 = tpu.vector_load %arg22[%get3A_301, %get3A_302] {strides = array<i32>} : memref<160x40xf32, #tpu.memory_space<vmem>>, vector<16xf32>,
          %add3A_304 = arith.addf %get3A_300, %get3A_303 : vector<16xf32>
          %mul3A_305 = arith.mulf %gather3A_269, %add3A_304 : vector<16xf32>
          %add3A_306 = arith.constant 0 : i32
          %add3A_307 = arith.addi %add3A_306, %scan3A_265 : i32
          %get3A_308 = arith.index_cast %add3A_307 : i32 to index
          %get3A_309 = arith.constant 24 : index
          %get3A_310 = tpu.vector_load %arg23[%get3A_308, %get3A_309] {strides = array<i32>} : memref<320x40xf32, #tpu.memory_space<vmem>>, vector<16xf32>,
          %add3A_311 = arith.addf %mul3A_305, %get3A_310 : vector<16xf32>
          %swap3A_312 = arith.index_cast %scan3A_265 : i32 to index
          %swap3A_313 = arith.constant 0 : index
          %swap3A_314 = tpu.vector_load %arg21[%swap3A_312, %swap3A_313] {strides = array<i32>} : memref<160x40xf32, #tpu.memory_space<vmem>>, vector<16xf32>,
          tpu.vector_store %arg21[%swap3A_312, %swap3A_313], %add3A_283 {strides = array<i32>} : memref<160x40xf32, #tpu.memory_space<vmem>>, vector<16xf32>,
          %swap3A_315 = arith.index_cast %scan3A_265 : i32 to index
          %swap3A_316 = arith.constant 16 : index
          %swap3A_317 = tpu.vector_load %arg21[%swap3A_315, %swap3A_316] {strides = array<i32>} : memref<160x40xf32, #tpu.memory_space<vmem>>, vector<16xf32>,
          tpu.vector_store %arg21[%swap3A_315, %swap3A_316], %add3A_297 {strides = array<i32>} : memref<160x40xf32, #tpu.memory_space<vmem>>, vector<16xf32>,
          %swap3A_318 = arith.index_cast %scan3A_265 : i32 to index
          %swap3A_319 = arith.constant 24 : index
          %swap3A_320 = tpu.vector_load %arg21[%swap3A_318, %swap3A_319] {strides = array<i32>} : memref<160x40xf32, #tpu.memory_space<vmem>>, vector<16xf32>,
          tpu.vector_store %arg21[%swap3A_318, %swap3A_319], %add3A_311 {strides = array<i32>} : memref<160x40xf32, #tpu.memory_space<vmem>>, vector<16xf32>,
        }
        %scan3A_191 = arith.constant 160 : i32
        "tpu.region"() ({
          %run_scoped3A = tpu.sem_alloc : memref<!tpu.dma_semaphore, #tpu.memory_space<semaphore_mem>>
          %dma_start3A_210 = arith.constant 0 : i32
          %dma_start3A_211 = tpu.memref_slice %arg34[%add3A_186, %dma_start3A_210] : memref<10240x40xf32, #tpu.memory_space<vmem_shared>> -> memref<160x40xf32, #tpu.memory_space<vmem_shared>>
          %dma_start3A_212 = arith.constant 0 : i32
          %dma_start3A_213 = tpu.memref_slice %arg34[%add3A_186, %dma_start3A_212] : memref<10240x40xf32, #tpu.memory_space<vmem_shared>> -> memref<160x40xf32, #tpu.memory_space<vmem_shared>>
          tpu.enqueue_dma source(%arg21 : memref<160x40xf32, #tpu.memory_space<vmem>>) target(%dma_start3A_213 : memref<160x40xf32, #tpu.memory_space<vmem_shared>>) target_semaphore(%run_scoped3A : memref<!tpu.dma_semaphore, #tpu.memory_space<semaphore_mem>>)
          %dma_wait3A_214 = arith.constant 0 : i32
          %dma_wait3A_215 = tpu.memref_slice %arg34[%add3A_186, %dma_wait3A_214] : memref<10240x40xf32, #tpu.memory_space<vmem_shared>> -> memref<160x40xf32, #tpu.memory_space<vmem_shared>>
          %dma_wait3A_216 = arith.constant 0 : i32
          %dma_wait3A_217 = tpu.memref_slice %arg34[%add3A_186, %dma_wait3A_216] : memref<10240x40xf32, #tpu.memory_space<vmem_shared>> -> memref<160x40xf32, #tpu.memory_space<vmem_shared>>
          tpu.wait_dma2 semaphore(%run_scoped3A : memref<!tpu.dma_semaphore, #tpu.memory_space<semaphore_mem>>) src(%arg21 : memref<160x40xf32, #tpu.memory_space<vmem>>) dst(%dma_wait3A_217 : memref<160x40xf32, #tpu.memory_space<vmem_shared>>)
          tpu.yield
        }) : () -> ()
        "tpu.region"() ({
          %run_scoped3A = tpu.sem_alloc : memref<!tpu.dma_semaphore, #tpu.memory_space<semaphore_mem>>
          %dma_start3A_210 = arith.constant 0 : i32
          %dma_start3A_211 = tpu.memref_slice %arg35[%add3A_186, %dma_start3A_210] : memref<10240x40xf32, #tpu.memory_space<vmem_shared>> -> memref<160x40xf32, #tpu.memory_space<vmem_shared>>
          %dma_start3A_212 = arith.constant 0 : i32
          %dma_start3A_213 = tpu.memref_slice %arg35[%add3A_186, %dma_start3A_212] : memref<10240x40xf32, #tpu.memory_space<vmem_shared>> -> memref<160x40xf32, #tpu.memory_space<vmem_shared>>
          tpu.enqueue_dma source(%arg21 : memref<160x40xf32, #tpu.memory_space<vmem>>) target(%dma_start3A_213 : memref<160x40xf32, #tpu.memory_space<vmem_shared>>) target_semaphore(%run_scoped3A : memref<!tpu.dma_semaphore, #tpu.memory_space<semaphore_mem>>)
          %dma_wait3A_214 = arith.constant 0 : i32
          %dma_wait3A_215 = tpu.memref_slice %arg35[%add3A_186, %dma_wait3A_214] : memref<10240x40xf32, #tpu.memory_space<vmem_shared>> -> memref<160x40xf32, #tpu.memory_space<vmem_shared>>
          %dma_wait3A_216 = arith.constant 0 : i32
          %dma_wait3A_217 = tpu.memref_slice %arg35[%add3A_186, %dma_wait3A_216] : memref<10240x40xf32, #tpu.memory_space<vmem_shared>> -> memref<160x40xf32, #tpu.memory_space<vmem_shared>>
          tpu.wait_dma2 semaphore(%run_scoped3A : memref<!tpu.dma_semaphore, #tpu.memory_space<semaphore_mem>>) src(%arg21 : memref<160x40xf32, #tpu.memory_space<vmem>>) dst(%dma_wait3A_217 : memref<160x40xf32, #tpu.memory_space<vmem_shared>>)
          tpu.yield
        }) : () -> ()
        "tpu.region"() ({
          %run_scoped3A = tpu.sem_alloc : memref<!tpu.dma_semaphore, #tpu.memory_space<semaphore_mem>>
          %dma_start3A_210 = arith.constant 0 : i32
          %dma_start3A_211 = tpu.memref_slice %arg5[%add3A_186, %dma_start3A_210] : memref<10240x40xf32, #tpu.memory_space<hbm>> -> memref<160x40xf32, #tpu.memory_space<hbm>>
          %dma_start3A_212 = arith.constant 0 : i32
          %dma_start3A_213 = tpu.memref_slice %arg5[%add3A_186, %dma_start3A_212] : memref<10240x40xf32, #tpu.memory_space<hbm>> -> memref<160x40xf32, #tpu.memory_space<hbm>>
          tpu.enqueue_dma source(%arg21 : memref<160x40xf32, #tpu.memory_space<vmem>>) target(%dma_start3A_213 : memref<160x40xf32, #tpu.memory_space<hbm>>) target_semaphore(%run_scoped3A : memref<!tpu.dma_semaphore, #tpu.memory_space<semaphore_mem>>)
          %dma_wait3A_214 = arith.constant 0 : i32
          %dma_wait3A_215 = tpu.memref_slice %arg5[%add3A_186, %dma_wait3A_214] : memref<10240x40xf32, #tpu.memory_space<hbm>> -> memref<160x40xf32, #tpu.memory_space<hbm>>
          %dma_wait3A_216 = arith.constant 0 : i32
          %dma_wait3A_217 = tpu.memref_slice %arg5[%add3A_186, %dma_wait3A_216] : memref<10240x40xf32, #tpu.memory_space<hbm>> -> memref<160x40xf32, #tpu.memory_space<hbm>>
          tpu.wait_dma2 semaphore(%run_scoped3A : memref<!tpu.dma_semaphore, #tpu.memory_space<semaphore_mem>>) src(%arg21 : memref<160x40xf32, #tpu.memory_space<vmem>>) dst(%dma_wait3A_217 : memref<160x40xf32, #tpu.memory_space<hbm>>)
          tpu.yield
        }) : () -> ()
        %add3A_192 = arith.constant 160 : i32
        %add3A_193 = arith.addi %add3A_7, %add3A_192 : i32
        "tpu.region"() ({
          %run_scoped3A = tpu.sem_alloc : memref<!tpu.dma_semaphore, #tpu.memory_space<semaphore_mem>>
          %dma_start3A_210 = arith.constant 0 : i32
          %dma_start3A_211 = tpu.memref_slice %arg35[%add3A_193, %dma_start3A_210] : memref<10240x40xf32, #tpu.memory_space<vmem_shared>> -> memref<160x40xf32, #tpu.memory_space<vmem_shared>>
          %dma_start3A_212 = arith.constant 0 : i32
          %dma_start3A_213 = tpu.memref_slice %arg35[%add3A_193, %dma_start3A_212] : memref<10240x40xf32, #tpu.memory_space<vmem_shared>> -> memref<160x40xf32, #tpu.memory_space<vmem_shared>>
          tpu.enqueue_dma source(%dma_start3A_213 : memref<160x40xf32, #tpu.memory_space<vmem_shared>>) target(%arg21 : memref<160x40xf32, #tpu.memory_space<vmem>>) target_semaphore(%run_scoped3A : memref<!tpu.dma_semaphore, #tpu.memory_space<semaphore_mem>>)
          %dma_wait3A_214 = arith.constant 0 : i32
          %dma_wait3A_215 = tpu.memref_slice %arg35[%add3A_193, %dma_wait3A_214] : memref<10240x40xf32, #tpu.memory_space<vmem_shared>> -> memref<160x40xf32, #tpu.memory_space<vmem_shared>>
          %dma_wait3A_216 = arith.constant 0 : i32
          %dma_wait3A_217 = tpu.memref_slice %arg35[%add3A_193, %dma_wait3A_216] : memref<10240x40xf32, #tpu.memory_space<vmem_shared>> -> memref<160x40xf32, #tpu.memory_space<vmem_shared>>
          tpu.wait_dma2 semaphore(%run_scoped3A : memref<!tpu.dma_semaphore, #tpu.memory_space<semaphore_mem>>) src(%dma_wait3A_217 : memref<160x40xf32, #tpu.memory_space<vmem_shared>>) dst(%arg21 : memref<160x40xf32, #tpu.memory_space<vmem>>)
          tpu.yield
        }) : () -> ()
        "tpu.region"() ({
          %run_scoped3A = tpu.sem_alloc : memref<!tpu.dma_semaphore, #tpu.memory_space<semaphore_mem>>
          %dma_start3A_210 = arith.constant 0 : i32
          %dma_start3A_211 = tpu.memref_slice %arg8[%add3A_193, %dma_start3A_210] : memref<10240x40xf32, #tpu.memory_space<hbm>> -> memref<160x40xf32, #tpu.memory_space<hbm>>
          %dma_start3A_212 = arith.constant 0 : i32
          %dma_start3A_213 = tpu.memref_slice %arg8[%add3A_193, %dma_start3A_212] : memref<10240x40xf32, #tpu.memory_space<hbm>> -> memref<160x40xf32, #tpu.memory_space<hbm>>
          tpu.enqueue_dma source(%dma_start3A_213 : memref<160x40xf32, #tpu.memory_space<hbm>>) target(%arg22 : memref<160x40xf32, #tpu.memory_space<vmem>>) target_semaphore(%run_scoped3A : memref<!tpu.dma_semaphore, #tpu.memory_space<semaphore_mem>>)
          %dma_wait3A_214 = arith.constant 0 : i32
          %dma_wait3A_215 = tpu.memref_slice %arg8[%add3A_193, %dma_wait3A_214] : memref<10240x40xf32, #tpu.memory_space<hbm>> -> memref<160x40xf32, #tpu.memory_space<hbm>>
          %dma_wait3A_216 = arith.constant 0 : i32
          %dma_wait3A_217 = tpu.memref_slice %arg8[%add3A_193, %dma_wait3A_216] : memref<10240x40xf32, #tpu.memory_space<hbm>> -> memref<160x40xf32, #tpu.memory_space<hbm>>
          tpu.wait_dma2 semaphore(%run_scoped3A : memref<!tpu.dma_semaphore, #tpu.memory_space<semaphore_mem>>) src(%dma_wait3A_217 : memref<160x40xf32, #tpu.memory_space<hbm>>) dst(%arg22 : memref<160x40xf32, #tpu.memory_space<vmem>>)
          tpu.yield
        }) : () -> ()
        %scan3A_194 = arith.constant 0 : i32
        %scan3A_195 = arith.constant 160 : i32
        %scan3A_196 = arith.addi %scan3A_194, %scan3A_195 : i32
        %scan3A_197 = arith.constant 2 : i32
        scf.for %scan3A_210 = %scan3A_194 to %scan3A_196 step %scan3A_197  : i32 {
          %add3A_211 = arith.constant 160 : i32
          %add3A_212 = arith.addi %add3A_211, %scan3A_210 : i32
          %broadcast_in_dim3A_213 = vector.broadcast %add3A_212 : i32 to vector<16xi32>
          %gather3A = tpu.vector_load_idx %arg11[%broadcast_in_dim3A_213] : memref<320xf32, #tpu.memory_space<vmem>>[vector<16xi32>], vector<16xf32>,
          %get3A = arith.index_cast %scan3A_210 : i32 to index
          %get3A_214 = arith.constant 0 : index
          %get3A_215 = tpu.vector_load %arg21[%get3A, %get3A_214] {strides = array<i32>} : memref<160x40xf32, #tpu.memory_space<vmem>>, vector<16xf32>,
          %get3A_216 = arith.index_cast %scan3A_210 : i32 to index
          %get3A_217 = arith.constant 0 : index
          %get3A_218 = tpu.vector_load %arg22[%get3A_216, %get3A_217] {strides = array<i32>} : memref<160x40xf32, #tpu.memory_space<vmem>>, vector<16xf32>,
          %add3A_219 = arith.addf %get3A_215, %get3A_218 : vector<16xf32>
          %mul3A_220 = arith.mulf %gather3A, %add3A_219 : vector<16xf32>
          %add3A_221 = arith.constant 160 : i32
          %add3A_222 = arith.addi %add3A_221, %scan3A_210 : i32
          %get3A_223 = arith.index_cast %add3A_222 : i32 to index
          %get3A_224 = arith.constant 0 : index
          %get3A_225 = tpu.vector_load %arg23[%get3A_223, %get3A_224] {strides = array<i32>} : memref<320x40xf32, #tpu.memory_space<vmem>>, vector<16xf32>,
          %add3A_226 = arith.addf %mul3A_220, %get3A_225 : vector<16xf32>
          %get3A_227 = arith.index_cast %scan3A_210 : i32 to index
          %get3A_228 = arith.constant 16 : index
          %get3A_229 = tpu.vector_load %arg21[%get3A_227, %get3A_228] {strides = array<i32>} : memref<160x40xf32, #tpu.memory_space<vmem>>, vector<16xf32>,
          %get3A_230 = arith.index_cast %scan3A_210 : i32 to index
          %get3A_231 = arith.constant 16 : index
          %get3A_232 = tpu.vector_load %arg22[%get3A_230, %get3A_231] {strides = array<i32>} : memref<160x40xf32, #tpu.memory_space<vmem>>, vector<16xf32>,
          %add3A_233 = arith.addf %get3A_229, %get3A_232 : vector<16xf32>
          %mul3A_234 = arith.mulf %gather3A, %add3A_233 : vector<16xf32>
          %add3A_235 = arith.constant 160 : i32
          %add3A_236 = arith.addi %add3A_235, %scan3A_210 : i32
          %get3A_237 = arith.index_cast %add3A_236 : i32 to index
          %get3A_238 = arith.constant 16 : index
          %get3A_239 = tpu.vector_load %arg23[%get3A_237, %get3A_238] {strides = array<i32>} : memref<320x40xf32, #tpu.memory_space<vmem>>, vector<16xf32>,
          %add3A_240 = arith.addf %mul3A_234, %get3A_239 : vector<16xf32>
          %get3A_241 = arith.index_cast %scan3A_210 : i32 to index
          %get3A_242 = arith.constant 24 : index
          %get3A_243 = tpu.vector_load %arg21[%get3A_241, %get3A_242] {strides = array<i32>} : memref<160x40xf32, #tpu.memory_space<vmem>>, vector<16xf32>,
          %get3A_244 = arith.index_cast %scan3A_210 : i32 to index
          %get3A_245 = arith.constant 24 : index
          %get3A_246 = tpu.vector_load %arg22[%get3A_244, %get3A_245] {strides = array<i32>} : memref<160x40xf32, #tpu.memory_space<vmem>>, vector<16xf32>,
          %add3A_247 = arith.addf %get3A_243, %get3A_246 : vector<16xf32>
          %mul3A_248 = arith.mulf %gather3A, %add3A_247 : vector<16xf32>
          %add3A_249 = arith.constant 160 : i32
          %add3A_250 = arith.addi %add3A_249, %scan3A_210 : i32
          %get3A_251 = arith.index_cast %add3A_250 : i32 to index
          %get3A_252 = arith.constant 24 : index
          %get3A_253 = tpu.vector_load %arg23[%get3A_251, %get3A_252] {strides = array<i32>} : memref<320x40xf32, #tpu.memory_space<vmem>>, vector<16xf32>,
          %add3A_254 = arith.addf %mul3A_248, %get3A_253 : vector<16xf32>
          %swap3A_255 = arith.index_cast %scan3A_210 : i32 to index
          %swap3A_256 = arith.constant 0 : index
          %swap3A_257 = tpu.vector_load %arg21[%swap3A_255, %swap3A_256] {strides = array<i32>} : memref<160x40xf32, #tpu.memory_space<vmem>>, vector<16xf32>,
          tpu.vector_store %arg21[%swap3A_255, %swap3A_256], %add3A_226 {strides = array<i32>} : memref<160x40xf32, #tpu.memory_space<vmem>>, vector<16xf32>,
          %swap3A_258 = arith.index_cast %scan3A_210 : i32 to index
          %swap3A_259 = arith.constant 16 : index
          %swap3A_260 = tpu.vector_load %arg21[%swap3A_258, %swap3A_259] {strides = array<i32>} : memref<160x40xf32, #tpu.memory_space<vmem>>, vector<16xf32>,
          tpu.vector_store %arg21[%swap3A_258, %swap3A_259], %add3A_240 {strides = array<i32>} : memref<160x40xf32, #tpu.memory_space<vmem>>, vector<16xf32>,
          %swap3A_261 = arith.index_cast %scan3A_210 : i32 to index
          %swap3A_262 = arith.constant 24 : index
          %swap3A_263 = tpu.vector_load %arg21[%swap3A_261, %swap3A_262] {strides = array<i32>} : memref<160x40xf32, #tpu.memory_space<vmem>>, vector<16xf32>,
          tpu.vector_store %arg21[%swap3A_261, %swap3A_262], %add3A_254 {strides = array<i32>} : memref<160x40xf32, #tpu.memory_space<vmem>>, vector<16xf32>,
          %scan3A_264 = arith.constant 1 : i32
          %scan3A_265 = arith.addi %scan3A_210, %scan3A_264 : i32
          %add3A_266 = arith.constant 160 : i32
          %add3A_267 = arith.addi %add3A_266, %scan3A_265 : i32
          %broadcast_in_dim3A_268 = vector.broadcast %add3A_267 : i32 to vector<16xi32>
          %gather3A_269 = tpu.vector_load_idx %arg11[%broadcast_in_dim3A_268] : memref<320xf32, #tpu.memory_space<vmem>>[vector<16xi32>], vector<16xf32>,
          %get3A_270 = arith.index_cast %scan3A_265 : i32 to index
          %get3A_271 = arith.constant 0 : index
          %get3A_272 = tpu.vector_load %arg21[%get3A_270, %get3A_271] {strides = array<i32>} : memref<160x40xf32, #tpu.memory_space<vmem>>, vector<16xf32>,
          %get3A_273 = arith.index_cast %scan3A_265 : i32 to index
          %get3A_274 = arith.constant 0 : index
          %get3A_275 = tpu.vector_load %arg22[%get3A_273, %get3A_274] {strides = array<i32>} : memref<160x40xf32, #tpu.memory_space<vmem>>, vector<16xf32>,
          %add3A_276 = arith.addf %get3A_272, %get3A_275 : vector<16xf32>
          %mul3A_277 = arith.mulf %gather3A_269, %add3A_276 : vector<16xf32>
          %add3A_278 = arith.constant 160 : i32
          %add3A_279 = arith.addi %add3A_278, %scan3A_265 : i32
          %get3A_280 = arith.index_cast %add3A_279 : i32 to index
          %get3A_281 = arith.constant 0 : index
          %get3A_282 = tpu.vector_load %arg23[%get3A_280, %get3A_281] {strides = array<i32>} : memref<320x40xf32, #tpu.memory_space<vmem>>, vector<16xf32>,
          %add3A_283 = arith.addf %mul3A_277, %get3A_282 : vector<16xf32>
          %get3A_284 = arith.index_cast %scan3A_265 : i32 to index
          %get3A_285 = arith.constant 16 : index
          %get3A_286 = tpu.vector_load %arg21[%get3A_284, %get3A_285] {strides = array<i32>} : memref<160x40xf32, #tpu.memory_space<vmem>>, vector<16xf32>,
          %get3A_287 = arith.index_cast %scan3A_265 : i32 to index
          %get3A_288 = arith.constant 16 : index
          %get3A_289 = tpu.vector_load %arg22[%get3A_287, %get3A_288] {strides = array<i32>} : memref<160x40xf32, #tpu.memory_space<vmem>>, vector<16xf32>,
          %add3A_290 = arith.addf %get3A_286, %get3A_289 : vector<16xf32>
          %mul3A_291 = arith.mulf %gather3A_269, %add3A_290 : vector<16xf32>
          %add3A_292 = arith.constant 160 : i32
          %add3A_293 = arith.addi %add3A_292, %scan3A_265 : i32
          %get3A_294 = arith.index_cast %add3A_293 : i32 to index
          %get3A_295 = arith.constant 16 : index
          %get3A_296 = tpu.vector_load %arg23[%get3A_294, %get3A_295] {strides = array<i32>} : memref<320x40xf32, #tpu.memory_space<vmem>>, vector<16xf32>,
          %add3A_297 = arith.addf %mul3A_291, %get3A_296 : vector<16xf32>
          %get3A_298 = arith.index_cast %scan3A_265 : i32 to index
          %get3A_299 = arith.constant 24 : index
          %get3A_300 = tpu.vector_load %arg21[%get3A_298, %get3A_299] {strides = array<i32>} : memref<160x40xf32, #tpu.memory_space<vmem>>, vector<16xf32>,
          %get3A_301 = arith.index_cast %scan3A_265 : i32 to index
          %get3A_302 = arith.constant 24 : index
          %get3A_303 = tpu.vector_load %arg22[%get3A_301, %get3A_302] {strides = array<i32>} : memref<160x40xf32, #tpu.memory_space<vmem>>, vector<16xf32>,
          %add3A_304 = arith.addf %get3A_300, %get3A_303 : vector<16xf32>
          %mul3A_305 = arith.mulf %gather3A_269, %add3A_304 : vector<16xf32>
          %add3A_306 = arith.constant 160 : i32
          %add3A_307 = arith.addi %add3A_306, %scan3A_265 : i32
          %get3A_308 = arith.index_cast %add3A_307 : i32 to index
          %get3A_309 = arith.constant 24 : index
          %get3A_310 = tpu.vector_load %arg23[%get3A_308, %get3A_309] {strides = array<i32>} : memref<320x40xf32, #tpu.memory_space<vmem>>, vector<16xf32>,
          %add3A_311 = arith.addf %mul3A_305, %get3A_310 : vector<16xf32>
          %swap3A_312 = arith.index_cast %scan3A_265 : i32 to index
          %swap3A_313 = arith.constant 0 : index
          %swap3A_314 = tpu.vector_load %arg21[%swap3A_312, %swap3A_313] {strides = array<i32>} : memref<160x40xf32, #tpu.memory_space<vmem>>, vector<16xf32>,
          tpu.vector_store %arg21[%swap3A_312, %swap3A_313], %add3A_283 {strides = array<i32>} : memref<160x40xf32, #tpu.memory_space<vmem>>, vector<16xf32>,
          %swap3A_315 = arith.index_cast %scan3A_265 : i32 to index
          %swap3A_316 = arith.constant 16 : index
          %swap3A_317 = tpu.vector_load %arg21[%swap3A_315, %swap3A_316] {strides = array<i32>} : memref<160x40xf32, #tpu.memory_space<vmem>>, vector<16xf32>,
          tpu.vector_store %arg21[%swap3A_315, %swap3A_316], %add3A_297 {strides = array<i32>} : memref<160x40xf32, #tpu.memory_space<vmem>>, vector<16xf32>,
          %swap3A_318 = arith.index_cast %scan3A_265 : i32 to index
          %swap3A_319 = arith.constant 24 : index
          %swap3A_320 = tpu.vector_load %arg21[%swap3A_318, %swap3A_319] {strides = array<i32>} : memref<160x40xf32, #tpu.memory_space<vmem>>, vector<16xf32>,
          tpu.vector_store %arg21[%swap3A_318, %swap3A_319], %add3A_311 {strides = array<i32>} : memref<160x40xf32, #tpu.memory_space<vmem>>, vector<16xf32>,
        }
        %scan3A_198 = arith.constant 160 : i32
        "tpu.region"() ({
          %run_scoped3A = tpu.sem_alloc : memref<!tpu.dma_semaphore, #tpu.memory_space<semaphore_mem>>
          %dma_start3A_210 = arith.constant 0 : i32
          %dma_start3A_211 = tpu.memref_slice %arg34[%add3A_193, %dma_start3A_210] : memref<10240x40xf32, #tpu.memory_space<vmem_shared>> -> memref<160x40xf32, #tpu.memory_space<vmem_shared>>
          %dma_start3A_212 = arith.constant 0 : i32
          %dma_start3A_213 = tpu.memref_slice %arg34[%add3A_193, %dma_start3A_212] : memref<10240x40xf32, #tpu.memory_space<vmem_shared>> -> memref<160x40xf32, #tpu.memory_space<vmem_shared>>
          tpu.enqueue_dma source(%arg21 : memref<160x40xf32, #tpu.memory_space<vmem>>) target(%dma_start3A_213 : memref<160x40xf32, #tpu.memory_space<vmem_shared>>) target_semaphore(%run_scoped3A : memref<!tpu.dma_semaphore, #tpu.memory_space<semaphore_mem>>)
          %dma_wait3A_214 = arith.constant 0 : i32
          %dma_wait3A_215 = tpu.memref_slice %arg34[%add3A_193, %dma_wait3A_214] : memref<10240x40xf32, #tpu.memory_space<vmem_shared>> -> memref<160x40xf32, #tpu.memory_space<vmem_shared>>
          %dma_wait3A_216 = arith.constant 0 : i32
          %dma_wait3A_217 = tpu.memref_slice %arg34[%add3A_193, %dma_wait3A_216] : memref<10240x40xf32, #tpu.memory_space<vmem_shared>> -> memref<160x40xf32, #tpu.memory_space<vmem_shared>>
          tpu.wait_dma2 semaphore(%run_scoped3A : memref<!tpu.dma_semaphore, #tpu.memory_space<semaphore_mem>>) src(%arg21 : memref<160x40xf32, #tpu.memory_space<vmem>>) dst(%dma_wait3A_217 : memref<160x40xf32, #tpu.memory_space<vmem_shared>>)
          tpu.yield
        }) : () -> ()
        "tpu.region"() ({
          %run_scoped3A = tpu.sem_alloc : memref<!tpu.dma_semaphore, #tpu.memory_space<semaphore_mem>>
          %dma_start3A_210 = arith.constant 0 : i32
          %dma_start3A_211 = tpu.memref_slice %arg35[%add3A_193, %dma_start3A_210] : memref<10240x40xf32, #tpu.memory_space<vmem_shared>> -> memref<160x40xf32, #tpu.memory_space<vmem_shared>>
          %dma_start3A_212 = arith.constant 0 : i32
          %dma_start3A_213 = tpu.memref_slice %arg35[%add3A_193, %dma_start3A_212] : memref<10240x40xf32, #tpu.memory_space<vmem_shared>> -> memref<160x40xf32, #tpu.memory_space<vmem_shared>>
          tpu.enqueue_dma source(%arg21 : memref<160x40xf32, #tpu.memory_space<vmem>>) target(%dma_start3A_213 : memref<160x40xf32, #tpu.memory_space<vmem_shared>>) target_semaphore(%run_scoped3A : memref<!tpu.dma_semaphore, #tpu.memory_space<semaphore_mem>>)
          %dma_wait3A_214 = arith.constant 0 : i32
          %dma_wait3A_215 = tpu.memref_slice %arg35[%add3A_193, %dma_wait3A_214] : memref<10240x40xf32, #tpu.memory_space<vmem_shared>> -> memref<160x40xf32, #tpu.memory_space<vmem_shared>>
          %dma_wait3A_216 = arith.constant 0 : i32
          %dma_wait3A_217 = tpu.memref_slice %arg35[%add3A_193, %dma_wait3A_216] : memref<10240x40xf32, #tpu.memory_space<vmem_shared>> -> memref<160x40xf32, #tpu.memory_space<vmem_shared>>
          tpu.wait_dma2 semaphore(%run_scoped3A : memref<!tpu.dma_semaphore, #tpu.memory_space<semaphore_mem>>) src(%arg21 : memref<160x40xf32, #tpu.memory_space<vmem>>) dst(%dma_wait3A_217 : memref<160x40xf32, #tpu.memory_space<vmem_shared>>)
          tpu.yield
        }) : () -> ()
        "tpu.region"() ({
          %run_scoped3A = tpu.sem_alloc : memref<!tpu.dma_semaphore, #tpu.memory_space<semaphore_mem>>
          %dma_start3A_210 = arith.constant 0 : i32
          %dma_start3A_211 = tpu.memref_slice %arg5[%add3A_193, %dma_start3A_210] : memref<10240x40xf32, #tpu.memory_space<hbm>> -> memref<160x40xf32, #tpu.memory_space<hbm>>
          %dma_start3A_212 = arith.constant 0 : i32
          %dma_start3A_213 = tpu.memref_slice %arg5[%add3A_193, %dma_start3A_212] : memref<10240x40xf32, #tpu.memory_space<hbm>> -> memref<160x40xf32, #tpu.memory_space<hbm>>
          tpu.enqueue_dma source(%arg21 : memref<160x40xf32, #tpu.memory_space<vmem>>) target(%dma_start3A_213 : memref<160x40xf32, #tpu.memory_space<hbm>>) target_semaphore(%run_scoped3A : memref<!tpu.dma_semaphore, #tpu.memory_space<semaphore_mem>>)
          %dma_wait3A_214 = arith.constant 0 : i32
          %dma_wait3A_215 = tpu.memref_slice %arg5[%add3A_193, %dma_wait3A_214] : memref<10240x40xf32, #tpu.memory_space<hbm>> -> memref<160x40xf32, #tpu.memory_space<hbm>>
          %dma_wait3A_216 = arith.constant 0 : i32
          %dma_wait3A_217 = tpu.memref_slice %arg5[%add3A_193, %dma_wait3A_216] : memref<10240x40xf32, #tpu.memory_space<hbm>> -> memref<160x40xf32, #tpu.memory_space<hbm>>
          tpu.wait_dma2 semaphore(%run_scoped3A : memref<!tpu.dma_semaphore, #tpu.memory_space<semaphore_mem>>) src(%arg21 : memref<160x40xf32, #tpu.memory_space<vmem>>) dst(%dma_wait3A_217 : memref<160x40xf32, #tpu.memory_space<hbm>>)
          tpu.yield
        }) : () -> ()
        %add3A_199 = arith.constant 0 : i32
        %add3A_200 = arith.addi %add3A_13, %add3A_199 : i32
        "tpu.region"() ({
          %run_scoped3A = tpu.sem_alloc : memref<!tpu.dma_semaphore, #tpu.memory_space<semaphore_mem>>
          %dma_start3A_210 = arith.constant 0 : i32
          %dma_start3A_211 = tpu.memref_slice %arg35[%add3A_200, %dma_start3A_210] : memref<10240x40xf32, #tpu.memory_space<vmem_shared>> -> memref<160x40xf32, #tpu.memory_space<vmem_shared>>
          %dma_start3A_212 = arith.constant 0 : i32
          %dma_start3A_213 = tpu.memref_slice %arg35[%add3A_200, %dma_start3A_212] : memref<10240x40xf32, #tpu.memory_space<vmem_shared>> -> memref<160x40xf32, #tpu.memory_space<vmem_shared>>
          tpu.enqueue_dma source(%arg24 : memref<160x40xf32, #tpu.memory_space<vmem>>) target(%dma_start3A_213 : memref<160x40xf32, #tpu.memory_space<vmem_shared>>) target_semaphore(%run_scoped3A : memref<!tpu.dma_semaphore, #tpu.memory_space<semaphore_mem>>)
          %dma_wait3A_214 = arith.constant 0 : i32
          %dma_wait3A_215 = tpu.memref_slice %arg35[%add3A_200, %dma_wait3A_214] : memref<10240x40xf32, #tpu.memory_space<vmem_shared>> -> memref<160x40xf32, #tpu.memory_space<vmem_shared>>
          %dma_wait3A_216 = arith.constant 0 : i32
          %dma_wait3A_217 = tpu.memref_slice %arg35[%add3A_200, %dma_wait3A_216] : memref<10240x40xf32, #tpu.memory_space<vmem_shared>> -> memref<160x40xf32, #tpu.memory_space<vmem_shared>>
          tpu.wait_dma2 semaphore(%run_scoped3A : memref<!tpu.dma_semaphore, #tpu.memory_space<semaphore_mem>>) src(%arg24 : memref<160x40xf32, #tpu.memory_space<vmem>>) dst(%dma_wait3A_217 : memref<160x40xf32, #tpu.memory_space<vmem_shared>>)
          tpu.yield
        }) : () -> ()
        %add3A_201 = arith.constant 160 : i32
        %add3A_202 = arith.addi %add3A_13, %add3A_201 : i32
        "tpu.region"() ({
          %run_scoped3A = tpu.sem_alloc : memref<!tpu.dma_semaphore, #tpu.memory_space<semaphore_mem>>
          %dma_start3A_210 = arith.constant 0 : i32
          %dma_start3A_211 = tpu.memref_slice %arg35[%add3A_202, %dma_start3A_210] : memref<10240x40xf32, #tpu.memory_space<vmem_shared>> -> memref<160x40xf32, #tpu.memory_space<vmem_shared>>
          %dma_start3A_212 = arith.constant 0 : i32
          %dma_start3A_213 = tpu.memref_slice %arg35[%add3A_202, %dma_start3A_212] : memref<10240x40xf32, #tpu.memory_space<vmem_shared>> -> memref<160x40xf32, #tpu.memory_space<vmem_shared>>
          tpu.enqueue_dma source(%arg24 : memref<160x40xf32, #tpu.memory_space<vmem>>) target(%dma_start3A_213 : memref<160x40xf32, #tpu.memory_space<vmem_shared>>) target_semaphore(%run_scoped3A : memref<!tpu.dma_semaphore, #tpu.memory_space<semaphore_mem>>)
          %dma_wait3A_214 = arith.constant 0 : i32
          %dma_wait3A_215 = tpu.memref_slice %arg35[%add3A_202, %dma_wait3A_214] : memref<10240x40xf32, #tpu.memory_space<vmem_shared>> -> memref<160x40xf32, #tpu.memory_space<vmem_shared>>
          %dma_wait3A_216 = arith.constant 0 : i32
          %dma_wait3A_217 = tpu.memref_slice %arg35[%add3A_202, %dma_wait3A_216] : memref<10240x40xf32, #tpu.memory_space<vmem_shared>> -> memref<160x40xf32, #tpu.memory_space<vmem_shared>>
          tpu.wait_dma2 semaphore(%run_scoped3A : memref<!tpu.dma_semaphore, #tpu.memory_space<semaphore_mem>>) src(%arg24 : memref<160x40xf32, #tpu.memory_space<vmem>>) dst(%dma_wait3A_217 : memref<160x40xf32, #tpu.memory_space<vmem_shared>>)
          tpu.yield
        }) : () -> ()
        %barrier3A_203 = arith.constant 0 : index
        tpu.barrier barrier_id(%barrier3A_203)
        %eq3A_204 = arith.constant 0 : i32
        %eq3A_205 = arith.cmpi eq, %arg1, %eq3A_204 : i32
        %convert_element_type3A_206 = arith.extui %eq3A_205 : i1 to i32
        %cond3A_207 = arith.constant 0 : i32
        %cond3A_208 = arith.cmpi ne, %convert_element_type3A_206, %cond3A_207 : i32
        scf.if %cond3A_208 {
          %sub3A_210 = arith.constant 1 : i32
          %sub3A_211 = arith.subi %sub3A_210, %arg0 : i32
          %semaphore_signal3A = arith.constant 1 : i32
          tpu.sem_signal %arg33, %semaphore_signal3A core_id %sub3A_211 : memref<!tpu.semaphore, #tpu.memory_space<semaphore_mem>>
          %semaphore_wait3A = arith.constant 1 : i32
          %semaphore_wait3A_212 = arith.constant true
          tpu.sem_wait %arg33, %semaphore_wait3A : memref<!tpu.semaphore, #tpu.memory_space<semaphore_mem>>
        } else {
        }
        %barrier3A_209 = arith.constant 0 : index
        tpu.barrier barrier_id(%barrier3A_209)
        "tpu.region"() ({
          %run_scoped3A = tpu.sem_alloc : memref<!tpu.dma_semaphore, #tpu.memory_space<semaphore_mem>>
          %dma_start3A_210 = arith.constant 0 : i32
          %dma_start3A_211 = tpu.memref_slice %arg34[%add3A_13, %dma_start3A_210] : memref<10240x40xf32, #tpu.memory_space<vmem_shared>> -> memref<320x40xf32, #tpu.memory_space<vmem_shared>>
          %dma_start3A_212 = arith.constant 0 : i32
          %dma_start3A_213 = tpu.memref_slice %arg5[%add3A_13, %dma_start3A_212] : memref<10240x40xf32, #tpu.memory_space<hbm>> -> memref<320x40xf32, #tpu.memory_space<hbm>>
          tpu.enqueue_dma source(%dma_start3A_213 : memref<320x40xf32, #tpu.memory_space<hbm>>) target(%dma_start3A_211 : memref<320x40xf32, #tpu.memory_space<vmem_shared>>) target_semaphore(%run_scoped3A : memref<!tpu.dma_semaphore, #tpu.memory_space<semaphore_mem>>)
          %dma_wait3A_214 = arith.constant 0 : i32
          %dma_wait3A_215 = tpu.memref_slice %arg34[%add3A_13, %dma_wait3A_214] : memref<10240x40xf32, #tpu.memory_space<vmem_shared>> -> memref<320x40xf32, #tpu.memory_space<vmem_shared>>
          %dma_wait3A_216 = arith.constant 0 : i32
          %dma_wait3A_217 = tpu.memref_slice %arg5[%add3A_13, %dma_wait3A_216] : memref<10240x40xf32, #tpu.memory_space<hbm>> -> memref<320x40xf32, #tpu.memory_space<hbm>>
          tpu.wait_dma2 semaphore(%run_scoped3A : memref<!tpu.dma_semaphore, #tpu.memory_space<semaphore_mem>>) src(%dma_wait3A_217 : memref<320x40xf32, #tpu.memory_space<hbm>>) dst(%dma_wait3A_215 : memref<320x40xf32, #tpu.memory_space<vmem_shared>>)
          tpu.yield
        }) : () -> ()
      } else {
      }
      %eq3A_172 = arith.constant 1 : i32
      %eq3A_173 = arith.cmpi eq, %arg0, %eq3A_172 : i32
      %convert_element_type3A_174 = arith.extui %eq3A_173 : i1 to i32
      %cond3A_175 = arith.constant 0 : i32
      %cond3A_176 = arith.cmpi ne, %convert_element_type3A_174, %cond3A_175 : i32
      scf.if %cond3A_176 {
        "tpu.region"() ({
          %run_scoped3A = tpu.sem_alloc : memref<!tpu.dma_semaphore, #tpu.memory_space<semaphore_mem>>
          %dma_start3A_210 = arith.constant 0 : i32
          %dma_start3A_211 = tpu.memref_slice %arg8[%add3A_13, %dma_start3A_210] : memref<10240x40xf32, #tpu.memory_space<hbm>> -> memref<320x40xf32, #tpu.memory_space<hbm>>
          %dma_start3A_212 = arith.constant 0 : i32
          %dma_start3A_213 = tpu.memref_slice %arg35[%add3A_13, %dma_start3A_212] : memref<10240x40xf32, #tpu.memory_space<vmem_shared>> -> memref<320x40xf32, #tpu.memory_space<vmem_shared>>
          tpu.enqueue_dma source(%dma_start3A_213 : memref<320x40xf32, #tpu.memory_space<vmem_shared>>) target(%dma_start3A_211 : memref<320x40xf32, #tpu.memory_space<hbm>>) target_semaphore(%run_scoped3A : memref<!tpu.dma_semaphore, #tpu.memory_space<semaphore_mem>>)
          %dma_wait3A_214 = arith.constant 0 : i32
          %dma_wait3A_215 = tpu.memref_slice %arg8[%add3A_13, %dma_wait3A_214] : memref<10240x40xf32, #tpu.memory_space<hbm>> -> memref<320x40xf32, #tpu.memory_space<hbm>>
          %dma_wait3A_216 = arith.constant 0 : i32
          %dma_wait3A_217 = tpu.memref_slice %arg35[%add3A_13, %dma_wait3A_216] : memref<10240x40xf32, #tpu.memory_space<vmem_shared>> -> memref<320x40xf32, #tpu.memory_space<vmem_shared>>
          tpu.wait_dma2 semaphore(%run_scoped3A : memref<!tpu.dma_semaphore, #tpu.memory_space<semaphore_mem>>) src(%dma_wait3A_217 : memref<320x40xf32, #tpu.memory_space<vmem_shared>>) dst(%dma_wait3A_215 : memref<320x40xf32, #tpu.memory_space<hbm>>)
          tpu.yield
        }) : () -> ()
        %barrier3A_178 = arith.constant 0 : index
        tpu.barrier barrier_id(%barrier3A_178)
        %eq3A_179 = arith.constant 0 : i32
        %eq3A_180 = arith.cmpi eq, %arg1, %eq3A_179 : i32
        %convert_element_type3A_181 = arith.extui %eq3A_180 : i1 to i32
        %cond3A_182 = arith.constant 0 : i32
        %cond3A_183 = arith.cmpi ne, %convert_element_type3A_181, %cond3A_182 : i32
        scf.if %cond3A_183 {
          %sub3A_210 = arith.constant 1 : i32
          %sub3A_211 = arith.subi %sub3A_210, %arg0 : i32
          %semaphore_signal3A = arith.constant 1 : i32
          tpu.sem_signal %arg33, %semaphore_signal3A core_id %sub3A_211 : memref<!tpu.semaphore, #tpu.memory_space<semaphore_mem>>
          %semaphore_wait3A = arith.constant 1 : i32
          %semaphore_wait3A_212 = arith.constant true
          tpu.sem_wait %arg33, %semaphore_wait3A : memref<!tpu.semaphore, #tpu.memory_space<semaphore_mem>>
        } else {
        }
        %barrier3A_184 = arith.constant 0 : index
        tpu.barrier barrier_id(%barrier3A_184)
        %add3A_185 = arith.constant 0 : i32
        %add3A_186 = arith.addi %add3A_7, %add3A_185 : i32
        "tpu.region"() ({
          %run_scoped3A = tpu.sem_alloc : memref<!tpu.dma_semaphore, #tpu.memory_space<semaphore_mem>>
          %dma_start3A_210 = arith.constant 0 : i32
          %dma_start3A_211 = tpu.memref_slice %arg35[%add3A_186, %dma_start3A_210] : memref<10240x40xf32, #tpu.memory_space<vmem_shared>> -> memref<160x40xf32, #tpu.memory_space<vmem_shared>>
          %dma_start3A_212 = arith.constant 0 : i32
          %dma_start3A_213 = tpu.memref_slice %arg35[%add3A_186, %dma_start3A_212] : memref<10240x40xf32, #tpu.memory_space<vmem_shared>> -> memref<160x40xf32, #tpu.memory_space<vmem_shared>>
          tpu.enqueue_dma source(%dma_start3A_213 : memref<160x40xf32, #tpu.memory_space<vmem_shared>>) target(%arg21 : memref<160x40xf32, #tpu.memory_space<vmem>>) target_semaphore(%run_scoped3A : memref<!tpu.dma_semaphore, #tpu.memory_space<semaphore_mem>>)
          %dma_wait3A_214 = arith.constant 0 : i32
          %dma_wait3A_215 = tpu.memref_slice %arg35[%add3A_186, %dma_wait3A_214] : memref<10240x40xf32, #tpu.memory_space<vmem_shared>> -> memref<160x40xf32, #tpu.memory_space<vmem_shared>>
          %dma_wait3A_216 = arith.constant 0 : i32
          %dma_wait3A_217 = tpu.memref_slice %arg35[%add3A_186, %dma_wait3A_216] : memref<10240x40xf32, #tpu.memory_space<vmem_shared>> -> memref<160x40xf32, #tpu.memory_space<vmem_shared>>
          tpu.wait_dma2 semaphore(%run_scoped3A : memref<!tpu.dma_semaphore, #tpu.memory_space<semaphore_mem>>) src(%dma_wait3A_217 : memref<160x40xf32, #tpu.memory_space<vmem_shared>>) dst(%arg21 : memref<160x40xf32, #tpu.memory_space<vmem>>)
          tpu.yield
        }) : () -> ()
        "tpu.region"() ({
          %run_scoped3A = tpu.sem_alloc : memref<!tpu.dma_semaphore, #tpu.memory_space<semaphore_mem>>
          %dma_start3A_210 = arith.constant 0 : i32
          %dma_start3A_211 = tpu.memref_slice %arg7[%add3A_186, %dma_start3A_210] : memref<10240x40xf32, #tpu.memory_space<hbm>> -> memref<160x40xf32, #tpu.memory_space<hbm>>
          %dma_start3A_212 = arith.constant 0 : i32
          %dma_start3A_213 = tpu.memref_slice %arg7[%add3A_186, %dma_start3A_212] : memref<10240x40xf32, #tpu.memory_space<hbm>> -> memref<160x40xf32, #tpu.memory_space<hbm>>
          tpu.enqueue_dma source(%dma_start3A_213 : memref<160x40xf32, #tpu.memory_space<hbm>>) target(%arg22 : memref<160x40xf32, #tpu.memory_space<vmem>>) target_semaphore(%run_scoped3A : memref<!tpu.dma_semaphore, #tpu.memory_space<semaphore_mem>>)
          %dma_wait3A_214 = arith.constant 0 : i32
          %dma_wait3A_215 = tpu.memref_slice %arg7[%add3A_186, %dma_wait3A_214] : memref<10240x40xf32, #tpu.memory_space<hbm>> -> memref<160x40xf32, #tpu.memory_space<hbm>>
          %dma_wait3A_216 = arith.constant 0 : i32
          %dma_wait3A_217 = tpu.memref_slice %arg7[%add3A_186, %dma_wait3A_216] : memref<10240x40xf32, #tpu.memory_space<hbm>> -> memref<160x40xf32, #tpu.memory_space<hbm>>
          tpu.wait_dma2 semaphore(%run_scoped3A : memref<!tpu.dma_semaphore, #tpu.memory_space<semaphore_mem>>) src(%dma_wait3A_217 : memref<160x40xf32, #tpu.memory_space<hbm>>) dst(%arg22 : memref<160x40xf32, #tpu.memory_space<vmem>>)
          tpu.yield
        }) : () -> ()
        %scan3A_187 = arith.constant 0 : i32
        %scan3A_188 = arith.constant 160 : i32
        %scan3A_189 = arith.addi %scan3A_187, %scan3A_188 : i32
        %scan3A_190 = arith.constant 2 : i32
        scf.for %scan3A_210 = %scan3A_187 to %scan3A_189 step %scan3A_190  : i32 {
          %add3A_211 = arith.constant 0 : i32
          %add3A_212 = arith.addi %add3A_211, %scan3A_210 : i32
          %broadcast_in_dim3A_213 = vector.broadcast %add3A_212 : i32 to vector<16xi32>
          %gather3A = tpu.vector_load_idx %arg11[%broadcast_in_dim3A_213] : memref<320xf32, #tpu.memory_space<vmem>>[vector<16xi32>], vector<16xf32>,
          %get3A = arith.index_cast %scan3A_210 : i32 to index
          %get3A_214 = arith.constant 0 : index
          %get3A_215 = tpu.vector_load %arg21[%get3A, %get3A_214] {strides = array<i32>} : memref<160x40xf32, #tpu.memory_space<vmem>>, vector<16xf32>,
          %get3A_216 = arith.index_cast %scan3A_210 : i32 to index
          %get3A_217 = arith.constant 0 : index
          %get3A_218 = tpu.vector_load %arg22[%get3A_216, %get3A_217] {strides = array<i32>} : memref<160x40xf32, #tpu.memory_space<vmem>>, vector<16xf32>,
          %add3A_219 = arith.addf %get3A_215, %get3A_218 : vector<16xf32>
          %mul3A_220 = arith.mulf %gather3A, %add3A_219 : vector<16xf32>
          %add3A_221 = arith.constant 0 : i32
          %add3A_222 = arith.addi %add3A_221, %scan3A_210 : i32
          %get3A_223 = arith.index_cast %add3A_222 : i32 to index
          %get3A_224 = arith.constant 0 : index
          %get3A_225 = tpu.vector_load %arg23[%get3A_223, %get3A_224] {strides = array<i32>} : memref<320x40xf32, #tpu.memory_space<vmem>>, vector<16xf32>,
          %add3A_226 = arith.addf %mul3A_220, %get3A_225 : vector<16xf32>
          %get3A_227 = arith.index_cast %scan3A_210 : i32 to index
          %get3A_228 = arith.constant 16 : index
          %get3A_229 = tpu.vector_load %arg21[%get3A_227, %get3A_228] {strides = array<i32>} : memref<160x40xf32, #tpu.memory_space<vmem>>, vector<16xf32>,
          %get3A_230 = arith.index_cast %scan3A_210 : i32 to index
          %get3A_231 = arith.constant 16 : index
          %get3A_232 = tpu.vector_load %arg22[%get3A_230, %get3A_231] {strides = array<i32>} : memref<160x40xf32, #tpu.memory_space<vmem>>, vector<16xf32>,
          %add3A_233 = arith.addf %get3A_229, %get3A_232 : vector<16xf32>
          %mul3A_234 = arith.mulf %gather3A, %add3A_233 : vector<16xf32>
          %add3A_235 = arith.constant 0 : i32
          %add3A_236 = arith.addi %add3A_235, %scan3A_210 : i32
          %get3A_237 = arith.index_cast %add3A_236 : i32 to index
          %get3A_238 = arith.constant 16 : index
          %get3A_239 = tpu.vector_load %arg23[%get3A_237, %get3A_238] {strides = array<i32>} : memref<320x40xf32, #tpu.memory_space<vmem>>, vector<16xf32>,
          %add3A_240 = arith.addf %mul3A_234, %get3A_239 : vector<16xf32>
          %get3A_241 = arith.index_cast %scan3A_210 : i32 to index
          %get3A_242 = arith.constant 24 : index
          %get3A_243 = tpu.vector_load %arg21[%get3A_241, %get3A_242] {strides = array<i32>} : memref<160x40xf32, #tpu.memory_space<vmem>>, vector<16xf32>,
          %get3A_244 = arith.index_cast %scan3A_210 : i32 to index
          %get3A_245 = arith.constant 24 : index
          %get3A_246 = tpu.vector_load %arg22[%get3A_244, %get3A_245] {strides = array<i32>} : memref<160x40xf32, #tpu.memory_space<vmem>>, vector<16xf32>,
          %add3A_247 = arith.addf %get3A_243, %get3A_246 : vector<16xf32>
          %mul3A_248 = arith.mulf %gather3A, %add3A_247 : vector<16xf32>
          %add3A_249 = arith.constant 0 : i32
          %add3A_250 = arith.addi %add3A_249, %scan3A_210 : i32
          %get3A_251 = arith.index_cast %add3A_250 : i32 to index
          %get3A_252 = arith.constant 24 : index
          %get3A_253 = tpu.vector_load %arg23[%get3A_251, %get3A_252] {strides = array<i32>} : memref<320x40xf32, #tpu.memory_space<vmem>>, vector<16xf32>,
          %add3A_254 = arith.addf %mul3A_248, %get3A_253 : vector<16xf32>
          %swap3A_255 = arith.index_cast %scan3A_210 : i32 to index
          %swap3A_256 = arith.constant 0 : index
          %swap3A_257 = tpu.vector_load %arg21[%swap3A_255, %swap3A_256] {strides = array<i32>} : memref<160x40xf32, #tpu.memory_space<vmem>>, vector<16xf32>,
          tpu.vector_store %arg21[%swap3A_255, %swap3A_256], %add3A_226 {strides = array<i32>} : memref<160x40xf32, #tpu.memory_space<vmem>>, vector<16xf32>,
          %swap3A_258 = arith.index_cast %scan3A_210 : i32 to index
          %swap3A_259 = arith.constant 16 : index
          %swap3A_260 = tpu.vector_load %arg21[%swap3A_258, %swap3A_259] {strides = array<i32>} : memref<160x40xf32, #tpu.memory_space<vmem>>, vector<16xf32>,
          tpu.vector_store %arg21[%swap3A_258, %swap3A_259], %add3A_240 {strides = array<i32>} : memref<160x40xf32, #tpu.memory_space<vmem>>, vector<16xf32>,
          %swap3A_261 = arith.index_cast %scan3A_210 : i32 to index
          %swap3A_262 = arith.constant 24 : index
          %swap3A_263 = tpu.vector_load %arg21[%swap3A_261, %swap3A_262] {strides = array<i32>} : memref<160x40xf32, #tpu.memory_space<vmem>>, vector<16xf32>,
          tpu.vector_store %arg21[%swap3A_261, %swap3A_262], %add3A_254 {strides = array<i32>} : memref<160x40xf32, #tpu.memory_space<vmem>>, vector<16xf32>,
          %scan3A_264 = arith.constant 1 : i32
          %scan3A_265 = arith.addi %scan3A_210, %scan3A_264 : i32
          %add3A_266 = arith.constant 0 : i32
          %add3A_267 = arith.addi %add3A_266, %scan3A_265 : i32
          %broadcast_in_dim3A_268 = vector.broadcast %add3A_267 : i32 to vector<16xi32>
          %gather3A_269 = tpu.vector_load_idx %arg11[%broadcast_in_dim3A_268] : memref<320xf32, #tpu.memory_space<vmem>>[vector<16xi32>], vector<16xf32>,
          %get3A_270 = arith.index_cast %scan3A_265 : i32 to index
          %get3A_271 = arith.constant 0 : index
          %get3A_272 = tpu.vector_load %arg21[%get3A_270, %get3A_271] {strides = array<i32>} : memref<160x40xf32, #tpu.memory_space<vmem>>, vector<16xf32>,
          %get3A_273 = arith.index_cast %scan3A_265 : i32 to index
          %get3A_274 = arith.constant 0 : index
          %get3A_275 = tpu.vector_load %arg22[%get3A_273, %get3A_274] {strides = array<i32>} : memref<160x40xf32, #tpu.memory_space<vmem>>, vector<16xf32>,
          %add3A_276 = arith.addf %get3A_272, %get3A_275 : vector<16xf32>
          %mul3A_277 = arith.mulf %gather3A_269, %add3A_276 : vector<16xf32>
          %add3A_278 = arith.constant 0 : i32
          %add3A_279 = arith.addi %add3A_278, %scan3A_265 : i32
          %get3A_280 = arith.index_cast %add3A_279 : i32 to index
          %get3A_281 = arith.constant 0 : index
          %get3A_282 = tpu.vector_load %arg23[%get3A_280, %get3A_281] {strides = array<i32>} : memref<320x40xf32, #tpu.memory_space<vmem>>, vector<16xf32>,
          %add3A_283 = arith.addf %mul3A_277, %get3A_282 : vector<16xf32>
          %get3A_284 = arith.index_cast %scan3A_265 : i32 to index
          %get3A_285 = arith.constant 16 : index
          %get3A_286 = tpu.vector_load %arg21[%get3A_284, %get3A_285] {strides = array<i32>} : memref<160x40xf32, #tpu.memory_space<vmem>>, vector<16xf32>,
          %get3A_287 = arith.index_cast %scan3A_265 : i32 to index
          %get3A_288 = arith.constant 16 : index
          %get3A_289 = tpu.vector_load %arg22[%get3A_287, %get3A_288] {strides = array<i32>} : memref<160x40xf32, #tpu.memory_space<vmem>>, vector<16xf32>,
          %add3A_290 = arith.addf %get3A_286, %get3A_289 : vector<16xf32>
          %mul3A_291 = arith.mulf %gather3A_269, %add3A_290 : vector<16xf32>
          %add3A_292 = arith.constant 0 : i32
          %add3A_293 = arith.addi %add3A_292, %scan3A_265 : i32
          %get3A_294 = arith.index_cast %add3A_293 : i32 to index
          %get3A_295 = arith.constant 16 : index
          %get3A_296 = tpu.vector_load %arg23[%get3A_294, %get3A_295] {strides = array<i32>} : memref<320x40xf32, #tpu.memory_space<vmem>>, vector<16xf32>,
          %add3A_297 = arith.addf %mul3A_291, %get3A_296 : vector<16xf32>
          %get3A_298 = arith.index_cast %scan3A_265 : i32 to index
          %get3A_299 = arith.constant 24 : index
          %get3A_300 = tpu.vector_load %arg21[%get3A_298, %get3A_299] {strides = array<i32>} : memref<160x40xf32, #tpu.memory_space<vmem>>, vector<16xf32>,
          %get3A_301 = arith.index_cast %scan3A_265 : i32 to index
          %get3A_302 = arith.constant 24 : index
          %get3A_303 = tpu.vector_load %arg22[%get3A_301, %get3A_302] {strides = array<i32>} : memref<160x40xf32, #tpu.memory_space<vmem>>, vector<16xf32>,
          %add3A_304 = arith.addf %get3A_300, %get3A_303 : vector<16xf32>
          %mul3A_305 = arith.mulf %gather3A_269, %add3A_304 : vector<16xf32>
          %add3A_306 = arith.constant 0 : i32
          %add3A_307 = arith.addi %add3A_306, %scan3A_265 : i32
          %get3A_308 = arith.index_cast %add3A_307 : i32 to index
          %get3A_309 = arith.constant 24 : index
          %get3A_310 = tpu.vector_load %arg23[%get3A_308, %get3A_309] {strides = array<i32>} : memref<320x40xf32, #tpu.memory_space<vmem>>, vector<16xf32>,
          %add3A_311 = arith.addf %mul3A_305, %get3A_310 : vector<16xf32>
          %swap3A_312 = arith.index_cast %scan3A_265 : i32 to index
          %swap3A_313 = arith.constant 0 : index
          %swap3A_314 = tpu.vector_load %arg21[%swap3A_312, %swap3A_313] {strides = array<i32>} : memref<160x40xf32, #tpu.memory_space<vmem>>, vector<16xf32>,
          tpu.vector_store %arg21[%swap3A_312, %swap3A_313], %add3A_283 {strides = array<i32>} : memref<160x40xf32, #tpu.memory_space<vmem>>, vector<16xf32>,
          %swap3A_315 = arith.index_cast %scan3A_265 : i32 to index
          %swap3A_316 = arith.constant 16 : index
          %swap3A_317 = tpu.vector_load %arg21[%swap3A_315, %swap3A_316] {strides = array<i32>} : memref<160x40xf32, #tpu.memory_space<vmem>>, vector<16xf32>,
          tpu.vector_store %arg21[%swap3A_315, %swap3A_316], %add3A_297 {strides = array<i32>} : memref<160x40xf32, #tpu.memory_space<vmem>>, vector<16xf32>,
          %swap3A_318 = arith.index_cast %scan3A_265 : i32 to index
          %swap3A_319 = arith.constant 24 : index
          %swap3A_320 = tpu.vector_load %arg21[%swap3A_318, %swap3A_319] {strides = array<i32>} : memref<160x40xf32, #tpu.memory_space<vmem>>, vector<16xf32>,
          tpu.vector_store %arg21[%swap3A_318, %swap3A_319], %add3A_311 {strides = array<i32>} : memref<160x40xf32, #tpu.memory_space<vmem>>, vector<16xf32>,
        }
        %scan3A_191 = arith.constant 160 : i32
        "tpu.region"() ({
          %run_scoped3A = tpu.sem_alloc : memref<!tpu.dma_semaphore, #tpu.memory_space<semaphore_mem>>
          %dma_start3A_210 = arith.constant 0 : i32
          %dma_start3A_211 = tpu.memref_slice %arg34[%add3A_186, %dma_start3A_210] : memref<10240x40xf32, #tpu.memory_space<vmem_shared>> -> memref<160x40xf32, #tpu.memory_space<vmem_shared>>
          %dma_start3A_212 = arith.constant 0 : i32
          %dma_start3A_213 = tpu.memref_slice %arg34[%add3A_186, %dma_start3A_212] : memref<10240x40xf32, #tpu.memory_space<vmem_shared>> -> memref<160x40xf32, #tpu.memory_space<vmem_shared>>
          tpu.enqueue_dma source(%arg21 : memref<160x40xf32, #tpu.memory_space<vmem>>) target(%dma_start3A_213 : memref<160x40xf32, #tpu.memory_space<vmem_shared>>) target_semaphore(%run_scoped3A : memref<!tpu.dma_semaphore, #tpu.memory_space<semaphore_mem>>)
          %dma_wait3A_214 = arith.constant 0 : i32
          %dma_wait3A_215 = tpu.memref_slice %arg34[%add3A_186, %dma_wait3A_214] : memref<10240x40xf32, #tpu.memory_space<vmem_shared>> -> memref<160x40xf32, #tpu.memory_space<vmem_shared>>
          %dma_wait3A_216 = arith.constant 0 : i32
          %dma_wait3A_217 = tpu.memref_slice %arg34[%add3A_186, %dma_wait3A_216] : memref<10240x40xf32, #tpu.memory_space<vmem_shared>> -> memref<160x40xf32, #tpu.memory_space<vmem_shared>>
          tpu.wait_dma2 semaphore(%run_scoped3A : memref<!tpu.dma_semaphore, #tpu.memory_space<semaphore_mem>>) src(%arg21 : memref<160x40xf32, #tpu.memory_space<vmem>>) dst(%dma_wait3A_217 : memref<160x40xf32, #tpu.memory_space<vmem_shared>>)
          tpu.yield
        }) : () -> ()
        "tpu.region"() ({
          %run_scoped3A = tpu.sem_alloc : memref<!tpu.dma_semaphore, #tpu.memory_space<semaphore_mem>>
          %dma_start3A_210 = arith.constant 0 : i32
          %dma_start3A_211 = tpu.memref_slice %arg35[%add3A_186, %dma_start3A_210] : memref<10240x40xf32, #tpu.memory_space<vmem_shared>> -> memref<160x40xf32, #tpu.memory_space<vmem_shared>>
          %dma_start3A_212 = arith.constant 0 : i32
          %dma_start3A_213 = tpu.memref_slice %arg35[%add3A_186, %dma_start3A_212] : memref<10240x40xf32, #tpu.memory_space<vmem_shared>> -> memref<160x40xf32, #tpu.memory_space<vmem_shared>>
          tpu.enqueue_dma source(%arg21 : memref<160x40xf32, #tpu.memory_space<vmem>>) target(%dma_start3A_213 : memref<160x40xf32, #tpu.memory_space<vmem_shared>>) target_semaphore(%run_scoped3A : memref<!tpu.dma_semaphore, #tpu.memory_space<semaphore_mem>>)
          %dma_wait3A_214 = arith.constant 0 : i32
          %dma_wait3A_215 = tpu.memref_slice %arg35[%add3A_186, %dma_wait3A_214] : memref<10240x40xf32, #tpu.memory_space<vmem_shared>> -> memref<160x40xf32, #tpu.memory_space<vmem_shared>>
          %dma_wait3A_216 = arith.constant 0 : i32
          %dma_wait3A_217 = tpu.memref_slice %arg35[%add3A_186, %dma_wait3A_216] : memref<10240x40xf32, #tpu.memory_space<vmem_shared>> -> memref<160x40xf32, #tpu.memory_space<vmem_shared>>
          tpu.wait_dma2 semaphore(%run_scoped3A : memref<!tpu.dma_semaphore, #tpu.memory_space<semaphore_mem>>) src(%arg21 : memref<160x40xf32, #tpu.memory_space<vmem>>) dst(%dma_wait3A_217 : memref<160x40xf32, #tpu.memory_space<vmem_shared>>)
          tpu.yield
        }) : () -> ()
        "tpu.region"() ({
          %run_scoped3A = tpu.sem_alloc : memref<!tpu.dma_semaphore, #tpu.memory_space<semaphore_mem>>
          %dma_start3A_210 = arith.constant 0 : i32
          %dma_start3A_211 = tpu.memref_slice %arg5[%add3A_186, %dma_start3A_210] : memref<10240x40xf32, #tpu.memory_space<hbm>> -> memref<160x40xf32, #tpu.memory_space<hbm>>
          %dma_start3A_212 = arith.constant 0 : i32
          %dma_start3A_213 = tpu.memref_slice %arg5[%add3A_186, %dma_start3A_212] : memref<10240x40xf32, #tpu.memory_space<hbm>> -> memref<160x40xf32, #tpu.memory_space<hbm>>
          tpu.enqueue_dma source(%arg21 : memref<160x40xf32, #tpu.memory_space<vmem>>) target(%dma_start3A_213 : memref<160x40xf32, #tpu.memory_space<hbm>>) target_semaphore(%run_scoped3A : memref<!tpu.dma_semaphore, #tpu.memory_space<semaphore_mem>>)
          %dma_wait3A_214 = arith.constant 0 : i32
          %dma_wait3A_215 = tpu.memref_slice %arg5[%add3A_186, %dma_wait3A_214] : memref<10240x40xf32, #tpu.memory_space<hbm>> -> memref<160x40xf32, #tpu.memory_space<hbm>>
          %dma_wait3A_216 = arith.constant 0 : i32
          %dma_wait3A_217 = tpu.memref_slice %arg5[%add3A_186, %dma_wait3A_216] : memref<10240x40xf32, #tpu.memory_space<hbm>> -> memref<160x40xf32, #tpu.memory_space<hbm>>
          tpu.wait_dma2 semaphore(%run_scoped3A : memref<!tpu.dma_semaphore, #tpu.memory_space<semaphore_mem>>) src(%arg21 : memref<160x40xf32, #tpu.memory_space<vmem>>) dst(%dma_wait3A_217 : memref<160x40xf32, #tpu.memory_space<hbm>>)
          tpu.yield
        }) : () -> ()
        %add3A_192 = arith.constant 160 : i32
        %add3A_193 = arith.addi %add3A_7, %add3A_192 : i32
        "tpu.region"() ({
          %run_scoped3A = tpu.sem_alloc : memref<!tpu.dma_semaphore, #tpu.memory_space<semaphore_mem>>
          %dma_start3A_210 = arith.constant 0 : i32
          %dma_start3A_211 = tpu.memref_slice %arg35[%add3A_193, %dma_start3A_210] : memref<10240x40xf32, #tpu.memory_space<vmem_shared>> -> memref<160x40xf32, #tpu.memory_space<vmem_shared>>
          %dma_start3A_212 = arith.constant 0 : i32
          %dma_start3A_213 = tpu.memref_slice %arg35[%add3A_193, %dma_start3A_212] : memref<10240x40xf32, #tpu.memory_space<vmem_shared>> -> memref<160x40xf32, #tpu.memory_space<vmem_shared>>
          tpu.enqueue_dma source(%dma_start3A_213 : memref<160x40xf32, #tpu.memory_space<vmem_shared>>) target(%arg21 : memref<160x40xf32, #tpu.memory_space<vmem>>) target_semaphore(%run_scoped3A : memref<!tpu.dma_semaphore, #tpu.memory_space<semaphore_mem>>)
          %dma_wait3A_214 = arith.constant 0 : i32
          %dma_wait3A_215 = tpu.memref_slice %arg35[%add3A_193, %dma_wait3A_214] : memref<10240x40xf32, #tpu.memory_space<vmem_shared>> -> memref<160x40xf32, #tpu.memory_space<vmem_shared>>
          %dma_wait3A_216 = arith.constant 0 : i32
          %dma_wait3A_217 = tpu.memref_slice %arg35[%add3A_193, %dma_wait3A_216] : memref<10240x40xf32, #tpu.memory_space<vmem_shared>> -> memref<160x40xf32, #tpu.memory_space<vmem_shared>>
          tpu.wait_dma2 semaphore(%run_scoped3A : memref<!tpu.dma_semaphore, #tpu.memory_space<semaphore_mem>>) src(%dma_wait3A_217 : memref<160x40xf32, #tpu.memory_space<vmem_shared>>) dst(%arg21 : memref<160x40xf32, #tpu.memory_space<vmem>>)
          tpu.yield
        }) : () -> ()
        "tpu.region"() ({
          %run_scoped3A = tpu.sem_alloc : memref<!tpu.dma_semaphore, #tpu.memory_space<semaphore_mem>>
          %dma_start3A_210 = arith.constant 0 : i32
          %dma_start3A_211 = tpu.memref_slice %arg7[%add3A_193, %dma_start3A_210] : memref<10240x40xf32, #tpu.memory_space<hbm>> -> memref<160x40xf32, #tpu.memory_space<hbm>>
          %dma_start3A_212 = arith.constant 0 : i32
          %dma_start3A_213 = tpu.memref_slice %arg7[%add3A_193, %dma_start3A_212] : memref<10240x40xf32, #tpu.memory_space<hbm>> -> memref<160x40xf32, #tpu.memory_space<hbm>>
          tpu.enqueue_dma source(%dma_start3A_213 : memref<160x40xf32, #tpu.memory_space<hbm>>) target(%arg22 : memref<160x40xf32, #tpu.memory_space<vmem>>) target_semaphore(%run_scoped3A : memref<!tpu.dma_semaphore, #tpu.memory_space<semaphore_mem>>)
          %dma_wait3A_214 = arith.constant 0 : i32
          %dma_wait3A_215 = tpu.memref_slice %arg7[%add3A_193, %dma_wait3A_214] : memref<10240x40xf32, #tpu.memory_space<hbm>> -> memref<160x40xf32, #tpu.memory_space<hbm>>
          %dma_wait3A_216 = arith.constant 0 : i32
          %dma_wait3A_217 = tpu.memref_slice %arg7[%add3A_193, %dma_wait3A_216] : memref<10240x40xf32, #tpu.memory_space<hbm>> -> memref<160x40xf32, #tpu.memory_space<hbm>>
          tpu.wait_dma2 semaphore(%run_scoped3A : memref<!tpu.dma_semaphore, #tpu.memory_space<semaphore_mem>>) src(%dma_wait3A_217 : memref<160x40xf32, #tpu.memory_space<hbm>>) dst(%arg22 : memref<160x40xf32, #tpu.memory_space<vmem>>)
          tpu.yield
        }) : () -> ()
        %scan3A_194 = arith.constant 0 : i32
        %scan3A_195 = arith.constant 160 : i32
        %scan3A_196 = arith.addi %scan3A_194, %scan3A_195 : i32
        %scan3A_197 = arith.constant 2 : i32
        scf.for %scan3A_210 = %scan3A_194 to %scan3A_196 step %scan3A_197  : i32 {
          %add3A_211 = arith.constant 160 : i32
          %add3A_212 = arith.addi %add3A_211, %scan3A_210 : i32
          %broadcast_in_dim3A_213 = vector.broadcast %add3A_212 : i32 to vector<16xi32>
          %gather3A = tpu.vector_load_idx %arg11[%broadcast_in_dim3A_213] : memref<320xf32, #tpu.memory_space<vmem>>[vector<16xi32>], vector<16xf32>,
          %get3A = arith.index_cast %scan3A_210 : i32 to index
          %get3A_214 = arith.constant 0 : index
          %get3A_215 = tpu.vector_load %arg21[%get3A, %get3A_214] {strides = array<i32>} : memref<160x40xf32, #tpu.memory_space<vmem>>, vector<16xf32>,
          %get3A_216 = arith.index_cast %scan3A_210 : i32 to index
          %get3A_217 = arith.constant 0 : index
          %get3A_218 = tpu.vector_load %arg22[%get3A_216, %get3A_217] {strides = array<i32>} : memref<160x40xf32, #tpu.memory_space<vmem>>, vector<16xf32>,
          %add3A_219 = arith.addf %get3A_215, %get3A_218 : vector<16xf32>
          %mul3A_220 = arith.mulf %gather3A, %add3A_219 : vector<16xf32>
          %add3A_221 = arith.constant 160 : i32
          %add3A_222 = arith.addi %add3A_221, %scan3A_210 : i32
          %get3A_223 = arith.index_cast %add3A_222 : i32 to index
          %get3A_224 = arith.constant 0 : index
          %get3A_225 = tpu.vector_load %arg23[%get3A_223, %get3A_224] {strides = array<i32>} : memref<320x40xf32, #tpu.memory_space<vmem>>, vector<16xf32>,
          %add3A_226 = arith.addf %mul3A_220, %get3A_225 : vector<16xf32>
          %get3A_227 = arith.index_cast %scan3A_210 : i32 to index
          %get3A_228 = arith.constant 16 : index
          %get3A_229 = tpu.vector_load %arg21[%get3A_227, %get3A_228] {strides = array<i32>} : memref<160x40xf32, #tpu.memory_space<vmem>>, vector<16xf32>,
          %get3A_230 = arith.index_cast %scan3A_210 : i32 to index
          %get3A_231 = arith.constant 16 : index
          %get3A_232 = tpu.vector_load %arg22[%get3A_230, %get3A_231] {strides = array<i32>} : memref<160x40xf32, #tpu.memory_space<vmem>>, vector<16xf32>,
          %add3A_233 = arith.addf %get3A_229, %get3A_232 : vector<16xf32>
          %mul3A_234 = arith.mulf %gather3A, %add3A_233 : vector<16xf32>
          %add3A_235 = arith.constant 160 : i32
          %add3A_236 = arith.addi %add3A_235, %scan3A_210 : i32
          %get3A_237 = arith.index_cast %add3A_236 : i32 to index
          %get3A_238 = arith.constant 16 : index
          %get3A_239 = tpu.vector_load %arg23[%get3A_237, %get3A_238] {strides = array<i32>} : memref<320x40xf32, #tpu.memory_space<vmem>>, vector<16xf32>,
          %add3A_240 = arith.addf %mul3A_234, %get3A_239 : vector<16xf32>
          %get3A_241 = arith.index_cast %scan3A_210 : i32 to index
          %get3A_242 = arith.constant 24 : index
          %get3A_243 = tpu.vector_load %arg21[%get3A_241, %get3A_242] {strides = array<i32>} : memref<160x40xf32, #tpu.memory_space<vmem>>, vector<16xf32>,
          %get3A_244 = arith.index_cast %scan3A_210 : i32 to index
          %get3A_245 = arith.constant 24 : index
          %get3A_246 = tpu.vector_load %arg22[%get3A_244, %get3A_245] {strides = array<i32>} : memref<160x40xf32, #tpu.memory_space<vmem>>, vector<16xf32>,
          %add3A_247 = arith.addf %get3A_243, %get3A_246 : vector<16xf32>
          %mul3A_248 = arith.mulf %gather3A, %add3A_247 : vector<16xf32>
          %add3A_249 = arith.constant 160 : i32
          %add3A_250 = arith.addi %add3A_249, %scan3A_210 : i32
          %get3A_251 = arith.index_cast %add3A_250 : i32 to index
          %get3A_252 = arith.constant 24 : index
          %get3A_253 = tpu.vector_load %arg23[%get3A_251, %get3A_252] {strides = array<i32>} : memref<320x40xf32, #tpu.memory_space<vmem>>, vector<16xf32>,
          %add3A_254 = arith.addf %mul3A_248, %get3A_253 : vector<16xf32>
          %swap3A_255 = arith.index_cast %scan3A_210 : i32 to index
          %swap3A_256 = arith.constant 0 : index
          %swap3A_257 = tpu.vector_load %arg21[%swap3A_255, %swap3A_256] {strides = array<i32>} : memref<160x40xf32, #tpu.memory_space<vmem>>, vector<16xf32>,
          tpu.vector_store %arg21[%swap3A_255, %swap3A_256], %add3A_226 {strides = array<i32>} : memref<160x40xf32, #tpu.memory_space<vmem>>, vector<16xf32>,
          %swap3A_258 = arith.index_cast %scan3A_210 : i32 to index
          %swap3A_259 = arith.constant 16 : index
          %swap3A_260 = tpu.vector_load %arg21[%swap3A_258, %swap3A_259] {strides = array<i32>} : memref<160x40xf32, #tpu.memory_space<vmem>>, vector<16xf32>,
          tpu.vector_store %arg21[%swap3A_258, %swap3A_259], %add3A_240 {strides = array<i32>} : memref<160x40xf32, #tpu.memory_space<vmem>>, vector<16xf32>,
          %swap3A_261 = arith.index_cast %scan3A_210 : i32 to index
          %swap3A_262 = arith.constant 24 : index
          %swap3A_263 = tpu.vector_load %arg21[%swap3A_261, %swap3A_262] {strides = array<i32>} : memref<160x40xf32, #tpu.memory_space<vmem>>, vector<16xf32>,
          tpu.vector_store %arg21[%swap3A_261, %swap3A_262], %add3A_254 {strides = array<i32>} : memref<160x40xf32, #tpu.memory_space<vmem>>, vector<16xf32>,
          %scan3A_264 = arith.constant 1 : i32
          %scan3A_265 = arith.addi %scan3A_210, %scan3A_264 : i32
          %add3A_266 = arith.constant 160 : i32
          %add3A_267 = arith.addi %add3A_266, %scan3A_265 : i32
          %broadcast_in_dim3A_268 = vector.broadcast %add3A_267 : i32 to vector<16xi32>
          %gather3A_269 = tpu.vector_load_idx %arg11[%broadcast_in_dim3A_268] : memref<320xf32, #tpu.memory_space<vmem>>[vector<16xi32>], vector<16xf32>,
          %get3A_270 = arith.index_cast %scan3A_265 : i32 to index
          %get3A_271 = arith.constant 0 : index
          %get3A_272 = tpu.vector_load %arg21[%get3A_270, %get3A_271] {strides = array<i32>} : memref<160x40xf32, #tpu.memory_space<vmem>>, vector<16xf32>,
          %get3A_273 = arith.index_cast %scan3A_265 : i32 to index
          %get3A_274 = arith.constant 0 : index
          %get3A_275 = tpu.vector_load %arg22[%get3A_273, %get3A_274] {strides = array<i32>} : memref<160x40xf32, #tpu.memory_space<vmem>>, vector<16xf32>,
          %add3A_276 = arith.addf %get3A_272, %get3A_275 : vector<16xf32>
          %mul3A_277 = arith.mulf %gather3A_269, %add3A_276 : vector<16xf32>
          %add3A_278 = arith.constant 160 : i32
          %add3A_279 = arith.addi %add3A_278, %scan3A_265 : i32
          %get3A_280 = arith.index_cast %add3A_279 : i32 to index
          %get3A_281 = arith.constant 0 : index
          %get3A_282 = tpu.vector_load %arg23[%get3A_280, %get3A_281] {strides = array<i32>} : memref<320x40xf32, #tpu.memory_space<vmem>>, vector<16xf32>,
          %add3A_283 = arith.addf %mul3A_277, %get3A_282 : vector<16xf32>
          %get3A_284 = arith.index_cast %scan3A_265 : i32 to index
          %get3A_285 = arith.constant 16 : index
          %get3A_286 = tpu.vector_load %arg21[%get3A_284, %get3A_285] {strides = array<i32>} : memref<160x40xf32, #tpu.memory_space<vmem>>, vector<16xf32>,
          %get3A_287 = arith.index_cast %scan3A_265 : i32 to index
          %get3A_288 = arith.constant 16 : index
          %get3A_289 = tpu.vector_load %arg22[%get3A_287, %get3A_288] {strides = array<i32>} : memref<160x40xf32, #tpu.memory_space<vmem>>, vector<16xf32>,
          %add3A_290 = arith.addf %get3A_286, %get3A_289 : vector<16xf32>
          %mul3A_291 = arith.mulf %gather3A_269, %add3A_290 : vector<16xf32>
          %add3A_292 = arith.constant 160 : i32
          %add3A_293 = arith.addi %add3A_292, %scan3A_265 : i32
          %get3A_294 = arith.index_cast %add3A_293 : i32 to index
          %get3A_295 = arith.constant 16 : index
          %get3A_296 = tpu.vector_load %arg23[%get3A_294, %get3A_295] {strides = array<i32>} : memref<320x40xf32, #tpu.memory_space<vmem>>, vector<16xf32>,
          %add3A_297 = arith.addf %mul3A_291, %get3A_296 : vector<16xf32>
          %get3A_298 = arith.index_cast %scan3A_265 : i32 to index
          %get3A_299 = arith.constant 24 : index
          %get3A_300 = tpu.vector_load %arg21[%get3A_298, %get3A_299] {strides = array<i32>} : memref<160x40xf32, #tpu.memory_space<vmem>>, vector<16xf32>,
          %get3A_301 = arith.index_cast %scan3A_265 : i32 to index
          %get3A_302 = arith.constant 24 : index
          %get3A_303 = tpu.vector_load %arg22[%get3A_301, %get3A_302] {strides = array<i32>} : memref<160x40xf32, #tpu.memory_space<vmem>>, vector<16xf32>,
          %add3A_304 = arith.addf %get3A_300, %get3A_303 : vector<16xf32>
          %mul3A_305 = arith.mulf %gather3A_269, %add3A_304 : vector<16xf32>
          %add3A_306 = arith.constant 160 : i32
          %add3A_307 = arith.addi %add3A_306, %scan3A_265 : i32
          %get3A_308 = arith.index_cast %add3A_307 : i32 to index
          %get3A_309 = arith.constant 24 : index
          %get3A_310 = tpu.vector_load %arg23[%get3A_308, %get3A_309] {strides = array<i32>} : memref<320x40xf32, #tpu.memory_space<vmem>>, vector<16xf32>,
          %add3A_311 = arith.addf %mul3A_305, %get3A_310 : vector<16xf32>
          %swap3A_312 = arith.index_cast %scan3A_265 : i32 to index
          %swap3A_313 = arith.constant 0 : index
          %swap3A_314 = tpu.vector_load %arg21[%swap3A_312, %swap3A_313] {strides = array<i32>} : memref<160x40xf32, #tpu.memory_space<vmem>>, vector<16xf32>,
          tpu.vector_store %arg21[%swap3A_312, %swap3A_313], %add3A_283 {strides = array<i32>} : memref<160x40xf32, #tpu.memory_space<vmem>>, vector<16xf32>,
          %swap3A_315 = arith.index_cast %scan3A_265 : i32 to index
          %swap3A_316 = arith.constant 16 : index
          %swap3A_317 = tpu.vector_load %arg21[%swap3A_315, %swap3A_316] {strides = array<i32>} : memref<160x40xf32, #tpu.memory_space<vmem>>, vector<16xf32>,
          tpu.vector_store %arg21[%swap3A_315, %swap3A_316], %add3A_297 {strides = array<i32>} : memref<160x40xf32, #tpu.memory_space<vmem>>, vector<16xf32>,
          %swap3A_318 = arith.index_cast %scan3A_265 : i32 to index
          %swap3A_319 = arith.constant 24 : index
          %swap3A_320 = tpu.vector_load %arg21[%swap3A_318, %swap3A_319] {strides = array<i32>} : memref<160x40xf32, #tpu.memory_space<vmem>>, vector<16xf32>,
          tpu.vector_store %arg21[%swap3A_318, %swap3A_319], %add3A_311 {strides = array<i32>} : memref<160x40xf32, #tpu.memory_space<vmem>>, vector<16xf32>,
        }
        %scan3A_198 = arith.constant 160 : i32
        "tpu.region"() ({
          %run_scoped3A = tpu.sem_alloc : memref<!tpu.dma_semaphore, #tpu.memory_space<semaphore_mem>>
          %dma_start3A_210 = arith.constant 0 : i32
          %dma_start3A_211 = tpu.memref_slice %arg34[%add3A_193, %dma_start3A_210] : memref<10240x40xf32, #tpu.memory_space<vmem_shared>> -> memref<160x40xf32, #tpu.memory_space<vmem_shared>>
          %dma_start3A_212 = arith.constant 0 : i32
          %dma_start3A_213 = tpu.memref_slice %arg34[%add3A_193, %dma_start3A_212] : memref<10240x40xf32, #tpu.memory_space<vmem_shared>> -> memref<160x40xf32, #tpu.memory_space<vmem_shared>>
          tpu.enqueue_dma source(%arg21 : memref<160x40xf32, #tpu.memory_space<vmem>>) target(%dma_start3A_213 : memref<160x40xf32, #tpu.memory_space<vmem_shared>>) target_semaphore(%run_scoped3A : memref<!tpu.dma_semaphore, #tpu.memory_space<semaphore_mem>>)
          %dma_wait3A_214 = arith.constant 0 : i32
          %dma_wait3A_215 = tpu.memref_slice %arg34[%add3A_193, %dma_wait3A_214] : memref<10240x40xf32, #tpu.memory_space<vmem_shared>> -> memref<160x40xf32, #tpu.memory_space<vmem_shared>>
          %dma_wait3A_216 = arith.constant 0 : i32
          %dma_wait3A_217 = tpu.memref_slice %arg34[%add3A_193, %dma_wait3A_216] : memref<10240x40xf32, #tpu.memory_space<vmem_shared>> -> memref<160x40xf32, #tpu.memory_space<vmem_shared>>
          tpu.wait_dma2 semaphore(%run_scoped3A : memref<!tpu.dma_semaphore, #tpu.memory_space<semaphore_mem>>) src(%arg21 : memref<160x40xf32, #tpu.memory_space<vmem>>) dst(%dma_wait3A_217 : memref<160x40xf32, #tpu.memory_space<vmem_shared>>)
          tpu.yield
        }) : () -> ()
        "tpu.region"() ({
          %run_scoped3A = tpu.sem_alloc : memref<!tpu.dma_semaphore, #tpu.memory_space<semaphore_mem>>
          %dma_start3A_210 = arith.constant 0 : i32
          %dma_start3A_211 = tpu.memref_slice %arg35[%add3A_193, %dma_start3A_210] : memref<10240x40xf32, #tpu.memory_space<vmem_shared>> -> memref<160x40xf32, #tpu.memory_space<vmem_shared>>
          %dma_start3A_212 = arith.constant 0 : i32
          %dma_start3A_213 = tpu.memref_slice %arg35[%add3A_193, %dma_start3A_212] : memref<10240x40xf32, #tpu.memory_space<vmem_shared>> -> memref<160x40xf32, #tpu.memory_space<vmem_shared>>
          tpu.enqueue_dma source(%arg21 : memref<160x40xf32, #tpu.memory_space<vmem>>) target(%dma_start3A_213 : memref<160x40xf32, #tpu.memory_space<vmem_shared>>) target_semaphore(%run_scoped3A : memref<!tpu.dma_semaphore, #tpu.memory_space<semaphore_mem>>)
          %dma_wait3A_214 = arith.constant 0 : i32
          %dma_wait3A_215 = tpu.memref_slice %arg35[%add3A_193, %dma_wait3A_214] : memref<10240x40xf32, #tpu.memory_space<vmem_shared>> -> memref<160x40xf32, #tpu.memory_space<vmem_shared>>
          %dma_wait3A_216 = arith.constant 0 : i32
          %dma_wait3A_217 = tpu.memref_slice %arg35[%add3A_193, %dma_wait3A_216] : memref<10240x40xf32, #tpu.memory_space<vmem_shared>> -> memref<160x40xf32, #tpu.memory_space<vmem_shared>>
          tpu.wait_dma2 semaphore(%run_scoped3A : memref<!tpu.dma_semaphore, #tpu.memory_space<semaphore_mem>>) src(%arg21 : memref<160x40xf32, #tpu.memory_space<vmem>>) dst(%dma_wait3A_217 : memref<160x40xf32, #tpu.memory_space<vmem_shared>>)
          tpu.yield
        }) : () -> ()
        "tpu.region"() ({
          %run_scoped3A = tpu.sem_alloc : memref<!tpu.dma_semaphore, #tpu.memory_space<semaphore_mem>>
          %dma_start3A_210 = arith.constant 0 : i32
          %dma_start3A_211 = tpu.memref_slice %arg5[%add3A_193, %dma_start3A_210] : memref<10240x40xf32, #tpu.memory_space<hbm>> -> memref<160x40xf32, #tpu.memory_space<hbm>>
          %dma_start3A_212 = arith.constant 0 : i32
          %dma_start3A_213 = tpu.memref_slice %arg5[%add3A_193, %dma_start3A_212] : memref<10240x40xf32, #tpu.memory_space<hbm>> -> memref<160x40xf32, #tpu.memory_space<hbm>>
          tpu.enqueue_dma source(%arg21 : memref<160x40xf32, #tpu.memory_space<vmem>>) target(%dma_start3A_213 : memref<160x40xf32, #tpu.memory_space<hbm>>) target_semaphore(%run_scoped3A : memref<!tpu.dma_semaphore, #tpu.memory_space<semaphore_mem>>)
          %dma_wait3A_214 = arith.constant 0 : i32
          %dma_wait3A_215 = tpu.memref_slice %arg5[%add3A_193, %dma_wait3A_214] : memref<10240x40xf32, #tpu.memory_space<hbm>> -> memref<160x40xf32, #tpu.memory_space<hbm>>
          %dma_wait3A_216 = arith.constant 0 : i32
          %dma_wait3A_217 = tpu.memref_slice %arg5[%add3A_193, %dma_wait3A_216] : memref<10240x40xf32, #tpu.memory_space<hbm>> -> memref<160x40xf32, #tpu.memory_space<hbm>>
          tpu.wait_dma2 semaphore(%run_scoped3A : memref<!tpu.dma_semaphore, #tpu.memory_space<semaphore_mem>>) src(%arg21 : memref<160x40xf32, #tpu.memory_space<vmem>>) dst(%dma_wait3A_217 : memref<160x40xf32, #tpu.memory_space<hbm>>)
          tpu.yield
        }) : () -> ()
        %add3A_199 = arith.constant 0 : i32
        %add3A_200 = arith.addi %add3A_13, %add3A_199 : i32
        "tpu.region"() ({
          %run_scoped3A = tpu.sem_alloc : memref<!tpu.dma_semaphore, #tpu.memory_space<semaphore_mem>>
          %dma_start3A_210 = arith.constant 0 : i32
          %dma_start3A_211 = tpu.memref_slice %arg35[%add3A_200, %dma_start3A_210] : memref<10240x40xf32, #tpu.memory_space<vmem_shared>> -> memref<160x40xf32, #tpu.memory_space<vmem_shared>>
          %dma_start3A_212 = arith.constant 0 : i32
          %dma_start3A_213 = tpu.memref_slice %arg35[%add3A_200, %dma_start3A_212] : memref<10240x40xf32, #tpu.memory_space<vmem_shared>> -> memref<160x40xf32, #tpu.memory_space<vmem_shared>>
          tpu.enqueue_dma source(%arg24 : memref<160x40xf32, #tpu.memory_space<vmem>>) target(%dma_start3A_213 : memref<160x40xf32, #tpu.memory_space<vmem_shared>>) target_semaphore(%run_scoped3A : memref<!tpu.dma_semaphore, #tpu.memory_space<semaphore_mem>>)
          %dma_wait3A_214 = arith.constant 0 : i32
          %dma_wait3A_215 = tpu.memref_slice %arg35[%add3A_200, %dma_wait3A_214] : memref<10240x40xf32, #tpu.memory_space<vmem_shared>> -> memref<160x40xf32, #tpu.memory_space<vmem_shared>>
          %dma_wait3A_216 = arith.constant 0 : i32
          %dma_wait3A_217 = tpu.memref_slice %arg35[%add3A_200, %dma_wait3A_216] : memref<10240x40xf32, #tpu.memory_space<vmem_shared>> -> memref<160x40xf32, #tpu.memory_space<vmem_shared>>
          tpu.wait_dma2 semaphore(%run_scoped3A : memref<!tpu.dma_semaphore, #tpu.memory_space<semaphore_mem>>) src(%arg24 : memref<160x40xf32, #tpu.memory_space<vmem>>) dst(%dma_wait3A_217 : memref<160x40xf32, #tpu.memory_space<vmem_shared>>)
          tpu.yield
        }) : () -> ()
        %add3A_201 = arith.constant 160 : i32
        %add3A_202 = arith.addi %add3A_13, %add3A_201 : i32
        "tpu.region"() ({
          %run_scoped3A = tpu.sem_alloc : memref<!tpu.dma_semaphore, #tpu.memory_space<semaphore_mem>>
          %dma_start3A_210 = arith.constant 0 : i32
          %dma_start3A_211 = tpu.memref_slice %arg35[%add3A_202, %dma_start3A_210] : memref<10240x40xf32, #tpu.memory_space<vmem_shared>> -> memref<160x40xf32, #tpu.memory_space<vmem_shared>>
          %dma_start3A_212 = arith.constant 0 : i32
          %dma_start3A_213 = tpu.memref_slice %arg35[%add3A_202, %dma_start3A_212] : memref<10240x40xf32, #tpu.memory_space<vmem_shared>> -> memref<160x40xf32, #tpu.memory_space<vmem_shared>>
          tpu.enqueue_dma source(%arg24 : memref<160x40xf32, #tpu.memory_space<vmem>>) target(%dma_start3A_213 : memref<160x40xf32, #tpu.memory_space<vmem_shared>>) target_semaphore(%run_scoped3A : memref<!tpu.dma_semaphore, #tpu.memory_space<semaphore_mem>>)
          %dma_wait3A_214 = arith.constant 0 : i32
          %dma_wait3A_215 = tpu.memref_slice %arg35[%add3A_202, %dma_wait3A_214] : memref<10240x40xf32, #tpu.memory_space<vmem_shared>> -> memref<160x40xf32, #tpu.memory_space<vmem_shared>>
          %dma_wait3A_216 = arith.constant 0 : i32
          %dma_wait3A_217 = tpu.memref_slice %arg35[%add3A_202, %dma_wait3A_216] : memref<10240x40xf32, #tpu.memory_space<vmem_shared>> -> memref<160x40xf32, #tpu.memory_space<vmem_shared>>
          tpu.wait_dma2 semaphore(%run_scoped3A : memref<!tpu.dma_semaphore, #tpu.memory_space<semaphore_mem>>) src(%arg24 : memref<160x40xf32, #tpu.memory_space<vmem>>) dst(%dma_wait3A_217 : memref<160x40xf32, #tpu.memory_space<vmem_shared>>)
          tpu.yield
        }) : () -> ()
        %barrier3A_203 = arith.constant 0 : index
        tpu.barrier barrier_id(%barrier3A_203)
        %eq3A_204 = arith.constant 0 : i32
        %eq3A_205 = arith.cmpi eq, %arg1, %eq3A_204 : i32
        %convert_element_type3A_206 = arith.extui %eq3A_205 : i1 to i32
        %cond3A_207 = arith.constant 0 : i32
        %cond3A_208 = arith.cmpi ne, %convert_element_type3A_206, %cond3A_207 : i32
        scf.if %cond3A_208 {
          %sub3A_210 = arith.constant 1 : i32
          %sub3A_211 = arith.subi %sub3A_210, %arg0 : i32
          %semaphore_signal3A = arith.constant 1 : i32
          tpu.sem_signal %arg33, %semaphore_signal3A core_id %sub3A_211 : memref<!tpu.semaphore, #tpu.memory_space<semaphore_mem>>
          %semaphore_wait3A = arith.constant 1 : i32
          %semaphore_wait3A_212 = arith.constant true
          tpu.sem_wait %arg33, %semaphore_wait3A : memref<!tpu.semaphore, #tpu.memory_space<semaphore_mem>>
        } else {
        }
        %barrier3A_209 = arith.constant 0 : index
        tpu.barrier barrier_id(%barrier3A_209)
        "tpu.region"() ({
          %run_scoped3A = tpu.sem_alloc : memref<!tpu.dma_semaphore, #tpu.memory_space<semaphore_mem>>
          %dma_start3A_210 = arith.constant 0 : i32
          %dma_start3A_211 = tpu.memref_slice %arg34[%add3A_13, %dma_start3A_210] : memref<10240x40xf32, #tpu.memory_space<vmem_shared>> -> memref<320x40xf32, #tpu.memory_space<vmem_shared>>
          %dma_start3A_212 = arith.constant 0 : i32
          %dma_start3A_213 = tpu.memref_slice %arg5[%add3A_13, %dma_start3A_212] : memref<10240x40xf32, #tpu.memory_space<hbm>> -> memref<320x40xf32, #tpu.memory_space<hbm>>
          tpu.enqueue_dma source(%dma_start3A_213 : memref<320x40xf32, #tpu.memory_space<hbm>>) target(%dma_start3A_211 : memref<320x40xf32, #tpu.memory_space<vmem_shared>>) target_semaphore(%run_scoped3A : memref<!tpu.dma_semaphore, #tpu.memory_space<semaphore_mem>>)
          %dma_wait3A_214 = arith.constant 0 : i32
          %dma_wait3A_215 = tpu.memref_slice %arg34[%add3A_13, %dma_wait3A_214] : memref<10240x40xf32, #tpu.memory_space<vmem_shared>> -> memref<320x40xf32, #tpu.memory_space<vmem_shared>>
          %dma_wait3A_216 = arith.constant 0 : i32
          %dma_wait3A_217 = tpu.memref_slice %arg5[%add3A_13, %dma_wait3A_216] : memref<10240x40xf32, #tpu.memory_space<hbm>> -> memref<320x40xf32, #tpu.memory_space<hbm>>
          tpu.wait_dma2 semaphore(%run_scoped3A : memref<!tpu.dma_semaphore, #tpu.memory_space<semaphore_mem>>) src(%dma_wait3A_217 : memref<320x40xf32, #tpu.memory_space<hbm>>) dst(%dma_wait3A_215 : memref<320x40xf32, #tpu.memory_space<vmem_shared>>)
          tpu.yield
        }) : () -> ()
      } else {
      }
      %barrier3A_177 = arith.constant 0 : index
      tpu.barrier barrier_id(%barrier3A_177)
    }
    %scan3A_104 = arith.constant 10 : i32
    return
  }
}

module attributes {stable_mosaic.version = 14 : i64} {
  func.func @_mlp_body(%arg0: i32, %arg1: memref<1024x128xf32, #tpu.memory_space<vmem>>, %arg2: memref<128x256xf32, #tpu.memory_space<vmem>>, %arg3: memref<1x256xf32, #tpu.memory_space<vmem>>, %arg4: memref<256x40xf32, #tpu.memory_space<vmem>>, %arg5: memref<1x40xf32, #tpu.memory_space<vmem>>, %arg6: memref<1024x40xf32, #tpu.memory_space<vmem>>) attributes {dimension_semantics = [#tpu.dimension_semantics<arbitrary>], iteration_bounds = array<i64: 10>, scalar_prefetch = 0 : i64, scratch_operands = 0 : i64, tpu.core_type = #tpu.core_type<tc>, window_params = [{transform_indices = @transform_0, window_bounds = array<i64: 1024, 128>}, {pipeline_mode = #tpu.pipeline_mode<synchronous>, transform_indices = @transform_1, window_bounds = array<i64: 128, 256>}, {pipeline_mode = #tpu.pipeline_mode<synchronous>, transform_indices = @transform_2, window_bounds = array<i64: 1, 256>}, {pipeline_mode = #tpu.pipeline_mode<synchronous>, transform_indices = @transform_3, window_bounds = array<i64: 256, 40>}, {pipeline_mode = #tpu.pipeline_mode<synchronous>, transform_indices = @transform_4, window_bounds = array<i64: 1, 40>}, {transform_indices = @transform_5, window_bounds = array<i64: 1024, 40>}]} {
    %get3A = arith.constant 0 : index
    %get3A_0 = arith.constant 0 : index
    %get3A_1 = vector.load %arg1[%get3A, %get3A_0] : memref<1024x128xf32, #tpu.memory_space<vmem>>, vector<1024x128xf32>
    %get3A_2 = arith.constant 0 : index
    %get3A_3 = arith.constant 0 : index
    %get3A_4 = vector.load %arg2[%get3A_2, %get3A_3] : memref<128x256xf32, #tpu.memory_space<vmem>>, vector<128x256xf32>
    %dot_general3A = arith.constant dense<0.000000e+00> : vector<1024x256xf32>
    %dot_general3A_5 = tpu.matmul %get3A_1, %get3A_4, %dot_general3A {dimension_numbers = #tpu.dot_dimension_numbers<[1], [0], [0], [1], [0, 0, 1, 1], [], []>, transpose_lhs_hint = false} : vector<1024x128xf32>, vector<128x256xf32>, vector<1024x256xf32> -> vector<1024x256xf32>
    %get3A_6 = arith.constant 0 : index
    %get3A_7 = arith.constant 0 : index
    %get3A_8 = vector.load %arg3[%get3A_6, %get3A_7] : memref<1x256xf32, #tpu.memory_space<vmem>>, vector<1x256xf32>
    %add3A = vector.broadcast %get3A_8 : vector<1x256xf32> to vector<1024x256xf32>
    %add3A_9 = arith.addf %dot_general3A_5, %add3A : vector<1024x256xf32>
    %max3A = arith.constant 0.000000e+00 : f32
    %max3A_10 = vector.broadcast %max3A : f32 to vector<1024x256xf32>
    %max3A_11 = arith.maximumf %add3A_9, %max3A_10 : vector<1024x256xf32>
    %get3A_12 = arith.constant 0 : index
    %get3A_13 = arith.constant 0 : index
    %get3A_14 = vector.load %arg4[%get3A_12, %get3A_13] : memref<256x40xf32, #tpu.memory_space<vmem>>, vector<256x40xf32>
    %dot_general3A_15 = arith.constant dense<0.000000e+00> : vector<1024x40xf32>
    %dot_general3A_16 = tpu.matmul %max3A_11, %get3A_14, %dot_general3A_15 {dimension_numbers = #tpu.dot_dimension_numbers<[1], [0], [0], [1], [0, 0, 1, 1], [], []>, transpose_lhs_hint = false} : vector<1024x256xf32>, vector<256x40xf32>, vector<1024x40xf32> -> vector<1024x40xf32>
    %get3A_17 = arith.constant 0 : index
    %get3A_18 = arith.constant 0 : index
    %get3A_19 = vector.load %arg5[%get3A_17, %get3A_18] : memref<1x40xf32, #tpu.memory_space<vmem>>, vector<1x40xf32>
    %add3A_20 = vector.broadcast %get3A_19 : vector<1x40xf32> to vector<1024x40xf32>
    %add3A_21 = arith.addf %dot_general3A_16, %add3A_20 : vector<1024x40xf32>
    %swap3A = arith.constant 0 : index
    %swap3A_22 = arith.constant 0 : index
    %swap3A_23 = vector.load %arg6[%swap3A, %swap3A_22] : memref<1024x40xf32, #tpu.memory_space<vmem>>, vector<1024x40xf32>
    tpu.vector_store %arg6[%swap3A, %swap3A_22], %add3A_21 {strides = array<i32>} : memref<1024x40xf32, #tpu.memory_space<vmem>>, vector<1024x40xf32>,
    return
  }
  func.func @transform_0(%arg0: i32) -> (i32, i32) {
    %c0_i32 = arith.constant 0 : i32
    %c0_i32_0 = arith.constant 0 : i32
    return %arg0, %c0_i32 : i32, i32
  }
  func.func @transform_1(%arg0: i32) -> (i32, i32) {
    %c0_i32 = arith.constant 0 : i32
    %c0_i32_0 = arith.constant 0 : i32
    %c0_i32_1 = arith.constant 0 : i32
    return %c0_i32, %c0_i32_0 : i32, i32
  }
  func.func @transform_2(%arg0: i32) -> (i32, i32) {
    %c0_i32 = arith.constant 0 : i32
    %c0_i32_0 = arith.constant 0 : i32
    %c0_i32_1 = arith.constant 0 : i32
    return %c0_i32, %c0_i32_0 : i32, i32
  }
  func.func @transform_3(%arg0: i32) -> (i32, i32) {
    %c0_i32 = arith.constant 0 : i32
    %c0_i32_0 = arith.constant 0 : i32
    %c0_i32_1 = arith.constant 0 : i32
    return %c0_i32, %c0_i32_0 : i32, i32
  }
  func.func @transform_4(%arg0: i32) -> (i32, i32) {
    %c0_i32 = arith.constant 0 : i32
    %c0_i32_0 = arith.constant 0 : i32
    %c0_i32_1 = arith.constant 0 : i32
    return %c0_i32, %c0_i32_0 : i32, i32
  }
  func.func @transform_5(%arg0: i32) -> (i32, i32) {
    %c0_i32 = arith.constant 0 : i32
    %c0_i32_0 = arith.constant 0 : i32
    return %arg0, %c0_i32 : i32, i32
  }
}

module attributes {stable_mosaic.version = 14 : i64} {
  func.func @_final_body(%arg0: i32, %arg1: memref<1000x40xf32, #tpu.memory_space<vmem>>, %arg2: memref<1000x1xf32, #tpu.memory_space<vmem>>, %arg3: memref<1000x40xf32, #tpu.memory_space<vmem>>) attributes {dimension_semantics = [#tpu.dimension_semantics<arbitrary>], iteration_bounds = array<i64: 10>, scalar_prefetch = 0 : i64, scratch_operands = 0 : i64, tpu.core_type = #tpu.core_type<tc>, window_params = [{transform_indices = @transform_0, window_bounds = array<i64: 1000, 40>}, {transform_indices = @transform_1, window_bounds = array<i64: 1000, 1>}, {transform_indices = @transform_2, window_bounds = array<i64: 1000, 40>}]} {
    %get3A = arith.constant 0 : index
    %get3A_0 = arith.constant 0 : index
    %get3A_1 = vector.load %arg1[%get3A, %get3A_0] : memref<1000x40xf32, #tpu.memory_space<vmem>>, vector<1000x40xf32>
    %get3A_2 = arith.constant 0 : index
    %get3A_3 = arith.constant 0 : index
    %get3A_4 = vector.load %arg2[%get3A_2, %get3A_3] : memref<1000x1xf32, #tpu.memory_space<vmem>>, vector<1000x1xf32>
    %sqrt3A = math.sqrt %get3A_4 : vector<1000x1xf32>
    %mul3A = vector.broadcast %sqrt3A : vector<1000x1xf32> to vector<1000x40xf32>
    %mul3A_5 = arith.mulf %get3A_1, %mul3A : vector<1000x40xf32>
    %reduce_max3A = arith.constant dense<0xFF800000> : vector<1000xf32>
    %reduce_max3A_6 = vector.multi_reduction <maximumf>, %mul3A_5, %reduce_max3A [1] : vector<1000x40xf32> to vector<1000xf32>
    %broadcast_in_dim3A = vector.shape_cast %reduce_max3A_6 : vector<1000xf32> to vector<1000x1xf32>
    %sub3A = vector.broadcast %broadcast_in_dim3A : vector<1000x1xf32> to vector<1000x40xf32>
    %sub3A_7 = arith.subf %mul3A_5, %sub3A : vector<1000x40xf32>
    %exp3A = math.exp %sub3A_7 : vector<1000x40xf32>
    %reduce_sum3A = arith.constant dense<0.000000e+00> : vector<1000xf32>
    %reduce_sum3A_8 = vector.multi_reduction <add>, %exp3A, %reduce_sum3A [1] : vector<1000x40xf32> to vector<1000xf32>
    %broadcast_in_dim3A_9 = vector.shape_cast %reduce_sum3A_8 : vector<1000xf32> to vector<1000x1xf32>
    %log3A = math.log %broadcast_in_dim3A_9 : vector<1000x1xf32>
    %sub3A_10 = vector.broadcast %broadcast_in_dim3A : vector<1000x1xf32> to vector<1000x40xf32>
    %sub3A_11 = arith.subf %mul3A_5, %sub3A_10 : vector<1000x40xf32>
    %sub3A_12 = vector.broadcast %log3A : vector<1000x1xf32> to vector<1000x40xf32>
    %sub3A_13 = arith.subf %sub3A_11, %sub3A_12 : vector<1000x40xf32>
    %swap3A = arith.constant 0 : index
    %swap3A_14 = arith.constant 0 : index
    %swap3A_15 = vector.load %arg3[%swap3A, %swap3A_14] : memref<1000x40xf32, #tpu.memory_space<vmem>>, vector<1000x40xf32>
    tpu.vector_store %arg3[%swap3A, %swap3A_14], %sub3A_13 {strides = array<i32>} : memref<1000x40xf32, #tpu.memory_space<vmem>>, vector<1000x40xf32>,
    return
  }
  func.func @transform_0(%arg0: i32) -> (i32, i32) {
    %c0_i32 = arith.constant 0 : i32
    %c0_i32_0 = arith.constant 0 : i32
    return %arg0, %c0_i32 : i32, i32
  }
  func.func @transform_1(%arg0: i32) -> (i32, i32) {
    %c0_i32 = arith.constant 0 : i32
    %c0_i32_0 = arith.constant 0 : i32
    return %arg0, %c0_i32 : i32, i32
  }
  func.func @transform_2(%arg0: i32) -> (i32, i32) {
    %c0_i32 = arith.constant 0 : i32
    %c0_i32_0 = arith.constant 0 : i32
    return %arg0, %c0_i32 : i32, i32
  }
}

</mosaic_0001>

<sc_bundles>
// kernel: kernel.5.cloned.1.call-start
scs
__scs_entry_jumppad:
0x0: {  	(pc) =	sbr.rel $0x88, $3  }
0x1: {  	(tag) =	ssettag $0x0;
	lr =	simm.s32 $0x1  }
0x2: {  	[smem:$0x3F9B] =	sst lr;
	_ =	strace $0xD0000000  }
0x3: {  	_ = 	snop  }
0x4: {  	_ = 	snop  }
0x5: {  	_ = 	snop  }
0x6: {  	_ = 	snop  }
0x7: {  	_ = 	snop  }
__scs_overlays_trampoline_lowered:
0x8: {  	[smem:$0x3FAA] =	sst s0  }
0x9: {  	[smem:$0x3FAB] =	sst s1  }
0xa: {  	[smem:$0x3FAC] =	sst s2  }
0xb: {  	[smem:$0x3FAD] =	sst s3  }
0xc: {  	[smem:$0x3FAE] =	sst s4  }
0xd: {  	[smem:$0x3FAF] =	sst s5  }
0xe: {  	[smem:$0x3FB0] =	sst s6  }
0xf: {  	[smem:$0x3FB1] =	sst s7  }
0x10: {  	[smem:$0x3FB2] =	sst s8  }
0x11: {  	[smem:$0x3FB3] =	sst s9;
	s0 =	simm.s32 @!p0 $0x0  }
0x12: {  	s1 =	sld [smem:$0x3F99];
	s0 =	simm.s32 @p0 $0x1  }
0x13: {  	[smem:$0x3FB4] =	sst s0;
	s0 =	simm.s32 @!p1 $0x0  }
0x14: {  	s2 =	sld [smem:$0x3F98];
	s0 =	simm.s32 @p1 $0x1  }
0x15: {  	[smem:$0x3FB5] =	sst s0;
	s0 =	simm.s32 @!p2 $0x0  }
0x16: {  	s3 =	sld [smem:$0x3FDB];
	s0 =	simm.s32 @p2 $0x1  }
0x17: {  	s4 =	simm.s32 $0x1BF5;
	[smem:$0x3FB7] =	sst s0  }
0x18: {  	s0 =	sld [smem:$0x3F9A];
	_ =	swait.ge [sflag:s4], $0x0  }
0x19: {  	s7 =	sld [smem:$0x3F9B]  }
0x1a: {  	s8 =	sadd.s32 $0xFFFFE003, lr  }
0x1b: {  	s9 =	sadd.s32 $0xFFFFFEF7, lr;
	s5 =	simm.s32 $0xFFFFFFFF;
	p2 =	slt.u32 s8, $0xFFFFF086  }
0x1c: {  	p1 =	slt.u32 s9, $0xF7A;
	s5 =	simm.s32 @!p2 $0x0  }
0x1d: {  	s5 =	simm.s32 @p1 $0x1;
	p0 =	seq.s32 s7, s2  }
0x1e: {  	s7 =	smul.u32 @!p0 $0xF7A, s2;
	p2 =	seq.s32 @!p0 s5, $0x0  }
0x1f: {  	s9 =	smul.u32 $0xF7A, s1;
	s8 =	simm.s32 @!p0 $0x1BF5;
	p2 =	por !p2, p0  }
0x20: {  	[sflag:s8] =	ssyncset.s32 @!p0 $0xFFFFF086;
	s6 =	sadd.s32 @!p0 s3, s7;
	s7 =	simm.s32 @!p0 $0x108  }
0x21: {  	s3 =	sadd.s32 s3, s9;
	s6 =	sadd.s32 @!p0 $0x88, s6;
	s7 =	simm.s32 @p2 $0x1082  }
0x22: {  	[simem:s7], [sflag:s8] =	dma.local @!p0 [hbm:s6], $0xF7A  }
0x23: {  	s9 =	sor.u32 $0xD0000000, s2;
	s6 =	simm.s32 $0x108;
	_ =	swait.ge @!p0 [sflag:s8], $0x0  }
0x24: {  	s3 =	sadd.s32 $0x88, s3;
	s6 =	simm.s32 @!p1 $0x1082;
	[sflag:s4] =	ssyncset.s32 $0xFFFFF086  }
0x25: {  	[simem:s6], [sflag:s4] =	dma.local [hbm:s3], $0xF7A  }
0x26: {  	[smem:$0x3F9B] =	sst s1;
	(tag) =	ssettag s2;
	_ =	strace s9  }
0x27: {  	s1 =	sld [smem:$0x3FAB]  }
0x28: {  	s2 =	sld [smem:$0x3FAC]  }
0x29: {  	s4 =	sld [smem:$0x3FAE]  }
0x2a: {  	p0 =	seq.s32 s5, $0x0;
	s5 =	sld [smem:$0x3FAF]  }
0x2b: {  	s6 =	sld [smem:$0x3FB0]  }
0x2c: {  	s7 =	sld [smem:$0x3FB1]  }
0x2d: {  	s3 =	simm.s32 $0x108;
	s8 =	sld [smem:$0x3FB2]  }
0x2e: {  	s3 =	simm.s32 @!p0 $0x1082;
	s9 =	sld [smem:$0x3FB3]  }
0x2f: {  	lr =	sadd.s32 s0, s3;
	s0 =	sld [smem:$0x3FAA]  }
0x30: {  	s3 =	sld [smem:$0x3FAD]  }
0x31: {  	[smem:$0x3FB6] =	sst s10  }
0x32: {  	s10 =	sld [smem:$0x3FB4];
	_ =	sdelay $0x3  }
0x33: {  	p0 =	seq.s32 s10, $0x1;
	s10 =	sld [smem:$0x3FB6];
	_ =	sdelay $0x3  }
0x34: {  	[smem:$0x3FB6] =	sst s10  }
0x35: {  	s10 =	sld [smem:$0x3FB5];
	_ =	sdelay $0x3  }
0x36: {  	p1 =	seq.s32 s10, $0x1;
	s10 =	sld [smem:$0x3FB6];
	_ =	sdelay $0x3  }
0x37: {  	[smem:$0x3FB6] =	sst s10  }
0x38: {  	s10 =	sld [smem:$0x3FB7]  }
0x39: {  	_ = 	snop;
	(pc) =	sbr.ind lr, $3  }
0x3a: {  	_ = 	snop  }
0x3b: {  	_ = 	snop  }
0x3c: {  	p2 =	seq.s32 s10, $0x1;
	s10 =	sld [smem:$0x3FB6]  }
0x3d: {  	_ =	shalt  }
0x3e: {  	_ =	shalt  }
0x3f: {  	_ =	shalt  }
0x40: {  	_ =	shalt  }
0x41: {  	_ =	shalt  }
0x42: {  	_ =	shalt  }
0x43: {  	_ =	shalt  }
0x44: {  	_ =	shalt  }
0x45: {  	_ =	shalt  }
0x46: {  	_ =	shalt  }
0x47: {  	_ =	shalt  }
0x48: {  	_ =	shalt  }
0x49: {  	_ =	shalt  }
0x4a: {  	_ =	shalt  }
0x4b: {  	_ =	shalt  }
0x4c: {  	_ =	shalt  }
0x4d: {  	_ =	shalt  }
0x4e: {  	_ =	shalt  }
0x4f: {  	_ =	shalt  }
0x50: {  	_ =	shalt  }
0x51: {  	_ =	shalt  }
0x52: {  	_ =	shalt  }
0x53: {  	_ =	shalt  }
0x54: {  	_ =	shalt  }
0x55: {  	_ =	shalt  }
0x56: {  	_ =	shalt  }
0x57: {  	_ =	shalt  }
0x58: {  	_ =	shalt  }
0x59: {  	_ =	shalt  }
0x5a: {  	_ =	shalt  }
0x5b: {  	_ =	shalt  }
0x5c: {  	_ =	shalt  }
0x5d: {  	_ =	shalt  }
0x5e: {  	_ =	shalt  }
0x5f: {  	_ =	shalt  }
0x60: {  	_ =	shalt  }
0x61: {  	_ =	shalt  }
0x62: {  	_ =	shalt  }
0x63: {  	_ =	shalt  }
0x64: {  	_ =	shalt  }
0x65: {  	_ =	shalt  }
0x66: {  	_ =	shalt  }
0x67: {  	_ =	shalt  }
0x68: {  	_ =	shalt  }
0x69: {  	_ =	shalt  }
0x6a: {  	_ =	shalt  }
0x6b: {  	_ =	shalt  }
0x6c: {  	_ =	shalt  }
0x6d: {  	_ =	shalt  }
0x6e: {  	_ =	shalt  }
0x6f: {  	_ =	shalt  }
0x70: {  	_ =	shalt  }
0x71: {  	_ =	shalt  }
0x72: {  	_ =	shalt  }
0x73: {  	_ =	shalt  }
0x74: {  	_ =	shalt  }
0x75: {  	_ =	shalt  }
0x76: {  	_ =	shalt  }
0x77: {  	_ =	shalt  }
0x78: {  	_ =	shalt  }
0x79: {  	_ =	shalt  }
0x7a: {  	_ =	shalt  }
0x7b: {  	_ =	shalt  }
0x7c: {  	_ =	shalt  }
0x7d: {  	_ =	shalt  }
0x7e: {  	_ =	shalt  }
0x7f: {  	_ =	shalt  }
0x80: {  	_ =	shalt  }
0x81: {  	_ =	shalt  }
0x82: {  	_ =	shalt  }
0x83: {  	_ =	shalt  }
0x84: {  	_ =	shalt  }
0x85: {  	_ =	shalt  }
0x86: {  	_ =	shalt  }
0x87: {  	_ =	shalt  }
.Lfunc_end0:
.L_simem_size_0:
called_computation_lowered:
.L_overlay_start_0:
0x88: {  	s2 =	sld [smem:$0x3FD9]  }
0x89: {  	s3 =	sld [smem:$0x3FFE];
	_ =	sdelay $0x1  }
0x8a: {  	s1 =	srdreg.scid  }
0x8b: {  	s0 =	sand.u32 $0x1, s1  }
0x8c: {  	s17 =	sshll.u32 s0, $0xA;
	s2 =	sadd.s32 s3, s2  }
0x8d: {  	s2 =	sadd.s32 s2, s17  }
0x8e: {  	[smem:$0x3FC2] =	sst s2  }
0x8f: {  	_ = 	snop  }
0x90: {  	s2 =	sld [smem:$0x3FD0];
	(tm) =	ssettm $0x1  }
0x91: {  	s18 =	sld [smem:$0x3FFB];
	_ =	sdelay $0x3  }
0x92: {  	_ =	strace s18  }
0x93: {  	s3 =	sld [smem:$0x3FFC];
	_ =	sdelay $0x3  }
0x94: {  	_ =	strace s3  }
0x95: {  	s3 =	sld [smem:$0x3FFD];
	_ =	sdelay $0x3  }
0x96: {  	_ =	strace s3  }
0x97: {  	_ =	strace $0x8FFFFFFF  }
0x98: {  	s19 =	sld [smem:$0x3FDB];
	_ =	sdelay $0x1  }
0x99: {  	s4 =	simm.s32 $_scs_section_size  }
0x9a: {  	s5 =	simm.s32 $_size__tile_overlayer_lowered;
	s6 =	simm.s32 $_tile_overlayer_lowered  }
0x9b: {  	s22 =	simm.s32 $0x1BFF;
	s21 =	sshll.u32 s6, $0x1;
	s3 =	sadd.s32 s4, s19  }
0x9c: {  	s7 =	simm.s32 $0x0;
	s20 =	sshll.u32 s5, $0x1;
	s5 =	sadd.s32 s21, s3  }
0x9d: {  	[timem:s7], [sflag:s22] =	dma.local [hbm:s5], s20  }
0x9e: {  	_ =	swait.ge [sflag:s22], s20  }
0x9f: {  	s4 =	ssub.s32 $0x0, s20;
	[sflag:s22] =	ssyncset.done $0x0  }
0xa0: {  	[sflag:s22] =	ssyncadd.s32 s4;
	_ =	sdelay $0x1  }
0xa1: {  	s23 =	simm.s32 $0x1B8B  }
0xa2: {  	_ =	swait.ge [sflag:s23], $0x1  }
0xa3: {  	[sflag:s23] =	ssyncset.done $0x0  }
0xa4: {  	s25 =	simm.s32 $0x1B8E;
	s24 =	sld [smem:$0x3FFE];
	[sflag:s23] =	ssyncadd.s32 $0xFFFFFFFF  }
0xa5: {  	s26 =	simm.s32 $execute0_lowered;
	[smem:$0x3FD2] =	sst s25  }
0xa6: {  	s5 =	sshll.u32 s26, $0x1;
	_ =	strace $0x80000046;
	[dreg:$0x1] =	wrdreg $0xFFFFFFFF  }
0xa7: {  	s28 =	simm.s32 $_size_execute0_lowered;
	s3 =	sadd.s32 s3, s5;
	[dreg:$0x0] =	wrdreg $0x0  }
0xa8: {  	s5 =	sshll.u32 s28, $0x1;
	[dreg:$0x2] =	wrdreg s3  }
0xa9: {  	[dreg:$0x3] =	wrdreg s5  }
0xaa: {  	[dreg:$0x4] =	wrdreg $0xC0  }
0xab: {  	_ =	task [dreg:s7], $0x5FFFF  }
0xac: {  	[dreg:$0x1] =	wrdreg $0xFFFFFFFF  }
0xad: {  	[dreg:$0x0] =	wrdreg $0x60  }
0xae: {  	[dreg:$0x2] =	wrdreg s24  }
0xaf: {  	[dreg:$0x3] =	wrdreg s2  }
0xb0: {  	[dreg:$0x4] =	wrdreg $0x1E9400  }
0xb1: {  	[dreg:$0x5] =	wrdreg $0x121400  }
0xb2: {  	[dreg:$0x6] =	wrdreg $0x185400  }
0xb3: {  	[dreg:$0x7] =	wrdreg $0x9  }
0xb4: {  	_ =	task.clear_ibuf [dreg:s7], $0x8FFFF;
	_ =	strace $0x90000046  }
0xb5: {  	s29 =	simm.s32 $0x9;
	_ =	strace $0x80000048  }
0xb6: {  	_ =	swait.ge [sflag:s29], $0x1  }
0xb7: {  	[sflag:s29] =	ssyncadd.s32 $0xFFFFFFFF  }
0xb8: {  	_ =	strace $0x90000048  }
0xb9: {  	_ =	sfence  }
0xba: {  	s30 =	sld [smem:$0x0];
	_ =	sdelay $0x2  }
0xbb: {  	s31 =	sshll.u32 s1, $0xD;
	s1 =	sshrl.u32 s1, $0x2  }
0xbc: {  	s3 =	sand.u32 $0x4000, s31;
	s1 =	sadd.s32 s1, s30  }
0xbd: {  	s0 =	sor.u32 s3, s0;
	s1 =	sshll.u32 s1, $0x11  }
0xbe: {  	s0 =	sor.u32 s1, s0  }
0xbf: {  	s0 =	sadd.s32 $0x8F2B, s0  }
0xc0: {  	[sflag:s0] =	ssyncadd.remote.s32 $0x1  }
0xc1: {  	_ =	sfence.sel $0xFFFF  }
0xc2: {  	[dreg:$0x0] =	wrdreg $0xFFFFFFFF;
	(pc) =	sbr.abs _section_cstart, $3  }
0xc3: {  	[dreg:$0x1] =	wrdreg $0xFFFFFFFF  }
0xc4: {  	_ =	task.clear_ibuf [dreg:s7], $0x2FFFF;
	_ =	strace $0x9FFFFFFF  }
0xc5: {  	(tm) =	ssettm $0x7FFFFFFF  }
tec
execute0_lowered:
.L_overlay_start_1:
0x0: {  	(tag) =	ssettag $0x1  }
0x1: {  	s0 =	srdreg.scid;
	s3 =	rddreg [dreg:$0x0]  }
0x2: {  	s22 =	stileid.u32;
	s5 =	rddreg [dreg:$0x1];
	s2 =	sand.u32 $0x1, s0  }
0x3: {  	s6 =	sadd.s32 $0xC00, s3;
	s8 =	sadd.s32 $0x31000, s3;
	s9 =	smul.u32 $0x140, s22  }
0x4: {  	s10 =	sadd.s32 $0x3D800, s3;
	s11 =	sadd.s32 $0x17400, s3;
	s14 =	sadd.s32 $0x30400, s3  }
0x5: {  	s1 =	sshll.u32 s2, $0x4;
	s12 =	smul.u32 $0x1400, s2;
	s15 =	sxor.u32 $0x1, s2  }
0x6: {  	s16 =	ssub.s32 $0x2, s2;
	s4 =	sor.u32 s22, s1;
	s15 =	smul.u32 $0x1400, s15  }
0x7: {  	s1 =	simm.s32 $0x0;
	s4 =	smul.u32 $0x500, s4;
	s12 =	sadd.s32 s9, s12  }
0x8: {  	s17 =	sshrl.u32 s9, $0x3;
	[smem:$0x7FF] =	sst s1;
	s19 =	smul.u32 $0x28, s12  }
0x9: {  	s25 =	sshrl.u32 s12, $0x3;
	s7 =	sadd.s32 s4, s3;
	s4 =	sadd.s32 s5, s4  }
0xa: {  	s15 =	sadd.s32 s9, s15;
	s26 =	sadd.s32 s14, s25;
	[dreg:$0x6] =	wrdreg s4  }
0xb: {  	s20 =	sshrl.u32 s15, $0x3;
	[dreg:$0x7] =	wrdreg s26;
	s4 =	sadd.s32 s10, s25  }
0xc: {  	s18 =	sshrl.u32 s16, $0x1;
	s14 =	sadd.s32 s14, s20;
	[dreg:$0x8] =	wrdreg s4  }
0xd: {  	s5 =	sshrl.u32 s19, $0x3;
	s10 =	sadd.s32 s10, s17;
	[dreg:$0xa] =	wrdreg s14  }
0xe: {  	s16 =	ssub.s32 s16, s18;
	s29 =	sadd.s32 s6, s5;
	[dreg:$0xb] =	wrdreg s10  }
0xf: {  	s18 =	smul.u32 $0x28, s15;
	s31 =	sadd.s32 s8, s5;
	[dreg:$0x9] =	wrdreg s29  }
0x10: {  	s13 =	sadd.s32 $0x23C00, s3;
	s23 =	sadd.s32 s11, s5;
	[dreg:$0xc] =	wrdreg s31  }
0x11: {  	s14 =	sshrl.u32 s18, $0x3;
	s5 =	sadd.s32 s13, s5;
	[dreg:$0x12] =	wrdreg s23  }
0x12: {  	s4 =	sadd.s32 $0x1900, s19;
	s21 =	sadd.s32 s13, s14;
	[dreg:$0x14] =	wrdreg s5  }
0x13: {  	s30 =	sshrl.u32 s4, $0x3;
	[dreg:$0x10] =	wrdreg s21  }
0x14: {  	s6 =	sadd.s32 s6, s30;
	s21 =	rddreg [dreg:$0x4]  }
0x15: {  	s3 =	sadd.s32 s17, s3;
	s17 =	sadd.s32 s8, s30;
	[dreg:$0xd] =	wrdreg s6  }
0x16: {  	s8 =	sadd.s32 s8, s14;
	[dreg:$0xe] =	wrdreg s17  }
0x17: {  	s28 =	simm.s32 $0x2;
	[dreg:$0xf] =	wrdreg s8  }
0x18: {  	s24 =	sadd.s32 s11, s30;
	s6 =	sadd.s32 s11, s14;
	s14 =	rddreg [dreg:$0x2]  }
0x19: {  	p1 =	sne.s32 s22, $0x0;
	p2 =	seq.s32 s22, $0x0;
	[dreg:$0x13] =	wrdreg s24  }
0x1a: {  	p0 =	sne.s32 s2, $0x0;
	s26 =	sadd.s32 s13, s30;
	s17 =	rddreg [dreg:$0x3]  }
0x1b: {  	s2 =	simm.s32 $0x6840;
	s25 =	smul.u32 $0xA00, s22;
	[dreg:$0x15] =	wrdreg s26  }
0x1c: {  	s22 =	simm.s32 $0x9040;
	s30 =	sadd.s32 $0xD400, s7;
	[dreg:$0x11] =	wrdreg s6  }
0x1d: {  	s6 =	sadd.s32 $0x30A00, s3;
	_ =	strace $0x80000047;
	[dreg:$0x16] =	wrdreg s30  }
0x1e: {  	s29 =	sshrl.u32 s25, $0x2;
	s7 =	sadd.s32 s9, s14;
	[dreg:$0x18] =	wrdreg s6  }
0x1f: {  	s9 =	sand.u32 $0x2, s0;
	s0 =	sshrl.u32 s0, $0x2;
	[dreg:$0x19] =	wrdreg s7  }
0x20: {  	s5 =	simm.s32 $0x3;
	s10 =	sadd.s32 s12, s14;
	[dreg:$0x1a] =	wrdreg s0  }
0x21: {  	s8 =	smul.u32 $0xA0, s15;
	s11 =	sadd.s32 s19, s17;
	[dreg:$0x1b] =	wrdreg s10  }
0x22: {  	s20 =	sadd.s32 s4, s21;
	s12 =	sadd.s32 s19, s21;
	[dreg:$0x1c] =	wrdreg s11  }
0x23: {  	s26 =	sadd.s32 s18, s21;
	s19 =	sadd.s32 s4, s17;
	[dreg:$0x1d] =	wrdreg s12  }
0x24: {  	s31 =	sadd.s32 s29, s14;
	s23 =	sadd.s32 s18, s17;
	[dreg:$0x1e] =	wrdreg s19  }
0x25: {  	s24 =	sadd.s32 s15, s14;
	s15 =	simm.s32 $0x8;
	[dreg:$0x1f] =	wrdreg s20  }
0x26: {  	s4 =	simm.s32 $0x0;
	s13 =	sshrl.u32 s8, $0x2;
	[smem:$0x7F8] =	sst s23  }
0x27: {  	s25 =	sor.u32 $0x4, s9;
	s29 =	sor.u32 $0x5, s9;
	s30 =	smax.u32 s16, $0x1  }
0x28: {  	[dreg:$0x17] =	wrdreg s31;
	s31 =	sadd.s32 $0x140, s31;
	s9 =	simm.s32 $0xA  }
0x29: {  	s6 =	simm.s32 $0x3C0;
	s12 =	simm.s32 $0x6;
	s16 =	simm.s32 $0x280  }
0x2a: {  	s20 =	simm.s32 $0xA440;
	s23 =	simm.s32 $0x7C40;
	[smem:$0x7F9] =	sst s25  }
.Ltmp0:
0x2b: {  	s7 =	simm.s32 $0x1;
	[smem:$0x7FA] =	sst s29;
	(pc) =	sbr.rel .LBB2_1-.Ltmp0, $4  }
0x2c: {  	s8 =	simm.s32 $0x4;
	s0 =	sadd.s32 s13, s21;
	[smem:$0x7FB] =	sst s30  }
0x2d: {  	[smem:$0x7FD] =	sst s31;
	s25 =	simm.s32 $0x80;
	s0 =	sadd.s32 $0x1900, s0  }
0x2e: {  	s13 =	simm.s32 $0x7;
	[smem:$0x7F7] =	sst s0;
	s0 =	sshrl.u32 s24, $0x3  }
0x2f: {  	v0 =	vimm.f32 $1.000000000e+00;
	v1 =	vimm.f32 $0.0e+00;
	s24 =	simm.s32 $0x5;
	[smem:$0x7FC] =	sst s0;
	s0 =	simm.s32 $0x5440  }
.LBB2_38:
0x30: {  	s4 =	sld [smem:$0x7F6]  }
0x31: {  	s3 =	sld [smem:$0x7FB];
	_ =	sdelay $0x1  }
0x32: {  	s4 =	sadd.s32 $0x1, s4  }
0x33: {  	p3 =	sne.s32 s4, s3  }
.Ltmp1:
0x34: {  	_ = 	snop;
	(pc) =	sbr.rel @!p3 .LBB2_39-.Ltmp1, $1  }
0x35: {  	_ =	sdelay $0x3  }
.LBB2_1:
0x36: {  	[smem:$0x7F6] =	sst s4  }
0x37: {  	s3 =	rddreg [dreg:$0x16];
	s29 =	simm.s32 $0x440  }
0x38: {  	[tilespmem:s29], [sflag:$0xA] =	stream.linear.gather [hbm4b:s3+s1], $0x2800, $0x38;
	[tilespmem:$0x1EBC0] =	vst v63  }
0x39: {  	_ =	swait.ge [sflag:s9], $0x2800  }
0x3a: {  	[sflag:s9] =	ssyncset.done $0x0  }
0x3b: {  	s31 =	simm.s32 $0x2C40;
	s30 =	rddreg [dreg:$0x6];
	[sflag:s9] =	ssyncadd.s32 $0xFFFFD800  }
0x3c: {  	[tilespmem:s31], [sflag:$0xA] =	stream.linear.gather [hbm4b:s30+s1], $0x2800, $0x38;
	[tilespmem:$0x1EBC0] =	vst v63  }
0x3d: {  	_ =	swait.ge [sflag:s9], $0x2800  }
0x3e: {  	[sflag:s9] =	ssyncset.done $0x0  }
0x3f: {  	[sflag:s9] =	ssyncadd.s32 $0xFFFFD800  }
0x40: {  	[tilespmem:$0x3C0] =	vst v0  }
0x41: {  	[tilespmem:$0x3D0] =	vst v0  }
0x42: {  	[tilespmem:$0x3E0] =	vst v0  }
0x43: {  	[tilespmem:$0x3F0] =	vst v0  }
0x44: {  	[tilespmem:$0x400] =	vst v0  }
0x45: {  	[tilespmem:$0x410] =	vst v0  }
0x46: {  	[tilespmem:$0x420] =	vst v0  }
0x47: {  	s10 =	simm.s32 $0x0;
	[tilespmem:$0x430] =	vst v0  }
0x48: {  	s3 =	simm.s32 $0xA0;
	[tilespmem:s10+$0x10850] =	vst v1  }
.LBB2_2:
0x49: {  	p3 =	sne.s32 s3, $0x6360;
	[tilespmem:s10+$0x10858] =	vst v1;
	s11 =	smov.u32 s3;
	s3 =	sadd.s32 $0xA0, s3  }
.Ltmp2:
0x4a: {  	[tilespmem:s10+$0x10840] =	vst v1;
	(pc) =	sbr.rel @p3 .LBB2_2-.Ltmp2, $3  }
0x4b: {  	_ =	sdelay $0x1  }
0x4c: {  	s10 =	sshra.s32 s11, $0x2  }
0x4d: {  	[tilespmem:s10+$0x10850] =	vst v1  }
0x4e: {  	[tilespmem:s10+$0x10858] =	vst v1  }
0x4f: {  	[tilespmem:s10+$0x10840] =	vst v1  }
0x50: {  	[tilespmem:$0x140] =	vst v1  }
0x51: {  	[tilespmem:$0x150] =	vst v1  }
0x52: {  	[tilespmem:$0x160] =	vst v1  }
0x53: {  	[tilespmem:$0x170] =	vst v1  }
0x54: {  	[tilespmem:$0x180] =	vst v1  }
0x55: {  	[tilespmem:$0x190] =	vst v1  }
0x56: {  	[tilespmem:$0x1A0] =	vst v1  }
0x57: {  	[tilespmem:$0x1B0] =	vst v1  }
0x58: {  	[tilespmem:$0x1C0] =	vst v1  }
0x59: {  	[tilespmem:$0x1D0] =	vst v1  }
0x5a: {  	[tilespmem:$0x1E0] =	vst v1  }
0x5b: {  	[tilespmem:$0x1F0] =	vst v1  }
0x5c: {  	[tilespmem:$0x200] =	vst v1  }
0x5d: {  	[tilespmem:$0x210] =	vst v1  }
0x5e: {  	[tilespmem:$0x220] =	vst v1  }
0x5f: {  	[tilespmem:$0x230] =	vst v1  }
0x60: {  	[tilespmem:$0x240] =	vst v1  }
0x61: {  	[tilespmem:$0x250] =	vst v1  }
0x62: {  	[tilespmem:$0x260] =	vst v1  }
0x63: {  	s3 =	rddreg [dreg:$0x17];
	s4 =	simm.s32 $0x140;
	[tilespmem:$0x270] =	vst v1  }
0x64: {  	[spmem:s3] =	stream.linear.scatter [tilespmem:s4], [sflag:$0xA], $0x140, $0x38;
	[tilespmem:$0x1EBC0] =	vst v63  }
0x65: {  	_ =	swait.ge [sflag:s9], $0x140  }
0x66: {  	s31 =	sld [smem:$0x7FD]  }
0x67: {  	[sflag:s9] =	ssyncset.done $0x0  }
0x68: {  	[sflag:s9] =	ssyncadd.s32 $0xFFFFFEC0  }
0x69: {  	[spmem:s31] =	stream.linear.scatter [tilespmem:s4], [sflag:$0xA], $0x140, $0x38;
	[tilespmem:$0x1EBC0] =	vst v63  }
0x6a: {  	_ =	swait.ge [sflag:s9], $0x140  }
0x6b: {  	[sflag:s9] =	ssyncset.done $0x0  }
0x6c: {  	[sflag:s9] =	ssyncadd.s32 $0xFFFFFEC0  }
0x6d: {  	s4 =	simm.s32 $0x2C40;
	[bflag:$0x0] =	sbarrier.arrive $0xFFFF  }
0x6e: {  	[spmem:s14] =	stream.indirect.scatter.add.f32 [tilespmem:s6], [sflag:$0x5], $0x1, s4, s25, $0xb8;
	[tilespmem:$0x1EBC0] =	vst v63  }
0x6f: {  	s10 =	simm.s32 $0x2CC0  }
0x70: {  	[spmem:s14] =	stream.indirect.scatter.add.f32 [tilespmem:s6], [sflag:$0x6], $0x1, s10, s25, $0xb8;
	[tilespmem:$0x1EBC0] =	vst v63  }
0x71: {  	s11 =	simm.s32 $0x2D40  }
0x72: {  	[spmem:s14] =	stream.indirect.scatter.add.f32 [tilespmem:s6], [sflag:$0x7], $0x1, s11, s25, $0xb8;
	[tilespmem:$0x1EBC0] =	vst v63  }
0x73: {  	s19 =	simm.s32 $0x2DC0  }
0x74: {  	[spmem:s14] =	stream.indirect.scatter.add.f32 [tilespmem:s6], [sflag:$0x8], $0x1, s19, s25, $0xb8;
	[tilespmem:$0x1EBC0] =	vst v63  }
0x75: {  	_ =	swait.ge [sflag:s24], $0x80  }
0x76: {  	[sflag:s24] =	ssyncset.done $0x0  }
0x77: {  	s29 =	simm.s32 $0x2E40;
	[sflag:s24] =	ssyncadd.s32 $0xFFFFFF80  }
0x78: {  	[spmem:s14] =	stream.indirect.scatter.add.f32 [tilespmem:s6], [sflag:$0x5], $0x1, s29, s25, $0xb8;
	[tilespmem:$0x1EBC0] =	vst v63  }
0x79: {  	_ =	swait.ge [sflag:s12], $0x80  }
0x7a: {  	[sflag:s12] =	ssyncset.done $0x0  }
0x7b: {  	s30 =	simm.s32 $0x2EC0;
	[sflag:s12] =	ssyncadd.s32 $0xFFFFFF80  }
0x7c: {  	[spmem:s14] =	stream.indirect.scatter.add.f32 [tilespmem:s6], [sflag:$0x6], $0x1, s30, s25, $0xb8;
	[tilespmem:$0x1EBC0] =	vst v63  }
0x7d: {  	_ =	swait.ge [sflag:s13], $0x80  }
0x7e: {  	[sflag:s13] =	ssyncset.done $0x0  }
0x7f: {  	s31 =	simm.s32 $0x2F40;
	[sflag:s13] =	ssyncadd.s32 $0xFFFFFF80  }
0x80: {  	[spmem:s14] =	stream.indirect.scatter.add.f32 [tilespmem:s6], [sflag:$0x7], $0x1, s31, s25, $0xb8;
	[tilespmem:$0x1EBC0] =	vst v63  }
0x81: {  	_ =	swait.ge [sflag:s15], $0x80  }
0x82: {  	s18 =	simm.s32 $0x140;
	[sflag:s15] =	ssyncset.done $0x0  }
0x83: {  	s3 =	simm.s32 $0xFFFF7000;
	s10 =	simm.s32 $0x2FC0;
	[sflag:s15] =	ssyncadd.s32 $0xFFFFFF80  }
.LBB2_4:
0x84: {  	[spmem:s14] =	stream.indirect.scatter.add.f32 [tilespmem:s6], [sflag:$0x8], $0x1, s10, s25, $0xb8;
	[tilespmem:$0x1EBC0] =	vst v63  }
0x85: {  	s10 =	smov.u32 s3  }
0x86: {  	p3 =	sne.s32 s3, $0xFFFFF800;
	s3 =	sadd.s32 $0x800, s3;
	_ =	swait.ge [sflag:s24], $0x80  }
0x87: {  	s10 =	sshra.s32 s10, $0x2;
	[sflag:s24] =	ssyncset.done $0x0  }
0x88: {  	s11 =	sadd.s32 $0x5440, s10;
	[sflag:s24] =	ssyncadd.s32 $0xFFFFFF80  }
0x89: {  	[spmem:s14] =	stream.indirect.scatter.add.f32 [tilespmem:s6], [sflag:$0x5], $0x1, s11, s25, $0xb8;
	[tilespmem:$0x1EBC0] =	vst v63  }
0x8a: {  	_ =	swait.ge [sflag:s12], $0x80  }
0x8b: {  	[sflag:s12] =	ssyncset.done $0x0  }
0x8c: {  	s11 =	sadd.s32 $0x54C0, s10;
	[sflag:s12] =	ssyncadd.s32 $0xFFFFFF80  }
0x8d: {  	[spmem:s14] =	stream.indirect.scatter.add.f32 [tilespmem:s6], [sflag:$0x6], $0x1, s11, s25, $0xb8;
	[tilespmem:$0x1EBC0] =	vst v63  }
0x8e: {  	_ =	swait.ge [sflag:s13], $0x80  }
0x8f: {  	[sflag:s13] =	ssyncset.done $0x0  }
.Ltmp3:
0x90: {  	s11 =	sadd.s32 $0x5540, s10;
	[sflag:s13] =	ssyncadd.s32 $0xFFFFFF80;
	(pc) =	sbr.rel @p3 .LBB2_4-.Ltmp3, $4  }
0x91: {  	[spmem:s14] =	stream.indirect.scatter.add.f32 [tilespmem:s6], [sflag:$0x7], $0x1, s11, s25, $0xb8;
	[tilespmem:$0x1EBC0] =	vst v63  }
0x92: {  	_ =	swait.ge [sflag:s15], $0x80  }
0x93: {  	[sflag:s15] =	ssyncset.done $0x0  }
0x94: {  	s10 =	sadd.s32 $0x55C0, s10;
	[sflag:s15] =	ssyncadd.s32 $0xFFFFFF80  }
0x95: {  	[spmem:s14] =	stream.indirect.scatter.add.f32 [tilespmem:s6], [sflag:$0x8], $0x1, s10, s25, $0xb8;
	[tilespmem:$0x1EBC0] =	vst v63  }
0x96: {  	_ =	swait.ge [sflag:s24], $0x80  }
0x97: {  	[sflag:s24] =	ssyncset.done $0x0  }
0x98: {  	[sflag:s24] =	ssyncadd.s32 $0xFFFFFF80  }
0x99: {  	_ =	swait.ge [sflag:s12], $0x80  }
0x9a: {  	[sflag:s12] =	ssyncset.done $0x0  }
0x9b: {  	[sflag:s12] =	ssyncadd.s32 $0xFFFFFF80  }
0x9c: {  	_ =	swait.ge [sflag:s13], $0x80  }
0x9d: {  	[sflag:s13] =	ssyncset.done $0x0  }
0x9e: {  	[sflag:s13] =	ssyncadd.s32 $0xFFFFFF80  }
0x9f: {  	_ =	swait.ge [sflag:s15], $0x80  }
0xa0: {  	[sflag:s15] =	ssyncset.done $0x0  }
0xa1: {  	[sflag:s15] =	ssyncadd.s32 $0xFFFFFF80  }
0xa2: {  	s3 =	stileid.u32;
	[bflag:$0x0] =	sbarrier.arrive $0xFFFF  }
0xa3: {  	s30 =	sshll.u32 s3, $0x6;
	s3 =	sld [smem:$0x7F9];
	_ =	sdelay $0x2  }
.Ltmp4:
0xa4: {  	s11 =	sshll.u32 @!p1 s3, $0xE;
	s3 =	sld [smem:$0x7FA];
	(pc) =	sbr.rel @p0 .LBB2_13-.Ltmp4, $3  }
0xa5: {  	_ =	sdelay $0x1  }
0xa6: {  	[smem:$0x7F5] =	sst s11;
	s19 =	sshll.u32 @!p1 s3, $0xE  }
0xa7: {  	s29 =	sor.u32 $0x1C0A, s30;
	[smem:$0x7F4] =	sst s19  }
0xa8: {  	s4 =	sld [smem:$0x7FC];
	_ =	sdelay $0x1  }
0xa9: {  	s29 =	sor.u32 $0x1C0A, s30;
	s3 =	rddreg [dreg:$0xa]  }
0xaa: {  	[hbm:s3], [sflag:s29] =	dma.local [spmem:s4], $0x28  }
0xab: {  	_ =	swait.ge [sflag:s9], $0x28  }
0xac: {  	[sflag:s9] =	ssyncset.done $0x0  }
0xad: {  	[sflag:s9] =	ssyncadd.s32 $0xFFFFFFD8  }
0xae: {  	s3 =	simm.s32 @!p1 $0x100000;
	[bflag:$0x0] =	sbarrier.arrive $0xFFFF  }
0xaf: {  	[smem:s3], [sflag:$0x0] =	smem.add.s32 @!p1 $0x0;
	s3 =	simm.s32 @!p1 $0x0  }
0xb0: {  	_ =	swait.done @!p1 [sflag:s3]  }
0xb1: {  	s10 =	ssyncread @!p1 [sflag:$0x0];
	_ =	sdelay $0x1  }
0xb2: {  	s4 =	rddreg [dreg:$0x1a]  }
0xb3: {  	s10 =	sadd.s32 @!p1 s4, s10  }
0xb4: {  	s10 =	sshll.u32 @!p1 s10, $0x11  }
0xb5: {  	[sflag:s3] =	ssyncset.s32 @!p1 $0x0;
	s10 =	sor.u32 @!p1 s10, s19  }
0xb6: {  	[sflag:s3] =	ssyncset.done @!p1 $0x0;
	s3 =	sor.u32 @!p1 $0x1C09, s10  }
0xb7: {  	[sflag:s3] =	ssyncadd.remote.s32 @!p1 $0x1;
	s3 =	simm.s32 @!p1 $0x9  }
0xb8: {  	_ =	swait.ge @!p1 [sflag:s3], $0x1  }
0xb9: {  	[sflag:s3] =	ssyncset.done @!p1 $0x0  }
0xba: {  	[sflag:s3] =	ssyncadd.s32 @!p1 $0xFFFFFFFF  }
0xbb: {  	[bflag:$0x0] =	sbarrier.arrive $0xFFFF  }
0xbc: {  	s11 =	rddreg [dreg:$0x19]  }
0xbd: {  	[tilespmem:s18], [sflag:$0xA] =	stream.linear.gather [spmem:s11], $0x140, $0x38;
	[tilespmem:$0x1EBC0] =	vst v63  }
0xbe: {  	_ =	swait.ge [sflag:s9], $0x140  }
0xbf: {  	[sflag:s9] =	ssyncset.done $0x0  }
0xc0: {  	s19 =	simm.s32 $0x0;
	s31 =	rddreg [dreg:$0x18];
	[sflag:s9] =	ssyncadd.s32 $0xFFFFFEC0  }
0xc1: {  	[tilespmem:s16], [sflag:$0xA] =	stream.linear.gather [hbm4b:s31+s19], $0x140, $0x38;
	[tilespmem:$0x1EBC0] =	vst v63  }
0xc2: {  	_ =	swait.ge [sflag:s9], $0x140  }
0xc3: {  	[sflag:s9] =	ssyncset.done $0x0  }
0xc4: {  	s3 =	simm.s32 $0x0;
	[sflag:s9] =	ssyncadd.s32 $0xFFFFFEC0  }
0xc5: {  	s10 =	simm.s32 $0x40;
	v2 =	vld [tilespmem:s3+$0x140]  }
.LBB2_7:
0xc6: {  	p3 =	sne.s32 s10, $0x4C0;
	v3 =	vld [tilespmem:s3+$0x280];
	_ =	sdelay $0x4  }
0xc7: {  	v2 =	vadd.f32 v3, v2;
	_ =	sdelay $0x1  }
0xc8: {  	v2 =	vadd.f32 $1.000000000e+00, v2;
	_ =	sdelay $0x1  }
0xc9: {  	[tilespmem:s3+$0x140] =	vst v2;
	v3 =	vshra.s32 v2, $0x1;
	v4 =	vmul.f32 $5.000000000e-01, v2;
	(erf) = vrcp.f32 v2  }
0xca: {  	v2 =	vsub.s32 $0x5F3759DF, v3  }
0xcb: {  	v3 =	vmul.f32 v2, v4;
	_ =	sdelay $0x1  }
0xcc: {  	v3 =	vmul.f32 v2, v3;
	_ =	sdelay $0x1  }
0xcd: {  	v5 =	vsub.f32 $1.500000000e+00, v3;
	_ =	sdelay $0x1  }
0xce: {  	v2 =	vmul.f32 v2, v5  }
0xcf: {  	v3 =	vpop (erf)  }
0xd0: {  	v3 =	vmul.f32 $8.999999760e-01, v3;
	v5 =	vmul.f32 v2, v4;
	_ =	sdelay $0x1  }
0xd1: {  	[tilespmem:s3+$0x0] =	vst v3;
	v3 =	vmul.f32 v5, v2;
	_ =	sdelay $0x1  }
0xd2: {  	v3 =	vsub.f32 $1.500000000e+00, v3;
	_ =	sdelay $0x1  }
0xd3: {  	v2 =	vmul.f32 v3, v2;
	_ =	sdelay $0x1  }
0xd4: {  	v3 =	vmul.f32 v2, v4;
	_ =	sdelay $0x1  }
0xd5: {  	v3 =	vmul.f32 v3, v2;
	_ =	sdelay $0x1  }
.Ltmp5:
0xd6: {  	v3 =	vsub.f32 $1.500000000e+00, v3;
	(pc) =	sbr.rel @p3 .LBB2_7-.Ltmp5, $4  }
0xd7: {  	_ = 	snop  }
0xd8: {  	v3 =	vmul.f32 v3, v2  }
0xd9: {  	s11 =	sshra.s32 s10, $0x2  }
0xda: {  	s10 =	sadd.s32 $0x40, s10;
	v2 =	vld [tilespmem:s11+$0x140];
	[tilespmem:s3+$0x280] =	vst v3;
	s3 =	smov.u32 s11  }
0xdb: {  	v3 =	vld [tilespmem:s3+$0x280];
	_ =	sdelay $0x4  }
0xdc: {  	v2 =	vadd.f32 v3, v2;
	_ =	sdelay $0x1  }
0xdd: {  	v2 =	vadd.f32 $1.000000000e+00, v2;
	_ =	sdelay $0x1  }
0xde: {  	v3 =	vshra.s32 v2, $0x1;
	v4 =	vmul.f32 $5.000000000e-01, v2  }
0xdf: {  	v3 =	vsub.s32 $0x5F3759DF, v3  }
0xe0: {  	v5 =	vmul.f32 v3, v4;
	_ =	sdelay $0x1  }
0xe1: {  	v5 =	vmul.f32 v3, v5;
	_ =	sdelay $0x1  }
0xe2: {  	v5 =	vsub.f32 $1.500000000e+00, v5;
	_ =	sdelay $0x1  }
0xe3: {  	v3 =	vmul.f32 v3, v5;
	_ =	sdelay $0x1  }
0xe4: {  	v5 =	vmul.f32 v3, v4;
	_ =	sdelay $0x1  }
0xe5: {  	v5 =	vmul.f32 v5, v3  }
0xe6: {  	(erf) = vrcp.f32 v2  }
0xe7: {  	v5 =	vsub.f32 $1.500000000e+00, v5;
	_ =	sdelay $0x1  }
0xe8: {  	v3 =	vmul.f32 v5, v3;
	_ =	sdelay $0x1  }
0xe9: {  	v4 =	vmul.f32 v3, v4;
	_ =	sdelay $0x1  }
0xea: {  	v4 =	vmul.f32 v4, v3;
	_ =	sdelay $0x1  }
0xeb: {  	v5 =	vpop (erf);
	v4 =	vsub.f32 $1.500000000e+00, v4  }
0xec: {  	v5 =	vmul.f32 $8.999999760e-01, v5  }
0xed: {  	[tilespmem:s3+$0x140] =	vst v2;
	v2 =	vmul.f32 v4, v3  }
0xee: {  	[tilespmem:s3+$0x0] =	vst v5  }
0xef: {  	s11 =	simm.s32 $0x0;
	s4 =	rddreg [dreg:$0xb];
	[tilespmem:s3+$0x280] =	vst v2  }
0xf0: {  	[hbm4b:s4+s11] =	stream.linear.scatter [tilespmem:s18], [sflag:$0xA], $0x140, $0x38;
	[tilespmem:$0x1EBC0] =	vst v63  }
0xf1: {  	_ =	swait.ge [sflag:s9], $0x140  }
0xf2: {  	[sflag:s9] =	ssyncset.done $0x0  }
0xf3: {  	v2 =	vmov s11;
	s19 =	rddreg [dreg:$0x9];
	[sflag:s9] =	ssyncadd.s32 $0xFFFFFEC0  }
0xf4: {  	[tilespmem:s20], [sflag:$0xA] =	stream.linear.gather [hbm4b:s19+s11], $0x1900, $0x38;
	[tilespmem:$0x1EBC0] =	vst v63  }
0xf5: {  	_ =	swait.ge [sflag:s9], $0x1900  }
0xf6: {  	[sflag:s9] =	ssyncset.done $0x0  }
0xf7: {  	[sflag:s9] =	ssyncadd.s32 $0xFFFFE700  }
0xf8: {  	s10 =	simm.s32 $0xA458;
	v2 =	vld.idx.msk [tilespmem:v2+s16+$0x0], $0xffff  }
0xf9: {  	v3 =	vld [tilespmem:s10+$0xFFFFFFE8];
	_ =	sdelay $0x1  }
0xfa: {  	v4 =	vld [tilespmem:s10+$0xFFFFFFF8];
	_ =	sdelay $0x1  }
0xfb: {  	v5 =	vld [tilespmem:s10+$0x0]  }
0xfc: {  	v3 =	vmul.f32 v3, v2;
	_ =	sdelay $0x1  }
0xfd: {  	v4 =	vmul.f32 v4, v2;
	v6 =	vmul.f32 $1.000000010e-01, v3  }
0xfe: {  	s3 =	simm.s32 $0xD650;
	[tilespmem:s10+$0xFFFFFFE8] =	vst v3  }
0xff: {  	s31 =	simm.s32 $0x1;
	v5 =	vmul.f32 v5, v2;
	v3 =	vmul.f32 $1.000000010e-01, v4;
	[tilespmem:s3+$0xFFFFFFF0] =	vst v6  }
0x100: {  	v2 =	vmov s31;
	[tilespmem:s10+$0xFFFFFFF8] =	vst v4  }
0x101: {  	[tilespmem:s3+$0x0] =	vst v3;
	v3 =	vmul.f32 $1.000000010e-01, v5  }
0x102: {  	s11 =	simm.s32 $0x2;
	[tilespmem:s10+$0x0] =	vst v5  }
.LBB2_9:
0x103: {  	[tilespmem:s3+$0x8] =	vst v3;
	s3 =	sadd.s32 $0x28, s3  }
0x104: {  	s10 =	sadd.s32 $0x28, s10;
	s18 =	smov.u32 s11;
	s20 =	sadd.s32 $0x1, s11  }
0x105: {  	p3 =	sne.s32 s11, $0x9F;
	v3 =	vld.idx.msk [tilespmem:v2+s16+$0x0], $0xffff  }
0x106: {  	v2 =	vld [tilespmem:s10+$0xFFFFFFE8];
	_ =	sdelay $0x1  }
0x107: {  	v4 =	vld [tilespmem:s10+$0xFFFFFFF8];
	_ =	sdelay $0x1  }
0x108: {  	v5 =	vld [tilespmem:s10+$0x0]  }
0x109: {  	v2 =	vmul.f32 v2, v3;
	_ =	sdelay $0x1  }
0x10a: {  	v4 =	vmul.f32 v4, v3;
	v6 =	vmul.f32 $1.000000010e-01, v2  }
.Ltmp6:
0x10b: {  	[tilespmem:s10+$0xFFFFFFE8] =	vst v2;
	(pc) =	sbr.rel @p3 .LBB2_9-.Ltmp6, $4  }
0x10c: {  	v2 =	vmov s18;
	v5 =	vmul.f32 v5, v3;
	[tilespmem:s3+$0xFFFFFFF0] =	vst v6;
	v3 =	vmul.f32 $1.000000010e-01, v4  }
0x10d: {  	[tilespmem:s10+$0xFFFFFFF8] =	vst v4  }
0x10e: {  	[tilespmem:s3+$0x0] =	vst v3;
	v3 =	vmul.f32 $1.000000010e-01, v5  }
0x10f: {  	s11 =	smov.u32 s20;
	[tilespmem:s10+$0x0] =	vst v5  }
0x110: {  	_ =	sdelay $0x2  }
0x111: {  	[tilespmem:s3+$0x8] =	vst v3  }
0x112: {  	s10 =	sadd.s32 $0x28, s10;
	v2 =	vld.idx.msk [tilespmem:v2+s16+$0x0], $0xffff  }
0x113: {  	v3 =	vld [tilespmem:s10+$0xFFFFFFE8];
	_ =	sdelay $0x1  }
0x114: {  	v4 =	vld [tilespmem:s10+$0xFFFFFFF8];
	_ =	sdelay $0x1  }
0x115: {  	v5 =	vld [tilespmem:s10+$0x0]  }
0x116: {  	v3 =	vmul.f32 v3, v2;
	_ =	sdelay $0x1  }
0x117: {  	v4 =	vmul.f32 v4, v2;
	v6 =	vmul.f32 $1.000000010e-01, v3  }
0x118: {  	s4 =	sadd.s32 $0x28, s3;
	[tilespmem:s10+$0xFFFFFFE8] =	vst v3  }
0x119: {  	v2 =	vmul.f32 v5, v2;
	v3 =	vmul.f32 $1.000000010e-01, v4;
	[tilespmem:s4+$0xFFFFFFF0] =	vst v6  }
0x11a: {  	[tilespmem:s10+$0xFFFFFFF8] =	vst v4  }
0x11b: {  	[tilespmem:s4+$0x0] =	vst v3;
	v3 =	vmul.f32 $1.000000010e-01, v2  }
0x11c: {  	[tilespmem:s10+$0x0] =	vst v2  }
0x11d: {  	s11 =	rddreg [dreg:$0x1c];
	[tilespmem:s4+$0x8] =	vst v3;
	s4 =	simm.s32 $0xA440  }
0x11e: {  	[spmem:s11] =	stream.linear.scatter [tilespmem:s4], [sflag:$0xA], $0x1900, $0x38;
	[tilespmem:$0x1EBC0] =	vst v63  }
0x11f: {  	_ =	swait.ge [sflag:s9], $0x1900  }
0x120: {  	[sflag:s9] =	ssyncset.done $0x0  }
0x121: {  	s18 =	rddreg [dreg:$0x1d];
	[sflag:s9] =	ssyncadd.s32 $0xFFFFE700  }
0x122: {  	[spmem:s18] =	stream.linear.scatter [tilespmem:s4], [sflag:$0xA], $0x1900, $0x38;
	[tilespmem:$0x1EBC0] =	vst v63  }
0x123: {  	_ =	swait.ge [sflag:s9], $0x1900  }
0x124: {  	[sflag:s9] =	ssyncset.done $0x0  }
0x125: {  	s19 =	rddreg [dreg:$0xc];
	[sflag:s9] =	ssyncadd.s32 $0xFFFFE700  }
0x126: {  	[hbm4b:s19+s1] =	stream.linear.scatter [tilespmem:s4], [sflag:$0xA], $0x1900, $0x38;
	[tilespmem:$0x1EBC0] =	vst v63  }
0x127: {  	_ =	swait.ge [sflag:s9], $0x1900  }
0x128: {  	s20 =	simm.s32 $0xA0;
	[sflag:s9] =	ssyncset.done $0x0  }
0x129: {  	v2 =	vmov s20;
	s31 =	rddreg [dreg:$0xd];
	[sflag:s9] =	ssyncadd.s32 $0xFFFFE700  }
0x12a: {  	[tilespmem:s4], [sflag:$0xA] =	stream.linear.gather [hbm4b:s31+s1], $0x1900, $0x38;
	[tilespmem:$0x1EBC0] =	vst v63  }
0x12b: {  	_ =	swait.ge [sflag:s9], $0x1900  }
0x12c: {  	[sflag:s9] =	ssyncset.done $0x0  }
0x12d: {  	[sflag:s9] =	ssyncadd.s32 $0xFFFFE700  }
0x12e: {  	s10 =	simm.s32 $0xA458;
	v2 =	vld.idx.msk [tilespmem:v2+s16+$0x0], $0xffff  }
0x12f: {  	v3 =	vld [tilespmem:s10+$0xFFFFFFE8];
	_ =	sdelay $0x1  }
0x130: {  	v4 =	vld [tilespmem:s10+$0xFFFFFFF8];
	_ =	sdelay $0x2  }
0x131: {  	v5 =	vld [tilespmem:s10+$0x0];
	v3 =	vmul.f32 v3, v2;
	_ =	sdelay $0x1  }
0x132: {  	v4 =	vmul.f32 v4, v2;
	v63 =	vmul.f32 $1.000000010e-01, v3  }
0x133: {  	s3 =	simm.s32 $0xEF58;
	[tilespmem:s10+$0xFFFFFFE8] =	vst v3  }
0x134: {  	s18 =	simm.s32 $0xA1;
	v3 =	vmul.f32 $1.000000010e-01, v4;
	[tilespmem:s3+$0xFFFFFFE8] =	vst v63  }
0x135: {  	v5 =	vmul.f32 v5, v2;
	v2 =	vmov s18;
	[tilespmem:s10+$0xFFFFFFF8] =	vst v4  }
0x136: {  	[tilespmem:s3+$0xFFFFFFF8] =	vst v3  }
0x137: {  	s11 =	simm.s32 $0xA2;
	v3 =	vmul.f32 $1.000000010e-01, v5;
	[tilespmem:s10+$0x0] =	vst v5  }
.LBB2_11:
0x138: {  	s10 =	sadd.s32 $0x28, s10  }
0x139: {  	[tilespmem:s3+$0x0] =	vst v3;
	s3 =	sadd.s32 $0x28, s3;
	s18 =	smov.u32 s11;
	s20 =	sadd.s32 $0x1, s11  }
0x13a: {  	p3 =	sne.s32 s11, $0x13F;
	v3 =	vld.idx.msk [tilespmem:v2+s16+$0x0], $0xffff  }
0x13b: {  	v2 =	vld [tilespmem:s10+$0xFFFFFFE8];
	_ =	sdelay $0x1  }
0x13c: {  	v4 =	vld [tilespmem:s10+$0xFFFFFFF8];
	_ =	sdelay $0x1  }
0x13d: {  	v5 =	vld [tilespmem:s10+$0x0]  }
0x13e: {  	v2 =	vmul.f32 v2, v3;
	_ =	sdelay $0x1  }
0x13f: {  	v4 =	vmul.f32 v4, v3;
	v6 =	vmul.f32 $1.000000010e-01, v2  }
.Ltmp7:
0x140: {  	[tilespmem:s10+$0xFFFFFFE8] =	vst v2;
	(pc) =	sbr.rel @p3 .LBB2_11-.Ltmp7, $4  }
0x141: {  	v2 =	vmov s18;
	v5 =	vmul.f32 v5, v3;
	[tilespmem:s3+$0xFFFFFFE8] =	vst v6;
	v3 =	vmul.f32 $1.000000010e-01, v4  }
0x142: {  	[tilespmem:s10+$0xFFFFFFF8] =	vst v4  }
0x143: {  	[tilespmem:s3+$0xFFFFFFF8] =	vst v3;
	v3 =	vmul.f32 $1.000000010e-01, v5  }
0x144: {  	s11 =	smov.u32 s20;
	[tilespmem:s10+$0x0] =	vst v5  }
0x145: {  	_ =	sdelay $0x2  }
0x146: {  	[tilespmem:s3+$0x0] =	vst v3  }
0x147: {  	s10 =	sadd.s32 $0x28, s10;
	v2 =	vld.idx.msk [tilespmem:v2+s16+$0x0], $0xffff  }
0x148: {  	v3 =	vld [tilespmem:s10+$0xFFFFFFE8];
	_ =	sdelay $0x1  }
0x149: {  	v4 =	vld [tilespmem:s10+$0xFFFFFFF8];
	_ =	sdelay $0x1  }
0x14a: {  	v5 =	vld [tilespmem:s10+$0x0]  }
0x14b: {  	v3 =	vmul.f32 v3, v2;
	_ =	sdelay $0x1  }
0x14c: {  	v4 =	vmul.f32 v4, v2;
	v6 =	vmul.f32 $1.000000010e-01, v3  }
0x14d: {  	s4 =	sadd.s32 $0x28, s3;
	[tilespmem:s10+$0xFFFFFFE8] =	vst v3  }
0x14e: {  	v2 =	vmul.f32 v5, v2;
	v3 =	vmul.f32 $1.000000010e-01, v4;
	[tilespmem:s4+$0xFFFFFFE8] =	vst v6  }
0x14f: {  	[tilespmem:s10+$0xFFFFFFF8] =	vst v4  }
0x150: {  	[tilespmem:s4+$0xFFFFFFF8] =	vst v3;
	v3 =	vmul.f32 $1.000000010e-01, v2  }
0x151: {  	[tilespmem:s10+$0x0] =	vst v2  }
0x152: {  	s10 =	rddreg [dreg:$0x1e];
	[tilespmem:s4+$0x0] =	vst v3;
	s4 =	simm.s32 $0xA440  }
0x153: {  	[spmem:s10] =	stream.linear.scatter [tilespmem:s4], [sflag:$0xA], $0x1900, $0x38;
	[tilespmem:$0x1EBC0] =	vst v63  }
0x154: {  	_ =	swait.ge [sflag:s9], $0x1900  }
0x155: {  	[sflag:s9] =	ssyncset.done $0x0  }
0x156: {  	s11 =	rddreg [dreg:$0x1f];
	[sflag:s9] =	ssyncadd.s32 $0xFFFFE700  }
0x157: {  	[spmem:s11] =	stream.linear.scatter [tilespmem:s4], [sflag:$0xA], $0x1900, $0x38;
	[tilespmem:$0x1EBC0] =	vst v63  }
0x158: {  	_ =	swait.ge [sflag:s9], $0x1900  }
0x159: {  	[sflag:s9] =	ssyncset.done $0x0  }
0x15a: {  	s18 =	rddreg [dreg:$0xe];
	[sflag:s9] =	ssyncadd.s32 $0xFFFFE700  }
0x15b: {  	[hbm4b:s18+s1] =	stream.linear.scatter [tilespmem:s4], [sflag:$0xA], $0x1900, $0x38;
	[tilespmem:$0x1EBC0] =	vst v63  }
0x15c: {  	_ =	swait.ge [sflag:s9], $0x1900  }
0x15d: {  	[sflag:s9] =	ssyncset.done $0x0  }
0x15e: {  	s19 =	simm.s32 $0x10840;
	[sflag:s9] =	ssyncadd.s32 $0xFFFFE700  }
0x15f: {  	[spmem:s26] =	stream.linear.scatter [tilespmem:s19], [sflag:$0xA], $0x1900, $0x38;
	[tilespmem:$0x1EBC0] =	vst v63  }
0x160: {  	_ =	swait.ge [sflag:s9], $0x1900  }
0x161: {  	s31 =	sld [smem:$0x7F7]  }
0x162: {  	[sflag:s9] =	ssyncset.done $0x0  }
0x163: {  	[sflag:s9] =	ssyncadd.s32 $0xFFFFE700  }
0x164: {  	[spmem:s31] =	stream.linear.scatter [tilespmem:s19], [sflag:$0xA], $0x1900, $0x38;
	[tilespmem:$0x1EBC0] =	vst v63  }
.Ltmp8:
0x165: {  	_ =	swait.ge [sflag:s9], $0x1900;
	(pc) =	sbr.rel @!p2 .LBB2_21-.Ltmp8, $4  }
0x166: {  	[sflag:s9] =	ssyncset.done $0x0  }
0x167: {  	[sflag:s9] =	ssyncadd.s32 $0xFFFFE700  }
0x168: {  	[bflag:$0x0] =	sbarrier.arrive $0xFFFF  }
0x169: {  	s20 =	simm.s32 $0xA440;
	s3 =	sld [smem:$0x7FA]  }
.LBB2_20:
0x16a: {  	s4 =	simm.s32 $0x100000  }
0x16b: {  	[smem:s4], [sflag:$0x0] =	smem.add.s32 $0x0  }
0x16c: {  	_ =	swait.done [sflag:s1]  }
0x16d: {  	s10 =	ssyncread [sflag:$0x0];
	_ =	sdelay $0x1  }
0x16e: {  	s19 =	rddreg [dreg:$0x1a]  }
0x16f: {  	s10 =	sadd.s32 s19, s10  }
0x170: {  	s3 =	sshll.u32 s3, $0xE;
	s10 =	sshll.u32 s10, $0x11  }
0x171: {  	[sflag:s1] =	ssyncset.s32 $0x0;
	s3 =	sor.u32 s10, s3  }
0x172: {  	[sflag:s1] =	ssyncset.done $0x0;
	s3 =	sor.u32 $0x1C09, s3  }
0x173: {  	s31 =	simm.s32 $0x9;
	[sflag:s3] =	ssyncadd.remote.s32 $0x1  }
0x174: {  	_ =	swait.ge [sflag:s31], $0x1  }
0x175: {  	[sflag:s31] =	ssyncset.done $0x0  }
0x176: {  	[sflag:s31] =	ssyncadd.s32 $0xFFFFFFFF  }
.LBB2_21:
0x177: {  	[bflag:$0x0] =	sbarrier.arrive $0xFFFF  }
0x178: {  	s3 =	sld [smem:$0x7F8];
	_ =	sdelay $0x2  }
0x179: {  	s31 =	rddreg [dreg:$0xf];
	s4 =	sshrl.u32 s3, $0x3  }
0x17a: {  	[smem:$0x7F2] =	sst s4  }
0x17b: {  	[spmem:s4], [sflag:s29] =	dma.local [hbm:s31], $0x640  }
0x17c: {  	_ =	swait.ge [sflag:s9], $0x640  }
.Ltmp9:
0x17d: {  	[sflag:s9] =	ssyncset.done $0x0;
	(pc) =	sbr.rel .LBB2_22-.Ltmp9, $4  }
0x17e: {  	[sflag:s9] =	ssyncadd.s32 $0xFFFFF9C0  }
0x17f: {  	[bflag:$0x0] =	sbarrier.arrive $0xFFFF  }
0x180: {  	[smem:$0x7F3] =	sst s30  }
0x181: {  	s29 =	simm.s32 $0x0;
	s18 =	sld [smem:$0x7F4]  }
.LBB2_36:
0x182: {  	s4 =	simm.s32 $0x100000  }
0x183: {  	[smem:s4], [sflag:$0x0] =	smem.add.s32 $0x0  }
0x184: {  	_ =	swait.done [sflag:s1]  }
0x185: {  	s19 =	ssyncread [sflag:$0x0];
	_ =	sdelay $0x1  }
0x186: {  	s10 =	rddreg [dreg:$0x1a]  }
0x187: {  	s4 =	sadd.s32 s10, s19  }
0x188: {  	s3 =	sshll.u32 s3, $0xE;
	s4 =	sshll.u32 s4, $0x11  }
0x189: {  	[sflag:s1] =	ssyncset.s32 $0x0;
	s3 =	sor.u32 s4, s3  }
0x18a: {  	[sflag:s1] =	ssyncset.done $0x0;
	s3 =	sor.u32 $0x1C09, s3  }
0x18b: {  	s30 =	simm.s32 $0x9;
	[sflag:s3] =	ssyncadd.remote.s32 $0x1  }
0x18c: {  	_ =	swait.ge [sflag:s30], $0x1  }
0x18d: {  	[sflag:s30] =	ssyncset.done $0x0  }
0x18e: {  	[sflag:s30] =	ssyncadd.s32 $0xFFFFFFFF  }
.LBB2_37:
0x18f: {  	[bflag:$0x0] =	sbarrier.arrive $0xFFFF  }
0x190: {  	s4 =	sld [smem:$0x7F2];
	_ =	sdelay $0x1  }
0x191: {  	s29 =	sadd.s32 $0x1, s29;
	s3 =	rddreg [dreg:$0xf]  }
0x192: {  	[spmem:s4], [sflag:s31] =	dma.local [hbm:s3], $0x640  }
0x193: {  	p3 =	sne.s32 s29, $0xA;
	_ =	swait.ge [sflag:s9], $0x640  }
.Ltmp10:
0x194: {  	[sflag:s9] =	ssyncset.done $0x0;
	(pc) =	sbr.rel @!p3 .LBB2_38-.Ltmp10, $4  }
0x195: {  	[sflag:s9] =	ssyncadd.s32 $0xFFFFF9C0  }
0x196: {  	[bflag:$0x0] =	sbarrier.arrive $0xFFFF  }
0x197: {  	s30 =	sld [smem:$0x7F3]  }
0x198: {  	s18 =	sld [smem:$0x7F4]  }
.LBB2_22:
0x199: {  	s3 =	simm.s32 $0x440  }
0x19a: {  	[tilespmem:s0], [sflag:$0x1] =	stream.indirect.gather [spmem:s17], $0x28, s3, s25, $0xb8;
	[tilespmem:$0x1EBC0] =	vst v63  }
0x19b: {  	s10 =	simm.s32 $0x4C0  }
0x19c: {  	[tilespmem:s2], [sflag:$0x2] =	stream.indirect.gather [spmem:s17], $0x28, s10, s25, $0xb8;
	[tilespmem:$0x1EBC0] =	vst v63  }
0x19d: {  	s11 =	simm.s32 $0x540  }
0x19e: {  	[tilespmem:s23], [sflag:$0x3] =	stream.indirect.gather [spmem:s17], $0x28, s11, s25, $0xb8;
	[tilespmem:$0x1EBC0] =	vst v63  }
0x19f: {  	s19 =	simm.s32 $0x5C0  }
0x1a0: {  	[tilespmem:s22], [sflag:$0x4] =	stream.indirect.gather [spmem:s17], $0x28, s19, s25, $0xb8;
	[tilespmem:$0x1EBC0] =	vst v63  }
0x1a1: {  	_ =	swait.ge [sflag:s7], $0x1400  }
0x1a2: {  	[sflag:s7] =	ssyncset.done $0x0  }
0x1a3: {  	s31 =	simm.s32 $0x2C40;
	[sflag:s7] =	ssyncadd.s32 $0xFFFFEC00  }
0x1a4: {  	[spmem:s21] =	stream.indirect.scatter.add.f32 [tilespmem:s0], [sflag:$0x5], $0x28, s31, s25, $0xb8;
	[tilespmem:$0x1EBC0] =	vst v63  }
0x1a5: {  	_ =	swait.ge [sflag:s28], $0x1400  }
0x1a6: {  	[sflag:s28] =	ssyncset.done $0x0  }
0x1a7: {  	s4 =	simm.s32 $0x2CC0;
	[sflag:s28] =	ssyncadd.s32 $0xFFFFEC00  }
0x1a8: {  	[spmem:s21] =	stream.indirect.scatter.add.f32 [tilespmem:s2], [sflag:$0x6], $0x28, s4, s25, $0xb8;
	[tilespmem:$0x1EBC0] =	vst v63  }
0x1a9: {  	_ =	swait.ge [sflag:s5], $0x1400  }
0x1aa: {  	[sflag:s5] =	ssyncset.done $0x0  }
0x1ab: {  	s10 =	simm.s32 $0x2D40;
	[sflag:s5] =	ssyncadd.s32 $0xFFFFEC00  }
0x1ac: {  	[spmem:s21] =	stream.indirect.scatter.add.f32 [tilespmem:s23], [sflag:$0x7], $0x28, s10, s25, $0xb8;
	[tilespmem:$0x1EBC0] =	vst v63  }
0x1ad: {  	_ =	swait.ge [sflag:s24], $0x1400  }
0x1ae: {  	[sflag:s24] =	ssyncset.done $0x0  }
0x1af: {  	s11 =	simm.s32 $0x640;
	[sflag:s24] =	ssyncadd.s32 $0xFFFFEC00  }
0x1b0: {  	[tilespmem:s0], [sflag:$0x1] =	stream.indirect.gather [spmem:s17], $0x28, s11, s25, $0xb8;
	[tilespmem:$0x1EBC0] =	vst v63  }
0x1b1: {  	_ =	swait.ge [sflag:s8], $0x1400  }
0x1b2: {  	[sflag:s8] =	ssyncset.done $0x0  }
0x1b3: {  	s19 =	simm.s32 $0x2DC0;
	[sflag:s8] =	ssyncadd.s32 $0xFFFFEC00  }
0x1b4: {  	[spmem:s21] =	stream.indirect.scatter.add.f32 [tilespmem:s22], [sflag:$0x8], $0x28, s19, s25, $0xb8;
	[tilespmem:$0x1EBC0] =	vst v63  }
0x1b5: {  	_ =	swait.ge [sflag:s12], $0x1400  }
0x1b6: {  	[sflag:s12] =	ssyncset.done $0x0  }
0x1b7: {  	s3 =	simm.s32 $0x0;
	s31 =	simm.s32 $0x6C0;
	[sflag:s12] =	ssyncadd.s32 $0xFFFFEC00  }
0x1b8: {  	[tilespmem:s2], [sflag:$0x2] =	stream.indirect.gather [spmem:s17], $0x28, s31, s25, $0xb8;
	[tilespmem:$0x1EBC0] =	vst v63  }
.LBB2_23:
0x1b9: {  	_ =	swait.ge [sflag:s7], $0x1400  }
0x1ba: {  	s10 =	sshra.s32 s3, $0x2;
	[sflag:s7] =	ssyncset.done $0x0  }
0x1bb: {  	s11 =	sadd.s32 $0x2E40, s10;
	[sflag:s7] =	ssyncadd.s32 $0xFFFFEC00  }
0x1bc: {  	[spmem:s21] =	stream.indirect.scatter.add.f32 [tilespmem:s0], [sflag:$0x5], $0x28, s11, s25, $0xb8;
	[tilespmem:$0x1EBC0] =	vst v63  }
0x1bd: {  	_ =	swait.ge [sflag:s13], $0x1400  }
0x1be: {  	[sflag:s13] =	ssyncset.done $0x0  }
0x1bf: {  	s31 =	sadd.s32 $0x740, s10;
	[sflag:s13] =	ssyncadd.s32 $0xFFFFEC00  }
0x1c0: {  	[tilespmem:s23], [sflag:$0x3] =	stream.indirect.gather [spmem:s17], $0x28, s31, s25, $0xb8;
	[tilespmem:$0x1EBC0] =	vst v63  }
0x1c1: {  	_ =	swait.ge [sflag:s28], $0x1400  }
0x1c2: {  	[sflag:s28] =	ssyncset.done $0x0  }
0x1c3: {  	s4 =	sadd.s32 $0x2EC0, s10;
	[sflag:s28] =	ssyncadd.s32 $0xFFFFEC00  }
0x1c4: {  	[spmem:s21] =	stream.indirect.scatter.add.f32 [tilespmem:s2], [sflag:$0x6], $0x28, s4, s25, $0xb8;
	[tilespmem:$0x1EBC0] =	vst v63  }
0x1c5: {  	_ =	swait.ge [sflag:s15], $0x1400  }
0x1c6: {  	[sflag:s15] =	ssyncset.done $0x0  }
0x1c7: {  	p3 =	seq.s32 s3, $0x9000;
	s19 =	sadd.s32 $0x7C0, s10;
	[sflag:s15] =	ssyncadd.s32 $0xFFFFEC00  }
0x1c8: {  	[tilespmem:s22], [sflag:$0x4] =	stream.indirect.gather [spmem:s17], $0x28, s19, s25, $0xb8;
	[tilespmem:$0x1EBC0] =	vst v63  }
.Ltmp11:
0x1c9: {  	_ = 	snop;
	(pc) =	sbr.rel @p3 .LBB2_25-.Ltmp11, $4  }
0x1ca: {  	_ =	swait.ge [sflag:s5], $0x1400  }
0x1cb: {  	[sflag:s5] =	ssyncset.done $0x0  }
0x1cc: {  	s31 =	sadd.s32 $0x2F40, s10;
	[sflag:s5] =	ssyncadd.s32 $0xFFFFEC00  }
0x1cd: {  	[spmem:s21] =	stream.indirect.scatter.add.f32 [tilespmem:s23], [sflag:$0x7], $0x28, s31, s25, $0xb8;
	[tilespmem:$0x1EBC0] =	vst v63  }
0x1ce: {  	_ =	swait.ge [sflag:s24], $0x1400  }
0x1cf: {  	[sflag:s24] =	ssyncset.done $0x0  }
0x1d0: {  	s11 =	sadd.s32 $0x840, s10;
	[sflag:s24] =	ssyncadd.s32 $0xFFFFEC00  }
0x1d1: {  	[tilespmem:s0], [sflag:$0x1] =	stream.indirect.gather [spmem:s17], $0x28, s11, s25, $0xb8;
	[tilespmem:$0x1EBC0] =	vst v63  }
0x1d2: {  	_ =	swait.ge [sflag:s8], $0x1400  }
0x1d3: {  	[sflag:s8] =	ssyncset.done $0x0  }
0x1d4: {  	s19 =	sadd.s32 $0x2FC0, s10;
	[sflag:s8] =	ssyncadd.s32 $0xFFFFEC00  }
0x1d5: {  	[spmem:s21] =	stream.indirect.scatter.add.f32 [tilespmem:s22], [sflag:$0x8], $0x28, s19, s25, $0xb8;
	[tilespmem:$0x1EBC0] =	vst v63  }
.Ltmp12:
0x1d6: {  	_ = 	snop;
	(pc) =	sbr.rel .LBB2_23-.Ltmp12, $4  }
0x1d7: {  	_ =	swait.ge [sflag:s12], $0x1400  }
0x1d8: {  	[sflag:s12] =	ssyncset.done $0x0  }
0x1d9: {  	s31 =	sadd.s32 $0x8C0, s10;
	s3 =	sadd.s32 $0x800, s3;
	[sflag:s12] =	ssyncadd.s32 $0xFFFFEC00  }
0x1da: {  	[tilespmem:s2], [sflag:$0x2] =	stream.indirect.gather [spmem:s17], $0x28, s31, s25, $0xb8;
	[tilespmem:$0x1EBC0] =	vst v63  }
.LBB2_25:
0x1db: {  	_ =	swait.ge [sflag:s8], $0x1400  }
0x1dc: {  	[sflag:s8] =	ssyncset.done $0x0  }
0x1dd: {  	s3 =	simm.s32 $0x53C0;
	[sflag:s8] =	ssyncadd.s32 $0xFFFFEC00  }
0x1de: {  	[spmem:s21] =	stream.indirect.scatter.add.f32 [tilespmem:s22], [sflag:$0x8], $0x28, s3, s25, $0xb8;
	[tilespmem:$0x1EBC0] =	vst v63  }
0x1df: {  	_ =	swait.ge [sflag:s24], $0x1400  }
0x1e0: {  	[sflag:s24] =	ssyncset.done $0x0  }
0x1e1: {  	[sflag:s24] =	ssyncadd.s32 $0xFFFFEC00  }
0x1e2: {  	_ =	swait.ge [sflag:s12], $0x1400  }
0x1e3: {  	[sflag:s12] =	ssyncset.done $0x0  }
0x1e4: {  	[sflag:s12] =	ssyncadd.s32 $0xFFFFEC00  }
0x1e5: {  	_ =	swait.ge [sflag:s13], $0x1400  }
0x1e6: {  	[sflag:s13] =	ssyncset.done $0x0  }
0x1e7: {  	[sflag:s13] =	ssyncadd.s32 $0xFFFFEC00  }
.Ltmp13:
0x1e8: {  	_ =	swait.ge [sflag:s15], $0x1400;
	(pc) =	sbr.rel @p0 .LBB2_31-.Ltmp13, $4  }
0x1e9: {  	[sflag:s15] =	ssyncset.done $0x0  }
0x1ea: {  	[sflag:s15] =	ssyncadd.s32 $0xFFFFEC00  }
0x1eb: {  	[bflag:$0x0] =	sbarrier.arrive $0xFFFF  }
0x1ec: {  	s19 =	smov.u32 s26;
	s31 =	sor.u32 $0x1C0A, s30;
	s3 =	sshrl.u32 s26, $0x3  }
0x1ed: {  	s4 =	rddreg [dreg:$0x11]  }
0x1ee: {  	[hbm:s4], [sflag:s31] =	dma.local [spmem:s3], $0x640  }
0x1ef: {  	_ =	swait.ge [sflag:s9], $0x640  }
0x1f0: {  	[sflag:s9] =	ssyncset.done $0x0  }
0x1f1: {  	[sflag:s9] =	ssyncadd.s32 $0xFFFFF9C0  }
0x1f2: {  	s3 =	simm.s32 @!p1 $0x100000;
	[bflag:$0x0] =	sbarrier.arrive $0xFFFF  }
0x1f3: {  	[smem:s3], [sflag:$0x0] =	smem.add.s32 @!p1 $0x0;
	s3 =	simm.s32 @!p1 $0x0  }
0x1f4: {  	_ =	swait.done @!p1 [sflag:s3]  }
0x1f5: {  	s10 =	ssyncread @!p1 [sflag:$0x0];
	_ =	sdelay $0x1  }
0x1f6: {  	s4 =	rddreg [dreg:$0x1a]  }
0x1f7: {  	s10 =	sadd.s32 @!p1 s4, s10  }
0x1f8: {  	s10 =	sshll.u32 @!p1 s10, $0x11  }
0x1f9: {  	[sflag:s3] =	ssyncset.s32 @!p1 $0x0;
	s10 =	sor.u32 @!p1 s10, s18  }
0x1fa: {  	[sflag:s3] =	ssyncset.done @!p1 $0x0;
	s3 =	sor.u32 @!p1 $0x1C09, s10  }
0x1fb: {  	[sflag:s3] =	ssyncadd.remote.s32 @!p1 $0x1;
	s3 =	simm.s32 @!p1 $0x9  }
0x1fc: {  	_ =	swait.ge @!p1 [sflag:s3], $0x1  }
0x1fd: {  	[sflag:s3] =	ssyncset.done @!p1 $0x0  }
0x1fe: {  	[sflag:s3] =	ssyncadd.s32 @!p1 $0xFFFFFFFF  }
0x1ff: {  	[bflag:$0x0] =	sbarrier.arrive $0xFFFF  }
0x200: {  	s18 =	rddreg [dreg:$0x1d]  }
0x201: {  	[tilespmem:s20], [sflag:$0xA] =	stream.linear.gather [spmem:s18], $0x1900, $0x38;
	[tilespmem:$0x1EBC0] =	vst v63  }
0x202: {  	_ =	swait.ge [sflag:s9], $0x1900  }
0x203: {  	s26 =	simm.s32 $0x0;
	[sflag:s9] =	ssyncset.done $0x0  }
0x204: {  	s18 =	simm.s32 $0xBD40;
	s11 =	rddreg [dreg:$0x14];
	[sflag:s9] =	ssyncadd.s32 $0xFFFFE700  }
0x205: {  	v2 =	vmov s26;
	[tilespmem:s18], [sflag:$0xA] =	stream.linear.gather [hbm4b:s11+s26], $0x1900, $0x38;
	[tilespmem:$0x1EBC0] =	vst v63  }
0x206: {  	v2 =	vand.u32 $0xFFFFFFFE, v2;
	_ =	swait.ge [sflag:s9], $0x1900  }
0x207: {  	v2 =	vbroadcast v2, $0x0;
	[sflag:s9] =	ssyncset.done $0x0  }
0x208: {  	s11 =	simm.s32 $0xA468;
	[sflag:s9] =	ssyncadd.s32 $0xFFFFE700  }
0x209: {  	v3 =	vld [tilespmem:s11+$0xFFFFFFF0]  }
0x20a: {  	v4 =	vld [tilespmem:s11+$0xFFFFFFE8]  }
0x20b: {  	s3 =	simm.s32 $0xBD68;
	v5 =	vld [tilespmem:s11+$0xFFFFFFD8]  }
0x20c: {  	v6 =	vld [tilespmem:s3+$0xFFFFFFD8]  }
0x20d: {  	v2 =	vld.idx.msk [tilespmem:v2+s1+$0x0], $0xffff  }
0x20e: {  	v7 =	vld [tilespmem:s3+$0xFFFFFFE8]  }
0x20f: {  	v8 =	vld [tilespmem:s3+$0xFFFFFFF0]  }
0x210: {  	s20 =	simm.s32 $0xD668  }
0x211: {  	v9 =	vld [tilespmem:s20+$0xFFFFFFD8]  }
0x212: {  	v5 =	vadd.f32 v6, v5;
	v6 =	vld [tilespmem:s20+$0xFFFFFFE8]  }
0x213: {  	v4 =	vadd.f32 v7, v4;
	v7 =	vld [tilespmem:s20+$0xFFFFFFF0]  }
0x214: {  	v3 =	vadd.f32 v8, v3;
	v5 =	vmul.f32 v5, v2  }
0x215: {  	v4 =	vmul.f32 v4, v2  }
0x216: {  	v3 =	vmul.f32 v3, v2;
	v5 =	vadd.f32 v5, v9  }
0x217: {  	s26 =	simm.s32 $0x1;
	v4 =	vadd.f32 v4, v6  }
0x218: {  	v3 =	vadd.f32 v3, v7;
	[tilespmem:s11+$0xFFFFFFD8] =	vst v5;
	v5 =	vmov s26  }
0x219: {  	v8 =	vld [tilespmem:s11+$0x18];
	[tilespmem:s11+$0xFFFFFFE8] =	vst v4  }
0x21a: {  	[tilespmem:s11+$0xFFFFFFF0] =	vst v3;
	v4 =	vld [tilespmem:s11+$0x10]  }
0x21b: {  	v9 =	vld [tilespmem:s3+$0x10]  }
0x21c: {  	v11 =	vld [tilespmem:s3+$0x18]  }
0x21d: {  	v3 =	vld.idx.msk [tilespmem:v5+s1+$0x0], $0xffff  }
0x21e: {  	v2 =	vld [tilespmem:s11+$0x0]  }
0x21f: {  	v7 =	vld [tilespmem:s3+$0x0]  }
0x220: {  	v6 =	vld [tilespmem:s20+$0x10];
	v9 =	vadd.f32 v9, v4  }
0x221: {  	s26 =	simm.s32 $0x2;
	v5 =	vld [tilespmem:s20+$0x0]  }
0x222: {  	s30 =	simm.s32 $0x4;
	s10 =	simm.s32 $0xA468;
	v10 =	vmov s26;
	v4 =	vld [tilespmem:s20+$0x18];
	v8 =	vadd.f32 v11, v8;
	s20 =	simm.s32 $0xD6B8;
	v9 =	vmul.f32 v9, v3  }
.LBB2_27:
0x223: {  	s3 =	sadd.s32 $0x50, s3  }
0x224: {  	v10 =	vand.u32 $0xFFFFFFFE, v10;
	v2 =	vadd.f32 v7, v2;
	s11 =	sadd.s32 $0x50, s11;
	s4 =	smov.u32 s30;
	s18 =	sadd.s32 $0x2, s30  }
0x225: {  	p3 =	slt.u32 s30, $0x9E;
	v7 =	vbroadcast v10, $0x0;
	v6 =	vadd.f32 v9, v6;
	v8 =	vmul.f32 v8, v3  }
0x226: {  	v2 =	vmul.f32 v2, v3  }
0x227: {  	v3 =	vadd.f32 v8, v4;
	[tilespmem:s10+$0x10] =	vst v6  }
0x228: {  	v4 =	vld [tilespmem:s11+$0xFFFFFFF0];
	v2 =	vadd.f32 v2, v5  }
0x229: {  	v5 =	vld [tilespmem:s11+$0xFFFFFFE8];
	[tilespmem:s10+$0x18] =	vst v3  }
0x22a: {  	v3 =	vld [tilespmem:s11+$0xFFFFFFD8];
	[tilespmem:s10+$0x0] =	vst v2;
	s10 =	smov.u32 s11  }
0x22b: {  	v2 =	vld.idx.msk [tilespmem:v7+s1+$0x0], $0xffff  }
0x22c: {  	v6 =	vld [tilespmem:s3+$0xFFFFFFD8]  }
0x22d: {  	v7 =	vld [tilespmem:s3+$0xFFFFFFE8]  }
0x22e: {  	v8 =	vld [tilespmem:s3+$0xFFFFFFF0];
	_ =	sdelay $0x1  }
0x22f: {  	v9 =	vld [tilespmem:s20+$0xFFFFFFD8]  }
0x230: {  	v3 =	vadd.f32 v6, v3;
	v6 =	vld [tilespmem:s20+$0xFFFFFFE8]  }
0x231: {  	v5 =	vadd.f32 v7, v5;
	v7 =	vld [tilespmem:s20+$0xFFFFFFF0]  }
0x232: {  	v3 =	vmul.f32 v3, v2;
	v4 =	vadd.f32 v8, v4  }
0x233: {  	v5 =	vmul.f32 v5, v2  }
0x234: {  	s30 =	sadd.s32 $0x1, s26;
	s26 =	smov.u32 s4;
	v3 =	vadd.f32 v3, v9;
	v2 =	vmul.f32 v4, v2  }
0x235: {  	v4 =	vadd.f32 v5, v6;
	v5 =	vmov s30  }
0x236: {  	v6 =	vadd.f32 v2, v7;
	[tilespmem:s11+$0xFFFFFFD8] =	vst v3;
	v2 =	vld [tilespmem:s11+$0x0]  }
0x237: {  	[tilespmem:s11+$0xFFFFFFE8] =	vst v4;
	v8 =	vld [tilespmem:s11+$0x18]  }
0x238: {  	[tilespmem:s11+$0xFFFFFFF0] =	vst v6;
	v4 =	vld [tilespmem:s11+$0x10]  }
0x239: {  	v9 =	vld [tilespmem:s3+$0x10]  }
0x23a: {  	v3 =	vld.idx.msk [tilespmem:v5+s1+$0x0], $0xffff  }
0x23b: {  	v11 =	vld [tilespmem:s3+$0x18]  }
.Ltmp14:
0x23c: {  	v7 =	vld [tilespmem:s3+$0x0];
	(pc) =	sbr.rel @p3 .LBB2_27-.Ltmp14, $4  }
0x23d: {  	v6 =	vld [tilespmem:s20+$0x10]  }
0x23e: {  	v9 =	vadd.f32 v9, v4  }
0x23f: {  	v4 =	vld [tilespmem:s20+$0x18]  }
0x240: {  	v10 =	vmov s26;
	s30 =	smov.u32 s18;
	v5 =	vld [tilespmem:s20+$0x0];
	v9 =	vmul.f32 v9, v3;
	v8 =	vadd.f32 v11, v8;
	s20 =	sadd.s32 $0x50, s20  }
0x241: {  	v10 =	vand.u32 $0xFFFFFFFE, v10;
	v2 =	vadd.f32 v7, v2  }
0x242: {  	v6 =	vadd.f32 v9, v6;
	v7 =	vbroadcast v10, $0x0;
	v8 =	vmul.f32 v8, v3  }
0x243: {  	v2 =	vmul.f32 v2, v3  }
0x244: {  	s4 =	sadd.s32 $0x50, s11;
	[tilespmem:s10+$0x10] =	vst v6;
	v3 =	vadd.f32 v8, v4  }
0x245: {  	v4 =	vld [tilespmem:s4+$0xFFFFFFF0];
	v2 =	vadd.f32 v2, v5  }
0x246: {  	v5 =	vld [tilespmem:s4+$0xFFFFFFE8];
	[tilespmem:s10+$0x18] =	vst v3  }
0x247: {  	v3 =	vld [tilespmem:s4+$0xFFFFFFD8];
	[tilespmem:s10+$0x0] =	vst v2  }
0x248: {  	s3 =	sadd.s32 $0x50, s3;
	v2 =	vld.idx.msk [tilespmem:v7+s1+$0x0], $0xffff  }
0x249: {  	v6 =	vld [tilespmem:s3+$0xFFFFFFD8]  }
0x24a: {  	v7 =	vld [tilespmem:s3+$0xFFFFFFE8]  }
0x24b: {  	v8 =	vld [tilespmem:s3+$0xFFFFFFF0];
	_ =	sdelay $0x1  }
0x24c: {  	v9 =	vld [tilespmem:s20+$0xFFFFFFD8]  }
0x24d: {  	v3 =	vadd.f32 v6, v3;
	v6 =	vld [tilespmem:s20+$0xFFFFFFE8]  }
0x24e: {  	v5 =	vadd.f32 v7, v5;
	v7 =	vld [tilespmem:s20+$0xFFFFFFF0]  }
0x24f: {  	v4 =	vadd.f32 v8, v4;
	v3 =	vmul.f32 v3, v2  }
0x250: {  	v5 =	vmul.f32 v5, v2  }
0x251: {  	v2 =	vmul.f32 v4, v2;
	v3 =	vadd.f32 v3, v9  }
0x252: {  	v4 =	vadd.f32 v5, v6  }
0x253: {  	s11 =	sadd.s32 $0x1, s26;
	v2 =	vadd.f32 v2, v7;
	[tilespmem:s4+$0xFFFFFFD8] =	vst v3;
	v3 =	vld [tilespmem:s4+$0x0]  }
0x254: {  	v5 =	vmov s11;
	[tilespmem:s4+$0xFFFFFFE8] =	vst v4;
	v4 =	vld [tilespmem:s4+$0x18]  }
0x255: {  	[tilespmem:s4+$0xFFFFFFF0] =	vst v2;
	v2 =	vld [tilespmem:s4+$0x10]  }
0x256: {  	v6 =	vld [tilespmem:s3+$0x10]  }
0x257: {  	v7 =	vld [tilespmem:s3+$0x18]  }
0x258: {  	v8 =	vld [tilespmem:s3+$0x0]  }
0x259: {  	v5 =	vld.idx.msk [tilespmem:v5+s1+$0x0], $0xffff;
	_ =	sdelay $0x1  }
0x25a: {  	v9 =	vld [tilespmem:s20+$0x10]  }
0x25b: {  	v2 =	vadd.f32 v6, v2;
	v6 =	vld [tilespmem:s20+$0x18]  }
0x25c: {  	v10 =	vld [tilespmem:s20+$0x0];
	v4 =	vadd.f32 v7, v4  }
0x25d: {  	v3 =	vadd.f32 v8, v3;
	v2 =	vmul.f32 v2, v5  }
0x25e: {  	v4 =	vmul.f32 v4, v5  }
0x25f: {  	v3 =	vmul.f32 v3, v5;
	v2 =	vadd.f32 v2, v9  }
0x260: {  	v4 =	vadd.f32 v4, v6  }
0x261: {  	[tilespmem:s4+$0x10] =	vst v2;
	v2 =	vadd.f32 v3, v10  }
0x262: {  	[tilespmem:s4+$0x18] =	vst v4  }
0x263: {  	s18 =	rddreg [dreg:$0x1c];
	s20 =	simm.s32 $0xA440;
	[tilespmem:s4+$0x0] =	vst v2  }
0x264: {  	[spmem:s18] =	stream.linear.scatter [tilespmem:s20], [sflag:$0xA], $0x1900, $0x38;
	[tilespmem:$0x1EBC0] =	vst v63  }
0x265: {  	_ =	swait.ge [sflag:s9], $0x1900  }
0x266: {  	[sflag:s9] =	ssyncset.done $0x0  }
0x267: {  	s26 =	rddreg [dreg:$0x1d];
	[sflag:s9] =	ssyncadd.s32 $0xFFFFE700  }
0x268: {  	[spmem:s26] =	stream.linear.scatter [tilespmem:s20], [sflag:$0xA], $0x1900, $0x38;
	[tilespmem:$0x1EBC0] =	vst v63  }
0x269: {  	_ =	swait.ge [sflag:s9], $0x1900  }
0x26a: {  	[sflag:s9] =	ssyncset.done $0x0  }
0x26b: {  	s10 =	rddreg [dreg:$0xc];
	[sflag:s9] =	ssyncadd.s32 $0xFFFFE700  }
0x26c: {  	[hbm4b:s10+s1] =	stream.linear.scatter [tilespmem:s20], [sflag:$0xA], $0x1900, $0x38;
	[tilespmem:$0x1EBC0] =	vst v63  }
0x26d: {  	_ =	swait.ge [sflag:s9], $0x1900  }
0x26e: {  	[sflag:s9] =	ssyncset.done $0x0  }
0x26f: {  	s11 =	rddreg [dreg:$0x1f];
	[sflag:s9] =	ssyncadd.s32 $0xFFFFE700  }
0x270: {  	[tilespmem:s20], [sflag:$0xA] =	stream.linear.gather [spmem:s11], $0x1900, $0x38;
	[tilespmem:$0x1EBC0] =	vst v63  }
0x271: {  	_ =	swait.ge [sflag:s9], $0x1900  }
0x272: {  	s18 =	simm.s32 $0xA0;
	[sflag:s9] =	ssyncset.done $0x0  }
0x273: {  	s26 =	simm.s32 $0xBD40;
	s20 =	rddreg [dreg:$0x15];
	[sflag:s9] =	ssyncadd.s32 $0xFFFFE700  }
0x274: {  	v2 =	vmov s18;
	[tilespmem:s26], [sflag:$0xA] =	stream.linear.gather [hbm4b:s20+s1], $0x1900, $0x38;
	[tilespmem:$0x1EBC0] =	vst v63  }
0x275: {  	v2 =	vand.u32 $0xFFFFFFFE, v2;
	_ =	swait.ge [sflag:s9], $0x1900  }
0x276: {  	v2 =	vbroadcast v2, $0x0;
	[sflag:s9] =	ssyncset.done $0x0  }
0x277: {  	s20 =	simm.s32 $0xA468;
	[sflag:s9] =	ssyncadd.s32 $0xFFFFE700  }
0x278: {  	v3 =	vld [tilespmem:s20+$0xFFFFFFF0]  }
0x279: {  	v4 =	vld [tilespmem:s20+$0xFFFFFFE8]  }
0x27a: {  	s11 =	simm.s32 $0xBD68;
	v5 =	vld [tilespmem:s20+$0xFFFFFFD8]  }
0x27b: {  	v6 =	vld [tilespmem:s11+$0xFFFFFFD8]  }
0x27c: {  	v2 =	vld.idx.msk [tilespmem:v2+s1+$0x0], $0xffff  }
0x27d: {  	v7 =	vld [tilespmem:s11+$0xFFFFFFE8]  }
0x27e: {  	v8 =	vld [tilespmem:s11+$0xFFFFFFF0]  }
0x27f: {  	s26 =	simm.s32 $0xEF80  }
0x280: {  	v9 =	vld [tilespmem:s26+$0xFFFFFFC0]  }
0x281: {  	v5 =	vadd.f32 v6, v5;
	v6 =	vld [tilespmem:s26+$0xFFFFFFD0]  }
0x282: {  	v4 =	vadd.f32 v7, v4;
	v7 =	vld [tilespmem:s26+$0xFFFFFFD8]  }
0x283: {  	v3 =	vadd.f32 v8, v3;
	v5 =	vmul.f32 v5, v2  }
0x284: {  	v4 =	vmul.f32 v4, v2  }
0x285: {  	v3 =	vmul.f32 v3, v2;
	v5 =	vadd.f32 v5, v9  }
0x286: {  	s10 =	simm.s32 $0xA1;
	v4 =	vadd.f32 v4, v6  }
0x287: {  	v3 =	vadd.f32 v3, v7;
	[tilespmem:s20+$0xFFFFFFD8] =	vst v5;
	v5 =	vmov s10  }
0x288: {  	v8 =	vld [tilespmem:s20+$0x18];
	[tilespmem:s20+$0xFFFFFFE8] =	vst v4  }
0x289: {  	[tilespmem:s20+$0xFFFFFFF0] =	vst v3;
	v4 =	vld [tilespmem:s20+$0x10]  }
0x28a: {  	v9 =	vld [tilespmem:s11+$0x10]  }
0x28b: {  	v11 =	vld [tilespmem:s11+$0x18]  }
0x28c: {  	v3 =	vld.idx.msk [tilespmem:v5+s1+$0x0], $0xffff  }
0x28d: {  	v2 =	vld [tilespmem:s20+$0x0]  }
0x28e: {  	v7 =	vld [tilespmem:s11+$0x0]  }
0x28f: {  	v6 =	vld [tilespmem:s26+$0xFFFFFFF8];
	v9 =	vadd.f32 v9, v4  }
0x290: {  	s18 =	simm.s32 $0xA2;
	v5 =	vld [tilespmem:s26+$0xFFFFFFE8]  }
0x291: {  	s30 =	simm.s32 $0x2;
	s3 =	simm.s32 $0xA4B8;
	v10 =	vmov s18;
	s10 =	simm.s32 $0x0;
	v4 =	vld [tilespmem:s26+$0x0];
	v8 =	vadd.f32 v11, v8;
	v9 =	vmul.f32 v9, v3  }
.LBB2_29:
0x292: {  	s11 =	sadd.s32 $0x50, s11  }
0x293: {  	v10 =	vand.u32 $0xFFFFFFFE, v10;
	v2 =	vadd.f32 v7, v2;
	s26 =	sadd.s32 $0x50, s26;
	s4 =	smov.u32 s30;
	s30 =	sadd.s32 $0x2, s30  }
0x294: {  	p3 =	slt.u32 s30, $0x9E;
	v7 =	vbroadcast v10, $0x0;
	v6 =	vadd.f32 v9, v6;
	v8 =	vmul.f32 v8, v3  }
0x295: {  	v2 =	vmul.f32 v2, v3  }
0x296: {  	v3 =	vadd.f32 v8, v4;
	[tilespmem:s20+$0x10] =	vst v6  }
0x297: {  	v4 =	vld [tilespmem:s3+$0xFFFFFFF0];
	v2 =	vadd.f32 v2, v5  }
0x298: {  	v5 =	vld [tilespmem:s3+$0xFFFFFFE8];
	[tilespmem:s20+$0x18] =	vst v3  }
0x299: {  	v3 =	vld [tilespmem:s3+$0xFFFFFFD8];
	[tilespmem:s20+$0x0] =	vst v2;
	s20 =	smov.u32 s3  }
0x29a: {  	v2 =	vld.idx.msk [tilespmem:v7+s1+$0x0], $0xffff  }
0x29b: {  	v6 =	vld [tilespmem:s11+$0xFFFFFFD8]  }
0x29c: {  	v7 =	vld [tilespmem:s11+$0xFFFFFFE8]  }
0x29d: {  	v8 =	vld [tilespmem:s11+$0xFFFFFFF0];
	_ =	sdelay $0x1  }
0x29e: {  	v9 =	vld [tilespmem:s26+$0xFFFFFFC0]  }
0x29f: {  	v3 =	vadd.f32 v6, v3;
	v6 =	vld [tilespmem:s26+$0xFFFFFFD0]  }
0x2a0: {  	v5 =	vadd.f32 v7, v5;
	v7 =	vld [tilespmem:s26+$0xFFFFFFD8]  }
0x2a1: {  	v3 =	vmul.f32 v3, v2;
	v4 =	vadd.f32 v8, v4  }
0x2a2: {  	v5 =	vmul.f32 v5, v2  }
0x2a3: {  	s18 =	sadd.s32 $0xA3, s10;
	s10 =	smov.u32 s4;
	v3 =	vadd.f32 v3, v9;
	v2 =	vmul.f32 v4, v2  }
0x2a4: {  	v4 =	vadd.f32 v5, v6;
	v5 =	vmov s18  }
0x2a5: {  	v6 =	vadd.f32 v2, v7;
	[tilespmem:s3+$0xFFFFFFD8] =	vst v3;
	v2 =	vld [tilespmem:s3+$0x0]  }
0x2a6: {  	[tilespmem:s3+$0xFFFFFFE8] =	vst v4;
	v8 =	vld [tilespmem:s3+$0x18]  }
0x2a7: {  	[tilespmem:s3+$0xFFFFFFF0] =	vst v6;
	v4 =	vld [tilespmem:s3+$0x10]  }
0x2a8: {  	v9 =	vld [tilespmem:s11+$0x10]  }
0x2a9: {  	v3 =	vld.idx.msk [tilespmem:v5+s1+$0x0], $0xffff  }
0x2aa: {  	v11 =	vld [tilespmem:s11+$0x18]  }
.Ltmp15:
0x2ab: {  	v7 =	vld [tilespmem:s11+$0x0];
	(pc) =	sbr.rel @p3 .LBB2_29-.Ltmp15, $4  }
0x2ac: {  	v6 =	vld [tilespmem:s26+$0xFFFFFFF8]  }
0x2ad: {  	v9 =	vadd.f32 v9, v4  }
0x2ae: {  	s4 =	sadd.s32 $0xA2, s10;
	v4 =	vld [tilespmem:s26+$0x0]  }
0x2af: {  	v10 =	vmov s4;
	s3 =	sadd.s32 $0x50, s3;
	v5 =	vld [tilespmem:s26+$0xFFFFFFE8];
	v9 =	vmul.f32 v9, v3;
	v8 =	vadd.f32 v11, v8  }
0x2b0: {  	v2 =	vadd.f32 v7, v2  }
0x2b1: {  	v49 =	vand.u32 $0xFFFFFFFE, v10;
	v6 =	vadd.f32 v9, v6;
	v8 =	vmul.f32 v8, v3  }
0x2b2: {  	v7 =	vbroadcast v49, $0x0;
	v2 =	vmul.f32 v2, v3  }
0x2b3: {  	[tilespmem:s20+$0x10] =	vst v6;
	v3 =	vadd.f32 v8, v4  }
0x2b4: {  	v50 =	vld [tilespmem:s3+$0xFFFFFFF0];
	v2 =	vadd.f32 v2, v5  }
0x2b5: {  	v51 =	vld [tilespmem:s3+$0xFFFFFFE8];
	[tilespmem:s20+$0x18] =	vst v3  }
0x2b6: {  	s4 =	sadd.s32 $0x50, s11;
	v3 =	vld [tilespmem:s3+$0xFFFFFFD8];
	[tilespmem:s20+$0x0] =	vst v2  }
0x2b7: {  	v2 =	vld [tilespmem:s4+$0xFFFFFFD8]  }
0x2b8: {  	v6 =	vld.idx.msk [tilespmem:v7+s1+$0x0], $0xffff  }
0x2b9: {  	v53 =	vld [tilespmem:s4+$0xFFFFFFF0]  }
0x2ba: {  	v52 =	vld [tilespmem:s4+$0xFFFFFFE8]  }
0x2bb: {  	s20 =	sadd.s32 $0x50, s26  }
0x2bc: {  	v54 =	vld [tilespmem:s20+$0xFFFFFFC0]  }
0x2bd: {  	v55 =	vld [tilespmem:s20+$0xFFFFFFD8];
	v2 =	vadd.f32 v2, v3  }
0x2be: {  	v3 =	vld [tilespmem:s20+$0xFFFFFFD0];
	v4 =	vadd.f32 v53, v50  }
0x2bf: {  	v5 =	vadd.f32 v52, v51;
	v2 =	vmul.f32 v2, v6  }
0x2c0: {  	v4 =	vmul.f32 v4, v6  }
0x2c1: {  	s10 =	sadd.s32 $0xA3, s10;
	v5 =	vmul.f32 v5, v6;
	v2 =	vadd.f32 v2, v54  }
0x2c2: {  	v56 =	vmov s10;
	v4 =	vadd.f32 v4, v55  }
0x2c3: {  	v57 =	vld [tilespmem:s3+$0x10];
	v3 =	vadd.f32 v5, v3;
	[tilespmem:s3+$0xFFFFFFD8] =	vst v2  }
0x2c4: {  	v2 =	vld [tilespmem:s3+$0x0];
	[tilespmem:s3+$0xFFFFFFF0] =	vst v4  }
0x2c5: {  	[tilespmem:s3+$0xFFFFFFE8] =	vst v3;
	v3 =	vld [tilespmem:s3+$0x18]  }
0x2c6: {  	v58 =	vld [tilespmem:s4+$0x10]  }
0x2c7: {  	v5 =	vld.idx.msk [tilespmem:v56+s1+$0x0], $0xffff  }
0x2c8: {  	v60 =	vld [tilespmem:s4+$0x0]  }
0x2c9: {  	v59 =	vld [tilespmem:s4+$0x18];
	_ =	sdelay $0x1  }
0x2ca: {  	v61 =	vld [tilespmem:s20+$0xFFFFFFF8]  }
0x2cb: {  	v63 =	vld [tilespmem:s20+$0xFFFFFFE8];
	v4 =	vadd.f32 v58, v57  }
0x2cc: {  	v62 =	vld [tilespmem:s20+$0x0];
	v2 =	vadd.f32 v60, v2  }
0x2cd: {  	v3 =	vadd.f32 v59, v3;
	v4 =	vmul.f32 v4, v5  }
0x2ce: {  	v2 =	vmul.f32 v2, v5  }
0x2cf: {  	v3 =	vmul.f32 v3, v5;
	v4 =	vadd.f32 v4, v61  }
0x2d0: {  	v2 =	vadd.f32 v2, v63  }
0x2d1: {  	v3 =	vadd.f32 v3, v62;
	[tilespmem:s3+$0x10] =	vst v4  }
0x2d2: {  	[tilespmem:s3+$0x0] =	vst v2  }
0x2d3: {  	s30 =	simm.s32 $0xA440;
	s26 =	rddreg [dreg:$0x1e];
	[tilespmem:s3+$0x18] =	vst v3  }
0x2d4: {  	[spmem:s26] =	stream.linear.scatter [tilespmem:s30], [sflag:$0xA], $0x1900, $0x38;
	[tilespmem:$0x1EBC0] =	vst v63  }
0x2d5: {  	_ =	swait.ge [sflag:s9], $0x1900  }
0x2d6: {  	[sflag:s9] =	ssyncset.done $0x0  }
0x2d7: {  	s10 =	rddreg [dreg:$0x1f];
	[sflag:s9] =	ssyncadd.s32 $0xFFFFE700  }
0x2d8: {  	[spmem:s10] =	stream.linear.scatter [tilespmem:s30], [sflag:$0xA], $0x1900, $0x38;
	[tilespmem:$0x1EBC0] =	vst v63  }
0x2d9: {  	_ =	swait.ge [sflag:s9], $0x1900  }
0x2da: {  	[sflag:s9] =	ssyncset.done $0x0  }
0x2db: {  	s11 =	rddreg [dreg:$0xe];
	[sflag:s9] =	ssyncadd.s32 $0xFFFFE700  }
0x2dc: {  	[hbm4b:s11+s1] =	stream.linear.scatter [tilespmem:s30], [sflag:$0xA], $0x1900, $0x38;
	[tilespmem:$0x1EBC0] =	vst v63  }
0x2dd: {  	_ =	swait.ge [sflag:s9], $0x1900  }
0x2de: {  	[sflag:s9] =	ssyncset.done $0x0  }
0x2df: {  	s18 =	simm.s32 $0x10840;
	[sflag:s9] =	ssyncadd.s32 $0xFFFFE700  }
0x2e0: {  	[spmem:s19] =	stream.linear.scatter [tilespmem:s18], [sflag:$0xA], $0x1900, $0x38;
	[tilespmem:$0x1EBC0] =	vst v63  }
0x2e1: {  	_ =	swait.ge [sflag:s9], $0x1900  }
0x2e2: {  	s30 =	sld [smem:$0x7F7]  }
0x2e3: {  	[sflag:s9] =	ssyncset.done $0x0  }
0x2e4: {  	[sflag:s9] =	ssyncadd.s32 $0xFFFFE700  }
0x2e5: {  	[spmem:s30] =	stream.linear.scatter [tilespmem:s18], [sflag:$0xA], $0x1900, $0x38;
	[tilespmem:$0x1EBC0] =	vst v63  }
.Ltmp16:
0x2e6: {  	_ =	swait.ge [sflag:s9], $0x1900;
	(pc) =	sbr.rel @!p2 .LBB2_37-.Ltmp16, $4  }
.Ltmp17:
0x2e7: {  	[sflag:s9] =	ssyncset.done $0x0;
	(pc) =	sbr.rel @p2 .LBB2_36-.Ltmp17, $4  }
0x2e8: {  	[sflag:s9] =	ssyncadd.s32 $0xFFFFE700  }
0x2e9: {  	[bflag:$0x0] =	sbarrier.arrive $0xFFFF  }
0x2ea: {  	s20 =	simm.s32 $0xA440;
	s26 =	smov.u32 s19;
	s3 =	sld [smem:$0x7FA]  }
0x2eb: {  	_ = 	snop  }
.LBB2_31:
0x2ec: {  	s4 =	rddreg [dreg:$0x10]  }
0x2ed: {  	[hbm:s4], [sflag:s31] =	dma.local [spmem:s3], $0x640  }
0x2ee: {  	_ =	swait.ge [sflag:s9], $0x640  }
0x2ef: {  	[sflag:s9] =	ssyncset.done $0x0  }
0x2f0: {  	[sflag:s9] =	ssyncadd.s32 $0xFFFFF9C0  }
0x2f1: {  	s3 =	simm.s32 @!p1 $0x100000;
	[bflag:$0x0] =	sbarrier.arrive $0xFFFF  }
0x2f2: {  	[smem:s3], [sflag:$0x0] =	smem.add.s32 @!p1 $0x0;
	s3 =	simm.s32 @!p1 $0x0  }
0x2f3: {  	_ =	swait.done @!p1 [sflag:s3]  }
0x2f4: {  	s4 =	ssyncread @!p1 [sflag:$0x0];
	_ =	sdelay $0x1  }
0x2f5: {  	s10 =	rddreg [dreg:$0x1a]  }
0x2f6: {  	s4 =	sadd.s32 @!p1 s10, s4;
	s10 =	sld [smem:$0x7F5];
	_ =	sdelay $0x1  }
0x2f7: {  	s4 =	sshll.u32 @!p1 s4, $0x11  }
0x2f8: {  	[sflag:s3] =	ssyncset.s32 @!p1 $0x0;
	s4 =	sor.u32 @!p1 s4, s10  }
0x2f9: {  	[sflag:s3] =	ssyncset.done @!p1 $0x0;
	s3 =	sor.u32 @!p1 $0x1C09, s4  }
0x2fa: {  	[sflag:s3] =	ssyncadd.remote.s32 @!p1 $0x1;
	s3 =	simm.s32 @!p1 $0x9  }
0x2fb: {  	_ =	swait.ge @!p1 [sflag:s3], $0x1  }
0x2fc: {  	[sflag:s3] =	ssyncset.done @!p1 $0x0  }
0x2fd: {  	[sflag:s3] =	ssyncadd.s32 @!p1 $0xFFFFFFFF  }
0x2fe: {  	[bflag:$0x0] =	sbarrier.arrive $0xFFFF  }
0x2ff: {  	s10 =	rddreg [dreg:$0x1d]  }
0x300: {  	[tilespmem:s20], [sflag:$0xA] =	stream.linear.gather [spmem:s10], $0x1900, $0x38;
	[tilespmem:$0x1EBC0] =	vst v63  }
0x301: {  	_ =	swait.ge [sflag:s9], $0x1900  }
0x302: {  	s11 =	simm.s32 $0x0;
	[sflag:s9] =	ssyncset.done $0x0  }
0x303: {  	s20 =	simm.s32 $0xBD40;
	s18 =	rddreg [dreg:$0x12];
	[sflag:s9] =	ssyncadd.s32 $0xFFFFE700  }
0x304: {  	v2 =	vmov s11;
	[tilespmem:s20], [sflag:$0xA] =	stream.linear.gather [hbm4b:s18+s11], $0x1900, $0x38;
	[tilespmem:$0x1EBC0] =	vst v63  }
0x305: {  	v2 =	vand.u32 $0xFFFFFFFE, v2;
	_ =	swait.ge [sflag:s9], $0x1900  }
0x306: {  	v2 =	vbroadcast v2, $0x0;
	[sflag:s9] =	ssyncset.done $0x0  }
0x307: {  	s11 =	simm.s32 $0xA468;
	[sflag:s9] =	ssyncadd.s32 $0xFFFFE700  }
0x308: {  	v3 =	vld [tilespmem:s11+$0xFFFFFFF0]  }
0x309: {  	v4 =	vld [tilespmem:s11+$0xFFFFFFE8]  }
0x30a: {  	s3 =	simm.s32 $0xBD68;
	v5 =	vld [tilespmem:s11+$0xFFFFFFD8]  }
0x30b: {  	v6 =	vld [tilespmem:s3+$0xFFFFFFD8]  }
0x30c: {  	v2 =	vld.idx.msk [tilespmem:v2+s1+$0x0], $0xffff  }
0x30d: {  	v7 =	vld [tilespmem:s3+$0xFFFFFFE8]  }
0x30e: {  	v8 =	vld [tilespmem:s3+$0xFFFFFFF0]  }
0x30f: {  	s26 =	simm.s32 $0xD668  }
0x310: {  	v9 =	vld [tilespmem:s26+$0xFFFFFFD8]  }
0x311: {  	v5 =	vadd.f32 v6, v5;
	v6 =	vld [tilespmem:s26+$0xFFFFFFE8]  }
0x312: {  	v4 =	vadd.f32 v7, v4;
	v7 =	vld [tilespmem:s26+$0xFFFFFFF0]  }
0x313: {  	v3 =	vadd.f32 v8, v3;
	v5 =	vmul.f32 v5, v2  }
0x314: {  	v4 =	vmul.f32 v4, v2  }
0x315: {  	v3 =	vmul.f32 v3, v2;
	v5 =	vadd.f32 v5, v9  }
0x316: {  	s30 =	simm.s32 $0x1;
	v4 =	vadd.f32 v4, v6  }
0x317: {  	v3 =	vadd.f32 v3, v7;
	[tilespmem:s11+$0xFFFFFFD8] =	vst v5;
	v5 =	vmov s30  }
0x318: {  	v8 =	vld [tilespmem:s11+$0x18];
	[tilespmem:s11+$0xFFFFFFE8] =	vst v4  }
0x319: {  	[tilespmem:s11+$0xFFFFFFF0] =	vst v3;
	v4 =	vld [tilespmem:s11+$0x10]  }
0x31a: {  	v9 =	vld [tilespmem:s3+$0x10]  }
0x31b: {  	v11 =	vld [tilespmem:s3+$0x18]  }
0x31c: {  	v3 =	vld.idx.msk [tilespmem:v5+s1+$0x0], $0xffff  }
0x31d: {  	v2 =	vld [tilespmem:s11+$0x0]  }
0x31e: {  	v7 =	vld [tilespmem:s3+$0x0]  }
0x31f: {  	v6 =	vld [tilespmem:s26+$0x10];
	v9 =	vadd.f32 v9, v4  }
0x320: {  	s10 =	simm.s32 $0x2;
	v5 =	vld [tilespmem:s26+$0x0]  }
0x321: {  	v10 =	vmov s10;
	s18 =	simm.s32 $0x4;
	s20 =	simm.s32 $0xD6B8;
	v4 =	vld [tilespmem:s26+$0x18];
	v8 =	vadd.f32 v11, v8;
	s26 =	simm.s32 $0xA468;
	v9 =	vmul.f32 v9, v3  }
.LBB2_32:
0x322: {  	s3 =	sadd.s32 $0x50, s3  }
0x323: {  	v10 =	vand.u32 $0xFFFFFFFE, v10;
	v2 =	vadd.f32 v7, v2;
	s11 =	sadd.s32 $0x50, s11;
	s4 =	smov.u32 s18;
	s30 =	sadd.s32 $0x2, s18  }
0x324: {  	p3 =	slt.u32 s18, $0x9E;
	v7 =	vbroadcast v10, $0x0;
	v6 =	vadd.f32 v9, v6;
	v8 =	vmul.f32 v8, v3  }
0x325: {  	v2 =	vmul.f32 v2, v3  }
0x326: {  	v3 =	vadd.f32 v8, v4;
	[tilespmem:s26+$0x10] =	vst v6  }
0x327: {  	v4 =	vld [tilespmem:s11+$0xFFFFFFF0];
	v2 =	vadd.f32 v2, v5  }
0x328: {  	v5 =	vld [tilespmem:s11+$0xFFFFFFE8];
	[tilespmem:s26+$0x18] =	vst v3  }
0x329: {  	v3 =	vld [tilespmem:s11+$0xFFFFFFD8];
	[tilespmem:s26+$0x0] =	vst v2;
	s26 =	smov.u32 s11  }
0x32a: {  	v2 =	vld.idx.msk [tilespmem:v7+s1+$0x0], $0xffff  }
0x32b: {  	v6 =	vld [tilespmem:s3+$0xFFFFFFD8]  }
0x32c: {  	v7 =	vld [tilespmem:s3+$0xFFFFFFE8]  }
0x32d: {  	v8 =	vld [tilespmem:s3+$0xFFFFFFF0];
	_ =	sdelay $0x1  }
0x32e: {  	v9 =	vld [tilespmem:s20+$0xFFFFFFD8]  }
0x32f: {  	v3 =	vadd.f32 v6, v3;
	v6 =	vld [tilespmem:s20+$0xFFFFFFE8]  }
0x330: {  	v5 =	vadd.f32 v7, v5;
	v7 =	vld [tilespmem:s20+$0xFFFFFFF0]  }
0x331: {  	v3 =	vmul.f32 v3, v2;
	v4 =	vadd.f32 v8, v4  }
0x332: {  	v5 =	vmul.f32 v5, v2  }
0x333: {  	s18 =	sadd.s32 $0x1, s10;
	s10 =	smov.u32 s4;
	v3 =	vadd.f32 v3, v9;
	v2 =	vmul.f32 v4, v2  }
0x334: {  	v4 =	vadd.f32 v5, v6;
	v5 =	vmov s18  }
0x335: {  	v6 =	vadd.f32 v2, v7;
	[tilespmem:s11+$0xFFFFFFD8] =	vst v3;
	v2 =	vld [tilespmem:s11+$0x0]  }
0x336: {  	[tilespmem:s11+$0xFFFFFFE8] =	vst v4;
	v8 =	vld [tilespmem:s11+$0x18]  }
0x337: {  	[tilespmem:s11+$0xFFFFFFF0] =	vst v6;
	v4 =	vld [tilespmem:s11+$0x10]  }
0x338: {  	v9 =	vld [tilespmem:s3+$0x10]  }
0x339: {  	v3 =	vld.idx.msk [tilespmem:v5+s1+$0x0], $0xffff  }
0x33a: {  	v11 =	vld [tilespmem:s3+$0x18]  }
.Ltmp18:
0x33b: {  	v7 =	vld [tilespmem:s3+$0x0];
	(pc) =	sbr.rel @p3 .LBB2_32-.Ltmp18, $4  }
0x33c: {  	v6 =	vld [tilespmem:s20+$0x10]  }
0x33d: {  	v9 =	vadd.f32 v9, v4  }
0x33e: {  	v4 =	vld [tilespmem:s20+$0x18]  }
0x33f: {  	v10 =	vmov s10;
	s18 =	smov.u32 s30;
	v5 =	vld [tilespmem:s20+$0x0];
	v9 =	vmul.f32 v9, v3;
	v8 =	vadd.f32 v11, v8;
	s20 =	sadd.s32 $0x50, s20  }
0x340: {  	v10 =	vand.u32 $0xFFFFFFFE, v10;
	v2 =	vadd.f32 v7, v2  }
0x341: {  	v6 =	vadd.f32 v9, v6;
	v7 =	vbroadcast v10, $0x0;
	v8 =	vmul.f32 v8, v3  }
0x342: {  	v2 =	vmul.f32 v2, v3  }
0x343: {  	s4 =	sadd.s32 $0x50, s11;
	[tilespmem:s26+$0x10] =	vst v6;
	v3 =	vadd.f32 v8, v4  }
0x344: {  	v4 =	vld [tilespmem:s4+$0xFFFFFFF0];
	v2 =	vadd.f32 v2, v5  }
0x345: {  	v5 =	vld [tilespmem:s4+$0xFFFFFFE8];
	[tilespmem:s26+$0x18] =	vst v3  }
0x346: {  	v3 =	vld [tilespmem:s4+$0xFFFFFFD8];
	[tilespmem:s26+$0x0] =	vst v2  }
0x347: {  	s3 =	sadd.s32 $0x50, s3;
	v2 =	vld.idx.msk [tilespmem:v7+s1+$0x0], $0xffff  }
0x348: {  	v6 =	vld [tilespmem:s3+$0xFFFFFFD8]  }
0x349: {  	v7 =	vld [tilespmem:s3+$0xFFFFFFE8]  }
0x34a: {  	v8 =	vld [tilespmem:s3+$0xFFFFFFF0];
	_ =	sdelay $0x1  }
0x34b: {  	v9 =	vld [tilespmem:s20+$0xFFFFFFD8]  }
0x34c: {  	v3 =	vadd.f32 v6, v3;
	v6 =	vld [tilespmem:s20+$0xFFFFFFE8]  }
0x34d: {  	v5 =	vadd.f32 v7, v5;
	v7 =	vld [tilespmem:s20+$0xFFFFFFF0]  }
0x34e: {  	v4 =	vadd.f32 v8, v4;
	v3 =	vmul.f32 v3, v2  }
0x34f: {  	v5 =	vmul.f32 v5, v2  }
0x350: {  	v2 =	vmul.f32 v4, v2;
	v3 =	vadd.f32 v3, v9  }
0x351: {  	v4 =	vadd.f32 v5, v6  }
0x352: {  	s10 =	sadd.s32 $0x1, s10;
	v2 =	vadd.f32 v2, v7;
	[tilespmem:s4+$0xFFFFFFD8] =	vst v3;
	v3 =	vld [tilespmem:s4+$0x0]  }
0x353: {  	v5 =	vmov s10;
	[tilespmem:s4+$0xFFFFFFE8] =	vst v4;
	v4 =	vld [tilespmem:s4+$0x18]  }
0x354: {  	[tilespmem:s4+$0xFFFFFFF0] =	vst v2;
	v2 =	vld [tilespmem:s4+$0x10]  }
0x355: {  	v6 =	vld [tilespmem:s3+$0x10]  }
0x356: {  	v7 =	vld [tilespmem:s3+$0x18]  }
0x357: {  	v8 =	vld [tilespmem:s3+$0x0]  }
0x358: {  	v5 =	vld.idx.msk [tilespmem:v5+s1+$0x0], $0xffff;
	_ =	sdelay $0x1  }
0x359: {  	v9 =	vld [tilespmem:s20+$0x10]  }
0x35a: {  	v2 =	vadd.f32 v6, v2;
	v6 =	vld [tilespmem:s20+$0x18]  }
0x35b: {  	v10 =	vld [tilespmem:s20+$0x0];
	v4 =	vadd.f32 v7, v4  }
0x35c: {  	v3 =	vadd.f32 v8, v3;
	v2 =	vmul.f32 v2, v5  }
0x35d: {  	v4 =	vmul.f32 v4, v5  }
0x35e: {  	v3 =	vmul.f32 v3, v5;
	v2 =	vadd.f32 v2, v9  }
0x35f: {  	v4 =	vadd.f32 v4, v6  }
0x360: {  	[tilespmem:s4+$0x10] =	vst v2;
	v2 =	vadd.f32 v3, v10  }
0x361: {  	[tilespmem:s4+$0x18] =	vst v4  }
0x362: {  	s18 =	rddreg [dreg:$0x1c];
	s20 =	simm.s32 $0xA440;
	[tilespmem:s4+$0x0] =	vst v2  }
0x363: {  	[spmem:s18] =	stream.linear.scatter [tilespmem:s20], [sflag:$0xA], $0x1900, $0x38;
	[tilespmem:$0x1EBC0] =	vst v63  }
0x364: {  	_ =	swait.ge [sflag:s9], $0x1900  }
0x365: {  	[sflag:s9] =	ssyncset.done $0x0  }
0x366: {  	s26 =	rddreg [dreg:$0x1d];
	[sflag:s9] =	ssyncadd.s32 $0xFFFFE700  }
0x367: {  	[spmem:s26] =	stream.linear.scatter [tilespmem:s20], [sflag:$0xA], $0x1900, $0x38;
	[tilespmem:$0x1EBC0] =	vst v63  }
0x368: {  	_ =	swait.ge [sflag:s9], $0x1900  }
0x369: {  	[sflag:s9] =	ssyncset.done $0x0  }
0x36a: {  	s10 =	rddreg [dreg:$0xc];
	[sflag:s9] =	ssyncadd.s32 $0xFFFFE700  }
0x36b: {  	[hbm4b:s10+s1] =	stream.linear.scatter [tilespmem:s20], [sflag:$0xA], $0x1900, $0x38;
	[tilespmem:$0x1EBC0] =	vst v63  }
0x36c: {  	_ =	swait.ge [sflag:s9], $0x1900  }
0x36d: {  	[sflag:s9] =	ssyncset.done $0x0  }
0x36e: {  	s11 =	rddreg [dreg:$0x1f];
	[sflag:s9] =	ssyncadd.s32 $0xFFFFE700  }
0x36f: {  	[tilespmem:s20], [sflag:$0xA] =	stream.linear.gather [spmem:s11], $0x1900, $0x38;
	[tilespmem:$0x1EBC0] =	vst v63  }
0x370: {  	_ =	swait.ge [sflag:s9], $0x1900  }
0x371: {  	s18 =	simm.s32 $0xA0;
	[sflag:s9] =	ssyncset.done $0x0  }
0x372: {  	s26 =	simm.s32 $0xBD40;
	s20 =	rddreg [dreg:$0x13];
	[sflag:s9] =	ssyncadd.s32 $0xFFFFE700  }
0x373: {  	v2 =	vmov s18;
	[tilespmem:s26], [sflag:$0xA] =	stream.linear.gather [hbm4b:s20+s1], $0x1900, $0x38;
	[tilespmem:$0x1EBC0] =	vst v63  }
0x374: {  	v2 =	vand.u32 $0xFFFFFFFE, v2;
	_ =	swait.ge [sflag:s9], $0x1900  }
0x375: {  	v2 =	vbroadcast v2, $0x0;
	[sflag:s9] =	ssyncset.done $0x0  }
0x376: {  	s20 =	simm.s32 $0xA468;
	[sflag:s9] =	ssyncadd.s32 $0xFFFFE700  }
0x377: {  	v3 =	vld [tilespmem:s20+$0xFFFFFFF0]  }
0x378: {  	v4 =	vld [tilespmem:s20+$0xFFFFFFE8]  }
0x379: {  	s11 =	simm.s32 $0xBD68;
	v5 =	vld [tilespmem:s20+$0xFFFFFFD8]  }
0x37a: {  	v6 =	vld [tilespmem:s11+$0xFFFFFFD8]  }
0x37b: {  	v2 =	vld.idx.msk [tilespmem:v2+s1+$0x0], $0xffff  }
0x37c: {  	v7 =	vld [tilespmem:s11+$0xFFFFFFE8]  }
0x37d: {  	v8 =	vld [tilespmem:s11+$0xFFFFFFF0]  }
0x37e: {  	s26 =	simm.s32 $0xEF80  }
0x37f: {  	v9 =	vld [tilespmem:s26+$0xFFFFFFC0]  }
0x380: {  	v5 =	vadd.f32 v6, v5;
	v6 =	vld [tilespmem:s26+$0xFFFFFFD0]  }
0x381: {  	v4 =	vadd.f32 v7, v4;
	v7 =	vld [tilespmem:s26+$0xFFFFFFD8]  }
0x382: {  	v3 =	vadd.f32 v8, v3;
	v5 =	vmul.f32 v5, v2  }
0x383: {  	v4 =	vmul.f32 v4, v2  }
0x384: {  	v3 =	vmul.f32 v3, v2;
	v5 =	vadd.f32 v5, v9  }
0x385: {  	s10 =	simm.s32 $0xA1;
	v4 =	vadd.f32 v4, v6  }
0x386: {  	v3 =	vadd.f32 v3, v7;
	[tilespmem:s20+$0xFFFFFFD8] =	vst v5;
	v5 =	vmov s10  }
0x387: {  	v8 =	vld [tilespmem:s20+$0x18];
	[tilespmem:s20+$0xFFFFFFE8] =	vst v4  }
0x388: {  	[tilespmem:s20+$0xFFFFFFF0] =	vst v3;
	v4 =	vld [tilespmem:s20+$0x10]  }
0x389: {  	v9 =	vld [tilespmem:s11+$0x10]  }
0x38a: {  	v11 =	vld [tilespmem:s11+$0x18]  }
0x38b: {  	v3 =	vld.idx.msk [tilespmem:v5+s1+$0x0], $0xffff  }
0x38c: {  	v2 =	vld [tilespmem:s20+$0x0]  }
0x38d: {  	v7 =	vld [tilespmem:s11+$0x0]  }
0x38e: {  	v6 =	vld [tilespmem:s26+$0xFFFFFFF8];
	v9 =	vadd.f32 v9, v4  }
0x38f: {  	s18 =	simm.s32 $0xA2;
	v5 =	vld [tilespmem:s26+$0xFFFFFFE8]  }
0x390: {  	s30 =	simm.s32 $0x2;
	s3 =	simm.s32 $0xA4B8;
	v10 =	vmov s18;
	s10 =	simm.s32 $0x0;
	v4 =	vld [tilespmem:s26+$0x0];
	v8 =	vadd.f32 v11, v8;
	v9 =	vmul.f32 v9, v3  }
.LBB2_34:
0x391: {  	s11 =	sadd.s32 $0x50, s11  }
0x392: {  	v10 =	vand.u32 $0xFFFFFFFE, v10;
	v2 =	vadd.f32 v7, v2;
	s26 =	sadd.s32 $0x50, s26;
	s4 =	smov.u32 s30;
	s30 =	sadd.s32 $0x2, s30  }
0x393: {  	p3 =	slt.u32 s30, $0x9E;
	v7 =	vbroadcast v10, $0x0;
	v6 =	vadd.f32 v9, v6;
	v8 =	vmul.f32 v8, v3  }
0x394: {  	v2 =	vmul.f32 v2, v3  }
0x395: {  	v3 =	vadd.f32 v8, v4;
	[tilespmem:s20+$0x10] =	vst v6  }
0x396: {  	v4 =	vld [tilespmem:s3+$0xFFFFFFF0];
	v2 =	vadd.f32 v2, v5  }
0x397: {  	v5 =	vld [tilespmem:s3+$0xFFFFFFE8];
	[tilespmem:s20+$0x18] =	vst v3  }
0x398: {  	v3 =	vld [tilespmem:s3+$0xFFFFFFD8];
	[tilespmem:s20+$0x0] =	vst v2;
	s20 =	smov.u32 s3  }
0x399: {  	v2 =	vld.idx.msk [tilespmem:v7+s1+$0x0], $0xffff  }
0x39a: {  	v6 =	vld [tilespmem:s11+$0xFFFFFFD8]  }
0x39b: {  	v7 =	vld [tilespmem:s11+$0xFFFFFFE8]  }
0x39c: {  	v8 =	vld [tilespmem:s11+$0xFFFFFFF0];
	_ =	sdelay $0x1  }
0x39d: {  	v9 =	vld [tilespmem:s26+$0xFFFFFFC0]  }
0x39e: {  	v3 =	vadd.f32 v6, v3;
	v6 =	vld [tilespmem:s26+$0xFFFFFFD0]  }
0x39f: {  	v5 =	vadd.f32 v7, v5;
	v7 =	vld [tilespmem:s26+$0xFFFFFFD8]  }
0x3a0: {  	v3 =	vmul.f32 v3, v2;
	v4 =	vadd.f32 v8, v4  }
0x3a1: {  	v5 =	vmul.f32 v5, v2  }
0x3a2: {  	s18 =	sadd.s32 $0xA3, s10;
	s10 =	smov.u32 s4;
	v3 =	vadd.f32 v3, v9;
	v2 =	vmul.f32 v4, v2  }
0x3a3: {  	v4 =	vadd.f32 v5, v6;
	v5 =	vmov s18  }
0x3a4: {  	v6 =	vadd.f32 v2, v7;
	[tilespmem:s3+$0xFFFFFFD8] =	vst v3;
	v2 =	vld [tilespmem:s3+$0x0]  }
0x3a5: {  	[tilespmem:s3+$0xFFFFFFE8] =	vst v4;
	v8 =	vld [tilespmem:s3+$0x18]  }
0x3a6: {  	[tilespmem:s3+$0xFFFFFFF0] =	vst v6;
	v4 =	vld [tilespmem:s3+$0x10]  }
0x3a7: {  	v9 =	vld [tilespmem:s11+$0x10]  }
0x3a8: {  	v3 =	vld.idx.msk [tilespmem:v5+s1+$0x0], $0xffff  }
0x3a9: {  	v11 =	vld [tilespmem:s11+$0x18]  }
.Ltmp19:
0x3aa: {  	v7 =	vld [tilespmem:s11+$0x0];
	(pc) =	sbr.rel @p3 .LBB2_34-.Ltmp19, $4  }
0x3ab: {  	v6 =	vld [tilespmem:s26+$0xFFFFFFF8]  }
0x3ac: {  	v9 =	vadd.f32 v9, v4  }
0x3ad: {  	s4 =	sadd.s32 $0xA2, s10;
	v4 =	vld [tilespmem:s26+$0x0]  }
0x3ae: {  	v10 =	vmov s4;
	s3 =	sadd.s32 $0x50, s3;
	v5 =	vld [tilespmem:s26+$0xFFFFFFE8];
	v9 =	vmul.f32 v9, v3;
	v8 =	vadd.f32 v11, v8  }
0x3af: {  	v2 =	vadd.f32 v7, v2  }
0x3b0: {  	v49 =	vand.u32 $0xFFFFFFFE, v10;
	v6 =	vadd.f32 v9, v6;
	v8 =	vmul.f32 v8, v3  }
0x3b1: {  	v7 =	vbroadcast v49, $0x0;
	v2 =	vmul.f32 v2, v3  }
0x3b2: {  	[tilespmem:s20+$0x10] =	vst v6;
	v3 =	vadd.f32 v8, v4  }
0x3b3: {  	v50 =	vld [tilespmem:s3+$0xFFFFFFF0];
	v2 =	vadd.f32 v2, v5  }
0x3b4: {  	v51 =	vld [tilespmem:s3+$0xFFFFFFE8];
	[tilespmem:s20+$0x18] =	vst v3  }
0x3b5: {  	s4 =	sadd.s32 $0x50, s11;
	v3 =	vld [tilespmem:s3+$0xFFFFFFD8];
	[tilespmem:s20+$0x0] =	vst v2  }
0x3b6: {  	v2 =	vld [tilespmem:s4+$0xFFFFFFD8]  }
0x3b7: {  	v6 =	vld.idx.msk [tilespmem:v7+s1+$0x0], $0xffff  }
0x3b8: {  	v53 =	vld [tilespmem:s4+$0xFFFFFFF0]  }
0x3b9: {  	v52 =	vld [tilespmem:s4+$0xFFFFFFE8]  }
0x3ba: {  	s20 =	sadd.s32 $0x50, s26  }
0x3bb: {  	v54 =	vld [tilespmem:s20+$0xFFFFFFC0]  }
0x3bc: {  	v55 =	vld [tilespmem:s20+$0xFFFFFFD8];
	v2 =	vadd.f32 v2, v3  }
0x3bd: {  	v3 =	vld [tilespmem:s20+$0xFFFFFFD0];
	v4 =	vadd.f32 v53, v50  }
0x3be: {  	v5 =	vadd.f32 v52, v51;
	v2 =	vmul.f32 v2, v6  }
0x3bf: {  	v4 =	vmul.f32 v4, v6  }
0x3c0: {  	s10 =	sadd.s32 $0xA3, s10;
	v5 =	vmul.f32 v5, v6;
	v2 =	vadd.f32 v2, v54  }
0x3c1: {  	v56 =	vmov s10;
	v4 =	vadd.f32 v4, v55  }
0x3c2: {  	v57 =	vld [tilespmem:s3+$0x10];
	v3 =	vadd.f32 v5, v3;
	[tilespmem:s3+$0xFFFFFFD8] =	vst v2  }
0x3c3: {  	v2 =	vld [tilespmem:s3+$0x0];
	[tilespmem:s3+$0xFFFFFFF0] =	vst v4  }
0x3c4: {  	[tilespmem:s3+$0xFFFFFFE8] =	vst v3;
	v3 =	vld [tilespmem:s3+$0x18]  }
0x3c5: {  	v58 =	vld [tilespmem:s4+$0x10]  }
0x3c6: {  	v5 =	vld.idx.msk [tilespmem:v56+s1+$0x0], $0xffff  }
0x3c7: {  	v60 =	vld [tilespmem:s4+$0x0]  }
0x3c8: {  	v59 =	vld [tilespmem:s4+$0x18];
	_ =	sdelay $0x1  }
0x3c9: {  	v61 =	vld [tilespmem:s20+$0xFFFFFFF8]  }
0x3ca: {  	v63 =	vld [tilespmem:s20+$0xFFFFFFE8];
	v4 =	vadd.f32 v58, v57  }
0x3cb: {  	v62 =	vld [tilespmem:s20+$0x0];
	v2 =	vadd.f32 v60, v2  }
0x3cc: {  	v3 =	vadd.f32 v59, v3;
	v4 =	vmul.f32 v4, v5  }
0x3cd: {  	v2 =	vmul.f32 v2, v5  }
0x3ce: {  	v3 =	vmul.f32 v3, v5;
	v4 =	vadd.f32 v4, v61  }
0x3cf: {  	v2 =	vadd.f32 v2, v63  }
0x3d0: {  	v3 =	vadd.f32 v3, v62;
	[tilespmem:s3+$0x10] =	vst v4  }
0x3d1: {  	[tilespmem:s3+$0x0] =	vst v2  }
0x3d2: {  	s30 =	simm.s32 $0xA440;
	s26 =	rddreg [dreg:$0x1e];
	[tilespmem:s3+$0x18] =	vst v3  }
0x3d3: {  	[spmem:s26] =	stream.linear.scatter [tilespmem:s30], [sflag:$0xA], $0x1900, $0x38;
	[tilespmem:$0x1EBC0] =	vst v63  }
0x3d4: {  	_ =	swait.ge [sflag:s9], $0x1900  }
0x3d5: {  	[sflag:s9] =	ssyncset.done $0x0  }
0x3d6: {  	s10 =	rddreg [dreg:$0x1f];
	[sflag:s9] =	ssyncadd.s32 $0xFFFFE700  }
0x3d7: {  	[spmem:s10] =	stream.linear.scatter [tilespmem:s30], [sflag:$0xA], $0x1900, $0x38;
	[tilespmem:$0x1EBC0] =	vst v63  }
0x3d8: {  	_ =	swait.ge [sflag:s9], $0x1900  }
0x3d9: {  	[sflag:s9] =	ssyncset.done $0x0  }
0x3da: {  	s11 =	rddreg [dreg:$0xe];
	[sflag:s9] =	ssyncadd.s32 $0xFFFFE700  }
0x3db: {  	[hbm4b:s11+s1] =	stream.linear.scatter [tilespmem:s30], [sflag:$0xA], $0x1900, $0x38;
	[tilespmem:$0x1EBC0] =	vst v63  }
0x3dc: {  	_ =	swait.ge [sflag:s9], $0x1900  }
0x3dd: {  	[sflag:s9] =	ssyncset.done $0x0  }
0x3de: {  	s18 =	simm.s32 $0x10840;
	[sflag:s9] =	ssyncadd.s32 $0xFFFFE700  }
0x3df: {  	[spmem:s19] =	stream.linear.scatter [tilespmem:s18], [sflag:$0xA], $0x1900, $0x38;
	[tilespmem:$0x1EBC0] =	vst v63  }
0x3e0: {  	_ =	swait.ge [sflag:s9], $0x1900  }
0x3e1: {  	s30 =	sld [smem:$0x7F7]  }
0x3e2: {  	[sflag:s9] =	ssyncset.done $0x0  }
0x3e3: {  	[sflag:s9] =	ssyncadd.s32 $0xFFFFE700  }
0x3e4: {  	[spmem:s30] =	stream.linear.scatter [tilespmem:s18], [sflag:$0xA], $0x1900, $0x38;
	[tilespmem:$0x1EBC0] =	vst v63  }
.Ltmp20:
0x3e5: {  	_ =	swait.ge [sflag:s9], $0x1900;
	(pc) =	sbr.rel @p1 .LBB2_37-.Ltmp20, $4  }
.Ltmp21:
0x3e6: {  	[sflag:s9] =	ssyncset.done $0x0;
	(pc) =	sbr.rel @!p1 .LBB2_36-.Ltmp21, $4  }
0x3e7: {  	[sflag:s9] =	ssyncadd.s32 $0xFFFFE700  }
0x3e8: {  	[bflag:$0x0] =	sbarrier.arrive $0xFFFF  }
0x3e9: {  	s20 =	simm.s32 $0xA440;
	s26 =	smov.u32 s19;
	s3 =	sld [smem:$0x7F9]  }
0x3ea: {  	_ = 	snop  }
.LBB2_13:
0x3eb: {  	s3 =	rddreg [dreg:$0x19]  }
0x3ec: {  	s4 =	rddreg [dreg:$0x18];
	s3 =	sshrl.u32 s3, $0x3  }
0x3ed: {  	[hbm:s4], [sflag:s29] =	dma.local [spmem:s3], $0x28  }
0x3ee: {  	_ =	swait.ge [sflag:s9], $0x28  }
0x3ef: {  	[sflag:s9] =	ssyncset.done $0x0  }
0x3f0: {  	[sflag:s9] =	ssyncadd.s32 $0xFFFFFFD8  }
0x3f1: {  	s3 =	simm.s32 @!p1 $0x100000;
	[bflag:$0x0] =	sbarrier.arrive $0xFFFF  }
0x3f2: {  	[smem:s3], [sflag:$0x0] =	smem.add.s32 @!p1 $0x0;
	s3 =	simm.s32 @!p1 $0x0  }
0x3f3: {  	_ =	swait.done @!p1 [sflag:s3]  }
0x3f4: {  	s10 =	ssyncread @!p1 [sflag:$0x0];
	_ =	sdelay $0x1  }
0x3f5: {  	s4 =	rddreg [dreg:$0x1a]  }
0x3f6: {  	s10 =	sadd.s32 @!p1 s4, s10  }
0x3f7: {  	s10 =	sshll.u32 @!p1 s10, $0x11  }
0x3f8: {  	[sflag:s3] =	ssyncset.s32 @!p1 $0x0;
	s10 =	sor.u32 @!p1 s10, s11  }
0x3f9: {  	[sflag:s3] =	ssyncset.done @!p1 $0x0;
	s3 =	sor.u32 @!p1 $0x1C09, s10  }
0x3fa: {  	[sflag:s3] =	ssyncadd.remote.s32 @!p1 $0x1;
	s3 =	simm.s32 @!p1 $0x9  }
0x3fb: {  	_ =	swait.ge @!p1 [sflag:s3], $0x1  }
0x3fc: {  	[sflag:s3] =	ssyncset.done @!p1 $0x0  }
0x3fd: {  	[sflag:s3] =	ssyncadd.s32 @!p1 $0xFFFFFFFF  }
0x3fe: {  	[bflag:$0x0] =	sbarrier.arrive $0xFFFF  }
0x3ff: {  	s11 =	rddreg [dreg:$0x1b]  }
0x400: {  	[tilespmem:s18], [sflag:$0xA] =	stream.linear.gather [spmem:s11], $0x140, $0x38;
	[tilespmem:$0x1EBC0] =	vst v63  }
0x401: {  	_ =	swait.ge [sflag:s9], $0x140  }
0x402: {  	[sflag:s9] =	ssyncset.done $0x0  }
0x403: {  	s19 =	simm.s32 $0x0;
	s31 =	rddreg [dreg:$0x7];
	[sflag:s9] =	ssyncadd.s32 $0xFFFFFEC0  }
0x404: {  	[tilespmem:s16], [sflag:$0xA] =	stream.linear.gather [hbm4b:s31+s19], $0x140, $0x38;
	[tilespmem:$0x1EBC0] =	vst v63  }
0x405: {  	_ =	swait.ge [sflag:s9], $0x140  }
0x406: {  	[sflag:s9] =	ssyncset.done $0x0  }
0x407: {  	s3 =	simm.s32 $0x0;
	[sflag:s9] =	ssyncadd.s32 $0xFFFFFEC0  }
0x408: {  	s10 =	simm.s32 $0x40;
	v2 =	vld [tilespmem:s3+$0x140]  }
.LBB2_14:
0x409: {  	p3 =	sne.s32 s10, $0x4C0;
	v3 =	vld [tilespmem:s3+$0x280];
	_ =	sdelay $0x4  }
0x40a: {  	v2 =	vadd.f32 v3, v2;
	_ =	sdelay $0x1  }
0x40b: {  	v2 =	vadd.f32 $1.000000000e+00, v2;
	_ =	sdelay $0x1  }
0x40c: {  	[tilespmem:s3+$0x140] =	vst v2;
	v3 =	vshra.s32 v2, $0x1;
	v4 =	vmul.f32 $5.000000000e-01, v2;
	(erf) = vrcp.f32 v2  }
0x40d: {  	v2 =	vsub.s32 $0x5F3759DF, v3  }
0x40e: {  	v3 =	vmul.f32 v2, v4;
	_ =	sdelay $0x1  }
0x40f: {  	v3 =	vmul.f32 v2, v3;
	_ =	sdelay $0x1  }
0x410: {  	v5 =	vsub.f32 $1.500000000e+00, v3;
	_ =	sdelay $0x1  }
0x411: {  	v2 =	vmul.f32 v2, v5  }
0x412: {  	v3 =	vpop (erf)  }
0x413: {  	v3 =	vmul.f32 $8.999999760e-01, v3;
	v5 =	vmul.f32 v2, v4;
	_ =	sdelay $0x1  }
0x414: {  	[tilespmem:s3+$0x0] =	vst v3;
	v3 =	vmul.f32 v5, v2;
	_ =	sdelay $0x1  }
0x415: {  	v3 =	vsub.f32 $1.500000000e+00, v3;
	_ =	sdelay $0x1  }
0x416: {  	v2 =	vmul.f32 v3, v2;
	_ =	sdelay $0x1  }
0x417: {  	v3 =	vmul.f32 v2, v4;
	_ =	sdelay $0x1  }
0x418: {  	v3 =	vmul.f32 v3, v2;
	_ =	sdelay $0x1  }
.Ltmp22:
0x419: {  	v3 =	vsub.f32 $1.500000000e+00, v3;
	(pc) =	sbr.rel @p3 .LBB2_14-.Ltmp22, $4  }
0x41a: {  	_ = 	snop  }
0x41b: {  	v3 =	vmul.f32 v3, v2  }
0x41c: {  	s11 =	sshra.s32 s10, $0x2  }
0x41d: {  	s10 =	sadd.s32 $0x40, s10;
	v2 =	vld [tilespmem:s11+$0x140];
	[tilespmem:s3+$0x280] =	vst v3;
	s3 =	smov.u32 s11  }
0x41e: {  	v3 =	vld [tilespmem:s3+$0x280];
	_ =	sdelay $0x4  }
0x41f: {  	v2 =	vadd.f32 v3, v2;
	_ =	sdelay $0x1  }
0x420: {  	v2 =	vadd.f32 $1.000000000e+00, v2;
	_ =	sdelay $0x1  }
0x421: {  	v3 =	vshra.s32 v2, $0x1;
	v4 =	vmul.f32 $5.000000000e-01, v2  }
0x422: {  	v3 =	vsub.s32 $0x5F3759DF, v3  }
0x423: {  	v5 =	vmul.f32 v3, v4;
	_ =	sdelay $0x1  }
0x424: {  	v5 =	vmul.f32 v3, v5;
	_ =	sdelay $0x1  }
0x425: {  	v5 =	vsub.f32 $1.500000000e+00, v5;
	_ =	sdelay $0x1  }
0x426: {  	v3 =	vmul.f32 v3, v5;
	_ =	sdelay $0x1  }
0x427: {  	v5 =	vmul.f32 v3, v4;
	_ =	sdelay $0x1  }
0x428: {  	v5 =	vmul.f32 v5, v3  }
0x429: {  	(erf) = vrcp.f32 v2  }
0x42a: {  	v5 =	vsub.f32 $1.500000000e+00, v5;
	_ =	sdelay $0x1  }
0x42b: {  	v3 =	vmul.f32 v5, v3;
	_ =	sdelay $0x1  }
0x42c: {  	v4 =	vmul.f32 v3, v4;
	_ =	sdelay $0x1  }
0x42d: {  	v4 =	vmul.f32 v4, v3;
	_ =	sdelay $0x1  }
0x42e: {  	v5 =	vpop (erf);
	v4 =	vsub.f32 $1.500000000e+00, v4  }
0x42f: {  	v5 =	vmul.f32 $8.999999760e-01, v5  }
0x430: {  	[tilespmem:s3+$0x140] =	vst v2;
	v2 =	vmul.f32 v4, v3  }
0x431: {  	[tilespmem:s3+$0x0] =	vst v5  }
0x432: {  	s11 =	simm.s32 $0x0;
	s4 =	rddreg [dreg:$0x8];
	[tilespmem:s3+$0x280] =	vst v2  }
0x433: {  	[hbm4b:s4+s11] =	stream.linear.scatter [tilespmem:s18], [sflag:$0xA], $0x140, $0x38;
	[tilespmem:$0x1EBC0] =	vst v63  }
0x434: {  	_ =	swait.ge [sflag:s9], $0x140  }
0x435: {  	[sflag:s9] =	ssyncset.done $0x0  }
0x436: {  	v2 =	vmov s11;
	s19 =	rddreg [dreg:$0x9];
	[sflag:s9] =	ssyncadd.s32 $0xFFFFFEC0  }
0x437: {  	[tilespmem:s20], [sflag:$0xA] =	stream.linear.gather [hbm4b:s19+s11], $0x1900, $0x38;
	[tilespmem:$0x1EBC0] =	vst v63  }
0x438: {  	_ =	swait.ge [sflag:s9], $0x1900  }
0x439: {  	[sflag:s9] =	ssyncset.done $0x0  }
0x43a: {  	[sflag:s9] =	ssyncadd.s32 $0xFFFFE700  }
0x43b: {  	s10 =	simm.s32 $0xA458;
	v2 =	vld.idx.msk [tilespmem:v2+s16+$0x0], $0xffff  }
0x43c: {  	v3 =	vld [tilespmem:s10+$0xFFFFFFE8];
	_ =	sdelay $0x1  }
0x43d: {  	v4 =	vld [tilespmem:s10+$0xFFFFFFF8];
	_ =	sdelay $0x1  }
0x43e: {  	v5 =	vld [tilespmem:s10+$0x0]  }
0x43f: {  	v3 =	vmul.f32 v3, v2;
	_ =	sdelay $0x1  }
0x440: {  	v4 =	vmul.f32 v4, v2;
	v6 =	vmul.f32 $1.000000010e-01, v3  }
0x441: {  	s3 =	simm.s32 $0xD650;
	[tilespmem:s10+$0xFFFFFFE8] =	vst v3  }
0x442: {  	s31 =	simm.s32 $0x1;
	v5 =	vmul.f32 v5, v2;
	v3 =	vmul.f32 $1.000000010e-01, v4;
	[tilespmem:s3+$0xFFFFFFF0] =	vst v6  }
0x443: {  	v2 =	vmov s31;
	[tilespmem:s10+$0xFFFFFFF8] =	vst v4  }
0x444: {  	[tilespmem:s3+$0x0] =	vst v3;
	v3 =	vmul.f32 $1.000000010e-01, v5  }
0x445: {  	s11 =	simm.s32 $0x2;
	[tilespmem:s10+$0x0] =	vst v5  }
.LBB2_16:
0x446: {  	[tilespmem:s3+$0x8] =	vst v3;
	s3 =	sadd.s32 $0x28, s3  }
0x447: {  	s10 =	sadd.s32 $0x28, s10;
	s18 =	smov.u32 s11;
	s20 =	sadd.s32 $0x1, s11  }
0x448: {  	p3 =	sne.s32 s11, $0x9F;
	v3 =	vld.idx.msk [tilespmem:v2+s16+$0x0], $0xffff  }
0x449: {  	v2 =	vld [tilespmem:s10+$0xFFFFFFE8];
	_ =	sdelay $0x1  }
0x44a: {  	v4 =	vld [tilespmem:s10+$0xFFFFFFF8];
	_ =	sdelay $0x1  }
0x44b: {  	v5 =	vld [tilespmem:s10+$0x0]  }
0x44c: {  	v2 =	vmul.f32 v2, v3;
	_ =	sdelay $0x1  }
0x44d: {  	v4 =	vmul.f32 v4, v3;
	v6 =	vmul.f32 $1.000000010e-01, v2  }
.Ltmp23:
0x44e: {  	[tilespmem:s10+$0xFFFFFFE8] =	vst v2;
	(pc) =	sbr.rel @p3 .LBB2_16-.Ltmp23, $4  }
0x44f: {  	v2 =	vmov s18;
	v5 =	vmul.f32 v5, v3;
	[tilespmem:s3+$0xFFFFFFF0] =	vst v6;
	v3 =	vmul.f32 $1.000000010e-01, v4  }
0x450: {  	[tilespmem:s10+$0xFFFFFFF8] =	vst v4  }
0x451: {  	[tilespmem:s3+$0x0] =	vst v3;
	v3 =	vmul.f32 $1.000000010e-01, v5  }
0x452: {  	s11 =	smov.u32 s20;
	[tilespmem:s10+$0x0] =	vst v5  }
0x453: {  	_ =	sdelay $0x2  }
0x454: {  	[tilespmem:s3+$0x8] =	vst v3  }
0x455: {  	s10 =	sadd.s32 $0x28, s10;
	v2 =	vld.idx.msk [tilespmem:v2+s16+$0x0], $0xffff  }
0x456: {  	v3 =	vld [tilespmem:s10+$0xFFFFFFE8];
	_ =	sdelay $0x1  }
0x457: {  	v4 =	vld [tilespmem:s10+$0xFFFFFFF8];
	_ =	sdelay $0x1  }
0x458: {  	v5 =	vld [tilespmem:s10+$0x0]  }
0x459: {  	v3 =	vmul.f32 v3, v2;
	_ =	sdelay $0x1  }
0x45a: {  	v4 =	vmul.f32 v4, v2;
	v6 =	vmul.f32 $1.000000010e-01, v3  }
0x45b: {  	s4 =	sadd.s32 $0x28, s3;
	[tilespmem:s10+$0xFFFFFFE8] =	vst v3  }
0x45c: {  	v2 =	vmul.f32 v5, v2;
	v3 =	vmul.f32 $1.000000010e-01, v4;
	[tilespmem:s4+$0xFFFFFFF0] =	vst v6  }
0x45d: {  	[tilespmem:s10+$0xFFFFFFF8] =	vst v4  }
0x45e: {  	[tilespmem:s4+$0x0] =	vst v3;
	v3 =	vmul.f32 $1.000000010e-01, v2  }
0x45f: {  	[tilespmem:s10+$0x0] =	vst v2  }
0x460: {  	s11 =	rddreg [dreg:$0x1c];
	[tilespmem:s4+$0x8] =	vst v3;
	s4 =	simm.s32 $0xA440  }
0x461: {  	[spmem:s11] =	stream.linear.scatter [tilespmem:s4], [sflag:$0xA], $0x1900, $0x38;
	[tilespmem:$0x1EBC0] =	vst v63  }
0x462: {  	_ =	swait.ge [sflag:s9], $0x1900  }
0x463: {  	[sflag:s9] =	ssyncset.done $0x0  }
0x464: {  	s18 =	rddreg [dreg:$0x1d];
	[sflag:s9] =	ssyncadd.s32 $0xFFFFE700  }
0x465: {  	[spmem:s18] =	stream.linear.scatter [tilespmem:s4], [sflag:$0xA], $0x1900, $0x38;
	[tilespmem:$0x1EBC0] =	vst v63  }
0x466: {  	_ =	swait.ge [sflag:s9], $0x1900  }
0x467: {  	[sflag:s9] =	ssyncset.done $0x0  }
0x468: {  	s19 =	rddreg [dreg:$0xc];
	[sflag:s9] =	ssyncadd.s32 $0xFFFFE700  }
0x469: {  	[hbm4b:s19+s1] =	stream.linear.scatter [tilespmem:s4], [sflag:$0xA], $0x1900, $0x38;
	[tilespmem:$0x1EBC0] =	vst v63  }
0x46a: {  	_ =	swait.ge [sflag:s9], $0x1900  }
0x46b: {  	s20 =	simm.s32 $0xA0;
	[sflag:s9] =	ssyncset.done $0x0  }
0x46c: {  	v2 =	vmov s20;
	s31 =	rddreg [dreg:$0xd];
	[sflag:s9] =	ssyncadd.s32 $0xFFFFE700  }
0x46d: {  	[tilespmem:s4], [sflag:$0xA] =	stream.linear.gather [hbm4b:s31+s1], $0x1900, $0x38;
	[tilespmem:$0x1EBC0] =	vst v63  }
0x46e: {  	_ =	swait.ge [sflag:s9], $0x1900  }
0x46f: {  	[sflag:s9] =	ssyncset.done $0x0  }
0x470: {  	[sflag:s9] =	ssyncadd.s32 $0xFFFFE700  }
0x471: {  	s10 =	simm.s32 $0xA458;
	v2 =	vld.idx.msk [tilespmem:v2+s16+$0x0], $0xffff  }
0x472: {  	v3 =	vld [tilespmem:s10+$0xFFFFFFE8];
	_ =	sdelay $0x1  }
0x473: {  	v4 =	vld [tilespmem:s10+$0xFFFFFFF8];
	_ =	sdelay $0x2  }
0x474: {  	v5 =	vld [tilespmem:s10+$0x0];
	v3 =	vmul.f32 v3, v2;
	_ =	sdelay $0x1  }
0x475: {  	v4 =	vmul.f32 v4, v2;
	v63 =	vmul.f32 $1.000000010e-01, v3  }
0x476: {  	s3 =	simm.s32 $0xEF58;
	[tilespmem:s10+$0xFFFFFFE8] =	vst v3  }
0x477: {  	s18 =	simm.s32 $0xA1;
	v3 =	vmul.f32 $1.000000010e-01, v4;
	[tilespmem:s3+$0xFFFFFFE8] =	vst v63  }
0x478: {  	v5 =	vmul.f32 v5, v2;
	v2 =	vmov s18;
	[tilespmem:s10+$0xFFFFFFF8] =	vst v4  }
0x479: {  	[tilespmem:s3+$0xFFFFFFF8] =	vst v3  }
0x47a: {  	s11 =	simm.s32 $0xA2;
	v3 =	vmul.f32 $1.000000010e-01, v5;
	[tilespmem:s10+$0x0] =	vst v5  }
.LBB2_18:
0x47b: {  	s10 =	sadd.s32 $0x28, s10  }
0x47c: {  	[tilespmem:s3+$0x0] =	vst v3;
	s3 =	sadd.s32 $0x28, s3;
	s18 =	smov.u32 s11;
	s20 =	sadd.s32 $0x1, s11  }
0x47d: {  	p3 =	sne.s32 s11, $0x13F;
	v3 =	vld.idx.msk [tilespmem:v2+s16+$0x0], $0xffff  }
0x47e: {  	v2 =	vld [tilespmem:s10+$0xFFFFFFE8];
	_ =	sdelay $0x1  }
0x47f: {  	v4 =	vld [tilespmem:s10+$0xFFFFFFF8];
	_ =	sdelay $0x1  }
0x480: {  	v5 =	vld [tilespmem:s10+$0x0]  }
0x481: {  	v2 =	vmul.f32 v2, v3;
	_ =	sdelay $0x1  }
0x482: {  	v4 =	vmul.f32 v4, v3;
	v6 =	vmul.f32 $1.000000010e-01, v2  }
.Ltmp24:
0x483: {  	[tilespmem:s10+$0xFFFFFFE8] =	vst v2;
	(pc) =	sbr.rel @p3 .LBB2_18-.Ltmp24, $4  }
0x484: {  	v2 =	vmov s18;
	v5 =	vmul.f32 v5, v3;
	[tilespmem:s3+$0xFFFFFFE8] =	vst v6;
	v3 =	vmul.f32 $1.000000010e-01, v4  }
0x485: {  	[tilespmem:s10+$0xFFFFFFF8] =	vst v4  }
0x486: {  	[tilespmem:s3+$0xFFFFFFF8] =	vst v3;
	v3 =	vmul.f32 $1.000000010e-01, v5  }
0x487: {  	s11 =	smov.u32 s20;
	[tilespmem:s10+$0x0] =	vst v5  }
0x488: {  	_ =	sdelay $0x2  }
0x489: {  	[tilespmem:s3+$0x0] =	vst v3  }
0x48a: {  	s10 =	sadd.s32 $0x28, s10;
	v2 =	vld.idx.msk [tilespmem:v2+s16+$0x0], $0xffff  }
0x48b: {  	v3 =	vld [tilespmem:s10+$0xFFFFFFE8];
	_ =	sdelay $0x1  }
0x48c: {  	v4 =	vld [tilespmem:s10+$0xFFFFFFF8];
	_ =	sdelay $0x1  }
0x48d: {  	v5 =	vld [tilespmem:s10+$0x0]  }
0x48e: {  	v3 =	vmul.f32 v3, v2;
	_ =	sdelay $0x1  }
0x48f: {  	v4 =	vmul.f32 v4, v2;
	v6 =	vmul.f32 $1.000000010e-01, v3  }
0x490: {  	s4 =	sadd.s32 $0x28, s3;
	[tilespmem:s10+$0xFFFFFFE8] =	vst v3  }
0x491: {  	v2 =	vmul.f32 v5, v2;
	v3 =	vmul.f32 $1.000000010e-01, v4;
	[tilespmem:s4+$0xFFFFFFE8] =	vst v6  }
0x492: {  	[tilespmem:s10+$0xFFFFFFF8] =	vst v4  }
0x493: {  	[tilespmem:s4+$0xFFFFFFF8] =	vst v3;
	v3 =	vmul.f32 $1.000000010e-01, v2  }
0x494: {  	[tilespmem:s10+$0x0] =	vst v2  }
0x495: {  	s10 =	rddreg [dreg:$0x1e];
	[tilespmem:s4+$0x0] =	vst v3;
	s4 =	simm.s32 $0xA440  }
0x496: {  	[spmem:s10] =	stream.linear.scatter [tilespmem:s4], [sflag:$0xA], $0x1900, $0x38;
	[tilespmem:$0x1EBC0] =	vst v63  }
0x497: {  	_ =	swait.ge [sflag:s9], $0x1900  }
0x498: {  	[sflag:s9] =	ssyncset.done $0x0  }
0x499: {  	s11 =	rddreg [dreg:$0x1f];
	[sflag:s9] =	ssyncadd.s32 $0xFFFFE700  }
0x49a: {  	[spmem:s11] =	stream.linear.scatter [tilespmem:s4], [sflag:$0xA], $0x1900, $0x38;
	[tilespmem:$0x1EBC0] =	vst v63  }
0x49b: {  	_ =	swait.ge [sflag:s9], $0x1900  }
0x49c: {  	[sflag:s9] =	ssyncset.done $0x0  }
0x49d: {  	s18 =	rddreg [dreg:$0xe];
	[sflag:s9] =	ssyncadd.s32 $0xFFFFE700  }
0x49e: {  	[hbm4b:s18+s1] =	stream.linear.scatter [tilespmem:s4], [sflag:$0xA], $0x1900, $0x38;
	[tilespmem:$0x1EBC0] =	vst v63  }
0x49f: {  	_ =	swait.ge [sflag:s9], $0x1900  }
0x4a0: {  	[sflag:s9] =	ssyncset.done $0x0  }
0x4a1: {  	s19 =	simm.s32 $0x10840;
	[sflag:s9] =	ssyncadd.s32 $0xFFFFE700  }
0x4a2: {  	[spmem:s26] =	stream.linear.scatter [tilespmem:s19], [sflag:$0xA], $0x1900, $0x38;
	[tilespmem:$0x1EBC0] =	vst v63  }
0x4a3: {  	_ =	swait.ge [sflag:s9], $0x1900  }
0x4a4: {  	s31 =	sld [smem:$0x7F7]  }
0x4a5: {  	[sflag:s9] =	ssyncset.done $0x0  }
0x4a6: {  	[sflag:s9] =	ssyncadd.s32 $0xFFFFE700  }
0x4a7: {  	[spmem:s31] =	stream.linear.scatter [tilespmem:s19], [sflag:$0xA], $0x1900, $0x38;
	[tilespmem:$0x1EBC0] =	vst v63  }
.Ltmp25:
0x4a8: {  	_ =	swait.ge [sflag:s9], $0x1900;
	(pc) =	sbr.rel @p1 .LBB2_21-.Ltmp25, $4  }
.Ltmp26:
0x4a9: {  	[sflag:s9] =	ssyncset.done $0x0;
	(pc) =	sbr.rel @!p1 .LBB2_20-.Ltmp26, $4  }
0x4aa: {  	[sflag:s9] =	ssyncadd.s32 $0xFFFFE700  }
0x4ab: {  	[bflag:$0x0] =	sbarrier.arrive $0xFFFF  }
0x4ac: {  	s20 =	simm.s32 $0xA440;
	s3 =	sld [smem:$0x7F9]  }
0x4ad: {  	_ = 	snop  }
.LBB2_39:
0x4ae: {  	_ =	sfence.sel $0x180000  }
0x4af: {  	[bflag:$0x0] =	sbarrier.arrive $0xFFFF  }
0x4b0: {  	_ =	strace $0x90000047  }
0x4b1: {  	[bflag:$0x2] =	sbarrier.arrive $0xFFFF  }
0x4b2: {  	s0 =	rddreg [dreg:$0x5]  }
0x4b3: {  	s0 =	sadd.s32 @!p1 $0x100000, s0  }
0x4b4: {  	[sflag:s0] =	ssyncadd.tile.s32 @!p1 $0x1;
	_ =	shalt  }
.Lfunc_end2:
_tile_overlayer_lowered:
.L_overlay_start_2:
0x4b5: {  	(tag) =	ssettag $0x2  }
0x4b6: {  	s0 =	rddreg [dreg:$0x0];
	s2 =	stileid.u32  }
0x4b7: {  	s1 =	rddreg [dreg:$0x1];
	p0 =	sne.s32 s2, $0x0  }
0x4b8: {  	s3 =	rddreg [dreg:$0x2];
	[bflag:$0x3] =	sbarrier.arrive $0xFFFF;
	s2 =	simm.s32 @!p0 $0x1C0A  }
0x4b9: {  	[timem:s3], [sflag:s2] =	dma.local @!p0 [hbm:s0], s1  }
0x4ba: {  	s0 =	simm.s32 @!p0 $0xA  }
0x4bb: {  	_ =	swait.ge @!p0 [sflag:s0], s1  }
0x4bc: {  	s1 =	ssub.s32 @!p0 $0x0, s1;
	[sflag:s0] =	ssyncset.done @!p0 $0x0  }
0x4bd: {  	[sflag:s0] =	ssyncadd.s32 @!p0 s1  }
0x4be: {  	[bflag:$0x3] =	sbarrier.arrive $0xFFFF  }
0x4bf: {  	_ =	shalt  }

</sc_bundles>
